<compile_context>
chip_gen: v7x
topology: tpu7x:2x2x1
jax: 0.10.2.dev20260603
libtpu: 0.0.44.dev20260713+nightly
codegen_flags: <defaults>
</compile_context>

<pallas_src>
import functools

import jax
import jax.numpy as jnp
from jax import lax
from jax.experimental import pallas as pl
from jax.experimental.pallas import tpu as pltpu
from jax.experimental.pallas import tpu_sc as plsc

N = 10000
E = 320000
G = 64
AIF = 92
BINS = 32
FC = 128

NC = 2
NS = 16
NW = NC * NS
EPW = E // NW
CH = 40
NCH = EPW // CH
EH = E // 2
EPWH = EH // NW
CHG = 40
NCHG = EPWH // CHG
ROWS_PER_TILE = 624
ROWS_TAIL = N - ROWS_PER_TILE * NS

EB = 8000
NEB = E // EB
NEBH = EH // EB



@functools.lru_cache(maxsize=None)
def _sc_mesh():
    return plsc.VectorSubcoreMesh(core_axis_name="c", subcore_axis_name="s",
                                  num_cores=NC, num_subcores=NS)


K = 5
NG = NCHG // K
KS = 5
NGS = NCH // KS


@functools.lru_cache(maxsize=None)
def _build_gather_half_sc():
    half_out = jax.ShapeDtypeStruct((EH, FC), jnp.float32)

    @functools.partial(
        pl.kernel,
        out_type=[half_out, half_out],
        mesh=_sc_mesh(),
        scratch_types=[
            [pltpu.VMEM((NCHG, CHG), jnp.int32)] * 2,
            [pltpu.VMEM((CHG, FC), jnp.float32)] * K,
            [pltpu.VMEM((CHG, FC), jnp.float32)] * K,
            [pltpu.SemaphoreType.DMA] * K,
            [pltpu.SemaphoreType.DMA] * K,
            pltpu.SemaphoreType.DMA,
        ],
    )
    def gather_half(nf_hbm, dst3, src3, xi_hbm, xj_hbm,
                    idxs, bufs_i, bufs_j, sems_g, sems_w, sem0):
        wid = lax.axis_index("s") * NC + lax.axis_index("c")
        base = wid * EPWH
        cp = pltpu.async_copy(dst3.at[wid], idxs[0], sem0)
        cp2 = pltpu.async_copy(src3.at[wid], idxs[1], sem0)
        cp.wait()
        cp2.wait()

        def body(g, carry):
            t0 = g * K
            fired = []
            for b in range(K):
                t = t0 + b
                off = base + t * CHG

                @pl.when(g > 0)
                def _(b=b, off=off):
                    pltpu.make_async_copy(
                        bufs_i[b], xi_hbm.at[pl.ds(off, CHG)],
                        sems_w[b]).wait()
                    pltpu.make_async_copy(
                        bufs_j[b], xj_hbm.at[pl.ds(off, CHG)],
                        sems_w[b]).wait()

                ci = pltpu.async_copy(nf_hbm.at[idxs[0].at[t]], bufs_i[b],
                                      sems_g[b])
                cj = pltpu.async_copy(nf_hbm.at[idxs[1].at[t]], bufs_j[b],
                                      sems_g[b])
                fired.append((ci, cj))
            for b in range(K):
                t = t0 + b
                off = base + t * CHG
                ci, cj = fired[b]
                ci.wait()
                cj.wait()
                pltpu.async_copy(bufs_i[b], xi_hbm.at[pl.ds(off, CHG)],
                                 sems_w[b])
                pltpu.async_copy(bufs_j[b], xj_hbm.at[pl.ds(off, CHG)],
                                 sems_w[b])
            return carry

        lax.fori_loop(0, NG, body, 0)
        for b in range(K):
            off = base + ((NG - 1) * K + b) * CHG
            pltpu.make_async_copy(
                bufs_i[b], xi_hbm.at[pl.ds(off, CHG)], sems_w[b]).wait()
            pltpu.make_async_copy(
                bufs_j[b], xj_hbm.at[pl.ds(off, CHG)], sems_w[b]).wait()

    return gather_half


def _gather_sc(nf, dst_a, src_a, dst_b, src_b):
    k = _build_gather_half_sc()
    xia, xja = k(nf, dst_a, src_a)
    xib, xjb = k(nf, dst_b, src_b)
    return xia, xja, xib, xjb


@functools.lru_cache(maxsize=None)
def _build_scatter_sc():
    @functools.partial(
        pl.kernel,
        out_type=jax.ShapeDtypeStruct((NC, N, FC), jnp.float32),
        mesh=_sc_mesh(),
        scratch_types=[
            [pltpu.VMEM((KS, CH), jnp.int32)] * 2,
            [pltpu.VMEM((CH, FC), jnp.float32)] * KS,
            [pltpu.SemaphoreType.DMA] * KS,
            [pltpu.SemaphoreType.DMA] * KS,
            [pltpu.SemaphoreType.DMA] * 2,
            pltpu.VMEM_SHARED((N, FC), jnp.float32),
        ],
    )
    def scatter_sc(m_hbm, dst4_hbm, zeros_hbm, out_hbm, idx_bufs, bufs,
                   sems_l, sems_a, sems_i, acc_sh):
        cid = lax.axis_index("c")
        sid = lax.axis_index("s")
        wid = sid * NC + cid
        base = wid * EPW

        row0 = sid * ROWS_PER_TILE
        pltpu.sync_copy(zeros_hbm.at[pl.ds(row0, ROWS_PER_TILE)],
                        acc_sh.at[pl.ds(row0, ROWS_PER_TILE)])

        @pl.when(sid == 0)
        def _():
            tail0 = ROWS_PER_TILE * NS
            pltpu.sync_copy(zeros_hbm.at[pl.ds(tail0, ROWS_TAIL)],
                            acc_sh.at[pl.ds(tail0, ROWS_TAIL)])

        pltpu.async_copy(dst4_hbm.at[wid, 0], idx_bufs[0], sems_i[0]).wait()
        plsc.subcore_barrier()

        def group(g, sel, nsel):
            for b in range(KS):
                @pl.when(g > 0)
                def _(b=b):
                    pltpu.make_async_copy(
                        bufs[b], acc_sh.at[idx_bufs[sel].at[b]],
                        sems_a[b]).wait()

            @pl.when(g + 1 < NGS)
            def _():
                pltpu.async_copy(dst4_hbm.at[wid, g + 1], idx_bufs[nsel],
                                 sems_i[nsel])

            t0 = g * KS
            fired = []
            for b in range(KS):
                off = base + (t0 + b) * CH
                fired.append(pltpu.async_copy(
                    m_hbm.at[pl.ds(off, CH)], bufs[b], sems_l[b]))
            for b in range(KS):
                fired[b].wait()
                pltpu.async_copy(bufs[b], acc_sh.at[idx_bufs[sel].at[b]],
                                 sems_a[b], add=True)

            @pl.when(g + 1 < NGS)
            def _():
                pltpu.make_async_copy(dst4_hbm.at[wid, g + 1],
                                      idx_bufs[nsel], sems_i[nsel]).wait()

        def body(gg, carry):
            group(2 * gg, 0, 1)
            group(2 * gg + 1, 1, 0)
            return carry

        lax.fori_loop(0, NGS // 2, body, 0)
        for b in range(KS):
            pltpu.make_async_copy(
                bufs[b], acc_sh.at[idx_bufs[1].at[b]], sems_a[b]).wait()

        plsc.subcore_barrier()
        pltpu.sync_copy(acc_sh.at[pl.ds(row0, ROWS_PER_TILE)],
                        out_hbm.at[cid, pl.ds(row0, ROWS_PER_TILE)])

        @pl.when(sid == 0)
        def _():
            tail0 = ROWS_PER_TILE * NS
            pltpu.sync_copy(acc_sh.at[pl.ds(tail0, ROWS_TAIL)],
                            out_hbm.at[cid, pl.ds(tail0, ROWS_TAIL)])

    return scatter_sc


def _scatter_sc(m, dst4, zeros):
    return _build_scatter_sc()(m, dst4, zeros)



def _dot(a, b):
    return jnp.dot(a, b, preferred_element_type=jnp.float32)


def _prep_body(x_ref, w_ref, b_ref, nf_ref):
    nf_ref[...] = _dot(x_ref[...], w_ref[...]) + b_ref[...]


def _prep_tc(x, w_atom, b_atom):
    return pl.pallas_call(
        _prep_body,
        out_shape=jax.ShapeDtypeStruct((N, FC), jnp.float32),
    )(x, w_atom, b_atom)


def _edge_h(ea, xi, xj, wei, bei, weu, beu, wemb, bemb):
    centers = (lax.broadcasted_iota(jnp.int32, (1, BINS), 1)
               .astype(jnp.float32) * (8.0 / (BINS - 1)))
    gamma = (BINS - 1) / 8.0
    r = jnp.exp(-gamma * (ea[:, None] - centers) ** 2)
    a1, a2, a3 = wei[0:FC], wei[FC:2 * FC], wei[2 * FC:3 * FC]
    c1, c2, c3 = weu[0:FC], weu[FC:2 * FC], weu[2 * FC:3 * FC]
    weg = _dot(wemb, a3)
    weu_g = _dot(wemb, c3)
    cg = bei + _dot(bemb, a3)
    cu = beu + _dot(bemb, c3)
    hg = _dot(xi, a1) + _dot(xj, a2) + _dot(r, weg) + cg
    hu = _dot(xi, c1) + _dot(xj, c2) + _dot(r, weu_g) + cu
    return hg, hu


def _stats_body(ea_ref, xi_ref, xj_ref, wei_ref, bei_ref, weu_ref, beu_ref,
                wemb_ref, bemb_ref, stats_ref):
    hg, hu = _edge_h(ea_ref[0, 0, :], xi_ref[...], xj_ref[...],
                     wei_ref[...], bei_ref[...], weu_ref[...], beu_ref[...],
                     wemb_ref[...], bemb_ref[...])
    blk = jnp.stack([
        jnp.sum(hg, axis=0), jnp.sum(hg * hg, axis=0),
        jnp.sum(hu, axis=0), jnp.sum(hu * hu, axis=0),
    ], axis=0)

    @pl.when(pl.program_id(0) == 0)
    def _():
        stats_ref[...] = jnp.zeros_like(stats_ref)

    stats_ref[...] += blk


def _edge_stats_tc(ea3, xi, xj, wei, bei, weu, beu, wemb, bemb):
    wspec = pl.BlockSpec
    return pl.pallas_call(
        _stats_body,
        grid=(NEBH,),
        in_specs=[
            wspec((1, 1, EB), lambda i: (i, 0, 0)),
            wspec((EB, FC), lambda i: (i, 0)),
            wspec((EB, FC), lambda i: (i, 0)),
            wspec((3 * FC, FC), lambda i: (0, 0)),
            wspec((1, FC), lambda i: (0, 0)),
            wspec((3 * FC, FC), lambda i: (0, 0)),
            wspec((1, FC), lambda i: (0, 0)),
            wspec((BINS, FC), lambda i: (0, 0)),
            wspec((1, FC), lambda i: (0, 0)),
        ],
        out_specs=wspec((4, FC), lambda i: (0, 0)),
        out_shape=jax.ShapeDtypeStruct((4, FC), jnp.float32),
    )(ea3, xi, xj, wei, bei, weu, beu, wemb, bemb)


def _sigmoid(v):
    return 1.0 / (1.0 + jnp.exp(-v))


def _softplus(v):
    return jnp.maximum(v, 0.0) + jnp.log1p(jnp.exp(-jnp.abs(v)))


def _m_body(m_in_ref, ea_ref, xi_ref, xj_ref, sa_ref, sb_ref, wei_ref,
            bei_ref, weu_ref, beu_ref, wemb_ref, bemb_ref, gg_ref, gb_ref,
            ug_ref, ub_ref, m_ref):
    del m_in_ref
    hg, hu = _edge_h(ea_ref[0, 0, :], xi_ref[...], xj_ref[...],
                     wei_ref[...], bei_ref[...], weu_ref[...], beu_ref[...],
                     wemb_ref[...], bemb_ref[...])
    s = sa_ref[...] + sb_ref[...]
    inv_e = 1.0 / E
    mu_g = s[0:1, :] * inv_e
    var_g = s[1:2, :] * inv_e - mu_g * mu_g
    mu_u = s[2:3, :] * inv_e
    var_u = s[3:4, :] * inv_e - mu_u * mu_u
    sc_g = gg_ref[...] * lax.rsqrt(var_g + 1e-5)
    sc_u = ug_ref[...] * lax.rsqrt(var_u + 1e-5)
    gate = _sigmoid((hg - mu_g) * sc_g + gb_ref[...])
    upd = _softplus((hu - mu_u) * sc_u + ub_ref[...])
    m_ref[...] = gate * upd


def _edge_m_tc(half, m_in, ea3, xi, xj, sa, sb, wei, bei, weu, beu,
               wemb, bemb, gg, gb, ug, ub):
    wspec = pl.BlockSpec
    base = half * NEBH
    if m_in is None:
        body = functools.partial(_m_body, None)
        first_specs, first_args, aliases = [], (), {}
    else:
        body = _m_body
        first_specs = [wspec(memory_space=pl.ANY)]
        first_args = (m_in,)
        aliases = {0: 0}
    return pl.pallas_call(
        body,
        grid=(NEBH,),
        in_specs=first_specs + [
            wspec((1, 1, EB), lambda i: (i, 0, 0)),
            wspec((EB, FC), lambda i: (i, 0)),
            wspec((EB, FC), lambda i: (i, 0)),
            wspec((4, FC), lambda i: (0, 0)),
            wspec((4, FC), lambda i: (0, 0)),
            wspec((3 * FC, FC), lambda i: (0, 0)),
            wspec((1, FC), lambda i: (0, 0)),
            wspec((3 * FC, FC), lambda i: (0, 0)),
            wspec((1, FC), lambda i: (0, 0)),
            wspec((BINS, FC), lambda i: (0, 0)),
            wspec((1, FC), lambda i: (0, 0)),
            wspec((1, FC), lambda i: (0, 0)),
            wspec((1, FC), lambda i: (0, 0)),
            wspec((1, FC), lambda i: (0, 0)),
            wspec((1, FC), lambda i: (0, 0)),
        ],
        out_specs=wspec((EB, FC), lambda i: (i + base, 0)),
        out_shape=jax.ShapeDtypeStruct((E, FC), jnp.float32),
        input_output_aliases=aliases,
    )(*first_args, ea3, xi, xj, sa, sb, wei, bei, weu, beu, wemb, bemb,
      gg, gb, ug, ub)


def _final_body(nf_ref, aggp_ref, batch_ref, wat_ref, bat_ref, bng_ref,
                bnb_ref, wfc_ref, bfc_ref, wout_ref, bout_ref, out_ref):
    agg = aggp_ref[0] + aggp_ref[1]
    mu = jnp.mean(agg, axis=0, keepdims=True)
    var = jnp.mean(agg * agg, axis=0, keepdims=True) - mu * mu
    bn = (agg - mu) * lax.rsqrt(var + 1e-5) * bng_ref[...] + bnb_ref[...]
    nf2 = _dot(nf_ref[...] + bn, wat_ref[...]) + bat_ref[...]

    gids = lax.broadcasted_iota(jnp.int32, (1, G), 1)
    onehot = (batch_ref[...] == gids).astype(jnp.float32)
    counts = jnp.sum(onehot, axis=0)
    pooled_sum = lax.dot_general(onehot, nf2, (((0,), (0,)), ((), ())),
                                 preferred_element_type=jnp.float32)
    pooled = pooled_sum / jnp.maximum(counts, 1.0)[:, None]
    feats = _dot(pooled, wfc_ref[...]) + bfc_ref[...]
    feats = feats * _sigmoid(feats)
    out_ref[...] = _dot(feats, wout_ref[...]) + bout_ref[...]


def _final_tc(nf, aggp, batch2, wat, bat, bng, bnb, wfc, bfc, wout, bout):
    return pl.pallas_call(
        _final_body,
        out_shape=jax.ShapeDtypeStruct((G, 1), jnp.float32),
    )(nf, aggp, batch2, wat, bat, bng, bnb, wfc, bfc, wout, bout)



def kernel(x, edge_attr, edge_index, batch,
           W_atom_emb, b_atom_emb, W_edge_emb, b_edge_emb,
           W_atoms, b_atoms, bn_g, bn_b,
           W_ei, b_ei, bn_ei_g, bn_ei_b,
           W_eu, b_eu, bn_eu_g, bn_eu_b,
           W_fc, b_fc, W_out, b_out):
    src = edge_index[0]
    dst = edge_index[1]
    dst4 = dst.reshape(NW, NGS, KS, CH)
    halves = []
    for h in range(2):
        d3 = lax.slice_in_dim(dst, h * EH, (h + 1) * EH).reshape(
            NW, NCHG, CHG)
        s3 = lax.slice_in_dim(src, h * EH, (h + 1) * EH).reshape(
            NW, NCHG, CHG)
        ea3 = lax.slice_in_dim(edge_attr, h * EH, (h + 1) * EH).reshape(
            NEBH, 1, EB)
        halves.append((d3, s3, ea3))
    r1 = lambda v: v.reshape(1, FC)

    nf = _prep_tc(x, W_atom_emb, b_atom_emb.reshape(1, FC))
    xia, xja, xib, xjb = _gather_sc(nf, halves[0][0], halves[0][1],
                                    halves[1][0], halves[1][1])
    gathered = [(xia, xja), (xib, xjb)]

    wargs = (W_ei, r1(b_ei), W_eu, r1(b_eu), W_edge_emb, r1(b_edge_emb))
    stats = [_edge_stats_tc(halves[h][2], *gathered[h], *wargs)
             for h in range(2)]

    bnargs = (r1(bn_ei_g), r1(bn_ei_b), r1(bn_eu_g), r1(bn_eu_b))
    m = None
    for h in range(2):
        m = _edge_m_tc(h, m, halves[h][2], *gathered[h], stats[0], stats[1],
                       *wargs, *bnargs)

    zeros = jnp.zeros((N, FC), jnp.float32)
    aggp = _scatter_sc(m, dst4, zeros)

    out = _final_tc(nf, aggp, batch.reshape(N, 1), W_atoms,
                    r1(b_atoms), r1(bn_g), r1(bn_b), W_fc, r1(b_fc),
                    W_out, b_out.reshape(1, 1))
    return jnp.squeeze(out)

# --- scband reference (transcript-rebuilt; emitter-appended) ---
"""Pipeline reference for scband-cgcnn-57973468561890 (READ-ONLY COPY).

The authoritative reference and input builder live on the scoring server;
editing this copy changes nothing except your own understanding.
"""

import jax, jax.numpy as jnp
import numpy as np

N = 10000
E = 320000
G = 64
AIF = 92
BINS = 32
FC = 128


def rbf_expand(d):
    # RBFExpansion(vmin=0, vmax=8.0, bins=32)
    centers = jnp.linspace(0.0, 8.0, BINS)
    gamma = 1.0 / (centers[1] - centers[0])
    return jnp.exp(-gamma * (d[:, None] - centers[None, :]) ** 2)


def batchnorm(v, g, b):
    # training-mode BatchNorm1d (batch statistics, biased variance)
    mu = jnp.mean(v, axis=0, keepdims=True)
    var = jnp.var(v, axis=0, keepdims=True)
    return (v - mu) / jnp.sqrt(var + 1e-5) * g + b


def setup_inputs(seed: int = 0) -> dict:
    key = jax.random.key(seed)
    ks = jax.random.split(key, 32)

    def lin(i, fan_in, shape):
        bound = 1.0 / np.sqrt(fan_in)
        return jax.random.uniform(ks[i], shape, jnp.float32, -bound, bound)

    inp = {}
    inp["x"] = jax.random.normal(ks[0], (N, AIF), jnp.float32)
    inp["edge_attr"] = jax.random.uniform(ks[1], (E,), jnp.float32)
    inp["edge_index"] = jax.random.randint(ks[2], (2, E), 0, N)
    inp["batch"] = jnp.sort(jax.random.randint(ks[3], (N,), 0, G))
    inp["W_atom_emb"] = lin(4, AIF, (AIF, FC)); inp["b_atom_emb"] = lin(5, AIF, (FC,))
    inp["W_edge_emb"] = lin(6, BINS, (BINS, FC)); inp["b_edge_emb"] = lin(7, BINS, (FC,))
    inp["W_atoms"] = lin(8, FC, (FC, FC)); inp["b_atoms"] = lin(9, FC, (FC,))
    inp["bn_g"] = jnp.ones((FC,), jnp.float32); inp["bn_b"] = jnp.zeros((FC,), jnp.float32)
    inp["W_ei"] = lin(10, 3 * FC, (3 * FC, FC)); inp["b_ei"] = lin(11, 3 * FC, (FC,))
    inp["bn_ei_g"] = jnp.ones((FC,), jnp.float32); inp["bn_ei_b"] = jnp.zeros((FC,), jnp.float32)
    inp["W_eu"] = lin(12, 3 * FC, (3 * FC, FC)); inp["b_eu"] = lin(13, 3 * FC, (FC,))
    inp["bn_eu_g"] = jnp.ones((FC,), jnp.float32); inp["bn_eu_b"] = jnp.zeros((FC,), jnp.float32)
    inp["W_fc"] = lin(14, FC, (FC, FC)); inp["b_fc"] = lin(15, FC, (FC,))
    inp["W_out"] = lin(16, FC, (FC, 1)); inp["b_out"] = lin(17, FC, (1,))
    return inp


def reference(x, edge_attr, edge_index, batch,
              W_atom_emb, b_atom_emb, W_edge_emb, b_edge_emb,
              W_atoms, b_atoms, bn_g, bn_b,
              W_ei, b_ei, bn_ei_g, bn_ei_b,
              W_eu, b_eu, bn_eu_g, bn_eu_b,
              W_fc, b_fc, W_out, b_out):
    # edge embedding: RBF expansion -> Linear
    edge_features = rbf_expand(edge_attr) @ W_edge_emb + b_edge_emb
    # atom embedding
    node_features = x @ W_atom_emb + b_atom_emb

    # CGCNNConv (one layer): PyG flow source_to_target
    src = edge_index[0]
    dst = edge_index[1]
    x_j = node_features[src]
    x_i = node_features[dst]
    z = jnp.concatenate([x_i, x_j, edge_features], axis=1)
    gate = jax.nn.sigmoid(batchnorm(z @ W_ei + b_ei, bn_ei_g, bn_ei_b))
    upd = jax.nn.softplus(batchnorm(z @ W_eu + b_eu, bn_eu_g, bn_eu_b))
    m = gate * upd
    agg = jax.ops.segment_sum(m, dst, num_segments=N)
    node_features = (node_features + batchnorm(agg, bn_g, bn_b)) @ W_atoms + b_atoms

    # graph-level mean pooling via scatter (segment mean)
    ones = jnp.ones((N,), jnp.float32)
    counts = jax.ops.segment_sum(ones, batch, num_segments=G)
    pooled = jax.ops.segment_sum(node_features, batch, num_segments=G) / jnp.clip(counts, 1.0)[:, None]

    feats = jax.nn.silu(pooled @ W_fc + b_fc)
    out = feats @ W_out + b_out  # identity link
    return jnp.squeeze(out)

if __name__ == "__main__":
    import jax
    _d = setup_inputs()
    print(jax.jit(kernel)(*tuple(_d.values())))

</pallas_src>

<mosaic_0001>
#map = affine_map<(d0, d1) -> (0, 0)>
#map1 = affine_map<(d0, d1) -> (0, 0, 0, 0)>
#map2 = affine_map<(d0, d1) -> (0, 0, 0)>
module attributes {stable_mosaic.version = 14 : i64} {
  func.func @scatter_sc(%arg0: i32, %arg1: i32, %arg2: memref<320000x128xf32, #tpu.memory_space<hbm>>, %arg3: memref<32x50x5x40xi32, #tpu.memory_space<hbm>>, %arg4: memref<10000x128xf32, #tpu.memory_space<hbm>>, %arg5: memref<2x10000x128xf32, #tpu.memory_space<hbm>>, %arg6: memref<5x40xi32, #tpu.memory_space<vmem>>, %arg7: memref<5x40xi32, #tpu.memory_space<vmem>>, %arg8: memref<40x128xf32, #tpu.memory_space<vmem>>, %arg9: memref<40x128xf32, #tpu.memory_space<vmem>>, %arg10: memref<40x128xf32, #tpu.memory_space<vmem>>, %arg11: memref<40x128xf32, #tpu.memory_space<vmem>>, %arg12: memref<40x128xf32, #tpu.memory_space<vmem>>, %arg13: memref<!tpu.dma_semaphore, #tpu.memory_space<semaphore_mem>>, %arg14: memref<!tpu.dma_semaphore, #tpu.memory_space<semaphore_mem>>, %arg15: memref<!tpu.dma_semaphore, #tpu.memory_space<semaphore_mem>>, %arg16: memref<!tpu.dma_semaphore, #tpu.memory_space<semaphore_mem>>, %arg17: memref<!tpu.dma_semaphore, #tpu.memory_space<semaphore_mem>>, %arg18: memref<!tpu.dma_semaphore, #tpu.memory_space<semaphore_mem>>, %arg19: memref<!tpu.dma_semaphore, #tpu.memory_space<semaphore_mem>>, %arg20: memref<!tpu.dma_semaphore, #tpu.memory_space<semaphore_mem>>, %arg21: memref<!tpu.dma_semaphore, #tpu.memory_space<semaphore_mem>>, %arg22: memref<!tpu.dma_semaphore, #tpu.memory_space<semaphore_mem>>, %arg23: memref<!tpu.dma_semaphore, #tpu.memory_space<semaphore_mem>>, %arg24: memref<!tpu.dma_semaphore, #tpu.memory_space<semaphore_mem>>, %arg25: memref<10000x128xf32, #tpu.memory_space<vmem_shared>>) attributes {dimension_semantics = [#tpu.dimension_semantics<core_parallel>, #tpu.dimension_semantics<subcore_parallel>], iteration_bounds = array<i64: 2, 16>, scalar_prefetch = 0 : i64, scratch_operands = 20 : i64, tpu.core_type = #tpu.core_type<sc_vector_subcore>, window_params = [{transform_indices = #map}, {transform_indices = #map1}, {transform_indices = #map}, {transform_indices = #map2}]} {
    %mul3A = arith.constant 2 : i32
    %mul3A_0 = arith.muli %arg1, %mul3A : i32
    %add3A = arith.addi %mul3A_0, %arg0 : i32
    %mul3A_1 = arith.constant 10000 : i32
    %mul3A_2 = arith.muli %add3A, %mul3A_1 : i32
    %mul3A_3 = arith.constant 624 : i32
    %mul3A_4 = arith.muli %arg1, %mul3A_3 : i32
    "tpu.region"() ({
      %run_scoped3A = tpu.sem_alloc : memref<!tpu.dma_semaphore, #tpu.memory_space<semaphore_mem>>
      %dma_start3A_69 = arith.constant 0 : i32
      %dma_start3A_70 = tpu.memref_slice %arg25[%mul3A_4, %dma_start3A_69] : memref<10000x128xf32, #tpu.memory_space<vmem_shared>> -> memref<624x128xf32, #tpu.memory_space<vmem_shared>>
      %dma_start3A_71 = arith.constant 0 : i32
      %dma_start3A_72 = tpu.memref_slice %arg4[%mul3A_4, %dma_start3A_71] : memref<10000x128xf32, #tpu.memory_space<hbm>> -> memref<624x128xf32, #tpu.memory_space<hbm>>
      tpu.enqueue_dma source(%dma_start3A_72 : memref<624x128xf32, #tpu.memory_space<hbm>>) target(%dma_start3A_70 : memref<624x128xf32, #tpu.memory_space<vmem_shared>>) target_semaphore(%run_scoped3A : memref<!tpu.dma_semaphore, #tpu.memory_space<semaphore_mem>>)
      %dma_wait3A_73 = arith.constant 0 : i32
      %dma_wait3A_74 = tpu.memref_slice %arg25[%mul3A_4, %dma_wait3A_73] : memref<10000x128xf32, #tpu.memory_space<vmem_shared>> -> memref<624x128xf32, #tpu.memory_space<vmem_shared>>
      %dma_wait3A_75 = arith.constant 0 : i32
      %dma_wait3A_76 = tpu.memref_slice %arg4[%mul3A_4, %dma_wait3A_75] : memref<10000x128xf32, #tpu.memory_space<hbm>> -> memref<624x128xf32, #tpu.memory_space<hbm>>
      tpu.wait_dma2 semaphore(%run_scoped3A : memref<!tpu.dma_semaphore, #tpu.memory_space<semaphore_mem>>) src(%dma_wait3A_76 : memref<624x128xf32, #tpu.memory_space<hbm>>) dst(%dma_wait3A_74 : memref<624x128xf32, #tpu.memory_space<vmem_shared>>)
      tpu.yield
    }) : () -> ()
    %eq3A = arith.constant 0 : i32
    %eq3A_5 = arith.cmpi eq, %arg1, %eq3A : i32
    %convert_element_type3A = arith.extui %eq3A_5 : i1 to i32
    %cond3A = arith.constant 0 : i32
    %cond3A_6 = arith.cmpi ne, %convert_element_type3A, %cond3A : i32
    scf.if %cond3A_6 {
      "tpu.region"() ({
        %run_scoped3A = tpu.sem_alloc : memref<!tpu.dma_semaphore, #tpu.memory_space<semaphore_mem>>
        %dma_start3A_69 = arith.constant 9984 : i32
        %dma_start3A_70 = arith.constant 0 : i32
        %dma_start3A_71 = tpu.memref_slice %arg25[%dma_start3A_69, %dma_start3A_70] : memref<10000x128xf32, #tpu.memory_space<vmem_shared>> -> memref<16x128xf32, #tpu.memory_space<vmem_shared>>
        %dma_start3A_72 = arith.constant 9984 : i32
        %dma_start3A_73 = arith.constant 0 : i32
        %dma_start3A_74 = tpu.memref_slice %arg4[%dma_start3A_72, %dma_start3A_73] : memref<10000x128xf32, #tpu.memory_space<hbm>> -> memref<16x128xf32, #tpu.memory_space<hbm>>
        tpu.enqueue_dma source(%dma_start3A_74 : memref<16x128xf32, #tpu.memory_space<hbm>>) target(%dma_start3A_71 : memref<16x128xf32, #tpu.memory_space<vmem_shared>>) target_semaphore(%run_scoped3A : memref<!tpu.dma_semaphore, #tpu.memory_space<semaphore_mem>>)
        %dma_wait3A_75 = arith.constant 9984 : i32
        %dma_wait3A_76 = arith.constant 0 : i32
        %dma_wait3A_77 = tpu.memref_slice %arg25[%dma_wait3A_75, %dma_wait3A_76] : memref<10000x128xf32, #tpu.memory_space<vmem_shared>> -> memref<16x128xf32, #tpu.memory_space<vmem_shared>>
        %dma_wait3A_78 = arith.constant 9984 : i32
        %dma_wait3A_79 = arith.constant 0 : i32
        %dma_wait3A_80 = tpu.memref_slice %arg4[%dma_wait3A_78, %dma_wait3A_79] : memref<10000x128xf32, #tpu.memory_space<hbm>> -> memref<16x128xf32, #tpu.memory_space<hbm>>
        tpu.wait_dma2 semaphore(%run_scoped3A : memref<!tpu.dma_semaphore, #tpu.memory_space<semaphore_mem>>) src(%dma_wait3A_80 : memref<16x128xf32, #tpu.memory_space<hbm>>) dst(%dma_wait3A_77 : memref<16x128xf32, #tpu.memory_space<vmem_shared>>)
        tpu.yield
      }) : () -> ()
    } else {
    }
    %dma_start3A = arith.constant 0 : i32
    %dma_start3A_7 = arith.constant 0 : i32
    %dma_start3A_8 = arith.constant 0 : i32
    %dma_start3A_9 = tpu.memref_slice %arg3[%add3A, %dma_start3A, %dma_start3A_7, %dma_start3A_8] : memref<32x50x5x40xi32, #tpu.memory_space<hbm>> -> memref<1x1x5x40xi32, #tpu.memory_space<hbm>>
    %dma_start3A_10 = tpu.memref_squeeze %dma_start3A_9 : memref<1x1x5x40xi32, #tpu.memory_space<hbm>> -> memref<5x40xi32, #tpu.memory_space<hbm>>
    %dma_start3A_11 = arith.constant 0 : i32
    %dma_start3A_12 = arith.constant 0 : i32
    %dma_start3A_13 = tpu.memref_slice %arg3[%add3A, %dma_start3A, %dma_start3A_11, %dma_start3A_12] : memref<32x50x5x40xi32, #tpu.memory_space<hbm>> -> memref<1x1x5x40xi32, #tpu.memory_space<hbm>>
    %dma_start3A_14 = tpu.memref_squeeze %dma_start3A_13 : memref<1x1x5x40xi32, #tpu.memory_space<hbm>> -> memref<5x40xi32, #tpu.memory_space<hbm>>
    tpu.enqueue_dma source(%dma_start3A_14 : memref<5x40xi32, #tpu.memory_space<hbm>>) target(%arg6 : memref<5x40xi32, #tpu.memory_space<vmem>>) target_semaphore(%arg23 : memref<!tpu.dma_semaphore, #tpu.memory_space<semaphore_mem>>)
    %dma_wait3A = arith.constant 0 : i32
    %dma_wait3A_15 = arith.constant 0 : i32
    %dma_wait3A_16 = arith.constant 0 : i32
    %dma_wait3A_17 = tpu.memref_slice %arg3[%add3A, %dma_wait3A, %dma_wait3A_15, %dma_wait3A_16] : memref<32x50x5x40xi32, #tpu.memory_space<hbm>> -> memref<1x1x5x40xi32, #tpu.memory_space<hbm>>
    %dma_wait3A_18 = tpu.memref_squeeze %dma_wait3A_17 : memref<1x1x5x40xi32, #tpu.memory_space<hbm>> -> memref<5x40xi32, #tpu.memory_space<hbm>>
    %dma_wait3A_19 = arith.constant 0 : i32
    %dma_wait3A_20 = arith.constant 0 : i32
    %dma_wait3A_21 = tpu.memref_slice %arg3[%add3A, %dma_wait3A, %dma_wait3A_19, %dma_wait3A_20] : memref<32x50x5x40xi32, #tpu.memory_space<hbm>> -> memref<1x1x5x40xi32, #tpu.memory_space<hbm>>
    %dma_wait3A_22 = tpu.memref_squeeze %dma_wait3A_21 : memref<1x1x5x40xi32, #tpu.memory_space<hbm>> -> memref<5x40xi32, #tpu.memory_space<hbm>>
    tpu.wait_dma2 semaphore(%arg23 : memref<!tpu.dma_semaphore, #tpu.memory_space<semaphore_mem>>) src(%dma_wait3A_22 : memref<5x40xi32, #tpu.memory_space<hbm>>) dst(%arg6 : memref<5x40xi32, #tpu.memory_space<vmem>>)
    %barrier3A = arith.constant 0 : index
    tpu.barrier barrier_id(%barrier3A)
    %scan3A = arith.constant 0 : i32
    %scan3A_23 = arith.constant 0 : i32
    %scan3A_24 = arith.constant 25 : i32
    %scan3A_25 = arith.addi %scan3A_23, %scan3A_24 : i32
    %scan3A_26 = arith.constant 1 : i32
    scf.for %scan3A_69 = %scan3A_23 to %scan3A_25 step %scan3A_26  : i32 {
      %mul3A_70 = arith.constant 2 : i32
      %mul3A_71 = arith.muli %mul3A_70, %scan3A_69 : i32
      %gt3A = arith.constant 0 : i32
      %gt3A_72 = arith.cmpi sgt, %mul3A_71, %gt3A : i32
      %convert_element_type3A_73 = arith.extui %gt3A_72 : i1 to i32
      %cond3A_74 = arith.constant 0 : i32
      %cond3A_75 = arith.cmpi ne, %convert_element_type3A_73, %cond3A_74 : i32
      scf.if %cond3A_75 {
        %dma_wait3A_356 = arith.constant 0 : i32
        %dma_wait3A_357 = arith.constant 0 : i32
        %dma_wait3A_358 = tpu.memref_slice %arg6[%dma_wait3A_356, %dma_wait3A_357] : memref<5x40xi32, #tpu.memory_space<vmem>> -> memref<1x40xi32, #tpu.memory_space<vmem>>
        %dma_wait3A_359 = tpu.memref_squeeze %dma_wait3A_358 : memref<1x40xi32, #tpu.memory_space<vmem>> -> memref<40xi32, #tpu.memory_space<vmem>>
        %dma_wait3A_360 = arith.constant 0 : i32
        %dma_wait3A_361 = arith.constant 0 : i32
        %dma_wait3A_362 = tpu.memref_slice %arg25[%dma_wait3A_360, %dma_wait3A_361] : memref<10000x128xf32, #tpu.memory_space<vmem_shared>> -> memref<10000x128xf32, #tpu.memory_space<vmem_shared>>
        tpu.wait_indirect_dma semaphore(%arg18 : memref<!tpu.dma_semaphore, #tpu.memory_space<semaphore_mem>>) src(%arg8 : memref<40x128xf32, #tpu.memory_space<vmem>>) dst(%dma_wait3A_362 : memref<10000x128xf32, #tpu.memory_space<vmem_shared>>)
      } else {
      }
      %gt3A_76 = arith.constant 0 : i32
      %gt3A_77 = arith.cmpi sgt, %mul3A_71, %gt3A_76 : i32
      %convert_element_type3A_78 = arith.extui %gt3A_77 : i1 to i32
      %cond3A_79 = arith.constant 0 : i32
      %cond3A_80 = arith.cmpi ne, %convert_element_type3A_78, %cond3A_79 : i32
      scf.if %cond3A_80 {
        %dma_wait3A_356 = arith.constant 1 : i32
        %dma_wait3A_357 = arith.constant 0 : i32
        %dma_wait3A_358 = tpu.memref_slice %arg6[%dma_wait3A_356, %dma_wait3A_357] : memref<5x40xi32, #tpu.memory_space<vmem>> -> memref<1x40xi32, #tpu.memory_space<vmem>>
        %dma_wait3A_359 = tpu.memref_squeeze %dma_wait3A_358 : memref<1x40xi32, #tpu.memory_space<vmem>> -> memref<40xi32, #tpu.memory_space<vmem>>
        %dma_wait3A_360 = arith.constant 0 : i32
        %dma_wait3A_361 = arith.constant 0 : i32
        %dma_wait3A_362 = tpu.memref_slice %arg25[%dma_wait3A_360, %dma_wait3A_361] : memref<10000x128xf32, #tpu.memory_space<vmem_shared>> -> memref<10000x128xf32, #tpu.memory_space<vmem_shared>>
        tpu.wait_indirect_dma semaphore(%arg19 : memref<!tpu.dma_semaphore, #tpu.memory_space<semaphore_mem>>) src(%arg9 : memref<40x128xf32, #tpu.memory_space<vmem>>) dst(%dma_wait3A_362 : memref<10000x128xf32, #tpu.memory_space<vmem_shared>>)
      } else {
      }
      %gt3A_81 = arith.constant 0 : i32
      %gt3A_82 = arith.cmpi sgt, %mul3A_71, %gt3A_81 : i32
      %convert_element_type3A_83 = arith.extui %gt3A_82 : i1 to i32
      %cond3A_84 = arith.constant 0 : i32
      %cond3A_85 = arith.cmpi ne, %convert_element_type3A_83, %cond3A_84 : i32
      scf.if %cond3A_85 {
        %dma_wait3A_356 = arith.constant 2 : i32
        %dma_wait3A_357 = arith.constant 0 : i32
        %dma_wait3A_358 = tpu.memref_slice %arg6[%dma_wait3A_356, %dma_wait3A_357] : memref<5x40xi32, #tpu.memory_space<vmem>> -> memref<1x40xi32, #tpu.memory_space<vmem>>
        %dma_wait3A_359 = tpu.memref_squeeze %dma_wait3A_358 : memref<1x40xi32, #tpu.memory_space<vmem>> -> memref<40xi32, #tpu.memory_space<vmem>>
        %dma_wait3A_360 = arith.constant 0 : i32
        %dma_wait3A_361 = arith.constant 0 : i32
        %dma_wait3A_362 = tpu.memref_slice %arg25[%dma_wait3A_360, %dma_wait3A_361] : memref<10000x128xf32, #tpu.memory_space<vmem_shared>> -> memref<10000x128xf32, #tpu.memory_space<vmem_shared>>
        tpu.wait_indirect_dma semaphore(%arg20 : memref<!tpu.dma_semaphore, #tpu.memory_space<semaphore_mem>>) src(%arg10 : memref<40x128xf32, #tpu.memory_space<vmem>>) dst(%dma_wait3A_362 : memref<10000x128xf32, #tpu.memory_space<vmem_shared>>)
      } else {
      }
      %gt3A_86 = arith.constant 0 : i32
      %gt3A_87 = arith.cmpi sgt, %mul3A_71, %gt3A_86 : i32
      %convert_element_type3A_88 = arith.extui %gt3A_87 : i1 to i32
      %cond3A_89 = arith.constant 0 : i32
      %cond3A_90 = arith.cmpi ne, %convert_element_type3A_88, %cond3A_89 : i32
      scf.if %cond3A_90 {
        %dma_wait3A_356 = arith.constant 3 : i32
        %dma_wait3A_357 = arith.constant 0 : i32
        %dma_wait3A_358 = tpu.memref_slice %arg6[%dma_wait3A_356, %dma_wait3A_357] : memref<5x40xi32, #tpu.memory_space<vmem>> -> memref<1x40xi32, #tpu.memory_space<vmem>>
        %dma_wait3A_359 = tpu.memref_squeeze %dma_wait3A_358 : memref<1x40xi32, #tpu.memory_space<vmem>> -> memref<40xi32, #tpu.memory_space<vmem>>
        %dma_wait3A_360 = arith.constant 0 : i32
        %dma_wait3A_361 = arith.constant 0 : i32
        %dma_wait3A_362 = tpu.memref_slice %arg25[%dma_wait3A_360, %dma_wait3A_361] : memref<10000x128xf32, #tpu.memory_space<vmem_shared>> -> memref<10000x128xf32, #tpu.memory_space<vmem_shared>>
        tpu.wait_indirect_dma semaphore(%arg21 : memref<!tpu.dma_semaphore, #tpu.memory_space<semaphore_mem>>) src(%arg11 : memref<40x128xf32, #tpu.memory_space<vmem>>) dst(%dma_wait3A_362 : memref<10000x128xf32, #tpu.memory_space<vmem_shared>>)
      } else {
      }
      %gt3A_91 = arith.constant 0 : i32
      %gt3A_92 = arith.cmpi sgt, %mul3A_71, %gt3A_91 : i32
      %convert_element_type3A_93 = arith.extui %gt3A_92 : i1 to i32
      %cond3A_94 = arith.constant 0 : i32
      %cond3A_95 = arith.cmpi ne, %convert_element_type3A_93, %cond3A_94 : i32
      scf.if %cond3A_95 {
        %dma_wait3A_356 = arith.constant 4 : i32
        %dma_wait3A_357 = arith.constant 0 : i32
        %dma_wait3A_358 = tpu.memref_slice %arg6[%dma_wait3A_356, %dma_wait3A_357] : memref<5x40xi32, #tpu.memory_space<vmem>> -> memref<1x40xi32, #tpu.memory_space<vmem>>
        %dma_wait3A_359 = tpu.memref_squeeze %dma_wait3A_358 : memref<1x40xi32, #tpu.memory_space<vmem>> -> memref<40xi32, #tpu.memory_space<vmem>>
        %dma_wait3A_360 = arith.constant 0 : i32
        %dma_wait3A_361 = arith.constant 0 : i32
        %dma_wait3A_362 = tpu.memref_slice %arg25[%dma_wait3A_360, %dma_wait3A_361] : memref<10000x128xf32, #tpu.memory_space<vmem_shared>> -> memref<10000x128xf32, #tpu.memory_space<vmem_shared>>
        tpu.wait_indirect_dma semaphore(%arg22 : memref<!tpu.dma_semaphore, #tpu.memory_space<semaphore_mem>>) src(%arg12 : memref<40x128xf32, #tpu.memory_space<vmem>>) dst(%dma_wait3A_362 : memref<10000x128xf32, #tpu.memory_space<vmem_shared>>)
      } else {
      }
      %add3A_96 = arith.constant 1 : i32
      %add3A_97 = arith.addi %mul3A_71, %add3A_96 : i32
      %lt3A = arith.constant 50 : i32
      %lt3A_98 = arith.cmpi slt, %add3A_97, %lt3A : i32
      %convert_element_type3A_99 = arith.extui %lt3A_98 : i1 to i32
      %cond3A_100 = arith.constant 0 : i32
      %cond3A_101 = arith.cmpi ne, %convert_element_type3A_99, %cond3A_100 : i32
      scf.if %cond3A_101 {
        %add3A_356 = arith.constant 1 : i32
        %add3A_357 = arith.addi %mul3A_71, %add3A_356 : i32
        %dma_start3A_358 = arith.constant 0 : i32
        %dma_start3A_359 = arith.constant 0 : i32
        %dma_start3A_360 = tpu.memref_slice %arg3[%add3A, %add3A_357, %dma_start3A_358, %dma_start3A_359] : memref<32x50x5x40xi32, #tpu.memory_space<hbm>> -> memref<1x1x5x40xi32, #tpu.memory_space<hbm>>
        %dma_start3A_361 = tpu.memref_squeeze %dma_start3A_360 : memref<1x1x5x40xi32, #tpu.memory_space<hbm>> -> memref<5x40xi32, #tpu.memory_space<hbm>>
        %dma_start3A_362 = arith.constant 0 : i32
        %dma_start3A_363 = arith.constant 0 : i32
        %dma_start3A_364 = tpu.memref_slice %arg3[%add3A, %add3A_357, %dma_start3A_362, %dma_start3A_363] : memref<32x50x5x40xi32, #tpu.memory_space<hbm>> -> memref<1x1x5x40xi32, #tpu.memory_space<hbm>>
        %dma_start3A_365 = tpu.memref_squeeze %dma_start3A_364 : memref<1x1x5x40xi32, #tpu.memory_space<hbm>> -> memref<5x40xi32, #tpu.memory_space<hbm>>
        tpu.enqueue_dma source(%dma_start3A_365 : memref<5x40xi32, #tpu.memory_space<hbm>>) target(%arg7 : memref<5x40xi32, #tpu.memory_space<vmem>>) target_semaphore(%arg24 : memref<!tpu.dma_semaphore, #tpu.memory_space<semaphore_mem>>)
      } else {
      }
      %mul3A_102 = arith.constant 5 : i32
      %mul3A_103 = arith.muli %mul3A_71, %mul3A_102 : i32
      %add3A_104 = arith.constant 0 : i32
      %add3A_105 = arith.addi %mul3A_103, %add3A_104 : i32
      %mul3A_106 = arith.constant 40 : i32
      %mul3A_107 = arith.muli %add3A_105, %mul3A_106 : i32
      %add3A_108 = arith.addi %mul3A_2, %mul3A_107 : i32
      %dma_start3A_109 = arith.constant 0 : i32
      %dma_start3A_110 = tpu.memref_slice %arg2[%add3A_108, %dma_start3A_109] : memref<320000x128xf32, #tpu.memory_space<hbm>> -> memref<40x128xf32, #tpu.memory_space<hbm>>
      %dma_start3A_111 = arith.constant 0 : i32
      %dma_start3A_112 = tpu.memref_slice %arg2[%add3A_108, %dma_start3A_111] : memref<320000x128xf32, #tpu.memory_space<hbm>> -> memref<40x128xf32, #tpu.memory_space<hbm>>
      tpu.enqueue_dma source(%dma_start3A_112 : memref<40x128xf32, #tpu.memory_space<hbm>>) target(%arg8 : memref<40x128xf32, #tpu.memory_space<vmem>>) target_semaphore(%arg13 : memref<!tpu.dma_semaphore, #tpu.memory_space<semaphore_mem>>)
      %add3A_113 = arith.constant 1 : i32
      %add3A_114 = arith.addi %mul3A_103, %add3A_113 : i32
      %mul3A_115 = arith.constant 40 : i32
      %mul3A_116 = arith.muli %add3A_114, %mul3A_115 : i32
      %add3A_117 = arith.addi %mul3A_2, %mul3A_116 : i32
      %dma_start3A_118 = arith.constant 0 : i32
      %dma_start3A_119 = tpu.memref_slice %arg2[%add3A_117, %dma_start3A_118] : memref<320000x128xf32, #tpu.memory_space<hbm>> -> memref<40x128xf32, #tpu.memory_space<hbm>>
      %dma_start3A_120 = arith.constant 0 : i32
      %dma_start3A_121 = tpu.memref_slice %arg2[%add3A_117, %dma_start3A_120] : memref<320000x128xf32, #tpu.memory_space<hbm>> -> memref<40x128xf32, #tpu.memory_space<hbm>>
      tpu.enqueue_dma source(%dma_start3A_121 : memref<40x128xf32, #tpu.memory_space<hbm>>) target(%arg9 : memref<40x128xf32, #tpu.memory_space<vmem>>) target_semaphore(%arg14 : memref<!tpu.dma_semaphore, #tpu.memory_space<semaphore_mem>>)
      %add3A_122 = arith.constant 2 : i32
      %add3A_123 = arith.addi %mul3A_103, %add3A_122 : i32
      %mul3A_124 = arith.constant 40 : i32
      %mul3A_125 = arith.muli %add3A_123, %mul3A_124 : i32
      %add3A_126 = arith.addi %mul3A_2, %mul3A_125 : i32
      %dma_start3A_127 = arith.constant 0 : i32
      %dma_start3A_128 = tpu.memref_slice %arg2[%add3A_126, %dma_start3A_127] : memref<320000x128xf32, #tpu.memory_space<hbm>> -> memref<40x128xf32, #tpu.memory_space<hbm>>
      %dma_start3A_129 = arith.constant 0 : i32
      %dma_start3A_130 = tpu.memref_slice %arg2[%add3A_126, %dma_start3A_129] : memref<320000x128xf32, #tpu.memory_space<hbm>> -> memref<40x128xf32, #tpu.memory_space<hbm>>
      tpu.enqueue_dma source(%dma_start3A_130 : memref<40x128xf32, #tpu.memory_space<hbm>>) target(%arg10 : memref<40x128xf32, #tpu.memory_space<vmem>>) target_semaphore(%arg15 : memref<!tpu.dma_semaphore, #tpu.memory_space<semaphore_mem>>)
      %add3A_131 = arith.constant 3 : i32
      %add3A_132 = arith.addi %mul3A_103, %add3A_131 : i32
      %mul3A_133 = arith.constant 40 : i32
      %mul3A_134 = arith.muli %add3A_132, %mul3A_133 : i32
      %add3A_135 = arith.addi %mul3A_2, %mul3A_134 : i32
      %dma_start3A_136 = arith.constant 0 : i32
      %dma_start3A_137 = tpu.memref_slice %arg2[%add3A_135, %dma_start3A_136] : memref<320000x128xf32, #tpu.memory_space<hbm>> -> memref<40x128xf32, #tpu.memory_space<hbm>>
      %dma_start3A_138 = arith.constant 0 : i32
      %dma_start3A_139 = tpu.memref_slice %arg2[%add3A_135, %dma_start3A_138] : memref<320000x128xf32, #tpu.memory_space<hbm>> -> memref<40x128xf32, #tpu.memory_space<hbm>>
      tpu.enqueue_dma source(%dma_start3A_139 : memref<40x128xf32, #tpu.memory_space<hbm>>) target(%arg11 : memref<40x128xf32, #tpu.memory_space<vmem>>) target_semaphore(%arg16 : memref<!tpu.dma_semaphore, #tpu.memory_space<semaphore_mem>>)
      %add3A_140 = arith.constant 4 : i32
      %add3A_141 = arith.addi %mul3A_103, %add3A_140 : i32
      %mul3A_142 = arith.constant 40 : i32
      %mul3A_143 = arith.muli %add3A_141, %mul3A_142 : i32
      %add3A_144 = arith.addi %mul3A_2, %mul3A_143 : i32
      %dma_start3A_145 = arith.constant 0 : i32
      %dma_start3A_146 = tpu.memref_slice %arg2[%add3A_144, %dma_start3A_145] : memref<320000x128xf32, #tpu.memory_space<hbm>> -> memref<40x128xf32, #tpu.memory_space<hbm>>
      %dma_start3A_147 = arith.constant 0 : i32
      %dma_start3A_148 = tpu.memref_slice %arg2[%add3A_144, %dma_start3A_147] : memref<320000x128xf32, #tpu.memory_space<hbm>> -> memref<40x128xf32, #tpu.memory_space<hbm>>
      tpu.enqueue_dma source(%dma_start3A_148 : memref<40x128xf32, #tpu.memory_space<hbm>>) target(%arg12 : memref<40x128xf32, #tpu.memory_space<vmem>>) target_semaphore(%arg17 : memref<!tpu.dma_semaphore, #tpu.memory_space<semaphore_mem>>)
      %dma_wait3A_149 = arith.constant 0 : i32
      %dma_wait3A_150 = tpu.memref_slice %arg2[%add3A_108, %dma_wait3A_149] : memref<320000x128xf32, #tpu.memory_space<hbm>> -> memref<40x128xf32, #tpu.memory_space<hbm>>
      %dma_wait3A_151 = arith.constant 0 : i32
      %dma_wait3A_152 = tpu.memref_slice %arg2[%add3A_108, %dma_wait3A_151] : memref<320000x128xf32, #tpu.memory_space<hbm>> -> memref<40x128xf32, #tpu.memory_space<hbm>>
      tpu.wait_dma2 semaphore(%arg13 : memref<!tpu.dma_semaphore, #tpu.memory_space<semaphore_mem>>) src(%dma_wait3A_152 : memref<40x128xf32, #tpu.memory_space<hbm>>) dst(%arg8 : memref<40x128xf32, #tpu.memory_space<vmem>>)
      %dma_start3A_153 = arith.constant 0 : i32
      %dma_start3A_154 = arith.constant 0 : i32
      %dma_start3A_155 = tpu.memref_slice %arg6[%dma_start3A_153, %dma_start3A_154] : memref<5x40xi32, #tpu.memory_space<vmem>> -> memref<1x40xi32, #tpu.memory_space<vmem>>
      %dma_start3A_156 = tpu.memref_squeeze %dma_start3A_155 : memref<1x40xi32, #tpu.memory_space<vmem>> -> memref<40xi32, #tpu.memory_space<vmem>>
      %dma_start3A_157 = arith.constant 0 : i32
      %dma_start3A_158 = arith.constant 0 : i32
      %dma_start3A_159 = tpu.memref_slice %arg25[%dma_start3A_157, %dma_start3A_158] : memref<10000x128xf32, #tpu.memory_space<vmem_shared>> -> memref<10000x128xf32, #tpu.memory_space<vmem_shared>>
      tpu.enqueue_indirect_dma source(%arg8 : memref<40x128xf32, #tpu.memory_space<vmem>>) target(%dma_start3A_159 : memref<10000x128xf32, #tpu.memory_space<vmem_shared>>) offsets(%dma_start3A_156 : memref<40xi32, #tpu.memory_space<vmem>>) semaphore(%arg18 : memref<!tpu.dma_semaphore, #tpu.memory_space<semaphore_mem>>) {add = true}
      %dma_wait3A_160 = arith.constant 0 : i32
      %dma_wait3A_161 = tpu.memref_slice %arg2[%add3A_117, %dma_wait3A_160] : memref<320000x128xf32, #tpu.memory_space<hbm>> -> memref<40x128xf32, #tpu.memory_space<hbm>>
      %dma_wait3A_162 = arith.constant 0 : i32
      %dma_wait3A_163 = tpu.memref_slice %arg2[%add3A_117, %dma_wait3A_162] : memref<320000x128xf32, #tpu.memory_space<hbm>> -> memref<40x128xf32, #tpu.memory_space<hbm>>
      tpu.wait_dma2 semaphore(%arg14 : memref<!tpu.dma_semaphore, #tpu.memory_space<semaphore_mem>>) src(%dma_wait3A_163 : memref<40x128xf32, #tpu.memory_space<hbm>>) dst(%arg9 : memref<40x128xf32, #tpu.memory_space<vmem>>)
      %dma_start3A_164 = arith.constant 1 : i32
      %dma_start3A_165 = arith.constant 0 : i32
      %dma_start3A_166 = tpu.memref_slice %arg6[%dma_start3A_164, %dma_start3A_165] : memref<5x40xi32, #tpu.memory_space<vmem>> -> memref<1x40xi32, #tpu.memory_space<vmem>>
      %dma_start3A_167 = tpu.memref_squeeze %dma_start3A_166 : memref<1x40xi32, #tpu.memory_space<vmem>> -> memref<40xi32, #tpu.memory_space<vmem>>
      %dma_start3A_168 = arith.constant 0 : i32
      %dma_start3A_169 = arith.constant 0 : i32
      %dma_start3A_170 = tpu.memref_slice %arg25[%dma_start3A_168, %dma_start3A_169] : memref<10000x128xf32, #tpu.memory_space<vmem_shared>> -> memref<10000x128xf32, #tpu.memory_space<vmem_shared>>
      tpu.enqueue_indirect_dma source(%arg9 : memref<40x128xf32, #tpu.memory_space<vmem>>) target(%dma_start3A_170 : memref<10000x128xf32, #tpu.memory_space<vmem_shared>>) offsets(%dma_start3A_167 : memref<40xi32, #tpu.memory_space<vmem>>) semaphore(%arg19 : memref<!tpu.dma_semaphore, #tpu.memory_space<semaphore_mem>>) {add = true}
      %dma_wait3A_171 = arith.constant 0 : i32
      %dma_wait3A_172 = tpu.memref_slice %arg2[%add3A_126, %dma_wait3A_171] : memref<320000x128xf32, #tpu.memory_space<hbm>> -> memref<40x128xf32, #tpu.memory_space<hbm>>
      %dma_wait3A_173 = arith.constant 0 : i32
      %dma_wait3A_174 = tpu.memref_slice %arg2[%add3A_126, %dma_wait3A_173] : memref<320000x128xf32, #tpu.memory_space<hbm>> -> memref<40x128xf32, #tpu.memory_space<hbm>>
      tpu.wait_dma2 semaphore(%arg15 : memref<!tpu.dma_semaphore, #tpu.memory_space<semaphore_mem>>) src(%dma_wait3A_174 : memref<40x128xf32, #tpu.memory_space<hbm>>) dst(%arg10 : memref<40x128xf32, #tpu.memory_space<vmem>>)
      %dma_start3A_175 = arith.constant 2 : i32
      %dma_start3A_176 = arith.constant 0 : i32
      %dma_start3A_177 = tpu.memref_slice %arg6[%dma_start3A_175, %dma_start3A_176] : memref<5x40xi32, #tpu.memory_space<vmem>> -> memref<1x40xi32, #tpu.memory_space<vmem>>
      %dma_start3A_178 = tpu.memref_squeeze %dma_start3A_177 : memref<1x40xi32, #tpu.memory_space<vmem>> -> memref<40xi32, #tpu.memory_space<vmem>>
      %dma_start3A_179 = arith.constant 0 : i32
      %dma_start3A_180 = arith.constant 0 : i32
      %dma_start3A_181 = tpu.memref_slice %arg25[%dma_start3A_179, %dma_start3A_180] : memref<10000x128xf32, #tpu.memory_space<vmem_shared>> -> memref<10000x128xf32, #tpu.memory_space<vmem_shared>>
      tpu.enqueue_indirect_dma source(%arg10 : memref<40x128xf32, #tpu.memory_space<vmem>>) target(%dma_start3A_181 : memref<10000x128xf32, #tpu.memory_space<vmem_shared>>) offsets(%dma_start3A_178 : memref<40xi32, #tpu.memory_space<vmem>>) semaphore(%arg20 : memref<!tpu.dma_semaphore, #tpu.memory_space<semaphore_mem>>) {add = true}
      %dma_wait3A_182 = arith.constant 0 : i32
      %dma_wait3A_183 = tpu.memref_slice %arg2[%add3A_135, %dma_wait3A_182] : memref<320000x128xf32, #tpu.memory_space<hbm>> -> memref<40x128xf32, #tpu.memory_space<hbm>>
      %dma_wait3A_184 = arith.constant 0 : i32
      %dma_wait3A_185 = tpu.memref_slice %arg2[%add3A_135, %dma_wait3A_184] : memref<320000x128xf32, #tpu.memory_space<hbm>> -> memref<40x128xf32, #tpu.memory_space<hbm>>
      tpu.wait_dma2 semaphore(%arg16 : memref<!tpu.dma_semaphore, #tpu.memory_space<semaphore_mem>>) src(%dma_wait3A_185 : memref<40x128xf32, #tpu.memory_space<hbm>>) dst(%arg11 : memref<40x128xf32, #tpu.memory_space<vmem>>)
      %dma_start3A_186 = arith.constant 3 : i32
      %dma_start3A_187 = arith.constant 0 : i32
      %dma_start3A_188 = tpu.memref_slice %arg6[%dma_start3A_186, %dma_start3A_187] : memref<5x40xi32, #tpu.memory_space<vmem>> -> memref<1x40xi32, #tpu.memory_space<vmem>>
      %dma_start3A_189 = tpu.memref_squeeze %dma_start3A_188 : memref<1x40xi32, #tpu.memory_space<vmem>> -> memref<40xi32, #tpu.memory_space<vmem>>
      %dma_start3A_190 = arith.constant 0 : i32
      %dma_start3A_191 = arith.constant 0 : i32
      %dma_start3A_192 = tpu.memref_slice %arg25[%dma_start3A_190, %dma_start3A_191] : memref<10000x128xf32, #tpu.memory_space<vmem_shared>> -> memref<10000x128xf32, #tpu.memory_space<vmem_shared>>
      tpu.enqueue_indirect_dma source(%arg11 : memref<40x128xf32, #tpu.memory_space<vmem>>) target(%dma_start3A_192 : memref<10000x128xf32, #tpu.memory_space<vmem_shared>>) offsets(%dma_start3A_189 : memref<40xi32, #tpu.memory_space<vmem>>) semaphore(%arg21 : memref<!tpu.dma_semaphore, #tpu.memory_space<semaphore_mem>>) {add = true}
      %dma_wait3A_193 = arith.constant 0 : i32
      %dma_wait3A_194 = tpu.memref_slice %arg2[%add3A_144, %dma_wait3A_193] : memref<320000x128xf32, #tpu.memory_space<hbm>> -> memref<40x128xf32, #tpu.memory_space<hbm>>
      %dma_wait3A_195 = arith.constant 0 : i32
      %dma_wait3A_196 = tpu.memref_slice %arg2[%add3A_144, %dma_wait3A_195] : memref<320000x128xf32, #tpu.memory_space<hbm>> -> memref<40x128xf32, #tpu.memory_space<hbm>>
      tpu.wait_dma2 semaphore(%arg17 : memref<!tpu.dma_semaphore, #tpu.memory_space<semaphore_mem>>) src(%dma_wait3A_196 : memref<40x128xf32, #tpu.memory_space<hbm>>) dst(%arg12 : memref<40x128xf32, #tpu.memory_space<vmem>>)
      %dma_start3A_197 = arith.constant 4 : i32
      %dma_start3A_198 = arith.constant 0 : i32
      %dma_start3A_199 = tpu.memref_slice %arg6[%dma_start3A_197, %dma_start3A_198] : memref<5x40xi32, #tpu.memory_space<vmem>> -> memref<1x40xi32, #tpu.memory_space<vmem>>
      %dma_start3A_200 = tpu.memref_squeeze %dma_start3A_199 : memref<1x40xi32, #tpu.memory_space<vmem>> -> memref<40xi32, #tpu.memory_space<vmem>>
      %dma_start3A_201 = arith.constant 0 : i32
      %dma_start3A_202 = arith.constant 0 : i32
      %dma_start3A_203 = tpu.memref_slice %arg25[%dma_start3A_201, %dma_start3A_202] : memref<10000x128xf32, #tpu.memory_space<vmem_shared>> -> memref<10000x128xf32, #tpu.memory_space<vmem_shared>>
      tpu.enqueue_indirect_dma source(%arg12 : memref<40x128xf32, #tpu.memory_space<vmem>>) target(%dma_start3A_203 : memref<10000x128xf32, #tpu.memory_space<vmem_shared>>) offsets(%dma_start3A_200 : memref<40xi32, #tpu.memory_space<vmem>>) semaphore(%arg22 : memref<!tpu.dma_semaphore, #tpu.memory_space<semaphore_mem>>) {add = true}
      %add3A_204 = arith.constant 1 : i32
      %add3A_205 = arith.addi %mul3A_71, %add3A_204 : i32
      %lt3A_206 = arith.constant 50 : i32
      %lt3A_207 = arith.cmpi slt, %add3A_205, %lt3A_206 : i32
      %convert_element_type3A_208 = arith.extui %lt3A_207 : i1 to i32
      %cond3A_209 = arith.constant 0 : i32
      %cond3A_210 = arith.cmpi ne, %convert_element_type3A_208, %cond3A_209 : i32
      scf.if %cond3A_210 {
        %add3A_356 = arith.constant 1 : i32
        %add3A_357 = arith.addi %mul3A_71, %add3A_356 : i32
        %dma_wait3A_358 = arith.constant 0 : i32
        %dma_wait3A_359 = arith.constant 0 : i32
        %dma_wait3A_360 = tpu.memref_slice %arg3[%add3A, %add3A_357, %dma_wait3A_358, %dma_wait3A_359] : memref<32x50x5x40xi32, #tpu.memory_space<hbm>> -> memref<1x1x5x40xi32, #tpu.memory_space<hbm>>
        %dma_wait3A_361 = tpu.memref_squeeze %dma_wait3A_360 : memref<1x1x5x40xi32, #tpu.memory_space<hbm>> -> memref<5x40xi32, #tpu.memory_space<hbm>>
        %dma_wait3A_362 = arith.constant 0 : i32
        %dma_wait3A_363 = arith.constant 0 : i32
        %dma_wait3A_364 = tpu.memref_slice %arg3[%add3A, %add3A_357, %dma_wait3A_362, %dma_wait3A_363] : memref<32x50x5x40xi32, #tpu.memory_space<hbm>> -> memref<1x1x5x40xi32, #tpu.memory_space<hbm>>
        %dma_wait3A_365 = tpu.memref_squeeze %dma_wait3A_364 : memref<1x1x5x40xi32, #tpu.memory_space<hbm>> -> memref<5x40xi32, #tpu.memory_space<hbm>>
        tpu.wait_dma2 semaphore(%arg24 : memref<!tpu.dma_semaphore, #tpu.memory_space<semaphore_mem>>) src(%dma_wait3A_365 : memref<5x40xi32, #tpu.memory_space<hbm>>) dst(%arg7 : memref<5x40xi32, #tpu.memory_space<vmem>>)
      } else {
      }
      %mul3A_211 = arith.constant 2 : i32
      %mul3A_212 = arith.muli %mul3A_211, %scan3A_69 : i32
      %add3A_213 = arith.constant 1 : i32
      %add3A_214 = arith.addi %mul3A_212, %add3A_213 : i32
      %gt3A_215 = arith.constant 0 : i32
      %gt3A_216 = arith.cmpi sgt, %add3A_214, %gt3A_215 : i32
      %convert_element_type3A_217 = arith.extui %gt3A_216 : i1 to i32
      %cond3A_218 = arith.constant 0 : i32
      %cond3A_219 = arith.cmpi ne, %convert_element_type3A_217, %cond3A_218 : i32
      scf.if %cond3A_219 {
        %dma_wait3A_356 = arith.constant 0 : i32
        %dma_wait3A_357 = arith.constant 0 : i32
        %dma_wait3A_358 = tpu.memref_slice %arg7[%dma_wait3A_356, %dma_wait3A_357] : memref<5x40xi32, #tpu.memory_space<vmem>> -> memref<1x40xi32, #tpu.memory_space<vmem>>
        %dma_wait3A_359 = tpu.memref_squeeze %dma_wait3A_358 : memref<1x40xi32, #tpu.memory_space<vmem>> -> memref<40xi32, #tpu.memory_space<vmem>>
        %dma_wait3A_360 = arith.constant 0 : i32
        %dma_wait3A_361 = arith.constant 0 : i32
        %dma_wait3A_362 = tpu.memref_slice %arg25[%dma_wait3A_360, %dma_wait3A_361] : memref<10000x128xf32, #tpu.memory_space<vmem_shared>> -> memref<10000x128xf32, #tpu.memory_space<vmem_shared>>
        tpu.wait_indirect_dma semaphore(%arg18 : memref<!tpu.dma_semaphore, #tpu.memory_space<semaphore_mem>>) src(%arg8 : memref<40x128xf32, #tpu.memory_space<vmem>>) dst(%dma_wait3A_362 : memref<10000x128xf32, #tpu.memory_space<vmem_shared>>)
      } else {
      }
      %gt3A_220 = arith.constant 0 : i32
      %gt3A_221 = arith.cmpi sgt, %add3A_214, %gt3A_220 : i32
      %convert_element_type3A_222 = arith.extui %gt3A_221 : i1 to i32
      %cond3A_223 = arith.constant 0 : i32
      %cond3A_224 = arith.cmpi ne, %convert_element_type3A_222, %cond3A_223 : i32
      scf.if %cond3A_224 {
        %dma_wait3A_356 = arith.constant 1 : i32
        %dma_wait3A_357 = arith.constant 0 : i32
        %dma_wait3A_358 = tpu.memref_slice %arg7[%dma_wait3A_356, %dma_wait3A_357] : memref<5x40xi32, #tpu.memory_space<vmem>> -> memref<1x40xi32, #tpu.memory_space<vmem>>
        %dma_wait3A_359 = tpu.memref_squeeze %dma_wait3A_358 : memref<1x40xi32, #tpu.memory_space<vmem>> -> memref<40xi32, #tpu.memory_space<vmem>>
        %dma_wait3A_360 = arith.constant 0 : i32
        %dma_wait3A_361 = arith.constant 0 : i32
        %dma_wait3A_362 = tpu.memref_slice %arg25[%dma_wait3A_360, %dma_wait3A_361] : memref<10000x128xf32, #tpu.memory_space<vmem_shared>> -> memref<10000x128xf32, #tpu.memory_space<vmem_shared>>
        tpu.wait_indirect_dma semaphore(%arg19 : memref<!tpu.dma_semaphore, #tpu.memory_space<semaphore_mem>>) src(%arg9 : memref<40x128xf32, #tpu.memory_space<vmem>>) dst(%dma_wait3A_362 : memref<10000x128xf32, #tpu.memory_space<vmem_shared>>)
      } else {
      }
      %gt3A_225 = arith.constant 0 : i32
      %gt3A_226 = arith.cmpi sgt, %add3A_214, %gt3A_225 : i32
      %convert_element_type3A_227 = arith.extui %gt3A_226 : i1 to i32
      %cond3A_228 = arith.constant 0 : i32
      %cond3A_229 = arith.cmpi ne, %convert_element_type3A_227, %cond3A_228 : i32
      scf.if %cond3A_229 {
        %dma_wait3A_356 = arith.constant 2 : i32
        %dma_wait3A_357 = arith.constant 0 : i32
        %dma_wait3A_358 = tpu.memref_slice %arg7[%dma_wait3A_356, %dma_wait3A_357] : memref<5x40xi32, #tpu.memory_space<vmem>> -> memref<1x40xi32, #tpu.memory_space<vmem>>
        %dma_wait3A_359 = tpu.memref_squeeze %dma_wait3A_358 : memref<1x40xi32, #tpu.memory_space<vmem>> -> memref<40xi32, #tpu.memory_space<vmem>>
        %dma_wait3A_360 = arith.constant 0 : i32
        %dma_wait3A_361 = arith.constant 0 : i32
        %dma_wait3A_362 = tpu.memref_slice %arg25[%dma_wait3A_360, %dma_wait3A_361] : memref<10000x128xf32, #tpu.memory_space<vmem_shared>> -> memref<10000x128xf32, #tpu.memory_space<vmem_shared>>
        tpu.wait_indirect_dma semaphore(%arg20 : memref<!tpu.dma_semaphore, #tpu.memory_space<semaphore_mem>>) src(%arg10 : memref<40x128xf32, #tpu.memory_space<vmem>>) dst(%dma_wait3A_362 : memref<10000x128xf32, #tpu.memory_space<vmem_shared>>)
      } else {
      }
      %gt3A_230 = arith.constant 0 : i32
      %gt3A_231 = arith.cmpi sgt, %add3A_214, %gt3A_230 : i32
      %convert_element_type3A_232 = arith.extui %gt3A_231 : i1 to i32
      %cond3A_233 = arith.constant 0 : i32
      %cond3A_234 = arith.cmpi ne, %convert_element_type3A_232, %cond3A_233 : i32
      scf.if %cond3A_234 {
        %dma_wait3A_356 = arith.constant 3 : i32
        %dma_wait3A_357 = arith.constant 0 : i32
        %dma_wait3A_358 = tpu.memref_slice %arg7[%dma_wait3A_356, %dma_wait3A_357] : memref<5x40xi32, #tpu.memory_space<vmem>> -> memref<1x40xi32, #tpu.memory_space<vmem>>
        %dma_wait3A_359 = tpu.memref_squeeze %dma_wait3A_358 : memref<1x40xi32, #tpu.memory_space<vmem>> -> memref<40xi32, #tpu.memory_space<vmem>>
        %dma_wait3A_360 = arith.constant 0 : i32
        %dma_wait3A_361 = arith.constant 0 : i32
        %dma_wait3A_362 = tpu.memref_slice %arg25[%dma_wait3A_360, %dma_wait3A_361] : memref<10000x128xf32, #tpu.memory_space<vmem_shared>> -> memref<10000x128xf32, #tpu.memory_space<vmem_shared>>
        tpu.wait_indirect_dma semaphore(%arg21 : memref<!tpu.dma_semaphore, #tpu.memory_space<semaphore_mem>>) src(%arg11 : memref<40x128xf32, #tpu.memory_space<vmem>>) dst(%dma_wait3A_362 : memref<10000x128xf32, #tpu.memory_space<vmem_shared>>)
      } else {
      }
      %gt3A_235 = arith.constant 0 : i32
      %gt3A_236 = arith.cmpi sgt, %add3A_214, %gt3A_235 : i32
      %convert_element_type3A_237 = arith.extui %gt3A_236 : i1 to i32
      %cond3A_238 = arith.constant 0 : i32
      %cond3A_239 = arith.cmpi ne, %convert_element_type3A_237, %cond3A_238 : i32
      scf.if %cond3A_239 {
        %dma_wait3A_356 = arith.constant 4 : i32
        %dma_wait3A_357 = arith.constant 0 : i32
        %dma_wait3A_358 = tpu.memref_slice %arg7[%dma_wait3A_356, %dma_wait3A_357] : memref<5x40xi32, #tpu.memory_space<vmem>> -> memref<1x40xi32, #tpu.memory_space<vmem>>
        %dma_wait3A_359 = tpu.memref_squeeze %dma_wait3A_358 : memref<1x40xi32, #tpu.memory_space<vmem>> -> memref<40xi32, #tpu.memory_space<vmem>>
        %dma_wait3A_360 = arith.constant 0 : i32
        %dma_wait3A_361 = arith.constant 0 : i32
        %dma_wait3A_362 = tpu.memref_slice %arg25[%dma_wait3A_360, %dma_wait3A_361] : memref<10000x128xf32, #tpu.memory_space<vmem_shared>> -> memref<10000x128xf32, #tpu.memory_space<vmem_shared>>
        tpu.wait_indirect_dma semaphore(%arg22 : memref<!tpu.dma_semaphore, #tpu.memory_space<semaphore_mem>>) src(%arg12 : memref<40x128xf32, #tpu.memory_space<vmem>>) dst(%dma_wait3A_362 : memref<10000x128xf32, #tpu.memory_space<vmem_shared>>)
      } else {
      }
      %add3A_240 = arith.constant 1 : i32
      %add3A_241 = arith.addi %add3A_214, %add3A_240 : i32
      %lt3A_242 = arith.constant 50 : i32
      %lt3A_243 = arith.cmpi slt, %add3A_241, %lt3A_242 : i32
      %convert_element_type3A_244 = arith.extui %lt3A_243 : i1 to i32
      %cond3A_245 = arith.constant 0 : i32
      %cond3A_246 = arith.cmpi ne, %convert_element_type3A_244, %cond3A_245 : i32
      scf.if %cond3A_246 {
        %add3A_356 = arith.constant 1 : i32
        %add3A_357 = arith.addi %add3A_214, %add3A_356 : i32
        %dma_start3A_358 = arith.constant 0 : i32
        %dma_start3A_359 = arith.constant 0 : i32
        %dma_start3A_360 = tpu.memref_slice %arg3[%add3A, %add3A_357, %dma_start3A_358, %dma_start3A_359] : memref<32x50x5x40xi32, #tpu.memory_space<hbm>> -> memref<1x1x5x40xi32, #tpu.memory_space<hbm>>
        %dma_start3A_361 = tpu.memref_squeeze %dma_start3A_360 : memref<1x1x5x40xi32, #tpu.memory_space<hbm>> -> memref<5x40xi32, #tpu.memory_space<hbm>>
        %dma_start3A_362 = arith.constant 0 : i32
        %dma_start3A_363 = arith.constant 0 : i32
        %dma_start3A_364 = tpu.memref_slice %arg3[%add3A, %add3A_357, %dma_start3A_362, %dma_start3A_363] : memref<32x50x5x40xi32, #tpu.memory_space<hbm>> -> memref<1x1x5x40xi32, #tpu.memory_space<hbm>>
        %dma_start3A_365 = tpu.memref_squeeze %dma_start3A_364 : memref<1x1x5x40xi32, #tpu.memory_space<hbm>> -> memref<5x40xi32, #tpu.memory_space<hbm>>
        tpu.enqueue_dma source(%dma_start3A_365 : memref<5x40xi32, #tpu.memory_space<hbm>>) target(%arg6 : memref<5x40xi32, #tpu.memory_space<vmem>>) target_semaphore(%arg23 : memref<!tpu.dma_semaphore, #tpu.memory_space<semaphore_mem>>)
      } else {
      }
      %mul3A_247 = arith.constant 5 : i32
      %mul3A_248 = arith.muli %add3A_214, %mul3A_247 : i32
      %add3A_249 = arith.constant 0 : i32
      %add3A_250 = arith.addi %mul3A_248, %add3A_249 : i32
      %mul3A_251 = arith.constant 40 : i32
      %mul3A_252 = arith.muli %add3A_250, %mul3A_251 : i32
      %add3A_253 = arith.addi %mul3A_2, %mul3A_252 : i32
      %dma_start3A_254 = arith.constant 0 : i32
      %dma_start3A_255 = tpu.memref_slice %arg2[%add3A_253, %dma_start3A_254] : memref<320000x128xf32, #tpu.memory_space<hbm>> -> memref<40x128xf32, #tpu.memory_space<hbm>>
      %dma_start3A_256 = arith.constant 0 : i32
      %dma_start3A_257 = tpu.memref_slice %arg2[%add3A_253, %dma_start3A_256] : memref<320000x128xf32, #tpu.memory_space<hbm>> -> memref<40x128xf32, #tpu.memory_space<hbm>>
      tpu.enqueue_dma source(%dma_start3A_257 : memref<40x128xf32, #tpu.memory_space<hbm>>) target(%arg8 : memref<40x128xf32, #tpu.memory_space<vmem>>) target_semaphore(%arg13 : memref<!tpu.dma_semaphore, #tpu.memory_space<semaphore_mem>>)
      %add3A_258 = arith.constant 1 : i32
      %add3A_259 = arith.addi %mul3A_248, %add3A_258 : i32
      %mul3A_260 = arith.constant 40 : i32
      %mul3A_261 = arith.muli %add3A_259, %mul3A_260 : i32
      %add3A_262 = arith.addi %mul3A_2, %mul3A_261 : i32
      %dma_start3A_263 = arith.constant 0 : i32
      %dma_start3A_264 = tpu.memref_slice %arg2[%add3A_262, %dma_start3A_263] : memref<320000x128xf32, #tpu.memory_space<hbm>> -> memref<40x128xf32, #tpu.memory_space<hbm>>
      %dma_start3A_265 = arith.constant 0 : i32
      %dma_start3A_266 = tpu.memref_slice %arg2[%add3A_262, %dma_start3A_265] : memref<320000x128xf32, #tpu.memory_space<hbm>> -> memref<40x128xf32, #tpu.memory_space<hbm>>
      tpu.enqueue_dma source(%dma_start3A_266 : memref<40x128xf32, #tpu.memory_space<hbm>>) target(%arg9 : memref<40x128xf32, #tpu.memory_space<vmem>>) target_semaphore(%arg14 : memref<!tpu.dma_semaphore, #tpu.memory_space<semaphore_mem>>)
      %add3A_267 = arith.constant 2 : i32
      %add3A_268 = arith.addi %mul3A_248, %add3A_267 : i32
      %mul3A_269 = arith.constant 40 : i32
      %mul3A_270 = arith.muli %add3A_268, %mul3A_269 : i32
      %add3A_271 = arith.addi %mul3A_2, %mul3A_270 : i32
      %dma_start3A_272 = arith.constant 0 : i32
      %dma_start3A_273 = tpu.memref_slice %arg2[%add3A_271, %dma_start3A_272] : memref<320000x128xf32, #tpu.memory_space<hbm>> -> memref<40x128xf32, #tpu.memory_space<hbm>>
      %dma_start3A_274 = arith.constant 0 : i32
      %dma_start3A_275 = tpu.memref_slice %arg2[%add3A_271, %dma_start3A_274] : memref<320000x128xf32, #tpu.memory_space<hbm>> -> memref<40x128xf32, #tpu.memory_space<hbm>>
      tpu.enqueue_dma source(%dma_start3A_275 : memref<40x128xf32, #tpu.memory_space<hbm>>) target(%arg10 : memref<40x128xf32, #tpu.memory_space<vmem>>) target_semaphore(%arg15 : memref<!tpu.dma_semaphore, #tpu.memory_space<semaphore_mem>>)
      %add3A_276 = arith.constant 3 : i32
      %add3A_277 = arith.addi %mul3A_248, %add3A_276 : i32
      %mul3A_278 = arith.constant 40 : i32
      %mul3A_279 = arith.muli %add3A_277, %mul3A_278 : i32
      %add3A_280 = arith.addi %mul3A_2, %mul3A_279 : i32
      %dma_start3A_281 = arith.constant 0 : i32
      %dma_start3A_282 = tpu.memref_slice %arg2[%add3A_280, %dma_start3A_281] : memref<320000x128xf32, #tpu.memory_space<hbm>> -> memref<40x128xf32, #tpu.memory_space<hbm>>
      %dma_start3A_283 = arith.constant 0 : i32
      %dma_start3A_284 = tpu.memref_slice %arg2[%add3A_280, %dma_start3A_283] : memref<320000x128xf32, #tpu.memory_space<hbm>> -> memref<40x128xf32, #tpu.memory_space<hbm>>
      tpu.enqueue_dma source(%dma_start3A_284 : memref<40x128xf32, #tpu.memory_space<hbm>>) target(%arg11 : memref<40x128xf32, #tpu.memory_space<vmem>>) target_semaphore(%arg16 : memref<!tpu.dma_semaphore, #tpu.memory_space<semaphore_mem>>)
      %add3A_285 = arith.constant 4 : i32
      %add3A_286 = arith.addi %mul3A_248, %add3A_285 : i32
      %mul3A_287 = arith.constant 40 : i32
      %mul3A_288 = arith.muli %add3A_286, %mul3A_287 : i32
      %add3A_289 = arith.addi %mul3A_2, %mul3A_288 : i32
      %dma_start3A_290 = arith.constant 0 : i32
      %dma_start3A_291 = tpu.memref_slice %arg2[%add3A_289, %dma_start3A_290] : memref<320000x128xf32, #tpu.memory_space<hbm>> -> memref<40x128xf32, #tpu.memory_space<hbm>>
      %dma_start3A_292 = arith.constant 0 : i32
      %dma_start3A_293 = tpu.memref_slice %arg2[%add3A_289, %dma_start3A_292] : memref<320000x128xf32, #tpu.memory_space<hbm>> -> memref<40x128xf32, #tpu.memory_space<hbm>>
      tpu.enqueue_dma source(%dma_start3A_293 : memref<40x128xf32, #tpu.memory_space<hbm>>) target(%arg12 : memref<40x128xf32, #tpu.memory_space<vmem>>) target_semaphore(%arg17 : memref<!tpu.dma_semaphore, #tpu.memory_space<semaphore_mem>>)
      %dma_wait3A_294 = arith.constant 0 : i32
      %dma_wait3A_295 = tpu.memref_slice %arg2[%add3A_253, %dma_wait3A_294] : memref<320000x128xf32, #tpu.memory_space<hbm>> -> memref<40x128xf32, #tpu.memory_space<hbm>>
      %dma_wait3A_296 = arith.constant 0 : i32
      %dma_wait3A_297 = tpu.memref_slice %arg2[%add3A_253, %dma_wait3A_296] : memref<320000x128xf32, #tpu.memory_space<hbm>> -> memref<40x128xf32, #tpu.memory_space<hbm>>
      tpu.wait_dma2 semaphore(%arg13 : memref<!tpu.dma_semaphore, #tpu.memory_space<semaphore_mem>>) src(%dma_wait3A_297 : memref<40x128xf32, #tpu.memory_space<hbm>>) dst(%arg8 : memref<40x128xf32, #tpu.memory_space<vmem>>)
      %dma_start3A_298 = arith.constant 0 : i32
      %dma_start3A_299 = arith.constant 0 : i32
      %dma_start3A_300 = tpu.memref_slice %arg7[%dma_start3A_298, %dma_start3A_299] : memref<5x40xi32, #tpu.memory_space<vmem>> -> memref<1x40xi32, #tpu.memory_space<vmem>>
      %dma_start3A_301 = tpu.memref_squeeze %dma_start3A_300 : memref<1x40xi32, #tpu.memory_space<vmem>> -> memref<40xi32, #tpu.memory_space<vmem>>
      %dma_start3A_302 = arith.constant 0 : i32
      %dma_start3A_303 = arith.constant 0 : i32
      %dma_start3A_304 = tpu.memref_slice %arg25[%dma_start3A_302, %dma_start3A_303] : memref<10000x128xf32, #tpu.memory_space<vmem_shared>> -> memref<10000x128xf32, #tpu.memory_space<vmem_shared>>
      tpu.enqueue_indirect_dma source(%arg8 : memref<40x128xf32, #tpu.memory_space<vmem>>) target(%dma_start3A_304 : memref<10000x128xf32, #tpu.memory_space<vmem_shared>>) offsets(%dma_start3A_301 : memref<40xi32, #tpu.memory_space<vmem>>) semaphore(%arg18 : memref<!tpu.dma_semaphore, #tpu.memory_space<semaphore_mem>>) {add = true}
      %dma_wait3A_305 = arith.constant 0 : i32
      %dma_wait3A_306 = tpu.memref_slice %arg2[%add3A_262, %dma_wait3A_305] : memref<320000x128xf32, #tpu.memory_space<hbm>> -> memref<40x128xf32, #tpu.memory_space<hbm>>
      %dma_wait3A_307 = arith.constant 0 : i32
      %dma_wait3A_308 = tpu.memref_slice %arg2[%add3A_262, %dma_wait3A_307] : memref<320000x128xf32, #tpu.memory_space<hbm>> -> memref<40x128xf32, #tpu.memory_space<hbm>>
      tpu.wait_dma2 semaphore(%arg14 : memref<!tpu.dma_semaphore, #tpu.memory_space<semaphore_mem>>) src(%dma_wait3A_308 : memref<40x128xf32, #tpu.memory_space<hbm>>) dst(%arg9 : memref<40x128xf32, #tpu.memory_space<vmem>>)
      %dma_start3A_309 = arith.constant 1 : i32
      %dma_start3A_310 = arith.constant 0 : i32
      %dma_start3A_311 = tpu.memref_slice %arg7[%dma_start3A_309, %dma_start3A_310] : memref<5x40xi32, #tpu.memory_space<vmem>> -> memref<1x40xi32, #tpu.memory_space<vmem>>
      %dma_start3A_312 = tpu.memref_squeeze %dma_start3A_311 : memref<1x40xi32, #tpu.memory_space<vmem>> -> memref<40xi32, #tpu.memory_space<vmem>>
      %dma_start3A_313 = arith.constant 0 : i32
      %dma_start3A_314 = arith.constant 0 : i32
      %dma_start3A_315 = tpu.memref_slice %arg25[%dma_start3A_313, %dma_start3A_314] : memref<10000x128xf32, #tpu.memory_space<vmem_shared>> -> memref<10000x128xf32, #tpu.memory_space<vmem_shared>>
      tpu.enqueue_indirect_dma source(%arg9 : memref<40x128xf32, #tpu.memory_space<vmem>>) target(%dma_start3A_315 : memref<10000x128xf32, #tpu.memory_space<vmem_shared>>) offsets(%dma_start3A_312 : memref<40xi32, #tpu.memory_space<vmem>>) semaphore(%arg19 : memref<!tpu.dma_semaphore, #tpu.memory_space<semaphore_mem>>) {add = true}
      %dma_wait3A_316 = arith.constant 0 : i32
      %dma_wait3A_317 = tpu.memref_slice %arg2[%add3A_271, %dma_wait3A_316] : memref<320000x128xf32, #tpu.memory_space<hbm>> -> memref<40x128xf32, #tpu.memory_space<hbm>>
      %dma_wait3A_318 = arith.constant 0 : i32
      %dma_wait3A_319 = tpu.memref_slice %arg2[%add3A_271, %dma_wait3A_318] : memref<320000x128xf32, #tpu.memory_space<hbm>> -> memref<40x128xf32, #tpu.memory_space<hbm>>
      tpu.wait_dma2 semaphore(%arg15 : memref<!tpu.dma_semaphore, #tpu.memory_space<semaphore_mem>>) src(%dma_wait3A_319 : memref<40x128xf32, #tpu.memory_space<hbm>>) dst(%arg10 : memref<40x128xf32, #tpu.memory_space<vmem>>)
      %dma_start3A_320 = arith.constant 2 : i32
      %dma_start3A_321 = arith.constant 0 : i32
      %dma_start3A_322 = tpu.memref_slice %arg7[%dma_start3A_320, %dma_start3A_321] : memref<5x40xi32, #tpu.memory_space<vmem>> -> memref<1x40xi32, #tpu.memory_space<vmem>>
      %dma_start3A_323 = tpu.memref_squeeze %dma_start3A_322 : memref<1x40xi32, #tpu.memory_space<vmem>> -> memref<40xi32, #tpu.memory_space<vmem>>
      %dma_start3A_324 = arith.constant 0 : i32
      %dma_start3A_325 = arith.constant 0 : i32
      %dma_start3A_326 = tpu.memref_slice %arg25[%dma_start3A_324, %dma_start3A_325] : memref<10000x128xf32, #tpu.memory_space<vmem_shared>> -> memref<10000x128xf32, #tpu.memory_space<vmem_shared>>
      tpu.enqueue_indirect_dma source(%arg10 : memref<40x128xf32, #tpu.memory_space<vmem>>) target(%dma_start3A_326 : memref<10000x128xf32, #tpu.memory_space<vmem_shared>>) offsets(%dma_start3A_323 : memref<40xi32, #tpu.memory_space<vmem>>) semaphore(%arg20 : memref<!tpu.dma_semaphore, #tpu.memory_space<semaphore_mem>>) {add = true}
      %dma_wait3A_327 = arith.constant 0 : i32
      %dma_wait3A_328 = tpu.memref_slice %arg2[%add3A_280, %dma_wait3A_327] : memref<320000x128xf32, #tpu.memory_space<hbm>> -> memref<40x128xf32, #tpu.memory_space<hbm>>
      %dma_wait3A_329 = arith.constant 0 : i32
      %dma_wait3A_330 = tpu.memref_slice %arg2[%add3A_280, %dma_wait3A_329] : memref<320000x128xf32, #tpu.memory_space<hbm>> -> memref<40x128xf32, #tpu.memory_space<hbm>>
      tpu.wait_dma2 semaphore(%arg16 : memref<!tpu.dma_semaphore, #tpu.memory_space<semaphore_mem>>) src(%dma_wait3A_330 : memref<40x128xf32, #tpu.memory_space<hbm>>) dst(%arg11 : memref<40x128xf32, #tpu.memory_space<vmem>>)
      %dma_start3A_331 = arith.constant 3 : i32
      %dma_start3A_332 = arith.constant 0 : i32
      %dma_start3A_333 = tpu.memref_slice %arg7[%dma_start3A_331, %dma_start3A_332] : memref<5x40xi32, #tpu.memory_space<vmem>> -> memref<1x40xi32, #tpu.memory_space<vmem>>
      %dma_start3A_334 = tpu.memref_squeeze %dma_start3A_333 : memref<1x40xi32, #tpu.memory_space<vmem>> -> memref<40xi32, #tpu.memory_space<vmem>>
      %dma_start3A_335 = arith.constant 0 : i32
      %dma_start3A_336 = arith.constant 0 : i32
      %dma_start3A_337 = tpu.memref_slice %arg25[%dma_start3A_335, %dma_start3A_336] : memref<10000x128xf32, #tpu.memory_space<vmem_shared>> -> memref<10000x128xf32, #tpu.memory_space<vmem_shared>>
      tpu.enqueue_indirect_dma source(%arg11 : memref<40x128xf32, #tpu.memory_space<vmem>>) target(%dma_start3A_337 : memref<10000x128xf32, #tpu.memory_space<vmem_shared>>) offsets(%dma_start3A_334 : memref<40xi32, #tpu.memory_space<vmem>>) semaphore(%arg21 : memref<!tpu.dma_semaphore, #tpu.memory_space<semaphore_mem>>) {add = true}
      %dma_wait3A_338 = arith.constant 0 : i32
      %dma_wait3A_339 = tpu.memref_slice %arg2[%add3A_289, %dma_wait3A_338] : memref<320000x128xf32, #tpu.memory_space<hbm>> -> memref<40x128xf32, #tpu.memory_space<hbm>>
      %dma_wait3A_340 = arith.constant 0 : i32
      %dma_wait3A_341 = tpu.memref_slice %arg2[%add3A_289, %dma_wait3A_340] : memref<320000x128xf32, #tpu.memory_space<hbm>> -> memref<40x128xf32, #tpu.memory_space<hbm>>
      tpu.wait_dma2 semaphore(%arg17 : memref<!tpu.dma_semaphore, #tpu.memory_space<semaphore_mem>>) src(%dma_wait3A_341 : memref<40x128xf32, #tpu.memory_space<hbm>>) dst(%arg12 : memref<40x128xf32, #tpu.memory_space<vmem>>)
      %dma_start3A_342 = arith.constant 4 : i32
      %dma_start3A_343 = arith.constant 0 : i32
      %dma_start3A_344 = tpu.memref_slice %arg7[%dma_start3A_342, %dma_start3A_343] : memref<5x40xi32, #tpu.memory_space<vmem>> -> memref<1x40xi32, #tpu.memory_space<vmem>>
      %dma_start3A_345 = tpu.memref_squeeze %dma_start3A_344 : memref<1x40xi32, #tpu.memory_space<vmem>> -> memref<40xi32, #tpu.memory_space<vmem>>
      %dma_start3A_346 = arith.constant 0 : i32
      %dma_start3A_347 = arith.constant 0 : i32
      %dma_start3A_348 = tpu.memref_slice %arg25[%dma_start3A_346, %dma_start3A_347] : memref<10000x128xf32, #tpu.memory_space<vmem_shared>> -> memref<10000x128xf32, #tpu.memory_space<vmem_shared>>
      tpu.enqueue_indirect_dma source(%arg12 : memref<40x128xf32, #tpu.memory_space<vmem>>) target(%dma_start3A_348 : memref<10000x128xf32, #tpu.memory_space<vmem_shared>>) offsets(%dma_start3A_345 : memref<40xi32, #tpu.memory_space<vmem>>) semaphore(%arg22 : memref<!tpu.dma_semaphore, #tpu.memory_space<semaphore_mem>>) {add = true}
      %add3A_349 = arith.constant 1 : i32
      %add3A_350 = arith.addi %add3A_214, %add3A_349 : i32
      %lt3A_351 = arith.constant 50 : i32
      %lt3A_352 = arith.cmpi slt, %add3A_350, %lt3A_351 : i32
      %convert_element_type3A_353 = arith.extui %lt3A_352 : i1 to i32
      %cond3A_354 = arith.constant 0 : i32
      %cond3A_355 = arith.cmpi ne, %convert_element_type3A_353, %cond3A_354 : i32
      scf.if %cond3A_355 {
        %add3A_356 = arith.constant 1 : i32
        %add3A_357 = arith.addi %add3A_214, %add3A_356 : i32
        %dma_wait3A_358 = arith.constant 0 : i32
        %dma_wait3A_359 = arith.constant 0 : i32
        %dma_wait3A_360 = tpu.memref_slice %arg3[%add3A, %add3A_357, %dma_wait3A_358, %dma_wait3A_359] : memref<32x50x5x40xi32, #tpu.memory_space<hbm>> -> memref<1x1x5x40xi32, #tpu.memory_space<hbm>>
        %dma_wait3A_361 = tpu.memref_squeeze %dma_wait3A_360 : memref<1x1x5x40xi32, #tpu.memory_space<hbm>> -> memref<5x40xi32, #tpu.memory_space<hbm>>
        %dma_wait3A_362 = arith.constant 0 : i32
        %dma_wait3A_363 = arith.constant 0 : i32
        %dma_wait3A_364 = tpu.memref_slice %arg3[%add3A, %add3A_357, %dma_wait3A_362, %dma_wait3A_363] : memref<32x50x5x40xi32, #tpu.memory_space<hbm>> -> memref<1x1x5x40xi32, #tpu.memory_space<hbm>>
        %dma_wait3A_365 = tpu.memref_squeeze %dma_wait3A_364 : memref<1x1x5x40xi32, #tpu.memory_space<hbm>> -> memref<5x40xi32, #tpu.memory_space<hbm>>
        tpu.wait_dma2 semaphore(%arg23 : memref<!tpu.dma_semaphore, #tpu.memory_space<semaphore_mem>>) src(%dma_wait3A_365 : memref<5x40xi32, #tpu.memory_space<hbm>>) dst(%arg6 : memref<5x40xi32, #tpu.memory_space<vmem>>)
      } else {
      }
    }
    %scan3A_27 = arith.constant 25 : i32
    %dma_wait3A_28 = arith.constant 0 : i32
    %dma_wait3A_29 = arith.constant 0 : i32
    %dma_wait3A_30 = tpu.memref_slice %arg7[%dma_wait3A_28, %dma_wait3A_29] : memref<5x40xi32, #tpu.memory_space<vmem>> -> memref<1x40xi32, #tpu.memory_space<vmem>>
    %dma_wait3A_31 = tpu.memref_squeeze %dma_wait3A_30 : memref<1x40xi32, #tpu.memory_space<vmem>> -> memref<40xi32, #tpu.memory_space<vmem>>
    %dma_wait3A_32 = arith.constant 0 : i32
    %dma_wait3A_33 = arith.constant 0 : i32
    %dma_wait3A_34 = tpu.memref_slice %arg25[%dma_wait3A_32, %dma_wait3A_33] : memref<10000x128xf32, #tpu.memory_space<vmem_shared>> -> memref<10000x128xf32, #tpu.memory_space<vmem_shared>>
    tpu.wait_indirect_dma semaphore(%arg18 : memref<!tpu.dma_semaphore, #tpu.memory_space<semaphore_mem>>) src(%arg8 : memref<40x128xf32, #tpu.memory_space<vmem>>) dst(%dma_wait3A_34 : memref<10000x128xf32, #tpu.memory_space<vmem_shared>>)
    %dma_wait3A_35 = arith.constant 1 : i32
    %dma_wait3A_36 = arith.constant 0 : i32
    %dma_wait3A_37 = tpu.memref_slice %arg7[%dma_wait3A_35, %dma_wait3A_36] : memref<5x40xi32, #tpu.memory_space<vmem>> -> memref<1x40xi32, #tpu.memory_space<vmem>>
    %dma_wait3A_38 = tpu.memref_squeeze %dma_wait3A_37 : memref<1x40xi32, #tpu.memory_space<vmem>> -> memref<40xi32, #tpu.memory_space<vmem>>
    %dma_wait3A_39 = arith.constant 0 : i32
    %dma_wait3A_40 = arith.constant 0 : i32
    %dma_wait3A_41 = tpu.memref_slice %arg25[%dma_wait3A_39, %dma_wait3A_40] : memref<10000x128xf32, #tpu.memory_space<vmem_shared>> -> memref<10000x128xf32, #tpu.memory_space<vmem_shared>>
    tpu.wait_indirect_dma semaphore(%arg19 : memref<!tpu.dma_semaphore, #tpu.memory_space<semaphore_mem>>) src(%arg9 : memref<40x128xf32, #tpu.memory_space<vmem>>) dst(%dma_wait3A_41 : memref<10000x128xf32, #tpu.memory_space<vmem_shared>>)
    %dma_wait3A_42 = arith.constant 2 : i32
    %dma_wait3A_43 = arith.constant 0 : i32
    %dma_wait3A_44 = tpu.memref_slice %arg7[%dma_wait3A_42, %dma_wait3A_43] : memref<5x40xi32, #tpu.memory_space<vmem>> -> memref<1x40xi32, #tpu.memory_space<vmem>>
    %dma_wait3A_45 = tpu.memref_squeeze %dma_wait3A_44 : memref<1x40xi32, #tpu.memory_space<vmem>> -> memref<40xi32, #tpu.memory_space<vmem>>
    %dma_wait3A_46 = arith.constant 0 : i32
    %dma_wait3A_47 = arith.constant 0 : i32
    %dma_wait3A_48 = tpu.memref_slice %arg25[%dma_wait3A_46, %dma_wait3A_47] : memref<10000x128xf32, #tpu.memory_space<vmem_shared>> -> memref<10000x128xf32, #tpu.memory_space<vmem_shared>>
    tpu.wait_indirect_dma semaphore(%arg20 : memref<!tpu.dma_semaphore, #tpu.memory_space<semaphore_mem>>) src(%arg10 : memref<40x128xf32, #tpu.memory_space<vmem>>) dst(%dma_wait3A_48 : memref<10000x128xf32, #tpu.memory_space<vmem_shared>>)
    %dma_wait3A_49 = arith.constant 3 : i32
    %dma_wait3A_50 = arith.constant 0 : i32
    %dma_wait3A_51 = tpu.memref_slice %arg7[%dma_wait3A_49, %dma_wait3A_50] : memref<5x40xi32, #tpu.memory_space<vmem>> -> memref<1x40xi32, #tpu.memory_space<vmem>>
    %dma_wait3A_52 = tpu.memref_squeeze %dma_wait3A_51 : memref<1x40xi32, #tpu.memory_space<vmem>> -> memref<40xi32, #tpu.memory_space<vmem>>
    %dma_wait3A_53 = arith.constant 0 : i32
    %dma_wait3A_54 = arith.constant 0 : i32
    %dma_wait3A_55 = tpu.memref_slice %arg25[%dma_wait3A_53, %dma_wait3A_54] : memref<10000x128xf32, #tpu.memory_space<vmem_shared>> -> memref<10000x128xf32, #tpu.memory_space<vmem_shared>>
    tpu.wait_indirect_dma semaphore(%arg21 : memref<!tpu.dma_semaphore, #tpu.memory_space<semaphore_mem>>) src(%arg11 : memref<40x128xf32, #tpu.memory_space<vmem>>) dst(%dma_wait3A_55 : memref<10000x128xf32, #tpu.memory_space<vmem_shared>>)
    %dma_wait3A_56 = arith.constant 4 : i32
    %dma_wait3A_57 = arith.constant 0 : i32
    %dma_wait3A_58 = tpu.memref_slice %arg7[%dma_wait3A_56, %dma_wait3A_57] : memref<5x40xi32, #tpu.memory_space<vmem>> -> memref<1x40xi32, #tpu.memory_space<vmem>>
    %dma_wait3A_59 = tpu.memref_squeeze %dma_wait3A_58 : memref<1x40xi32, #tpu.memory_space<vmem>> -> memref<40xi32, #tpu.memory_space<vmem>>
    %dma_wait3A_60 = arith.constant 0 : i32
    %dma_wait3A_61 = arith.constant 0 : i32
    %dma_wait3A_62 = tpu.memref_slice %arg25[%dma_wait3A_60, %dma_wait3A_61] : memref<10000x128xf32, #tpu.memory_space<vmem_shared>> -> memref<10000x128xf32, #tpu.memory_space<vmem_shared>>
    tpu.wait_indirect_dma semaphore(%arg22 : memref<!tpu.dma_semaphore, #tpu.memory_space<semaphore_mem>>) src(%arg12 : memref<40x128xf32, #tpu.memory_space<vmem>>) dst(%dma_wait3A_62 : memref<10000x128xf32, #tpu.memory_space<vmem_shared>>)
    %barrier3A_63 = arith.constant 0 : index
    tpu.barrier barrier_id(%barrier3A_63)
    "tpu.region"() ({
      %run_scoped3A = tpu.sem_alloc : memref<!tpu.dma_semaphore, #tpu.memory_space<semaphore_mem>>
      %dma_start3A_69 = arith.constant 0 : i32
      %dma_start3A_70 = tpu.memref_slice %arg5[%arg0, %mul3A_4, %dma_start3A_69] : memref<2x10000x128xf32, #tpu.memory_space<hbm>> -> memref<1x624x128xf32, #tpu.memory_space<hbm>>
      %dma_start3A_71 = tpu.memref_squeeze %dma_start3A_70 : memref<1x624x128xf32, #tpu.memory_space<hbm>> -> memref<624x128xf32, #tpu.memory_space<hbm>>
      %dma_start3A_72 = arith.constant 0 : i32
      %dma_start3A_73 = tpu.memref_slice %arg25[%mul3A_4, %dma_start3A_72] : memref<10000x128xf32, #tpu.memory_space<vmem_shared>> -> memref<624x128xf32, #tpu.memory_space<vmem_shared>>
      tpu.enqueue_dma source(%dma_start3A_73 : memref<624x128xf32, #tpu.memory_space<vmem_shared>>) target(%dma_start3A_71 : memref<624x128xf32, #tpu.memory_space<hbm>>) target_semaphore(%run_scoped3A : memref<!tpu.dma_semaphore, #tpu.memory_space<semaphore_mem>>)
      %dma_wait3A_74 = arith.constant 0 : i32
      %dma_wait3A_75 = tpu.memref_slice %arg5[%arg0, %mul3A_4, %dma_wait3A_74] : memref<2x10000x128xf32, #tpu.memory_space<hbm>> -> memref<1x624x128xf32, #tpu.memory_space<hbm>>
      %dma_wait3A_76 = tpu.memref_squeeze %dma_wait3A_75 : memref<1x624x128xf32, #tpu.memory_space<hbm>> -> memref<624x128xf32, #tpu.memory_space<hbm>>
      %dma_wait3A_77 = arith.constant 0 : i32
      %dma_wait3A_78 = tpu.memref_slice %arg25[%mul3A_4, %dma_wait3A_77] : memref<10000x128xf32, #tpu.memory_space<vmem_shared>> -> memref<624x128xf32, #tpu.memory_space<vmem_shared>>
      tpu.wait_dma2 semaphore(%run_scoped3A : memref<!tpu.dma_semaphore, #tpu.memory_space<semaphore_mem>>) src(%dma_wait3A_78 : memref<624x128xf32, #tpu.memory_space<vmem_shared>>) dst(%dma_wait3A_76 : memref<624x128xf32, #tpu.memory_space<hbm>>)
      tpu.yield
    }) : () -> ()
    %eq3A_64 = arith.constant 0 : i32
    %eq3A_65 = arith.cmpi eq, %arg1, %eq3A_64 : i32
    %convert_element_type3A_66 = arith.extui %eq3A_65 : i1 to i32
    %cond3A_67 = arith.constant 0 : i32
    %cond3A_68 = arith.cmpi ne, %convert_element_type3A_66, %cond3A_67 : i32
    scf.if %cond3A_68 {
      "tpu.region"() ({
        %run_scoped3A = tpu.sem_alloc : memref<!tpu.dma_semaphore, #tpu.memory_space<semaphore_mem>>
        %dma_start3A_69 = arith.constant 9984 : i32
        %dma_start3A_70 = arith.constant 0 : i32
        %dma_start3A_71 = tpu.memref_slice %arg5[%arg0, %dma_start3A_69, %dma_start3A_70] : memref<2x10000x128xf32, #tpu.memory_space<hbm>> -> memref<1x16x128xf32, #tpu.memory_space<hbm>>
        %dma_start3A_72 = tpu.memref_squeeze %dma_start3A_71 : memref<1x16x128xf32, #tpu.memory_space<hbm>> -> memref<16x128xf32, #tpu.memory_space<hbm>>
        %dma_start3A_73 = arith.constant 9984 : i32
        %dma_start3A_74 = arith.constant 0 : i32
        %dma_start3A_75 = tpu.memref_slice %arg25[%dma_start3A_73, %dma_start3A_74] : memref<10000x128xf32, #tpu.memory_space<vmem_shared>> -> memref<16x128xf32, #tpu.memory_space<vmem_shared>>
        tpu.enqueue_dma source(%dma_start3A_75 : memref<16x128xf32, #tpu.memory_space<vmem_shared>>) target(%dma_start3A_72 : memref<16x128xf32, #tpu.memory_space<hbm>>) target_semaphore(%run_scoped3A : memref<!tpu.dma_semaphore, #tpu.memory_space<semaphore_mem>>)
        %dma_wait3A_76 = arith.constant 9984 : i32
        %dma_wait3A_77 = arith.constant 0 : i32
        %dma_wait3A_78 = tpu.memref_slice %arg5[%arg0, %dma_wait3A_76, %dma_wait3A_77] : memref<2x10000x128xf32, #tpu.memory_space<hbm>> -> memref<1x16x128xf32, #tpu.memory_space<hbm>>
        %dma_wait3A_79 = tpu.memref_squeeze %dma_wait3A_78 : memref<1x16x128xf32, #tpu.memory_space<hbm>> -> memref<16x128xf32, #tpu.memory_space<hbm>>
        %dma_wait3A_80 = arith.constant 9984 : i32
        %dma_wait3A_81 = arith.constant 0 : i32
        %dma_wait3A_82 = tpu.memref_slice %arg25[%dma_wait3A_80, %dma_wait3A_81] : memref<10000x128xf32, #tpu.memory_space<vmem_shared>> -> memref<16x128xf32, #tpu.memory_space<vmem_shared>>
        tpu.wait_dma2 semaphore(%run_scoped3A : memref<!tpu.dma_semaphore, #tpu.memory_space<semaphore_mem>>) src(%dma_wait3A_82 : memref<16x128xf32, #tpu.memory_space<vmem_shared>>) dst(%dma_wait3A_79 : memref<16x128xf32, #tpu.memory_space<hbm>>)
        tpu.yield
      }) : () -> ()
    } else {
    }
    return
  }
}

#map = affine_map<(d0, d1) -> (0, 0)>
#map1 = affine_map<(d0, d1) -> (0, 0, 0)>
module attributes {stable_mosaic.version = 14 : i64} {
  func.func @gather_half(%arg0: i32, %arg1: i32, %arg2: memref<10000x128xf32, #tpu.memory_space<hbm>>, %arg3: memref<32x125x40xi32, #tpu.memory_space<hbm>>, %arg4: memref<32x125x40xi32, #tpu.memory_space<hbm>>, %arg5: memref<160000x128xf32, #tpu.memory_space<hbm>>, %arg6: memref<160000x128xf32, #tpu.memory_space<hbm>>, %arg7: memref<125x40xi32, #tpu.memory_space<vmem>>, %arg8: memref<125x40xi32, #tpu.memory_space<vmem>>, %arg9: memref<40x128xf32, #tpu.memory_space<vmem>>, %arg10: memref<40x128xf32, #tpu.memory_space<vmem>>, %arg11: memref<40x128xf32, #tpu.memory_space<vmem>>, %arg12: memref<40x128xf32, #tpu.memory_space<vmem>>, %arg13: memref<40x128xf32, #tpu.memory_space<vmem>>, %arg14: memref<40x128xf32, #tpu.memory_space<vmem>>, %arg15: memref<40x128xf32, #tpu.memory_space<vmem>>, %arg16: memref<40x128xf32, #tpu.memory_space<vmem>>, %arg17: memref<40x128xf32, #tpu.memory_space<vmem>>, %arg18: memref<40x128xf32, #tpu.memory_space<vmem>>, %arg19: memref<!tpu.dma_semaphore, #tpu.memory_space<semaphore_mem>>, %arg20: memref<!tpu.dma_semaphore, #tpu.memory_space<semaphore_mem>>, %arg21: memref<!tpu.dma_semaphore, #tpu.memory_space<semaphore_mem>>, %arg22: memref<!tpu.dma_semaphore, #tpu.memory_space<semaphore_mem>>, %arg23: memref<!tpu.dma_semaphore, #tpu.memory_space<semaphore_mem>>, %arg24: memref<!tpu.dma_semaphore, #tpu.memory_space<semaphore_mem>>, %arg25: memref<!tpu.dma_semaphore, #tpu.memory_space<semaphore_mem>>, %arg26: memref<!tpu.dma_semaphore, #tpu.memory_space<semaphore_mem>>, %arg27: memref<!tpu.dma_semaphore, #tpu.memory_space<semaphore_mem>>, %arg28: memref<!tpu.dma_semaphore, #tpu.memory_space<semaphore_mem>>, %arg29: memref<!tpu.dma_semaphore, #tpu.memory_space<semaphore_mem>>) attributes {dimension_semantics = [#tpu.dimension_semantics<core_parallel>, #tpu.dimension_semantics<subcore_parallel>], iteration_bounds = array<i64: 2, 16>, scalar_prefetch = 0 : i64, scratch_operands = 23 : i64, tpu.core_type = #tpu.core_type<sc_vector_subcore>, window_params = [{transform_indices = #map}, {transform_indices = #map1}, {transform_indices = #map1}, {transform_indices = #map}, {transform_indices = #map}]} {
    %mul3A = arith.constant 2 : i32
    %mul3A_0 = arith.muli %arg1, %mul3A : i32
    %add3A = arith.addi %mul3A_0, %arg0 : i32
    %mul3A_1 = arith.constant 5000 : i32
    %mul3A_2 = arith.muli %add3A, %mul3A_1 : i32
    %dma_start3A = arith.constant 0 : i32
    %dma_start3A_3 = arith.constant 0 : i32
    %dma_start3A_4 = tpu.memref_slice %arg3[%add3A, %dma_start3A, %dma_start3A_3] : memref<32x125x40xi32, #tpu.memory_space<hbm>> -> memref<1x125x40xi32, #tpu.memory_space<hbm>>
    %dma_start3A_5 = tpu.memref_squeeze %dma_start3A_4 : memref<1x125x40xi32, #tpu.memory_space<hbm>> -> memref<125x40xi32, #tpu.memory_space<hbm>>
    %dma_start3A_6 = arith.constant 0 : i32
    %dma_start3A_7 = arith.constant 0 : i32
    %dma_start3A_8 = tpu.memref_slice %arg3[%add3A, %dma_start3A_6, %dma_start3A_7] : memref<32x125x40xi32, #tpu.memory_space<hbm>> -> memref<1x125x40xi32, #tpu.memory_space<hbm>>
    %dma_start3A_9 = tpu.memref_squeeze %dma_start3A_8 : memref<1x125x40xi32, #tpu.memory_space<hbm>> -> memref<125x40xi32, #tpu.memory_space<hbm>>
    tpu.enqueue_dma source(%dma_start3A_9 : memref<125x40xi32, #tpu.memory_space<hbm>>) target(%arg7 : memref<125x40xi32, #tpu.memory_space<vmem>>) target_semaphore(%arg29 : memref<!tpu.dma_semaphore, #tpu.memory_space<semaphore_mem>>)
    %dma_start3A_10 = arith.constant 0 : i32
    %dma_start3A_11 = arith.constant 0 : i32
    %dma_start3A_12 = tpu.memref_slice %arg4[%add3A, %dma_start3A_10, %dma_start3A_11] : memref<32x125x40xi32, #tpu.memory_space<hbm>> -> memref<1x125x40xi32, #tpu.memory_space<hbm>>
    %dma_start3A_13 = tpu.memref_squeeze %dma_start3A_12 : memref<1x125x40xi32, #tpu.memory_space<hbm>> -> memref<125x40xi32, #tpu.memory_space<hbm>>
    %dma_start3A_14 = arith.constant 0 : i32
    %dma_start3A_15 = arith.constant 0 : i32
    %dma_start3A_16 = tpu.memref_slice %arg4[%add3A, %dma_start3A_14, %dma_start3A_15] : memref<32x125x40xi32, #tpu.memory_space<hbm>> -> memref<1x125x40xi32, #tpu.memory_space<hbm>>
    %dma_start3A_17 = tpu.memref_squeeze %dma_start3A_16 : memref<1x125x40xi32, #tpu.memory_space<hbm>> -> memref<125x40xi32, #tpu.memory_space<hbm>>
    tpu.enqueue_dma source(%dma_start3A_17 : memref<125x40xi32, #tpu.memory_space<hbm>>) target(%arg8 : memref<125x40xi32, #tpu.memory_space<vmem>>) target_semaphore(%arg29 : memref<!tpu.dma_semaphore, #tpu.memory_space<semaphore_mem>>)
    %dma_wait3A = arith.constant 0 : i32
    %dma_wait3A_18 = arith.constant 0 : i32
    %dma_wait3A_19 = tpu.memref_slice %arg3[%add3A, %dma_wait3A, %dma_wait3A_18] : memref<32x125x40xi32, #tpu.memory_space<hbm>> -> memref<1x125x40xi32, #tpu.memory_space<hbm>>
    %dma_wait3A_20 = tpu.memref_squeeze %dma_wait3A_19 : memref<1x125x40xi32, #tpu.memory_space<hbm>> -> memref<125x40xi32, #tpu.memory_space<hbm>>
    %dma_wait3A_21 = arith.constant 0 : i32
    %dma_wait3A_22 = arith.constant 0 : i32
    %dma_wait3A_23 = tpu.memref_slice %arg3[%add3A, %dma_wait3A_21, %dma_wait3A_22] : memref<32x125x40xi32, #tpu.memory_space<hbm>> -> memref<1x125x40xi32, #tpu.memory_space<hbm>>
    %dma_wait3A_24 = tpu.memref_squeeze %dma_wait3A_23 : memref<1x125x40xi32, #tpu.memory_space<hbm>> -> memref<125x40xi32, #tpu.memory_space<hbm>>
    tpu.wait_dma2 semaphore(%arg29 : memref<!tpu.dma_semaphore, #tpu.memory_space<semaphore_mem>>) src(%dma_wait3A_24 : memref<125x40xi32, #tpu.memory_space<hbm>>) dst(%arg7 : memref<125x40xi32, #tpu.memory_space<vmem>>)
    %dma_wait3A_25 = arith.constant 0 : i32
    %dma_wait3A_26 = arith.constant 0 : i32
    %dma_wait3A_27 = tpu.memref_slice %arg4[%add3A, %dma_wait3A_25, %dma_wait3A_26] : memref<32x125x40xi32, #tpu.memory_space<hbm>> -> memref<1x125x40xi32, #tpu.memory_space<hbm>>
    %dma_wait3A_28 = tpu.memref_squeeze %dma_wait3A_27 : memref<1x125x40xi32, #tpu.memory_space<hbm>> -> memref<125x40xi32, #tpu.memory_space<hbm>>
    %dma_wait3A_29 = arith.constant 0 : i32
    %dma_wait3A_30 = arith.constant 0 : i32
    %dma_wait3A_31 = tpu.memref_slice %arg4[%add3A, %dma_wait3A_29, %dma_wait3A_30] : memref<32x125x40xi32, #tpu.memory_space<hbm>> -> memref<1x125x40xi32, #tpu.memory_space<hbm>>
    %dma_wait3A_32 = tpu.memref_squeeze %dma_wait3A_31 : memref<1x125x40xi32, #tpu.memory_space<hbm>> -> memref<125x40xi32, #tpu.memory_space<hbm>>
    tpu.wait_dma2 semaphore(%arg29 : memref<!tpu.dma_semaphore, #tpu.memory_space<semaphore_mem>>) src(%dma_wait3A_32 : memref<125x40xi32, #tpu.memory_space<hbm>>) dst(%arg8 : memref<125x40xi32, #tpu.memory_space<vmem>>)
    %scan3A = arith.constant 0 : i32
    %scan3A_33 = arith.constant 0 : i32
    %scan3A_34 = arith.constant 25 : i32
    %scan3A_35 = arith.addi %scan3A_33, %scan3A_34 : i32
    %scan3A_36 = arith.constant 1 : i32
    scf.for %scan3A_88 = %scan3A_33 to %scan3A_35 step %scan3A_36  : i32 {
      %mul3A_89 = arith.constant 5 : i32
      %mul3A_90 = arith.muli %scan3A_88, %mul3A_89 : i32
      %add3A_91 = arith.constant 0 : i32
      %add3A_92 = arith.addi %mul3A_90, %add3A_91 : i32
      %mul3A_93 = arith.constant 40 : i32
      %mul3A_94 = arith.muli %add3A_92, %mul3A_93 : i32
      %add3A_95 = arith.addi %mul3A_2, %mul3A_94 : i32
      %gt3A = arith.constant 0 : i32
      %gt3A_96 = arith.cmpi sgt, %scan3A_88, %gt3A : i32
      %convert_element_type3A = arith.extui %gt3A_96 : i1 to i32
      %cond3A = arith.constant 0 : i32
      %cond3A_97 = arith.cmpi ne, %convert_element_type3A, %cond3A : i32
      scf.if %cond3A_97 {
        %dma_wait3A_323 = arith.constant 0 : i32
        %dma_wait3A_324 = tpu.memref_slice %arg5[%add3A_95, %dma_wait3A_323] : memref<160000x128xf32, #tpu.memory_space<hbm>> -> memref<40x128xf32, #tpu.memory_space<hbm>>
        %dma_wait3A_325 = arith.constant 0 : i32
        %dma_wait3A_326 = tpu.memref_slice %arg5[%add3A_95, %dma_wait3A_325] : memref<160000x128xf32, #tpu.memory_space<hbm>> -> memref<40x128xf32, #tpu.memory_space<hbm>>
        tpu.wait_dma2 semaphore(%arg24 : memref<!tpu.dma_semaphore, #tpu.memory_space<semaphore_mem>>) src(%arg9 : memref<40x128xf32, #tpu.memory_space<vmem>>) dst(%dma_wait3A_326 : memref<40x128xf32, #tpu.memory_space<hbm>>)
        %dma_wait3A_327 = arith.constant 0 : i32
        %dma_wait3A_328 = tpu.memref_slice %arg6[%add3A_95, %dma_wait3A_327] : memref<160000x128xf32, #tpu.memory_space<hbm>> -> memref<40x128xf32, #tpu.memory_space<hbm>>
        %dma_wait3A_329 = arith.constant 0 : i32
        %dma_wait3A_330 = tpu.memref_slice %arg6[%add3A_95, %dma_wait3A_329] : memref<160000x128xf32, #tpu.memory_space<hbm>> -> memref<40x128xf32, #tpu.memory_space<hbm>>
        tpu.wait_dma2 semaphore(%arg24 : memref<!tpu.dma_semaphore, #tpu.memory_space<semaphore_mem>>) src(%arg14 : memref<40x128xf32, #tpu.memory_space<vmem>>) dst(%dma_wait3A_330 : memref<40x128xf32, #tpu.memory_space<hbm>>)
      } else {
      }
      %dma_start3A_98 = arith.constant 0 : i32
      %dma_start3A_99 = tpu.memref_slice %arg7[%add3A_92, %dma_start3A_98] : memref<125x40xi32, #tpu.memory_space<vmem>> -> memref<1x40xi32, #tpu.memory_space<vmem>>
      %dma_start3A_100 = tpu.memref_squeeze %dma_start3A_99 : memref<1x40xi32, #tpu.memory_space<vmem>> -> memref<40xi32, #tpu.memory_space<vmem>>
      %dma_start3A_101 = arith.constant 0 : i32
      %dma_start3A_102 = arith.constant 0 : i32
      %dma_start3A_103 = tpu.memref_slice %arg2[%dma_start3A_101, %dma_start3A_102] : memref<10000x128xf32, #tpu.memory_space<hbm>> -> memref<10000x128xf32, #tpu.memory_space<hbm>>
      tpu.enqueue_indirect_dma source(%dma_start3A_103 : memref<10000x128xf32, #tpu.memory_space<hbm>>) target(%arg9 : memref<40x128xf32, #tpu.memory_space<vmem>>) offsets(%dma_start3A_100 : memref<40xi32, #tpu.memory_space<vmem>>) semaphore(%arg19 : memref<!tpu.dma_semaphore, #tpu.memory_space<semaphore_mem>>)
      %dma_start3A_104 = arith.constant 0 : i32
      %dma_start3A_105 = tpu.memref_slice %arg8[%add3A_92, %dma_start3A_104] : memref<125x40xi32, #tpu.memory_space<vmem>> -> memref<1x40xi32, #tpu.memory_space<vmem>>
      %dma_start3A_106 = tpu.memref_squeeze %dma_start3A_105 : memref<1x40xi32, #tpu.memory_space<vmem>> -> memref<40xi32, #tpu.memory_space<vmem>>
      %dma_start3A_107 = arith.constant 0 : i32
      %dma_start3A_108 = arith.constant 0 : i32
      %dma_start3A_109 = tpu.memref_slice %arg2[%dma_start3A_107, %dma_start3A_108] : memref<10000x128xf32, #tpu.memory_space<hbm>> -> memref<10000x128xf32, #tpu.memory_space<hbm>>
      tpu.enqueue_indirect_dma source(%dma_start3A_109 : memref<10000x128xf32, #tpu.memory_space<hbm>>) target(%arg14 : memref<40x128xf32, #tpu.memory_space<vmem>>) offsets(%dma_start3A_106 : memref<40xi32, #tpu.memory_space<vmem>>) semaphore(%arg19 : memref<!tpu.dma_semaphore, #tpu.memory_space<semaphore_mem>>)
      %add3A_110 = arith.constant 1 : i32
      %add3A_111 = arith.addi %mul3A_90, %add3A_110 : i32
      %mul3A_112 = arith.constant 40 : i32
      %mul3A_113 = arith.muli %add3A_111, %mul3A_112 : i32
      %add3A_114 = arith.addi %mul3A_2, %mul3A_113 : i32
      %gt3A_115 = arith.constant 0 : i32
      %gt3A_116 = arith.cmpi sgt, %scan3A_88, %gt3A_115 : i32
      %convert_element_type3A_117 = arith.extui %gt3A_116 : i1 to i32
      %cond3A_118 = arith.constant 0 : i32
      %cond3A_119 = arith.cmpi ne, %convert_element_type3A_117, %cond3A_118 : i32
      scf.if %cond3A_119 {
        %dma_wait3A_323 = arith.constant 0 : i32
        %dma_wait3A_324 = tpu.memref_slice %arg5[%add3A_114, %dma_wait3A_323] : memref<160000x128xf32, #tpu.memory_space<hbm>> -> memref<40x128xf32, #tpu.memory_space<hbm>>
        %dma_wait3A_325 = arith.constant 0 : i32
        %dma_wait3A_326 = tpu.memref_slice %arg5[%add3A_114, %dma_wait3A_325] : memref<160000x128xf32, #tpu.memory_space<hbm>> -> memref<40x128xf32, #tpu.memory_space<hbm>>
        tpu.wait_dma2 semaphore(%arg25 : memref<!tpu.dma_semaphore, #tpu.memory_space<semaphore_mem>>) src(%arg10 : memref<40x128xf32, #tpu.memory_space<vmem>>) dst(%dma_wait3A_326 : memref<40x128xf32, #tpu.memory_space<hbm>>)
        %dma_wait3A_327 = arith.constant 0 : i32
        %dma_wait3A_328 = tpu.memref_slice %arg6[%add3A_114, %dma_wait3A_327] : memref<160000x128xf32, #tpu.memory_space<hbm>> -> memref<40x128xf32, #tpu.memory_space<hbm>>
        %dma_wait3A_329 = arith.constant 0 : i32
        %dma_wait3A_330 = tpu.memref_slice %arg6[%add3A_114, %dma_wait3A_329] : memref<160000x128xf32, #tpu.memory_space<hbm>> -> memref<40x128xf32, #tpu.memory_space<hbm>>
        tpu.wait_dma2 semaphore(%arg25 : memref<!tpu.dma_semaphore, #tpu.memory_space<semaphore_mem>>) src(%arg15 : memref<40x128xf32, #tpu.memory_space<vmem>>) dst(%dma_wait3A_330 : memref<40x128xf32, #tpu.memory_space<hbm>>)
      } else {
      }
      %dma_start3A_120 = arith.constant 0 : i32
      %dma_start3A_121 = tpu.memref_slice %arg7[%add3A_111, %dma_start3A_120] : memref<125x40xi32, #tpu.memory_space<vmem>> -> memref<1x40xi32, #tpu.memory_space<vmem>>
      %dma_start3A_122 = tpu.memref_squeeze %dma_start3A_121 : memref<1x40xi32, #tpu.memory_space<vmem>> -> memref<40xi32, #tpu.memory_space<vmem>>
      %dma_start3A_123 = arith.constant 0 : i32
      %dma_start3A_124 = arith.constant 0 : i32
      %dma_start3A_125 = tpu.memref_slice %arg2[%dma_start3A_123, %dma_start3A_124] : memref<10000x128xf32, #tpu.memory_space<hbm>> -> memref<10000x128xf32, #tpu.memory_space<hbm>>
      tpu.enqueue_indirect_dma source(%dma_start3A_125 : memref<10000x128xf32, #tpu.memory_space<hbm>>) target(%arg10 : memref<40x128xf32, #tpu.memory_space<vmem>>) offsets(%dma_start3A_122 : memref<40xi32, #tpu.memory_space<vmem>>) semaphore(%arg20 : memref<!tpu.dma_semaphore, #tpu.memory_space<semaphore_mem>>)
      %dma_start3A_126 = arith.constant 0 : i32
      %dma_start3A_127 = tpu.memref_slice %arg8[%add3A_111, %dma_start3A_126] : memref<125x40xi32, #tpu.memory_space<vmem>> -> memref<1x40xi32, #tpu.memory_space<vmem>>
      %dma_start3A_128 = tpu.memref_squeeze %dma_start3A_127 : memref<1x40xi32, #tpu.memory_space<vmem>> -> memref<40xi32, #tpu.memory_space<vmem>>
      %dma_start3A_129 = arith.constant 0 : i32
      %dma_start3A_130 = arith.constant 0 : i32
      %dma_start3A_131 = tpu.memref_slice %arg2[%dma_start3A_129, %dma_start3A_130] : memref<10000x128xf32, #tpu.memory_space<hbm>> -> memref<10000x128xf32, #tpu.memory_space<hbm>>
      tpu.enqueue_indirect_dma source(%dma_start3A_131 : memref<10000x128xf32, #tpu.memory_space<hbm>>) target(%arg15 : memref<40x128xf32, #tpu.memory_space<vmem>>) offsets(%dma_start3A_128 : memref<40xi32, #tpu.memory_space<vmem>>) semaphore(%arg20 : memref<!tpu.dma_semaphore, #tpu.memory_space<semaphore_mem>>)
      %add3A_132 = arith.constant 2 : i32
      %add3A_133 = arith.addi %mul3A_90, %add3A_132 : i32
      %mul3A_134 = arith.constant 40 : i32
      %mul3A_135 = arith.muli %add3A_133, %mul3A_134 : i32
      %add3A_136 = arith.addi %mul3A_2, %mul3A_135 : i32
      %gt3A_137 = arith.constant 0 : i32
      %gt3A_138 = arith.cmpi sgt, %scan3A_88, %gt3A_137 : i32
      %convert_element_type3A_139 = arith.extui %gt3A_138 : i1 to i32
      %cond3A_140 = arith.constant 0 : i32
      %cond3A_141 = arith.cmpi ne, %convert_element_type3A_139, %cond3A_140 : i32
      scf.if %cond3A_141 {
        %dma_wait3A_323 = arith.constant 0 : i32
        %dma_wait3A_324 = tpu.memref_slice %arg5[%add3A_136, %dma_wait3A_323] : memref<160000x128xf32, #tpu.memory_space<hbm>> -> memref<40x128xf32, #tpu.memory_space<hbm>>
        %dma_wait3A_325 = arith.constant 0 : i32
        %dma_wait3A_326 = tpu.memref_slice %arg5[%add3A_136, %dma_wait3A_325] : memref<160000x128xf32, #tpu.memory_space<hbm>> -> memref<40x128xf32, #tpu.memory_space<hbm>>
        tpu.wait_dma2 semaphore(%arg26 : memref<!tpu.dma_semaphore, #tpu.memory_space<semaphore_mem>>) src(%arg11 : memref<40x128xf32, #tpu.memory_space<vmem>>) dst(%dma_wait3A_326 : memref<40x128xf32, #tpu.memory_space<hbm>>)
        %dma_wait3A_327 = arith.constant 0 : i32
        %dma_wait3A_328 = tpu.memref_slice %arg6[%add3A_136, %dma_wait3A_327] : memref<160000x128xf32, #tpu.memory_space<hbm>> -> memref<40x128xf32, #tpu.memory_space<hbm>>
        %dma_wait3A_329 = arith.constant 0 : i32
        %dma_wait3A_330 = tpu.memref_slice %arg6[%add3A_136, %dma_wait3A_329] : memref<160000x128xf32, #tpu.memory_space<hbm>> -> memref<40x128xf32, #tpu.memory_space<hbm>>
        tpu.wait_dma2 semaphore(%arg26 : memref<!tpu.dma_semaphore, #tpu.memory_space<semaphore_mem>>) src(%arg16 : memref<40x128xf32, #tpu.memory_space<vmem>>) dst(%dma_wait3A_330 : memref<40x128xf32, #tpu.memory_space<hbm>>)
      } else {
      }
      %dma_start3A_142 = arith.constant 0 : i32
      %dma_start3A_143 = tpu.memref_slice %arg7[%add3A_133, %dma_start3A_142] : memref<125x40xi32, #tpu.memory_space<vmem>> -> memref<1x40xi32, #tpu.memory_space<vmem>>
      %dma_start3A_144 = tpu.memref_squeeze %dma_start3A_143 : memref<1x40xi32, #tpu.memory_space<vmem>> -> memref<40xi32, #tpu.memory_space<vmem>>
      %dma_start3A_145 = arith.constant 0 : i32
      %dma_start3A_146 = arith.constant 0 : i32
      %dma_start3A_147 = tpu.memref_slice %arg2[%dma_start3A_145, %dma_start3A_146] : memref<10000x128xf32, #tpu.memory_space<hbm>> -> memref<10000x128xf32, #tpu.memory_space<hbm>>
      tpu.enqueue_indirect_dma source(%dma_start3A_147 : memref<10000x128xf32, #tpu.memory_space<hbm>>) target(%arg11 : memref<40x128xf32, #tpu.memory_space<vmem>>) offsets(%dma_start3A_144 : memref<40xi32, #tpu.memory_space<vmem>>) semaphore(%arg21 : memref<!tpu.dma_semaphore, #tpu.memory_space<semaphore_mem>>)
      %dma_start3A_148 = arith.constant 0 : i32
      %dma_start3A_149 = tpu.memref_slice %arg8[%add3A_133, %dma_start3A_148] : memref<125x40xi32, #tpu.memory_space<vmem>> -> memref<1x40xi32, #tpu.memory_space<vmem>>
      %dma_start3A_150 = tpu.memref_squeeze %dma_start3A_149 : memref<1x40xi32, #tpu.memory_space<vmem>> -> memref<40xi32, #tpu.memory_space<vmem>>
      %dma_start3A_151 = arith.constant 0 : i32
      %dma_start3A_152 = arith.constant 0 : i32
      %dma_start3A_153 = tpu.memref_slice %arg2[%dma_start3A_151, %dma_start3A_152] : memref<10000x128xf32, #tpu.memory_space<hbm>> -> memref<10000x128xf32, #tpu.memory_space<hbm>>
      tpu.enqueue_indirect_dma source(%dma_start3A_153 : memref<10000x128xf32, #tpu.memory_space<hbm>>) target(%arg16 : memref<40x128xf32, #tpu.memory_space<vmem>>) offsets(%dma_start3A_150 : memref<40xi32, #tpu.memory_space<vmem>>) semaphore(%arg21 : memref<!tpu.dma_semaphore, #tpu.memory_space<semaphore_mem>>)
      %add3A_154 = arith.constant 3 : i32
      %add3A_155 = arith.addi %mul3A_90, %add3A_154 : i32
      %mul3A_156 = arith.constant 40 : i32
      %mul3A_157 = arith.muli %add3A_155, %mul3A_156 : i32
      %add3A_158 = arith.addi %mul3A_2, %mul3A_157 : i32
      %gt3A_159 = arith.constant 0 : i32
      %gt3A_160 = arith.cmpi sgt, %scan3A_88, %gt3A_159 : i32
      %convert_element_type3A_161 = arith.extui %gt3A_160 : i1 to i32
      %cond3A_162 = arith.constant 0 : i32
      %cond3A_163 = arith.cmpi ne, %convert_element_type3A_161, %cond3A_162 : i32
      scf.if %cond3A_163 {
        %dma_wait3A_323 = arith.constant 0 : i32
        %dma_wait3A_324 = tpu.memref_slice %arg5[%add3A_158, %dma_wait3A_323] : memref<160000x128xf32, #tpu.memory_space<hbm>> -> memref<40x128xf32, #tpu.memory_space<hbm>>
        %dma_wait3A_325 = arith.constant 0 : i32
        %dma_wait3A_326 = tpu.memref_slice %arg5[%add3A_158, %dma_wait3A_325] : memref<160000x128xf32, #tpu.memory_space<hbm>> -> memref<40x128xf32, #tpu.memory_space<hbm>>
        tpu.wait_dma2 semaphore(%arg27 : memref<!tpu.dma_semaphore, #tpu.memory_space<semaphore_mem>>) src(%arg12 : memref<40x128xf32, #tpu.memory_space<vmem>>) dst(%dma_wait3A_326 : memref<40x128xf32, #tpu.memory_space<hbm>>)
        %dma_wait3A_327 = arith.constant 0 : i32
        %dma_wait3A_328 = tpu.memref_slice %arg6[%add3A_158, %dma_wait3A_327] : memref<160000x128xf32, #tpu.memory_space<hbm>> -> memref<40x128xf32, #tpu.memory_space<hbm>>
        %dma_wait3A_329 = arith.constant 0 : i32
        %dma_wait3A_330 = tpu.memref_slice %arg6[%add3A_158, %dma_wait3A_329] : memref<160000x128xf32, #tpu.memory_space<hbm>> -> memref<40x128xf32, #tpu.memory_space<hbm>>
        tpu.wait_dma2 semaphore(%arg27 : memref<!tpu.dma_semaphore, #tpu.memory_space<semaphore_mem>>) src(%arg17 : memref<40x128xf32, #tpu.memory_space<vmem>>) dst(%dma_wait3A_330 : memref<40x128xf32, #tpu.memory_space<hbm>>)
      } else {
      }
      %dma_start3A_164 = arith.constant 0 : i32
      %dma_start3A_165 = tpu.memref_slice %arg7[%add3A_155, %dma_start3A_164] : memref<125x40xi32, #tpu.memory_space<vmem>> -> memref<1x40xi32, #tpu.memory_space<vmem>>
      %dma_start3A_166 = tpu.memref_squeeze %dma_start3A_165 : memref<1x40xi32, #tpu.memory_space<vmem>> -> memref<40xi32, #tpu.memory_space<vmem>>
      %dma_start3A_167 = arith.constant 0 : i32
      %dma_start3A_168 = arith.constant 0 : i32
      %dma_start3A_169 = tpu.memref_slice %arg2[%dma_start3A_167, %dma_start3A_168] : memref<10000x128xf32, #tpu.memory_space<hbm>> -> memref<10000x128xf32, #tpu.memory_space<hbm>>
      tpu.enqueue_indirect_dma source(%dma_start3A_169 : memref<10000x128xf32, #tpu.memory_space<hbm>>) target(%arg12 : memref<40x128xf32, #tpu.memory_space<vmem>>) offsets(%dma_start3A_166 : memref<40xi32, #tpu.memory_space<vmem>>) semaphore(%arg22 : memref<!tpu.dma_semaphore, #tpu.memory_space<semaphore_mem>>)
      %dma_start3A_170 = arith.constant 0 : i32
      %dma_start3A_171 = tpu.memref_slice %arg8[%add3A_155, %dma_start3A_170] : memref<125x40xi32, #tpu.memory_space<vmem>> -> memref<1x40xi32, #tpu.memory_space<vmem>>
      %dma_start3A_172 = tpu.memref_squeeze %dma_start3A_171 : memref<1x40xi32, #tpu.memory_space<vmem>> -> memref<40xi32, #tpu.memory_space<vmem>>
      %dma_start3A_173 = arith.constant 0 : i32
      %dma_start3A_174 = arith.constant 0 : i32
      %dma_start3A_175 = tpu.memref_slice %arg2[%dma_start3A_173, %dma_start3A_174] : memref<10000x128xf32, #tpu.memory_space<hbm>> -> memref<10000x128xf32, #tpu.memory_space<hbm>>
      tpu.enqueue_indirect_dma source(%dma_start3A_175 : memref<10000x128xf32, #tpu.memory_space<hbm>>) target(%arg17 : memref<40x128xf32, #tpu.memory_space<vmem>>) offsets(%dma_start3A_172 : memref<40xi32, #tpu.memory_space<vmem>>) semaphore(%arg22 : memref<!tpu.dma_semaphore, #tpu.memory_space<semaphore_mem>>)
      %add3A_176 = arith.constant 4 : i32
      %add3A_177 = arith.addi %mul3A_90, %add3A_176 : i32
      %mul3A_178 = arith.constant 40 : i32
      %mul3A_179 = arith.muli %add3A_177, %mul3A_178 : i32
      %add3A_180 = arith.addi %mul3A_2, %mul3A_179 : i32
      %gt3A_181 = arith.constant 0 : i32
      %gt3A_182 = arith.cmpi sgt, %scan3A_88, %gt3A_181 : i32
      %convert_element_type3A_183 = arith.extui %gt3A_182 : i1 to i32
      %cond3A_184 = arith.constant 0 : i32
      %cond3A_185 = arith.cmpi ne, %convert_element_type3A_183, %cond3A_184 : i32
      scf.if %cond3A_185 {
        %dma_wait3A_323 = arith.constant 0 : i32
        %dma_wait3A_324 = tpu.memref_slice %arg5[%add3A_180, %dma_wait3A_323] : memref<160000x128xf32, #tpu.memory_space<hbm>> -> memref<40x128xf32, #tpu.memory_space<hbm>>
        %dma_wait3A_325 = arith.constant 0 : i32
        %dma_wait3A_326 = tpu.memref_slice %arg5[%add3A_180, %dma_wait3A_325] : memref<160000x128xf32, #tpu.memory_space<hbm>> -> memref<40x128xf32, #tpu.memory_space<hbm>>
        tpu.wait_dma2 semaphore(%arg28 : memref<!tpu.dma_semaphore, #tpu.memory_space<semaphore_mem>>) src(%arg13 : memref<40x128xf32, #tpu.memory_space<vmem>>) dst(%dma_wait3A_326 : memref<40x128xf32, #tpu.memory_space<hbm>>)
        %dma_wait3A_327 = arith.constant 0 : i32
        %dma_wait3A_328 = tpu.memref_slice %arg6[%add3A_180, %dma_wait3A_327] : memref<160000x128xf32, #tpu.memory_space<hbm>> -> memref<40x128xf32, #tpu.memory_space<hbm>>
        %dma_wait3A_329 = arith.constant 0 : i32
        %dma_wait3A_330 = tpu.memref_slice %arg6[%add3A_180, %dma_wait3A_329] : memref<160000x128xf32, #tpu.memory_space<hbm>> -> memref<40x128xf32, #tpu.memory_space<hbm>>
        tpu.wait_dma2 semaphore(%arg28 : memref<!tpu.dma_semaphore, #tpu.memory_space<semaphore_mem>>) src(%arg18 : memref<40x128xf32, #tpu.memory_space<vmem>>) dst(%dma_wait3A_330 : memref<40x128xf32, #tpu.memory_space<hbm>>)
      } else {
      }
      %dma_start3A_186 = arith.constant 0 : i32
      %dma_start3A_187 = tpu.memref_slice %arg7[%add3A_177, %dma_start3A_186] : memref<125x40xi32, #tpu.memory_space<vmem>> -> memref<1x40xi32, #tpu.memory_space<vmem>>
      %dma_start3A_188 = tpu.memref_squeeze %dma_start3A_187 : memref<1x40xi32, #tpu.memory_space<vmem>> -> memref<40xi32, #tpu.memory_space<vmem>>
      %dma_start3A_189 = arith.constant 0 : i32
      %dma_start3A_190 = arith.constant 0 : i32
      %dma_start3A_191 = tpu.memref_slice %arg2[%dma_start3A_189, %dma_start3A_190] : memref<10000x128xf32, #tpu.memory_space<hbm>> -> memref<10000x128xf32, #tpu.memory_space<hbm>>
      tpu.enqueue_indirect_dma source(%dma_start3A_191 : memref<10000x128xf32, #tpu.memory_space<hbm>>) target(%arg13 : memref<40x128xf32, #tpu.memory_space<vmem>>) offsets(%dma_start3A_188 : memref<40xi32, #tpu.memory_space<vmem>>) semaphore(%arg23 : memref<!tpu.dma_semaphore, #tpu.memory_space<semaphore_mem>>)
      %dma_start3A_192 = arith.constant 0 : i32
      %dma_start3A_193 = tpu.memref_slice %arg8[%add3A_177, %dma_start3A_192] : memref<125x40xi32, #tpu.memory_space<vmem>> -> memref<1x40xi32, #tpu.memory_space<vmem>>
      %dma_start3A_194 = tpu.memref_squeeze %dma_start3A_193 : memref<1x40xi32, #tpu.memory_space<vmem>> -> memref<40xi32, #tpu.memory_space<vmem>>
      %dma_start3A_195 = arith.constant 0 : i32
      %dma_start3A_196 = arith.constant 0 : i32
      %dma_start3A_197 = tpu.memref_slice %arg2[%dma_start3A_195, %dma_start3A_196] : memref<10000x128xf32, #tpu.memory_space<hbm>> -> memref<10000x128xf32, #tpu.memory_space<hbm>>
      tpu.enqueue_indirect_dma source(%dma_start3A_197 : memref<10000x128xf32, #tpu.memory_space<hbm>>) target(%arg18 : memref<40x128xf32, #tpu.memory_space<vmem>>) offsets(%dma_start3A_194 : memref<40xi32, #tpu.memory_space<vmem>>) semaphore(%arg23 : memref<!tpu.dma_semaphore, #tpu.memory_space<semaphore_mem>>)
      %add3A_198 = arith.constant 0 : i32
      %add3A_199 = arith.addi %mul3A_90, %add3A_198 : i32
      %mul3A_200 = arith.constant 40 : i32
      %mul3A_201 = arith.muli %add3A_199, %mul3A_200 : i32
      %add3A_202 = arith.addi %mul3A_2, %mul3A_201 : i32
      %dma_wait3A_203 = arith.constant 0 : i32
      %dma_wait3A_204 = tpu.memref_slice %arg7[%add3A_92, %dma_wait3A_203] : memref<125x40xi32, #tpu.memory_space<vmem>> -> memref<1x40xi32, #tpu.memory_space<vmem>>
      %dma_wait3A_205 = tpu.memref_squeeze %dma_wait3A_204 : memref<1x40xi32, #tpu.memory_space<vmem>> -> memref<40xi32, #tpu.memory_space<vmem>>
      %dma_wait3A_206 = arith.constant 0 : i32
      %dma_wait3A_207 = arith.constant 0 : i32
      %dma_wait3A_208 = tpu.memref_slice %arg2[%dma_wait3A_206, %dma_wait3A_207] : memref<10000x128xf32, #tpu.memory_space<hbm>> -> memref<10000x128xf32, #tpu.memory_space<hbm>>
      tpu.wait_indirect_dma semaphore(%arg19 : memref<!tpu.dma_semaphore, #tpu.memory_space<semaphore_mem>>) src(%dma_wait3A_208 : memref<10000x128xf32, #tpu.memory_space<hbm>>) dst(%arg9 : memref<40x128xf32, #tpu.memory_space<vmem>>)
      %dma_wait3A_209 = arith.constant 0 : i32
      %dma_wait3A_210 = tpu.memref_slice %arg8[%add3A_92, %dma_wait3A_209] : memref<125x40xi32, #tpu.memory_space<vmem>> -> memref<1x40xi32, #tpu.memory_space<vmem>>
      %dma_wait3A_211 = tpu.memref_squeeze %dma_wait3A_210 : memref<1x40xi32, #tpu.memory_space<vmem>> -> memref<40xi32, #tpu.memory_space<vmem>>
      %dma_wait3A_212 = arith.constant 0 : i32
      %dma_wait3A_213 = arith.constant 0 : i32
      %dma_wait3A_214 = tpu.memref_slice %arg2[%dma_wait3A_212, %dma_wait3A_213] : memref<10000x128xf32, #tpu.memory_space<hbm>> -> memref<10000x128xf32, #tpu.memory_space<hbm>>
      tpu.wait_indirect_dma semaphore(%arg19 : memref<!tpu.dma_semaphore, #tpu.memory_space<semaphore_mem>>) src(%dma_wait3A_214 : memref<10000x128xf32, #tpu.memory_space<hbm>>) dst(%arg14 : memref<40x128xf32, #tpu.memory_space<vmem>>)
      %dma_start3A_215 = arith.constant 0 : i32
      %dma_start3A_216 = tpu.memref_slice %arg5[%add3A_202, %dma_start3A_215] : memref<160000x128xf32, #tpu.memory_space<hbm>> -> memref<40x128xf32, #tpu.memory_space<hbm>>
      %dma_start3A_217 = arith.constant 0 : i32
      %dma_start3A_218 = tpu.memref_slice %arg5[%add3A_202, %dma_start3A_217] : memref<160000x128xf32, #tpu.memory_space<hbm>> -> memref<40x128xf32, #tpu.memory_space<hbm>>
      tpu.enqueue_dma source(%arg9 : memref<40x128xf32, #tpu.memory_space<vmem>>) target(%dma_start3A_218 : memref<40x128xf32, #tpu.memory_space<hbm>>) target_semaphore(%arg24 : memref<!tpu.dma_semaphore, #tpu.memory_space<semaphore_mem>>)
      %dma_start3A_219 = arith.constant 0 : i32
      %dma_start3A_220 = tpu.memref_slice %arg6[%add3A_202, %dma_start3A_219] : memref<160000x128xf32, #tpu.memory_space<hbm>> -> memref<40x128xf32, #tpu.memory_space<hbm>>
      %dma_start3A_221 = arith.constant 0 : i32
      %dma_start3A_222 = tpu.memref_slice %arg6[%add3A_202, %dma_start3A_221] : memref<160000x128xf32, #tpu.memory_space<hbm>> -> memref<40x128xf32, #tpu.memory_space<hbm>>
      tpu.enqueue_dma source(%arg14 : memref<40x128xf32, #tpu.memory_space<vmem>>) target(%dma_start3A_222 : memref<40x128xf32, #tpu.memory_space<hbm>>) target_semaphore(%arg24 : memref<!tpu.dma_semaphore, #tpu.memory_space<semaphore_mem>>)
      %add3A_223 = arith.constant 1 : i32
      %add3A_224 = arith.addi %mul3A_90, %add3A_223 : i32
      %mul3A_225 = arith.constant 40 : i32
      %mul3A_226 = arith.muli %add3A_224, %mul3A_225 : i32
      %add3A_227 = arith.addi %mul3A_2, %mul3A_226 : i32
      %dma_wait3A_228 = arith.constant 0 : i32
      %dma_wait3A_229 = tpu.memref_slice %arg7[%add3A_111, %dma_wait3A_228] : memref<125x40xi32, #tpu.memory_space<vmem>> -> memref<1x40xi32, #tpu.memory_space<vmem>>
      %dma_wait3A_230 = tpu.memref_squeeze %dma_wait3A_229 : memref<1x40xi32, #tpu.memory_space<vmem>> -> memref<40xi32, #tpu.memory_space<vmem>>
      %dma_wait3A_231 = arith.constant 0 : i32
      %dma_wait3A_232 = arith.constant 0 : i32
      %dma_wait3A_233 = tpu.memref_slice %arg2[%dma_wait3A_231, %dma_wait3A_232] : memref<10000x128xf32, #tpu.memory_space<hbm>> -> memref<10000x128xf32, #tpu.memory_space<hbm>>
      tpu.wait_indirect_dma semaphore(%arg20 : memref<!tpu.dma_semaphore, #tpu.memory_space<semaphore_mem>>) src(%dma_wait3A_233 : memref<10000x128xf32, #tpu.memory_space<hbm>>) dst(%arg10 : memref<40x128xf32, #tpu.memory_space<vmem>>)
      %dma_wait3A_234 = arith.constant 0 : i32
      %dma_wait3A_235 = tpu.memref_slice %arg8[%add3A_111, %dma_wait3A_234] : memref<125x40xi32, #tpu.memory_space<vmem>> -> memref<1x40xi32, #tpu.memory_space<vmem>>
      %dma_wait3A_236 = tpu.memref_squeeze %dma_wait3A_235 : memref<1x40xi32, #tpu.memory_space<vmem>> -> memref<40xi32, #tpu.memory_space<vmem>>
      %dma_wait3A_237 = arith.constant 0 : i32
      %dma_wait3A_238 = arith.constant 0 : i32
      %dma_wait3A_239 = tpu.memref_slice %arg2[%dma_wait3A_237, %dma_wait3A_238] : memref<10000x128xf32, #tpu.memory_space<hbm>> -> memref<10000x128xf32, #tpu.memory_space<hbm>>
      tpu.wait_indirect_dma semaphore(%arg20 : memref<!tpu.dma_semaphore, #tpu.memory_space<semaphore_mem>>) src(%dma_wait3A_239 : memref<10000x128xf32, #tpu.memory_space<hbm>>) dst(%arg15 : memref<40x128xf32, #tpu.memory_space<vmem>>)
      %dma_start3A_240 = arith.constant 0 : i32
      %dma_start3A_241 = tpu.memref_slice %arg5[%add3A_227, %dma_start3A_240] : memref<160000x128xf32, #tpu.memory_space<hbm>> -> memref<40x128xf32, #tpu.memory_space<hbm>>
      %dma_start3A_242 = arith.constant 0 : i32
      %dma_start3A_243 = tpu.memref_slice %arg5[%add3A_227, %dma_start3A_242] : memref<160000x128xf32, #tpu.memory_space<hbm>> -> memref<40x128xf32, #tpu.memory_space<hbm>>
      tpu.enqueue_dma source(%arg10 : memref<40x128xf32, #tpu.memory_space<vmem>>) target(%dma_start3A_243 : memref<40x128xf32, #tpu.memory_space<hbm>>) target_semaphore(%arg25 : memref<!tpu.dma_semaphore, #tpu.memory_space<semaphore_mem>>)
      %dma_start3A_244 = arith.constant 0 : i32
      %dma_start3A_245 = tpu.memref_slice %arg6[%add3A_227, %dma_start3A_244] : memref<160000x128xf32, #tpu.memory_space<hbm>> -> memref<40x128xf32, #tpu.memory_space<hbm>>
      %dma_start3A_246 = arith.constant 0 : i32
      %dma_start3A_247 = tpu.memref_slice %arg6[%add3A_227, %dma_start3A_246] : memref<160000x128xf32, #tpu.memory_space<hbm>> -> memref<40x128xf32, #tpu.memory_space<hbm>>
      tpu.enqueue_dma source(%arg15 : memref<40x128xf32, #tpu.memory_space<vmem>>) target(%dma_start3A_247 : memref<40x128xf32, #tpu.memory_space<hbm>>) target_semaphore(%arg25 : memref<!tpu.dma_semaphore, #tpu.memory_space<semaphore_mem>>)
      %add3A_248 = arith.constant 2 : i32
      %add3A_249 = arith.addi %mul3A_90, %add3A_248 : i32
      %mul3A_250 = arith.constant 40 : i32
      %mul3A_251 = arith.muli %add3A_249, %mul3A_250 : i32
      %add3A_252 = arith.addi %mul3A_2, %mul3A_251 : i32
      %dma_wait3A_253 = arith.constant 0 : i32
      %dma_wait3A_254 = tpu.memref_slice %arg7[%add3A_133, %dma_wait3A_253] : memref<125x40xi32, #tpu.memory_space<vmem>> -> memref<1x40xi32, #tpu.memory_space<vmem>>
      %dma_wait3A_255 = tpu.memref_squeeze %dma_wait3A_254 : memref<1x40xi32, #tpu.memory_space<vmem>> -> memref<40xi32, #tpu.memory_space<vmem>>
      %dma_wait3A_256 = arith.constant 0 : i32
      %dma_wait3A_257 = arith.constant 0 : i32
      %dma_wait3A_258 = tpu.memref_slice %arg2[%dma_wait3A_256, %dma_wait3A_257] : memref<10000x128xf32, #tpu.memory_space<hbm>> -> memref<10000x128xf32, #tpu.memory_space<hbm>>
      tpu.wait_indirect_dma semaphore(%arg21 : memref<!tpu.dma_semaphore, #tpu.memory_space<semaphore_mem>>) src(%dma_wait3A_258 : memref<10000x128xf32, #tpu.memory_space<hbm>>) dst(%arg11 : memref<40x128xf32, #tpu.memory_space<vmem>>)
      %dma_wait3A_259 = arith.constant 0 : i32
      %dma_wait3A_260 = tpu.memref_slice %arg8[%add3A_133, %dma_wait3A_259] : memref<125x40xi32, #tpu.memory_space<vmem>> -> memref<1x40xi32, #tpu.memory_space<vmem>>
      %dma_wait3A_261 = tpu.memref_squeeze %dma_wait3A_260 : memref<1x40xi32, #tpu.memory_space<vmem>> -> memref<40xi32, #tpu.memory_space<vmem>>
      %dma_wait3A_262 = arith.constant 0 : i32
      %dma_wait3A_263 = arith.constant 0 : i32
      %dma_wait3A_264 = tpu.memref_slice %arg2[%dma_wait3A_262, %dma_wait3A_263] : memref<10000x128xf32, #tpu.memory_space<hbm>> -> memref<10000x128xf32, #tpu.memory_space<hbm>>
      tpu.wait_indirect_dma semaphore(%arg21 : memref<!tpu.dma_semaphore, #tpu.memory_space<semaphore_mem>>) src(%dma_wait3A_264 : memref<10000x128xf32, #tpu.memory_space<hbm>>) dst(%arg16 : memref<40x128xf32, #tpu.memory_space<vmem>>)
      %dma_start3A_265 = arith.constant 0 : i32
      %dma_start3A_266 = tpu.memref_slice %arg5[%add3A_252, %dma_start3A_265] : memref<160000x128xf32, #tpu.memory_space<hbm>> -> memref<40x128xf32, #tpu.memory_space<hbm>>
      %dma_start3A_267 = arith.constant 0 : i32
      %dma_start3A_268 = tpu.memref_slice %arg5[%add3A_252, %dma_start3A_267] : memref<160000x128xf32, #tpu.memory_space<hbm>> -> memref<40x128xf32, #tpu.memory_space<hbm>>
      tpu.enqueue_dma source(%arg11 : memref<40x128xf32, #tpu.memory_space<vmem>>) target(%dma_start3A_268 : memref<40x128xf32, #tpu.memory_space<hbm>>) target_semaphore(%arg26 : memref<!tpu.dma_semaphore, #tpu.memory_space<semaphore_mem>>)
      %dma_start3A_269 = arith.constant 0 : i32
      %dma_start3A_270 = tpu.memref_slice %arg6[%add3A_252, %dma_start3A_269] : memref<160000x128xf32, #tpu.memory_space<hbm>> -> memref<40x128xf32, #tpu.memory_space<hbm>>
      %dma_start3A_271 = arith.constant 0 : i32
      %dma_start3A_272 = tpu.memref_slice %arg6[%add3A_252, %dma_start3A_271] : memref<160000x128xf32, #tpu.memory_space<hbm>> -> memref<40x128xf32, #tpu.memory_space<hbm>>
      tpu.enqueue_dma source(%arg16 : memref<40x128xf32, #tpu.memory_space<vmem>>) target(%dma_start3A_272 : memref<40x128xf32, #tpu.memory_space<hbm>>) target_semaphore(%arg26 : memref<!tpu.dma_semaphore, #tpu.memory_space<semaphore_mem>>)
      %add3A_273 = arith.constant 3 : i32
      %add3A_274 = arith.addi %mul3A_90, %add3A_273 : i32
      %mul3A_275 = arith.constant 40 : i32
      %mul3A_276 = arith.muli %add3A_274, %mul3A_275 : i32
      %add3A_277 = arith.addi %mul3A_2, %mul3A_276 : i32
      %dma_wait3A_278 = arith.constant 0 : i32
      %dma_wait3A_279 = tpu.memref_slice %arg7[%add3A_155, %dma_wait3A_278] : memref<125x40xi32, #tpu.memory_space<vmem>> -> memref<1x40xi32, #tpu.memory_space<vmem>>
      %dma_wait3A_280 = tpu.memref_squeeze %dma_wait3A_279 : memref<1x40xi32, #tpu.memory_space<vmem>> -> memref<40xi32, #tpu.memory_space<vmem>>
      %dma_wait3A_281 = arith.constant 0 : i32
      %dma_wait3A_282 = arith.constant 0 : i32
      %dma_wait3A_283 = tpu.memref_slice %arg2[%dma_wait3A_281, %dma_wait3A_282] : memref<10000x128xf32, #tpu.memory_space<hbm>> -> memref<10000x128xf32, #tpu.memory_space<hbm>>
      tpu.wait_indirect_dma semaphore(%arg22 : memref<!tpu.dma_semaphore, #tpu.memory_space<semaphore_mem>>) src(%dma_wait3A_283 : memref<10000x128xf32, #tpu.memory_space<hbm>>) dst(%arg12 : memref<40x128xf32, #tpu.memory_space<vmem>>)
      %dma_wait3A_284 = arith.constant 0 : i32
      %dma_wait3A_285 = tpu.memref_slice %arg8[%add3A_155, %dma_wait3A_284] : memref<125x40xi32, #tpu.memory_space<vmem>> -> memref<1x40xi32, #tpu.memory_space<vmem>>
      %dma_wait3A_286 = tpu.memref_squeeze %dma_wait3A_285 : memref<1x40xi32, #tpu.memory_space<vmem>> -> memref<40xi32, #tpu.memory_space<vmem>>
      %dma_wait3A_287 = arith.constant 0 : i32
      %dma_wait3A_288 = arith.constant 0 : i32
      %dma_wait3A_289 = tpu.memref_slice %arg2[%dma_wait3A_287, %dma_wait3A_288] : memref<10000x128xf32, #tpu.memory_space<hbm>> -> memref<10000x128xf32, #tpu.memory_space<hbm>>
      tpu.wait_indirect_dma semaphore(%arg22 : memref<!tpu.dma_semaphore, #tpu.memory_space<semaphore_mem>>) src(%dma_wait3A_289 : memref<10000x128xf32, #tpu.memory_space<hbm>>) dst(%arg17 : memref<40x128xf32, #tpu.memory_space<vmem>>)
      %dma_start3A_290 = arith.constant 0 : i32
      %dma_start3A_291 = tpu.memref_slice %arg5[%add3A_277, %dma_start3A_290] : memref<160000x128xf32, #tpu.memory_space<hbm>> -> memref<40x128xf32, #tpu.memory_space<hbm>>
      %dma_start3A_292 = arith.constant 0 : i32
      %dma_start3A_293 = tpu.memref_slice %arg5[%add3A_277, %dma_start3A_292] : memref<160000x128xf32, #tpu.memory_space<hbm>> -> memref<40x128xf32, #tpu.memory_space<hbm>>
      tpu.enqueue_dma source(%arg12 : memref<40x128xf32, #tpu.memory_space<vmem>>) target(%dma_start3A_293 : memref<40x128xf32, #tpu.memory_space<hbm>>) target_semaphore(%arg27 : memref<!tpu.dma_semaphore, #tpu.memory_space<semaphore_mem>>)
      %dma_start3A_294 = arith.constant 0 : i32
      %dma_start3A_295 = tpu.memref_slice %arg6[%add3A_277, %dma_start3A_294] : memref<160000x128xf32, #tpu.memory_space<hbm>> -> memref<40x128xf32, #tpu.memory_space<hbm>>
      %dma_start3A_296 = arith.constant 0 : i32
      %dma_start3A_297 = tpu.memref_slice %arg6[%add3A_277, %dma_start3A_296] : memref<160000x128xf32, #tpu.memory_space<hbm>> -> memref<40x128xf32, #tpu.memory_space<hbm>>
      tpu.enqueue_dma source(%arg17 : memref<40x128xf32, #tpu.memory_space<vmem>>) target(%dma_start3A_297 : memref<40x128xf32, #tpu.memory_space<hbm>>) target_semaphore(%arg27 : memref<!tpu.dma_semaphore, #tpu.memory_space<semaphore_mem>>)
      %add3A_298 = arith.constant 4 : i32
      %add3A_299 = arith.addi %mul3A_90, %add3A_298 : i32
      %mul3A_300 = arith.constant 40 : i32
      %mul3A_301 = arith.muli %add3A_299, %mul3A_300 : i32
      %add3A_302 = arith.addi %mul3A_2, %mul3A_301 : i32
      %dma_wait3A_303 = arith.constant 0 : i32
      %dma_wait3A_304 = tpu.memref_slice %arg7[%add3A_177, %dma_wait3A_303] : memref<125x40xi32, #tpu.memory_space<vmem>> -> memref<1x40xi32, #tpu.memory_space<vmem>>
      %dma_wait3A_305 = tpu.memref_squeeze %dma_wait3A_304 : memref<1x40xi32, #tpu.memory_space<vmem>> -> memref<40xi32, #tpu.memory_space<vmem>>
      %dma_wait3A_306 = arith.constant 0 : i32
      %dma_wait3A_307 = arith.constant 0 : i32
      %dma_wait3A_308 = tpu.memref_slice %arg2[%dma_wait3A_306, %dma_wait3A_307] : memref<10000x128xf32, #tpu.memory_space<hbm>> -> memref<10000x128xf32, #tpu.memory_space<hbm>>
      tpu.wait_indirect_dma semaphore(%arg23 : memref<!tpu.dma_semaphore, #tpu.memory_space<semaphore_mem>>) src(%dma_wait3A_308 : memref<10000x128xf32, #tpu.memory_space<hbm>>) dst(%arg13 : memref<40x128xf32, #tpu.memory_space<vmem>>)
      %dma_wait3A_309 = arith.constant 0 : i32
      %dma_wait3A_310 = tpu.memref_slice %arg8[%add3A_177, %dma_wait3A_309] : memref<125x40xi32, #tpu.memory_space<vmem>> -> memref<1x40xi32, #tpu.memory_space<vmem>>
      %dma_wait3A_311 = tpu.memref_squeeze %dma_wait3A_310 : memref<1x40xi32, #tpu.memory_space<vmem>> -> memref<40xi32, #tpu.memory_space<vmem>>
      %dma_wait3A_312 = arith.constant 0 : i32
      %dma_wait3A_313 = arith.constant 0 : i32
      %dma_wait3A_314 = tpu.memref_slice %arg2[%dma_wait3A_312, %dma_wait3A_313] : memref<10000x128xf32, #tpu.memory_space<hbm>> -> memref<10000x128xf32, #tpu.memory_space<hbm>>
      tpu.wait_indirect_dma semaphore(%arg23 : memref<!tpu.dma_semaphore, #tpu.memory_space<semaphore_mem>>) src(%dma_wait3A_314 : memref<10000x128xf32, #tpu.memory_space<hbm>>) dst(%arg18 : memref<40x128xf32, #tpu.memory_space<vmem>>)
      %dma_start3A_315 = arith.constant 0 : i32
      %dma_start3A_316 = tpu.memref_slice %arg5[%add3A_302, %dma_start3A_315] : memref<160000x128xf32, #tpu.memory_space<hbm>> -> memref<40x128xf32, #tpu.memory_space<hbm>>
      %dma_start3A_317 = arith.constant 0 : i32
      %dma_start3A_318 = tpu.memref_slice %arg5[%add3A_302, %dma_start3A_317] : memref<160000x128xf32, #tpu.memory_space<hbm>> -> memref<40x128xf32, #tpu.memory_space<hbm>>
      tpu.enqueue_dma source(%arg13 : memref<40x128xf32, #tpu.memory_space<vmem>>) target(%dma_start3A_318 : memref<40x128xf32, #tpu.memory_space<hbm>>) target_semaphore(%arg28 : memref<!tpu.dma_semaphore, #tpu.memory_space<semaphore_mem>>)
      %dma_start3A_319 = arith.constant 0 : i32
      %dma_start3A_320 = tpu.memref_slice %arg6[%add3A_302, %dma_start3A_319] : memref<160000x128xf32, #tpu.memory_space<hbm>> -> memref<40x128xf32, #tpu.memory_space<hbm>>
      %dma_start3A_321 = arith.constant 0 : i32
      %dma_start3A_322 = tpu.memref_slice %arg6[%add3A_302, %dma_start3A_321] : memref<160000x128xf32, #tpu.memory_space<hbm>> -> memref<40x128xf32, #tpu.memory_space<hbm>>
      tpu.enqueue_dma source(%arg18 : memref<40x128xf32, #tpu.memory_space<vmem>>) target(%dma_start3A_322 : memref<40x128xf32, #tpu.memory_space<hbm>>) target_semaphore(%arg28 : memref<!tpu.dma_semaphore, #tpu.memory_space<semaphore_mem>>)
    }
    %scan3A_37 = arith.constant 25 : i32
    %add3A_38 = arith.constant 4800 : i32
    %add3A_39 = arith.addi %mul3A_2, %add3A_38 : i32
    %dma_wait3A_40 = arith.constant 0 : i32
    %dma_wait3A_41 = tpu.memref_slice %arg5[%add3A_39, %dma_wait3A_40] : memref<160000x128xf32, #tpu.memory_space<hbm>> -> memref<40x128xf32, #tpu.memory_space<hbm>>
    %dma_wait3A_42 = arith.constant 0 : i32
    %dma_wait3A_43 = tpu.memref_slice %arg5[%add3A_39, %dma_wait3A_42] : memref<160000x128xf32, #tpu.memory_space<hbm>> -> memref<40x128xf32, #tpu.memory_space<hbm>>
    tpu.wait_dma2 semaphore(%arg24 : memref<!tpu.dma_semaphore, #tpu.memory_space<semaphore_mem>>) src(%arg9 : memref<40x128xf32, #tpu.memory_space<vmem>>) dst(%dma_wait3A_43 : memref<40x128xf32, #tpu.memory_space<hbm>>)
    %dma_wait3A_44 = arith.constant 0 : i32
    %dma_wait3A_45 = tpu.memref_slice %arg6[%add3A_39, %dma_wait3A_44] : memref<160000x128xf32, #tpu.memory_space<hbm>> -> memref<40x128xf32, #tpu.memory_space<hbm>>
    %dma_wait3A_46 = arith.constant 0 : i32
    %dma_wait3A_47 = tpu.memref_slice %arg6[%add3A_39, %dma_wait3A_46] : memref<160000x128xf32, #tpu.memory_space<hbm>> -> memref<40x128xf32, #tpu.memory_space<hbm>>
    tpu.wait_dma2 semaphore(%arg24 : memref<!tpu.dma_semaphore, #tpu.memory_space<semaphore_mem>>) src(%arg14 : memref<40x128xf32, #tpu.memory_space<vmem>>) dst(%dma_wait3A_47 : memref<40x128xf32, #tpu.memory_space<hbm>>)
    %add3A_48 = arith.constant 4840 : i32
    %add3A_49 = arith.addi %mul3A_2, %add3A_48 : i32
    %dma_wait3A_50 = arith.constant 0 : i32
    %dma_wait3A_51 = tpu.memref_slice %arg5[%add3A_49, %dma_wait3A_50] : memref<160000x128xf32, #tpu.memory_space<hbm>> -> memref<40x128xf32, #tpu.memory_space<hbm>>
    %dma_wait3A_52 = arith.constant 0 : i32
    %dma_wait3A_53 = tpu.memref_slice %arg5[%add3A_49, %dma_wait3A_52] : memref<160000x128xf32, #tpu.memory_space<hbm>> -> memref<40x128xf32, #tpu.memory_space<hbm>>
    tpu.wait_dma2 semaphore(%arg25 : memref<!tpu.dma_semaphore, #tpu.memory_space<semaphore_mem>>) src(%arg10 : memref<40x128xf32, #tpu.memory_space<vmem>>) dst(%dma_wait3A_53 : memref<40x128xf32, #tpu.memory_space<hbm>>)
    %dma_wait3A_54 = arith.constant 0 : i32
    %dma_wait3A_55 = tpu.memref_slice %arg6[%add3A_49, %dma_wait3A_54] : memref<160000x128xf32, #tpu.memory_space<hbm>> -> memref<40x128xf32, #tpu.memory_space<hbm>>
    %dma_wait3A_56 = arith.constant 0 : i32
    %dma_wait3A_57 = tpu.memref_slice %arg6[%add3A_49, %dma_wait3A_56] : memref<160000x128xf32, #tpu.memory_space<hbm>> -> memref<40x128xf32, #tpu.memory_space<hbm>>
    tpu.wait_dma2 semaphore(%arg25 : memref<!tpu.dma_semaphore, #tpu.memory_space<semaphore_mem>>) src(%arg15 : memref<40x128xf32, #tpu.memory_space<vmem>>) dst(%dma_wait3A_57 : memref<40x128xf32, #tpu.memory_space<hbm>>)
    %add3A_58 = arith.constant 4880 : i32
    %add3A_59 = arith.addi %mul3A_2, %add3A_58 : i32
    %dma_wait3A_60 = arith.constant 0 : i32
    %dma_wait3A_61 = tpu.memref_slice %arg5[%add3A_59, %dma_wait3A_60] : memref<160000x128xf32, #tpu.memory_space<hbm>> -> memref<40x128xf32, #tpu.memory_space<hbm>>
    %dma_wait3A_62 = arith.constant 0 : i32
    %dma_wait3A_63 = tpu.memref_slice %arg5[%add3A_59, %dma_wait3A_62] : memref<160000x128xf32, #tpu.memory_space<hbm>> -> memref<40x128xf32, #tpu.memory_space<hbm>>
    tpu.wait_dma2 semaphore(%arg26 : memref<!tpu.dma_semaphore, #tpu.memory_space<semaphore_mem>>) src(%arg11 : memref<40x128xf32, #tpu.memory_space<vmem>>) dst(%dma_wait3A_63 : memref<40x128xf32, #tpu.memory_space<hbm>>)
    %dma_wait3A_64 = arith.constant 0 : i32
    %dma_wait3A_65 = tpu.memref_slice %arg6[%add3A_59, %dma_wait3A_64] : memref<160000x128xf32, #tpu.memory_space<hbm>> -> memref<40x128xf32, #tpu.memory_space<hbm>>
    %dma_wait3A_66 = arith.constant 0 : i32
    %dma_wait3A_67 = tpu.memref_slice %arg6[%add3A_59, %dma_wait3A_66] : memref<160000x128xf32, #tpu.memory_space<hbm>> -> memref<40x128xf32, #tpu.memory_space<hbm>>
    tpu.wait_dma2 semaphore(%arg26 : memref<!tpu.dma_semaphore, #tpu.memory_space<semaphore_mem>>) src(%arg16 : memref<40x128xf32, #tpu.memory_space<vmem>>) dst(%dma_wait3A_67 : memref<40x128xf32, #tpu.memory_space<hbm>>)
    %add3A_68 = arith.constant 4920 : i32
    %add3A_69 = arith.addi %mul3A_2, %add3A_68 : i32
    %dma_wait3A_70 = arith.constant 0 : i32
    %dma_wait3A_71 = tpu.memref_slice %arg5[%add3A_69, %dma_wait3A_70] : memref<160000x128xf32, #tpu.memory_space<hbm>> -> memref<40x128xf32, #tpu.memory_space<hbm>>
    %dma_wait3A_72 = arith.constant 0 : i32
    %dma_wait3A_73 = tpu.memref_slice %arg5[%add3A_69, %dma_wait3A_72] : memref<160000x128xf32, #tpu.memory_space<hbm>> -> memref<40x128xf32, #tpu.memory_space<hbm>>
    tpu.wait_dma2 semaphore(%arg27 : memref<!tpu.dma_semaphore, #tpu.memory_space<semaphore_mem>>) src(%arg12 : memref<40x128xf32, #tpu.memory_space<vmem>>) dst(%dma_wait3A_73 : memref<40x128xf32, #tpu.memory_space<hbm>>)
    %dma_wait3A_74 = arith.constant 0 : i32
    %dma_wait3A_75 = tpu.memref_slice %arg6[%add3A_69, %dma_wait3A_74] : memref<160000x128xf32, #tpu.memory_space<hbm>> -> memref<40x128xf32, #tpu.memory_space<hbm>>
    %dma_wait3A_76 = arith.constant 0 : i32
    %dma_wait3A_77 = tpu.memref_slice %arg6[%add3A_69, %dma_wait3A_76] : memref<160000x128xf32, #tpu.memory_space<hbm>> -> memref<40x128xf32, #tpu.memory_space<hbm>>
    tpu.wait_dma2 semaphore(%arg27 : memref<!tpu.dma_semaphore, #tpu.memory_space<semaphore_mem>>) src(%arg17 : memref<40x128xf32, #tpu.memory_space<vmem>>) dst(%dma_wait3A_77 : memref<40x128xf32, #tpu.memory_space<hbm>>)
    %add3A_78 = arith.constant 4960 : i32
    %add3A_79 = arith.addi %mul3A_2, %add3A_78 : i32
    %dma_wait3A_80 = arith.constant 0 : i32
    %dma_wait3A_81 = tpu.memref_slice %arg5[%add3A_79, %dma_wait3A_80] : memref<160000x128xf32, #tpu.memory_space<hbm>> -> memref<40x128xf32, #tpu.memory_space<hbm>>
    %dma_wait3A_82 = arith.constant 0 : i32
    %dma_wait3A_83 = tpu.memref_slice %arg5[%add3A_79, %dma_wait3A_82] : memref<160000x128xf32, #tpu.memory_space<hbm>> -> memref<40x128xf32, #tpu.memory_space<hbm>>
    tpu.wait_dma2 semaphore(%arg28 : memref<!tpu.dma_semaphore, #tpu.memory_space<semaphore_mem>>) src(%arg13 : memref<40x128xf32, #tpu.memory_space<vmem>>) dst(%dma_wait3A_83 : memref<40x128xf32, #tpu.memory_space<hbm>>)
    %dma_wait3A_84 = arith.constant 0 : i32
    %dma_wait3A_85 = tpu.memref_slice %arg6[%add3A_79, %dma_wait3A_84] : memref<160000x128xf32, #tpu.memory_space<hbm>> -> memref<40x128xf32, #tpu.memory_space<hbm>>
    %dma_wait3A_86 = arith.constant 0 : i32
    %dma_wait3A_87 = tpu.memref_slice %arg6[%add3A_79, %dma_wait3A_86] : memref<160000x128xf32, #tpu.memory_space<hbm>> -> memref<40x128xf32, #tpu.memory_space<hbm>>
    tpu.wait_dma2 semaphore(%arg28 : memref<!tpu.dma_semaphore, #tpu.memory_space<semaphore_mem>>) src(%arg18 : memref<40x128xf32, #tpu.memory_space<vmem>>) dst(%dma_wait3A_87 : memref<40x128xf32, #tpu.memory_space<hbm>>)
    return
  }
}

#map = affine_map<(d0, d1) -> (0, 0)>
#map1 = affine_map<(d0, d1) -> (0, 0, 0)>
module attributes {stable_mosaic.version = 14 : i64} {
  func.func @gather_half(%arg0: i32, %arg1: i32, %arg2: memref<10000x128xf32, #tpu.memory_space<hbm>>, %arg3: memref<32x125x40xi32, #tpu.memory_space<hbm>>, %arg4: memref<32x125x40xi32, #tpu.memory_space<hbm>>, %arg5: memref<160000x128xf32, #tpu.memory_space<hbm>>, %arg6: memref<160000x128xf32, #tpu.memory_space<hbm>>, %arg7: memref<125x40xi32, #tpu.memory_space<vmem>>, %arg8: memref<125x40xi32, #tpu.memory_space<vmem>>, %arg9: memref<40x128xf32, #tpu.memory_space<vmem>>, %arg10: memref<40x128xf32, #tpu.memory_space<vmem>>, %arg11: memref<40x128xf32, #tpu.memory_space<vmem>>, %arg12: memref<40x128xf32, #tpu.memory_space<vmem>>, %arg13: memref<40x128xf32, #tpu.memory_space<vmem>>, %arg14: memref<40x128xf32, #tpu.memory_space<vmem>>, %arg15: memref<40x128xf32, #tpu.memory_space<vmem>>, %arg16: memref<40x128xf32, #tpu.memory_space<vmem>>, %arg17: memref<40x128xf32, #tpu.memory_space<vmem>>, %arg18: memref<40x128xf32, #tpu.memory_space<vmem>>, %arg19: memref<!tpu.dma_semaphore, #tpu.memory_space<semaphore_mem>>, %arg20: memref<!tpu.dma_semaphore, #tpu.memory_space<semaphore_mem>>, %arg21: memref<!tpu.dma_semaphore, #tpu.memory_space<semaphore_mem>>, %arg22: memref<!tpu.dma_semaphore, #tpu.memory_space<semaphore_mem>>, %arg23: memref<!tpu.dma_semaphore, #tpu.memory_space<semaphore_mem>>, %arg24: memref<!tpu.dma_semaphore, #tpu.memory_space<semaphore_mem>>, %arg25: memref<!tpu.dma_semaphore, #tpu.memory_space<semaphore_mem>>, %arg26: memref<!tpu.dma_semaphore, #tpu.memory_space<semaphore_mem>>, %arg27: memref<!tpu.dma_semaphore, #tpu.memory_space<semaphore_mem>>, %arg28: memref<!tpu.dma_semaphore, #tpu.memory_space<semaphore_mem>>, %arg29: memref<!tpu.dma_semaphore, #tpu.memory_space<semaphore_mem>>) attributes {dimension_semantics = [#tpu.dimension_semantics<core_parallel>, #tpu.dimension_semantics<subcore_parallel>], iteration_bounds = array<i64: 2, 16>, scalar_prefetch = 0 : i64, scratch_operands = 23 : i64, tpu.core_type = #tpu.core_type<sc_vector_subcore>, window_params = [{transform_indices = #map}, {transform_indices = #map1}, {transform_indices = #map1}, {transform_indices = #map}, {transform_indices = #map}]} {
    %mul3A = arith.constant 2 : i32
    %mul3A_0 = arith.muli %arg1, %mul3A : i32
    %add3A = arith.addi %mul3A_0, %arg0 : i32
    %mul3A_1 = arith.constant 5000 : i32
    %mul3A_2 = arith.muli %add3A, %mul3A_1 : i32
    %dma_start3A = arith.constant 0 : i32
    %dma_start3A_3 = arith.constant 0 : i32
    %dma_start3A_4 = tpu.memref_slice %arg3[%add3A, %dma_start3A, %dma_start3A_3] : memref<32x125x40xi32, #tpu.memory_space<hbm>> -> memref<1x125x40xi32, #tpu.memory_space<hbm>>
    %dma_start3A_5 = tpu.memref_squeeze %dma_start3A_4 : memref<1x125x40xi32, #tpu.memory_space<hbm>> -> memref<125x40xi32, #tpu.memory_space<hbm>>
    %dma_start3A_6 = arith.constant 0 : i32
    %dma_start3A_7 = arith.constant 0 : i32
    %dma_start3A_8 = tpu.memref_slice %arg3[%add3A, %dma_start3A_6, %dma_start3A_7] : memref<32x125x40xi32, #tpu.memory_space<hbm>> -> memref<1x125x40xi32, #tpu.memory_space<hbm>>
    %dma_start3A_9 = tpu.memref_squeeze %dma_start3A_8 : memref<1x125x40xi32, #tpu.memory_space<hbm>> -> memref<125x40xi32, #tpu.memory_space<hbm>>
    tpu.enqueue_dma source(%dma_start3A_9 : memref<125x40xi32, #tpu.memory_space<hbm>>) target(%arg7 : memref<125x40xi32, #tpu.memory_space<vmem>>) target_semaphore(%arg29 : memref<!tpu.dma_semaphore, #tpu.memory_space<semaphore_mem>>)
    %dma_start3A_10 = arith.constant 0 : i32
    %dma_start3A_11 = arith.constant 0 : i32
    %dma_start3A_12 = tpu.memref_slice %arg4[%add3A, %dma_start3A_10, %dma_start3A_11] : memref<32x125x40xi32, #tpu.memory_space<hbm>> -> memref<1x125x40xi32, #tpu.memory_space<hbm>>
    %dma_start3A_13 = tpu.memref_squeeze %dma_start3A_12 : memref<1x125x40xi32, #tpu.memory_space<hbm>> -> memref<125x40xi32, #tpu.memory_space<hbm>>
    %dma_start3A_14 = arith.constant 0 : i32
    %dma_start3A_15 = arith.constant 0 : i32
    %dma_start3A_16 = tpu.memref_slice %arg4[%add3A, %dma_start3A_14, %dma_start3A_15] : memref<32x125x40xi32, #tpu.memory_space<hbm>> -> memref<1x125x40xi32, #tpu.memory_space<hbm>>
    %dma_start3A_17 = tpu.memref_squeeze %dma_start3A_16 : memref<1x125x40xi32, #tpu.memory_space<hbm>> -> memref<125x40xi32, #tpu.memory_space<hbm>>
    tpu.enqueue_dma source(%dma_start3A_17 : memref<125x40xi32, #tpu.memory_space<hbm>>) target(%arg8 : memref<125x40xi32, #tpu.memory_space<vmem>>) target_semaphore(%arg29 : memref<!tpu.dma_semaphore, #tpu.memory_space<semaphore_mem>>)
    %dma_wait3A = arith.constant 0 : i32
    %dma_wait3A_18 = arith.constant 0 : i32
    %dma_wait3A_19 = tpu.memref_slice %arg3[%add3A, %dma_wait3A, %dma_wait3A_18] : memref<32x125x40xi32, #tpu.memory_space<hbm>> -> memref<1x125x40xi32, #tpu.memory_space<hbm>>
    %dma_wait3A_20 = tpu.memref_squeeze %dma_wait3A_19 : memref<1x125x40xi32, #tpu.memory_space<hbm>> -> memref<125x40xi32, #tpu.memory_space<hbm>>
    %dma_wait3A_21 = arith.constant 0 : i32
    %dma_wait3A_22 = arith.constant 0 : i32
    %dma_wait3A_23 = tpu.memref_slice %arg3[%add3A, %dma_wait3A_21, %dma_wait3A_22] : memref<32x125x40xi32, #tpu.memory_space<hbm>> -> memref<1x125x40xi32, #tpu.memory_space<hbm>>
    %dma_wait3A_24 = tpu.memref_squeeze %dma_wait3A_23 : memref<1x125x40xi32, #tpu.memory_space<hbm>> -> memref<125x40xi32, #tpu.memory_space<hbm>>
    tpu.wait_dma2 semaphore(%arg29 : memref<!tpu.dma_semaphore, #tpu.memory_space<semaphore_mem>>) src(%dma_wait3A_24 : memref<125x40xi32, #tpu.memory_space<hbm>>) dst(%arg7 : memref<125x40xi32, #tpu.memory_space<vmem>>)
    %dma_wait3A_25 = arith.constant 0 : i32
    %dma_wait3A_26 = arith.constant 0 : i32
    %dma_wait3A_27 = tpu.memref_slice %arg4[%add3A, %dma_wait3A_25, %dma_wait3A_26] : memref<32x125x40xi32, #tpu.memory_space<hbm>> -> memref<1x125x40xi32, #tpu.memory_space<hbm>>
    %dma_wait3A_28 = tpu.memref_squeeze %dma_wait3A_27 : memref<1x125x40xi32, #tpu.memory_space<hbm>> -> memref<125x40xi32, #tpu.memory_space<hbm>>
    %dma_wait3A_29 = arith.constant 0 : i32
    %dma_wait3A_30 = arith.constant 0 : i32
    %dma_wait3A_31 = tpu.memref_slice %arg4[%add3A, %dma_wait3A_29, %dma_wait3A_30] : memref<32x125x40xi32, #tpu.memory_space<hbm>> -> memref<1x125x40xi32, #tpu.memory_space<hbm>>
    %dma_wait3A_32 = tpu.memref_squeeze %dma_wait3A_31 : memref<1x125x40xi32, #tpu.memory_space<hbm>> -> memref<125x40xi32, #tpu.memory_space<hbm>>
    tpu.wait_dma2 semaphore(%arg29 : memref<!tpu.dma_semaphore, #tpu.memory_space<semaphore_mem>>) src(%dma_wait3A_32 : memref<125x40xi32, #tpu.memory_space<hbm>>) dst(%arg8 : memref<125x40xi32, #tpu.memory_space<vmem>>)
    %scan3A = arith.constant 0 : i32
    %scan3A_33 = arith.constant 0 : i32
    %scan3A_34 = arith.constant 25 : i32
    %scan3A_35 = arith.addi %scan3A_33, %scan3A_34 : i32
    %scan3A_36 = arith.constant 1 : i32
    scf.for %scan3A_88 = %scan3A_33 to %scan3A_35 step %scan3A_36  : i32 {
      %mul3A_89 = arith.constant 5 : i32
      %mul3A_90 = arith.muli %scan3A_88, %mul3A_89 : i32
      %add3A_91 = arith.constant 0 : i32
      %add3A_92 = arith.addi %mul3A_90, %add3A_91 : i32
      %mul3A_93 = arith.constant 40 : i32
      %mul3A_94 = arith.muli %add3A_92, %mul3A_93 : i32
      %add3A_95 = arith.addi %mul3A_2, %mul3A_94 : i32
      %gt3A = arith.constant 0 : i32
      %gt3A_96 = arith.cmpi sgt, %scan3A_88, %gt3A : i32
      %convert_element_type3A = arith.extui %gt3A_96 : i1 to i32
      %cond3A = arith.constant 0 : i32
      %cond3A_97 = arith.cmpi ne, %convert_element_type3A, %cond3A : i32
      scf.if %cond3A_97 {
        %dma_wait3A_323 = arith.constant 0 : i32
        %dma_wait3A_324 = tpu.memref_slice %arg5[%add3A_95, %dma_wait3A_323] : memref<160000x128xf32, #tpu.memory_space<hbm>> -> memref<40x128xf32, #tpu.memory_space<hbm>>
        %dma_wait3A_325 = arith.constant 0 : i32
        %dma_wait3A_326 = tpu.memref_slice %arg5[%add3A_95, %dma_wait3A_325] : memref<160000x128xf32, #tpu.memory_space<hbm>> -> memref<40x128xf32, #tpu.memory_space<hbm>>
        tpu.wait_dma2 semaphore(%arg24 : memref<!tpu.dma_semaphore, #tpu.memory_space<semaphore_mem>>) src(%arg9 : memref<40x128xf32, #tpu.memory_space<vmem>>) dst(%dma_wait3A_326 : memref<40x128xf32, #tpu.memory_space<hbm>>)
        %dma_wait3A_327 = arith.constant 0 : i32
        %dma_wait3A_328 = tpu.memref_slice %arg6[%add3A_95, %dma_wait3A_327] : memref<160000x128xf32, #tpu.memory_space<hbm>> -> memref<40x128xf32, #tpu.memory_space<hbm>>
        %dma_wait3A_329 = arith.constant 0 : i32
        %dma_wait3A_330 = tpu.memref_slice %arg6[%add3A_95, %dma_wait3A_329] : memref<160000x128xf32, #tpu.memory_space<hbm>> -> memref<40x128xf32, #tpu.memory_space<hbm>>
        tpu.wait_dma2 semaphore(%arg24 : memref<!tpu.dma_semaphore, #tpu.memory_space<semaphore_mem>>) src(%arg14 : memref<40x128xf32, #tpu.memory_space<vmem>>) dst(%dma_wait3A_330 : memref<40x128xf32, #tpu.memory_space<hbm>>)
      } else {
      }
      %dma_start3A_98 = arith.constant 0 : i32
      %dma_start3A_99 = tpu.memref_slice %arg7[%add3A_92, %dma_start3A_98] : memref<125x40xi32, #tpu.memory_space<vmem>> -> memref<1x40xi32, #tpu.memory_space<vmem>>
      %dma_start3A_100 = tpu.memref_squeeze %dma_start3A_99 : memref<1x40xi32, #tpu.memory_space<vmem>> -> memref<40xi32, #tpu.memory_space<vmem>>
      %dma_start3A_101 = arith.constant 0 : i32
      %dma_start3A_102 = arith.constant 0 : i32
      %dma_start3A_103 = tpu.memref_slice %arg2[%dma_start3A_101, %dma_start3A_102] : memref<10000x128xf32, #tpu.memory_space<hbm>> -> memref<10000x128xf32, #tpu.memory_space<hbm>>
      tpu.enqueue_indirect_dma source(%dma_start3A_103 : memref<10000x128xf32, #tpu.memory_space<hbm>>) target(%arg9 : memref<40x128xf32, #tpu.memory_space<vmem>>) offsets(%dma_start3A_100 : memref<40xi32, #tpu.memory_space<vmem>>) semaphore(%arg19 : memref<!tpu.dma_semaphore, #tpu.memory_space<semaphore_mem>>)
      %dma_start3A_104 = arith.constant 0 : i32
      %dma_start3A_105 = tpu.memref_slice %arg8[%add3A_92, %dma_start3A_104] : memref<125x40xi32, #tpu.memory_space<vmem>> -> memref<1x40xi32, #tpu.memory_space<vmem>>
      %dma_start3A_106 = tpu.memref_squeeze %dma_start3A_105 : memref<1x40xi32, #tpu.memory_space<vmem>> -> memref<40xi32, #tpu.memory_space<vmem>>
      %dma_start3A_107 = arith.constant 0 : i32
      %dma_start3A_108 = arith.constant 0 : i32
      %dma_start3A_109 = tpu.memref_slice %arg2[%dma_start3A_107, %dma_start3A_108] : memref<10000x128xf32, #tpu.memory_space<hbm>> -> memref<10000x128xf32, #tpu.memory_space<hbm>>
      tpu.enqueue_indirect_dma source(%dma_start3A_109 : memref<10000x128xf32, #tpu.memory_space<hbm>>) target(%arg14 : memref<40x128xf32, #tpu.memory_space<vmem>>) offsets(%dma_start3A_106 : memref<40xi32, #tpu.memory_space<vmem>>) semaphore(%arg19 : memref<!tpu.dma_semaphore, #tpu.memory_space<semaphore_mem>>)
      %add3A_110 = arith.constant 1 : i32
      %add3A_111 = arith.addi %mul3A_90, %add3A_110 : i32
      %mul3A_112 = arith.constant 40 : i32
      %mul3A_113 = arith.muli %add3A_111, %mul3A_112 : i32
      %add3A_114 = arith.addi %mul3A_2, %mul3A_113 : i32
      %gt3A_115 = arith.constant 0 : i32
      %gt3A_116 = arith.cmpi sgt, %scan3A_88, %gt3A_115 : i32
      %convert_element_type3A_117 = arith.extui %gt3A_116 : i1 to i32
      %cond3A_118 = arith.constant 0 : i32
      %cond3A_119 = arith.cmpi ne, %convert_element_type3A_117, %cond3A_118 : i32
      scf.if %cond3A_119 {
        %dma_wait3A_323 = arith.constant 0 : i32
        %dma_wait3A_324 = tpu.memref_slice %arg5[%add3A_114, %dma_wait3A_323] : memref<160000x128xf32, #tpu.memory_space<hbm>> -> memref<40x128xf32, #tpu.memory_space<hbm>>
        %dma_wait3A_325 = arith.constant 0 : i32
        %dma_wait3A_326 = tpu.memref_slice %arg5[%add3A_114, %dma_wait3A_325] : memref<160000x128xf32, #tpu.memory_space<hbm>> -> memref<40x128xf32, #tpu.memory_space<hbm>>
        tpu.wait_dma2 semaphore(%arg25 : memref<!tpu.dma_semaphore, #tpu.memory_space<semaphore_mem>>) src(%arg10 : memref<40x128xf32, #tpu.memory_space<vmem>>) dst(%dma_wait3A_326 : memref<40x128xf32, #tpu.memory_space<hbm>>)
        %dma_wait3A_327 = arith.constant 0 : i32
        %dma_wait3A_328 = tpu.memref_slice %arg6[%add3A_114, %dma_wait3A_327] : memref<160000x128xf32, #tpu.memory_space<hbm>> -> memref<40x128xf32, #tpu.memory_space<hbm>>
        %dma_wait3A_329 = arith.constant 0 : i32
        %dma_wait3A_330 = tpu.memref_slice %arg6[%add3A_114, %dma_wait3A_329] : memref<160000x128xf32, #tpu.memory_space<hbm>> -> memref<40x128xf32, #tpu.memory_space<hbm>>
        tpu.wait_dma2 semaphore(%arg25 : memref<!tpu.dma_semaphore, #tpu.memory_space<semaphore_mem>>) src(%arg15 : memref<40x128xf32, #tpu.memory_space<vmem>>) dst(%dma_wait3A_330 : memref<40x128xf32, #tpu.memory_space<hbm>>)
      } else {
      }
      %dma_start3A_120 = arith.constant 0 : i32
      %dma_start3A_121 = tpu.memref_slice %arg7[%add3A_111, %dma_start3A_120] : memref<125x40xi32, #tpu.memory_space<vmem>> -> memref<1x40xi32, #tpu.memory_space<vmem>>
      %dma_start3A_122 = tpu.memref_squeeze %dma_start3A_121 : memref<1x40xi32, #tpu.memory_space<vmem>> -> memref<40xi32, #tpu.memory_space<vmem>>
      %dma_start3A_123 = arith.constant 0 : i32
      %dma_start3A_124 = arith.constant 0 : i32
      %dma_start3A_125 = tpu.memref_slice %arg2[%dma_start3A_123, %dma_start3A_124] : memref<10000x128xf32, #tpu.memory_space<hbm>> -> memref<10000x128xf32, #tpu.memory_space<hbm>>
      tpu.enqueue_indirect_dma source(%dma_start3A_125 : memref<10000x128xf32, #tpu.memory_space<hbm>>) target(%arg10 : memref<40x128xf32, #tpu.memory_space<vmem>>) offsets(%dma_start3A_122 : memref<40xi32, #tpu.memory_space<vmem>>) semaphore(%arg20 : memref<!tpu.dma_semaphore, #tpu.memory_space<semaphore_mem>>)
      %dma_start3A_126 = arith.constant 0 : i32
      %dma_start3A_127 = tpu.memref_slice %arg8[%add3A_111, %dma_start3A_126] : memref<125x40xi32, #tpu.memory_space<vmem>> -> memref<1x40xi32, #tpu.memory_space<vmem>>
      %dma_start3A_128 = tpu.memref_squeeze %dma_start3A_127 : memref<1x40xi32, #tpu.memory_space<vmem>> -> memref<40xi32, #tpu.memory_space<vmem>>
      %dma_start3A_129 = arith.constant 0 : i32
      %dma_start3A_130 = arith.constant 0 : i32
      %dma_start3A_131 = tpu.memref_slice %arg2[%dma_start3A_129, %dma_start3A_130] : memref<10000x128xf32, #tpu.memory_space<hbm>> -> memref<10000x128xf32, #tpu.memory_space<hbm>>
      tpu.enqueue_indirect_dma source(%dma_start3A_131 : memref<10000x128xf32, #tpu.memory_space<hbm>>) target(%arg15 : memref<40x128xf32, #tpu.memory_space<vmem>>) offsets(%dma_start3A_128 : memref<40xi32, #tpu.memory_space<vmem>>) semaphore(%arg20 : memref<!tpu.dma_semaphore, #tpu.memory_space<semaphore_mem>>)
      %add3A_132 = arith.constant 2 : i32
      %add3A_133 = arith.addi %mul3A_90, %add3A_132 : i32
      %mul3A_134 = arith.constant 40 : i32
      %mul3A_135 = arith.muli %add3A_133, %mul3A_134 : i32
      %add3A_136 = arith.addi %mul3A_2, %mul3A_135 : i32
      %gt3A_137 = arith.constant 0 : i32
      %gt3A_138 = arith.cmpi sgt, %scan3A_88, %gt3A_137 : i32
      %convert_element_type3A_139 = arith.extui %gt3A_138 : i1 to i32
      %cond3A_140 = arith.constant 0 : i32
      %cond3A_141 = arith.cmpi ne, %convert_element_type3A_139, %cond3A_140 : i32
      scf.if %cond3A_141 {
        %dma_wait3A_323 = arith.constant 0 : i32
        %dma_wait3A_324 = tpu.memref_slice %arg5[%add3A_136, %dma_wait3A_323] : memref<160000x128xf32, #tpu.memory_space<hbm>> -> memref<40x128xf32, #tpu.memory_space<hbm>>
        %dma_wait3A_325 = arith.constant 0 : i32
        %dma_wait3A_326 = tpu.memref_slice %arg5[%add3A_136, %dma_wait3A_325] : memref<160000x128xf32, #tpu.memory_space<hbm>> -> memref<40x128xf32, #tpu.memory_space<hbm>>
        tpu.wait_dma2 semaphore(%arg26 : memref<!tpu.dma_semaphore, #tpu.memory_space<semaphore_mem>>) src(%arg11 : memref<40x128xf32, #tpu.memory_space<vmem>>) dst(%dma_wait3A_326 : memref<40x128xf32, #tpu.memory_space<hbm>>)
        %dma_wait3A_327 = arith.constant 0 : i32
        %dma_wait3A_328 = tpu.memref_slice %arg6[%add3A_136, %dma_wait3A_327] : memref<160000x128xf32, #tpu.memory_space<hbm>> -> memref<40x128xf32, #tpu.memory_space<hbm>>
        %dma_wait3A_329 = arith.constant 0 : i32
        %dma_wait3A_330 = tpu.memref_slice %arg6[%add3A_136, %dma_wait3A_329] : memref<160000x128xf32, #tpu.memory_space<hbm>> -> memref<40x128xf32, #tpu.memory_space<hbm>>
        tpu.wait_dma2 semaphore(%arg26 : memref<!tpu.dma_semaphore, #tpu.memory_space<semaphore_mem>>) src(%arg16 : memref<40x128xf32, #tpu.memory_space<vmem>>) dst(%dma_wait3A_330 : memref<40x128xf32, #tpu.memory_space<hbm>>)
      } else {
      }
      %dma_start3A_142 = arith.constant 0 : i32
      %dma_start3A_143 = tpu.memref_slice %arg7[%add3A_133, %dma_start3A_142] : memref<125x40xi32, #tpu.memory_space<vmem>> -> memref<1x40xi32, #tpu.memory_space<vmem>>
      %dma_start3A_144 = tpu.memref_squeeze %dma_start3A_143 : memref<1x40xi32, #tpu.memory_space<vmem>> -> memref<40xi32, #tpu.memory_space<vmem>>
      %dma_start3A_145 = arith.constant 0 : i32
      %dma_start3A_146 = arith.constant 0 : i32
      %dma_start3A_147 = tpu.memref_slice %arg2[%dma_start3A_145, %dma_start3A_146] : memref<10000x128xf32, #tpu.memory_space<hbm>> -> memref<10000x128xf32, #tpu.memory_space<hbm>>
      tpu.enqueue_indirect_dma source(%dma_start3A_147 : memref<10000x128xf32, #tpu.memory_space<hbm>>) target(%arg11 : memref<40x128xf32, #tpu.memory_space<vmem>>) offsets(%dma_start3A_144 : memref<40xi32, #tpu.memory_space<vmem>>) semaphore(%arg21 : memref<!tpu.dma_semaphore, #tpu.memory_space<semaphore_mem>>)
      %dma_start3A_148 = arith.constant 0 : i32
      %dma_start3A_149 = tpu.memref_slice %arg8[%add3A_133, %dma_start3A_148] : memref<125x40xi32, #tpu.memory_space<vmem>> -> memref<1x40xi32, #tpu.memory_space<vmem>>
      %dma_start3A_150 = tpu.memref_squeeze %dma_start3A_149 : memref<1x40xi32, #tpu.memory_space<vmem>> -> memref<40xi32, #tpu.memory_space<vmem>>
      %dma_start3A_151 = arith.constant 0 : i32
      %dma_start3A_152 = arith.constant 0 : i32
      %dma_start3A_153 = tpu.memref_slice %arg2[%dma_start3A_151, %dma_start3A_152] : memref<10000x128xf32, #tpu.memory_space<hbm>> -> memref<10000x128xf32, #tpu.memory_space<hbm>>
      tpu.enqueue_indirect_dma source(%dma_start3A_153 : memref<10000x128xf32, #tpu.memory_space<hbm>>) target(%arg16 : memref<40x128xf32, #tpu.memory_space<vmem>>) offsets(%dma_start3A_150 : memref<40xi32, #tpu.memory_space<vmem>>) semaphore(%arg21 : memref<!tpu.dma_semaphore, #tpu.memory_space<semaphore_mem>>)
      %add3A_154 = arith.constant 3 : i32
      %add3A_155 = arith.addi %mul3A_90, %add3A_154 : i32
      %mul3A_156 = arith.constant 40 : i32
      %mul3A_157 = arith.muli %add3A_155, %mul3A_156 : i32
      %add3A_158 = arith.addi %mul3A_2, %mul3A_157 : i32
      %gt3A_159 = arith.constant 0 : i32
      %gt3A_160 = arith.cmpi sgt, %scan3A_88, %gt3A_159 : i32
      %convert_element_type3A_161 = arith.extui %gt3A_160 : i1 to i32
      %cond3A_162 = arith.constant 0 : i32
      %cond3A_163 = arith.cmpi ne, %convert_element_type3A_161, %cond3A_162 : i32
      scf.if %cond3A_163 {
        %dma_wait3A_323 = arith.constant 0 : i32
        %dma_wait3A_324 = tpu.memref_slice %arg5[%add3A_158, %dma_wait3A_323] : memref<160000x128xf32, #tpu.memory_space<hbm>> -> memref<40x128xf32, #tpu.memory_space<hbm>>
        %dma_wait3A_325 = arith.constant 0 : i32
        %dma_wait3A_326 = tpu.memref_slice %arg5[%add3A_158, %dma_wait3A_325] : memref<160000x128xf32, #tpu.memory_space<hbm>> -> memref<40x128xf32, #tpu.memory_space<hbm>>
        tpu.wait_dma2 semaphore(%arg27 : memref<!tpu.dma_semaphore, #tpu.memory_space<semaphore_mem>>) src(%arg12 : memref<40x128xf32, #tpu.memory_space<vmem>>) dst(%dma_wait3A_326 : memref<40x128xf32, #tpu.memory_space<hbm>>)
        %dma_wait3A_327 = arith.constant 0 : i32
        %dma_wait3A_328 = tpu.memref_slice %arg6[%add3A_158, %dma_wait3A_327] : memref<160000x128xf32, #tpu.memory_space<hbm>> -> memref<40x128xf32, #tpu.memory_space<hbm>>
        %dma_wait3A_329 = arith.constant 0 : i32
        %dma_wait3A_330 = tpu.memref_slice %arg6[%add3A_158, %dma_wait3A_329] : memref<160000x128xf32, #tpu.memory_space<hbm>> -> memref<40x128xf32, #tpu.memory_space<hbm>>
        tpu.wait_dma2 semaphore(%arg27 : memref<!tpu.dma_semaphore, #tpu.memory_space<semaphore_mem>>) src(%arg17 : memref<40x128xf32, #tpu.memory_space<vmem>>) dst(%dma_wait3A_330 : memref<40x128xf32, #tpu.memory_space<hbm>>)
      } else {
      }
      %dma_start3A_164 = arith.constant 0 : i32
      %dma_start3A_165 = tpu.memref_slice %arg7[%add3A_155, %dma_start3A_164] : memref<125x40xi32, #tpu.memory_space<vmem>> -> memref<1x40xi32, #tpu.memory_space<vmem>>
      %dma_start3A_166 = tpu.memref_squeeze %dma_start3A_165 : memref<1x40xi32, #tpu.memory_space<vmem>> -> memref<40xi32, #tpu.memory_space<vmem>>
      %dma_start3A_167 = arith.constant 0 : i32
      %dma_start3A_168 = arith.constant 0 : i32
      %dma_start3A_169 = tpu.memref_slice %arg2[%dma_start3A_167, %dma_start3A_168] : memref<10000x128xf32, #tpu.memory_space<hbm>> -> memref<10000x128xf32, #tpu.memory_space<hbm>>
      tpu.enqueue_indirect_dma source(%dma_start3A_169 : memref<10000x128xf32, #tpu.memory_space<hbm>>) target(%arg12 : memref<40x128xf32, #tpu.memory_space<vmem>>) offsets(%dma_start3A_166 : memref<40xi32, #tpu.memory_space<vmem>>) semaphore(%arg22 : memref<!tpu.dma_semaphore, #tpu.memory_space<semaphore_mem>>)
      %dma_start3A_170 = arith.constant 0 : i32
      %dma_start3A_171 = tpu.memref_slice %arg8[%add3A_155, %dma_start3A_170] : memref<125x40xi32, #tpu.memory_space<vmem>> -> memref<1x40xi32, #tpu.memory_space<vmem>>
      %dma_start3A_172 = tpu.memref_squeeze %dma_start3A_171 : memref<1x40xi32, #tpu.memory_space<vmem>> -> memref<40xi32, #tpu.memory_space<vmem>>
      %dma_start3A_173 = arith.constant 0 : i32
      %dma_start3A_174 = arith.constant 0 : i32
      %dma_start3A_175 = tpu.memref_slice %arg2[%dma_start3A_173, %dma_start3A_174] : memref<10000x128xf32, #tpu.memory_space<hbm>> -> memref<10000x128xf32, #tpu.memory_space<hbm>>
      tpu.enqueue_indirect_dma source(%dma_start3A_175 : memref<10000x128xf32, #tpu.memory_space<hbm>>) target(%arg17 : memref<40x128xf32, #tpu.memory_space<vmem>>) offsets(%dma_start3A_172 : memref<40xi32, #tpu.memory_space<vmem>>) semaphore(%arg22 : memref<!tpu.dma_semaphore, #tpu.memory_space<semaphore_mem>>)
      %add3A_176 = arith.constant 4 : i32
      %add3A_177 = arith.addi %mul3A_90, %add3A_176 : i32
      %mul3A_178 = arith.constant 40 : i32
      %mul3A_179 = arith.muli %add3A_177, %mul3A_178 : i32
      %add3A_180 = arith.addi %mul3A_2, %mul3A_179 : i32
      %gt3A_181 = arith.constant 0 : i32
      %gt3A_182 = arith.cmpi sgt, %scan3A_88, %gt3A_181 : i32
      %convert_element_type3A_183 = arith.extui %gt3A_182 : i1 to i32
      %cond3A_184 = arith.constant 0 : i32
      %cond3A_185 = arith.cmpi ne, %convert_element_type3A_183, %cond3A_184 : i32
      scf.if %cond3A_185 {
        %dma_wait3A_323 = arith.constant 0 : i32
        %dma_wait3A_324 = tpu.memref_slice %arg5[%add3A_180, %dma_wait3A_323] : memref<160000x128xf32, #tpu.memory_space<hbm>> -> memref<40x128xf32, #tpu.memory_space<hbm>>
        %dma_wait3A_325 = arith.constant 0 : i32
        %dma_wait3A_326 = tpu.memref_slice %arg5[%add3A_180, %dma_wait3A_325] : memref<160000x128xf32, #tpu.memory_space<hbm>> -> memref<40x128xf32, #tpu.memory_space<hbm>>
        tpu.wait_dma2 semaphore(%arg28 : memref<!tpu.dma_semaphore, #tpu.memory_space<semaphore_mem>>) src(%arg13 : memref<40x128xf32, #tpu.memory_space<vmem>>) dst(%dma_wait3A_326 : memref<40x128xf32, #tpu.memory_space<hbm>>)
        %dma_wait3A_327 = arith.constant 0 : i32
        %dma_wait3A_328 = tpu.memref_slice %arg6[%add3A_180, %dma_wait3A_327] : memref<160000x128xf32, #tpu.memory_space<hbm>> -> memref<40x128xf32, #tpu.memory_space<hbm>>
        %dma_wait3A_329 = arith.constant 0 : i32
        %dma_wait3A_330 = tpu.memref_slice %arg6[%add3A_180, %dma_wait3A_329] : memref<160000x128xf32, #tpu.memory_space<hbm>> -> memref<40x128xf32, #tpu.memory_space<hbm>>
        tpu.wait_dma2 semaphore(%arg28 : memref<!tpu.dma_semaphore, #tpu.memory_space<semaphore_mem>>) src(%arg18 : memref<40x128xf32, #tpu.memory_space<vmem>>) dst(%dma_wait3A_330 : memref<40x128xf32, #tpu.memory_space<hbm>>)
      } else {
      }
      %dma_start3A_186 = arith.constant 0 : i32
      %dma_start3A_187 = tpu.memref_slice %arg7[%add3A_177, %dma_start3A_186] : memref<125x40xi32, #tpu.memory_space<vmem>> -> memref<1x40xi32, #tpu.memory_space<vmem>>
      %dma_start3A_188 = tpu.memref_squeeze %dma_start3A_187 : memref<1x40xi32, #tpu.memory_space<vmem>> -> memref<40xi32, #tpu.memory_space<vmem>>
      %dma_start3A_189 = arith.constant 0 : i32
      %dma_start3A_190 = arith.constant 0 : i32
      %dma_start3A_191 = tpu.memref_slice %arg2[%dma_start3A_189, %dma_start3A_190] : memref<10000x128xf32, #tpu.memory_space<hbm>> -> memref<10000x128xf32, #tpu.memory_space<hbm>>
      tpu.enqueue_indirect_dma source(%dma_start3A_191 : memref<10000x128xf32, #tpu.memory_space<hbm>>) target(%arg13 : memref<40x128xf32, #tpu.memory_space<vmem>>) offsets(%dma_start3A_188 : memref<40xi32, #tpu.memory_space<vmem>>) semaphore(%arg23 : memref<!tpu.dma_semaphore, #tpu.memory_space<semaphore_mem>>)
      %dma_start3A_192 = arith.constant 0 : i32
      %dma_start3A_193 = tpu.memref_slice %arg8[%add3A_177, %dma_start3A_192] : memref<125x40xi32, #tpu.memory_space<vmem>> -> memref<1x40xi32, #tpu.memory_space<vmem>>
      %dma_start3A_194 = tpu.memref_squeeze %dma_start3A_193 : memref<1x40xi32, #tpu.memory_space<vmem>> -> memref<40xi32, #tpu.memory_space<vmem>>
      %dma_start3A_195 = arith.constant 0 : i32
      %dma_start3A_196 = arith.constant 0 : i32
      %dma_start3A_197 = tpu.memref_slice %arg2[%dma_start3A_195, %dma_start3A_196] : memref<10000x128xf32, #tpu.memory_space<hbm>> -> memref<10000x128xf32, #tpu.memory_space<hbm>>
      tpu.enqueue_indirect_dma source(%dma_start3A_197 : memref<10000x128xf32, #tpu.memory_space<hbm>>) target(%arg18 : memref<40x128xf32, #tpu.memory_space<vmem>>) offsets(%dma_start3A_194 : memref<40xi32, #tpu.memory_space<vmem>>) semaphore(%arg23 : memref<!tpu.dma_semaphore, #tpu.memory_space<semaphore_mem>>)
      %add3A_198 = arith.constant 0 : i32
      %add3A_199 = arith.addi %mul3A_90, %add3A_198 : i32
      %mul3A_200 = arith.constant 40 : i32
      %mul3A_201 = arith.muli %add3A_199, %mul3A_200 : i32
      %add3A_202 = arith.addi %mul3A_2, %mul3A_201 : i32
      %dma_wait3A_203 = arith.constant 0 : i32
      %dma_wait3A_204 = tpu.memref_slice %arg7[%add3A_92, %dma_wait3A_203] : memref<125x40xi32, #tpu.memory_space<vmem>> -> memref<1x40xi32, #tpu.memory_space<vmem>>
      %dma_wait3A_205 = tpu.memref_squeeze %dma_wait3A_204 : memref<1x40xi32, #tpu.memory_space<vmem>> -> memref<40xi32, #tpu.memory_space<vmem>>
      %dma_wait3A_206 = arith.constant 0 : i32
      %dma_wait3A_207 = arith.constant 0 : i32
      %dma_wait3A_208 = tpu.memref_slice %arg2[%dma_wait3A_206, %dma_wait3A_207] : memref<10000x128xf32, #tpu.memory_space<hbm>> -> memref<10000x128xf32, #tpu.memory_space<hbm>>
      tpu.wait_indirect_dma semaphore(%arg19 : memref<!tpu.dma_semaphore, #tpu.memory_space<semaphore_mem>>) src(%dma_wait3A_208 : memref<10000x128xf32, #tpu.memory_space<hbm>>) dst(%arg9 : memref<40x128xf32, #tpu.memory_space<vmem>>)
      %dma_wait3A_209 = arith.constant 0 : i32
      %dma_wait3A_210 = tpu.memref_slice %arg8[%add3A_92, %dma_wait3A_209] : memref<125x40xi32, #tpu.memory_space<vmem>> -> memref<1x40xi32, #tpu.memory_space<vmem>>
      %dma_wait3A_211 = tpu.memref_squeeze %dma_wait3A_210 : memref<1x40xi32, #tpu.memory_space<vmem>> -> memref<40xi32, #tpu.memory_space<vmem>>
      %dma_wait3A_212 = arith.constant 0 : i32
      %dma_wait3A_213 = arith.constant 0 : i32
      %dma_wait3A_214 = tpu.memref_slice %arg2[%dma_wait3A_212, %dma_wait3A_213] : memref<10000x128xf32, #tpu.memory_space<hbm>> -> memref<10000x128xf32, #tpu.memory_space<hbm>>
      tpu.wait_indirect_dma semaphore(%arg19 : memref<!tpu.dma_semaphore, #tpu.memory_space<semaphore_mem>>) src(%dma_wait3A_214 : memref<10000x128xf32, #tpu.memory_space<hbm>>) dst(%arg14 : memref<40x128xf32, #tpu.memory_space<vmem>>)
      %dma_start3A_215 = arith.constant 0 : i32
      %dma_start3A_216 = tpu.memref_slice %arg5[%add3A_202, %dma_start3A_215] : memref<160000x128xf32, #tpu.memory_space<hbm>> -> memref<40x128xf32, #tpu.memory_space<hbm>>
      %dma_start3A_217 = arith.constant 0 : i32
      %dma_start3A_218 = tpu.memref_slice %arg5[%add3A_202, %dma_start3A_217] : memref<160000x128xf32, #tpu.memory_space<hbm>> -> memref<40x128xf32, #tpu.memory_space<hbm>>
      tpu.enqueue_dma source(%arg9 : memref<40x128xf32, #tpu.memory_space<vmem>>) target(%dma_start3A_218 : memref<40x128xf32, #tpu.memory_space<hbm>>) target_semaphore(%arg24 : memref<!tpu.dma_semaphore, #tpu.memory_space<semaphore_mem>>)
      %dma_start3A_219 = arith.constant 0 : i32
      %dma_start3A_220 = tpu.memref_slice %arg6[%add3A_202, %dma_start3A_219] : memref<160000x128xf32, #tpu.memory_space<hbm>> -> memref<40x128xf32, #tpu.memory_space<hbm>>
      %dma_start3A_221 = arith.constant 0 : i32
      %dma_start3A_222 = tpu.memref_slice %arg6[%add3A_202, %dma_start3A_221] : memref<160000x128xf32, #tpu.memory_space<hbm>> -> memref<40x128xf32, #tpu.memory_space<hbm>>
      tpu.enqueue_dma source(%arg14 : memref<40x128xf32, #tpu.memory_space<vmem>>) target(%dma_start3A_222 : memref<40x128xf32, #tpu.memory_space<hbm>>) target_semaphore(%arg24 : memref<!tpu.dma_semaphore, #tpu.memory_space<semaphore_mem>>)
      %add3A_223 = arith.constant 1 : i32
      %add3A_224 = arith.addi %mul3A_90, %add3A_223 : i32
      %mul3A_225 = arith.constant 40 : i32
      %mul3A_226 = arith.muli %add3A_224, %mul3A_225 : i32
      %add3A_227 = arith.addi %mul3A_2, %mul3A_226 : i32
      %dma_wait3A_228 = arith.constant 0 : i32
      %dma_wait3A_229 = tpu.memref_slice %arg7[%add3A_111, %dma_wait3A_228] : memref<125x40xi32, #tpu.memory_space<vmem>> -> memref<1x40xi32, #tpu.memory_space<vmem>>
      %dma_wait3A_230 = tpu.memref_squeeze %dma_wait3A_229 : memref<1x40xi32, #tpu.memory_space<vmem>> -> memref<40xi32, #tpu.memory_space<vmem>>
      %dma_wait3A_231 = arith.constant 0 : i32
      %dma_wait3A_232 = arith.constant 0 : i32
      %dma_wait3A_233 = tpu.memref_slice %arg2[%dma_wait3A_231, %dma_wait3A_232] : memref<10000x128xf32, #tpu.memory_space<hbm>> -> memref<10000x128xf32, #tpu.memory_space<hbm>>
      tpu.wait_indirect_dma semaphore(%arg20 : memref<!tpu.dma_semaphore, #tpu.memory_space<semaphore_mem>>) src(%dma_wait3A_233 : memref<10000x128xf32, #tpu.memory_space<hbm>>) dst(%arg10 : memref<40x128xf32, #tpu.memory_space<vmem>>)
      %dma_wait3A_234 = arith.constant 0 : i32
      %dma_wait3A_235 = tpu.memref_slice %arg8[%add3A_111, %dma_wait3A_234] : memref<125x40xi32, #tpu.memory_space<vmem>> -> memref<1x40xi32, #tpu.memory_space<vmem>>
      %dma_wait3A_236 = tpu.memref_squeeze %dma_wait3A_235 : memref<1x40xi32, #tpu.memory_space<vmem>> -> memref<40xi32, #tpu.memory_space<vmem>>
      %dma_wait3A_237 = arith.constant 0 : i32
      %dma_wait3A_238 = arith.constant 0 : i32
      %dma_wait3A_239 = tpu.memref_slice %arg2[%dma_wait3A_237, %dma_wait3A_238] : memref<10000x128xf32, #tpu.memory_space<hbm>> -> memref<10000x128xf32, #tpu.memory_space<hbm>>
      tpu.wait_indirect_dma semaphore(%arg20 : memref<!tpu.dma_semaphore, #tpu.memory_space<semaphore_mem>>) src(%dma_wait3A_239 : memref<10000x128xf32, #tpu.memory_space<hbm>>) dst(%arg15 : memref<40x128xf32, #tpu.memory_space<vmem>>)
      %dma_start3A_240 = arith.constant 0 : i32
      %dma_start3A_241 = tpu.memref_slice %arg5[%add3A_227, %dma_start3A_240] : memref<160000x128xf32, #tpu.memory_space<hbm>> -> memref<40x128xf32, #tpu.memory_space<hbm>>
      %dma_start3A_242 = arith.constant 0 : i32
      %dma_start3A_243 = tpu.memref_slice %arg5[%add3A_227, %dma_start3A_242] : memref<160000x128xf32, #tpu.memory_space<hbm>> -> memref<40x128xf32, #tpu.memory_space<hbm>>
      tpu.enqueue_dma source(%arg10 : memref<40x128xf32, #tpu.memory_space<vmem>>) target(%dma_start3A_243 : memref<40x128xf32, #tpu.memory_space<hbm>>) target_semaphore(%arg25 : memref<!tpu.dma_semaphore, #tpu.memory_space<semaphore_mem>>)
      %dma_start3A_244 = arith.constant 0 : i32
      %dma_start3A_245 = tpu.memref_slice %arg6[%add3A_227, %dma_start3A_244] : memref<160000x128xf32, #tpu.memory_space<hbm>> -> memref<40x128xf32, #tpu.memory_space<hbm>>
      %dma_start3A_246 = arith.constant 0 : i32
      %dma_start3A_247 = tpu.memref_slice %arg6[%add3A_227, %dma_start3A_246] : memref<160000x128xf32, #tpu.memory_space<hbm>> -> memref<40x128xf32, #tpu.memory_space<hbm>>
      tpu.enqueue_dma source(%arg15 : memref<40x128xf32, #tpu.memory_space<vmem>>) target(%dma_start3A_247 : memref<40x128xf32, #tpu.memory_space<hbm>>) target_semaphore(%arg25 : memref<!tpu.dma_semaphore, #tpu.memory_space<semaphore_mem>>)
      %add3A_248 = arith.constant 2 : i32
      %add3A_249 = arith.addi %mul3A_90, %add3A_248 : i32
      %mul3A_250 = arith.constant 40 : i32
      %mul3A_251 = arith.muli %add3A_249, %mul3A_250 : i32
      %add3A_252 = arith.addi %mul3A_2, %mul3A_251 : i32
      %dma_wait3A_253 = arith.constant 0 : i32
      %dma_wait3A_254 = tpu.memref_slice %arg7[%add3A_133, %dma_wait3A_253] : memref<125x40xi32, #tpu.memory_space<vmem>> -> memref<1x40xi32, #tpu.memory_space<vmem>>
      %dma_wait3A_255 = tpu.memref_squeeze %dma_wait3A_254 : memref<1x40xi32, #tpu.memory_space<vmem>> -> memref<40xi32, #tpu.memory_space<vmem>>
      %dma_wait3A_256 = arith.constant 0 : i32
      %dma_wait3A_257 = arith.constant 0 : i32
      %dma_wait3A_258 = tpu.memref_slice %arg2[%dma_wait3A_256, %dma_wait3A_257] : memref<10000x128xf32, #tpu.memory_space<hbm>> -> memref<10000x128xf32, #tpu.memory_space<hbm>>
      tpu.wait_indirect_dma semaphore(%arg21 : memref<!tpu.dma_semaphore, #tpu.memory_space<semaphore_mem>>) src(%dma_wait3A_258 : memref<10000x128xf32, #tpu.memory_space<hbm>>) dst(%arg11 : memref<40x128xf32, #tpu.memory_space<vmem>>)
      %dma_wait3A_259 = arith.constant 0 : i32
      %dma_wait3A_260 = tpu.memref_slice %arg8[%add3A_133, %dma_wait3A_259] : memref<125x40xi32, #tpu.memory_space<vmem>> -> memref<1x40xi32, #tpu.memory_space<vmem>>
      %dma_wait3A_261 = tpu.memref_squeeze %dma_wait3A_260 : memref<1x40xi32, #tpu.memory_space<vmem>> -> memref<40xi32, #tpu.memory_space<vmem>>
      %dma_wait3A_262 = arith.constant 0 : i32
      %dma_wait3A_263 = arith.constant 0 : i32
      %dma_wait3A_264 = tpu.memref_slice %arg2[%dma_wait3A_262, %dma_wait3A_263] : memref<10000x128xf32, #tpu.memory_space<hbm>> -> memref<10000x128xf32, #tpu.memory_space<hbm>>
      tpu.wait_indirect_dma semaphore(%arg21 : memref<!tpu.dma_semaphore, #tpu.memory_space<semaphore_mem>>) src(%dma_wait3A_264 : memref<10000x128xf32, #tpu.memory_space<hbm>>) dst(%arg16 : memref<40x128xf32, #tpu.memory_space<vmem>>)
      %dma_start3A_265 = arith.constant 0 : i32
      %dma_start3A_266 = tpu.memref_slice %arg5[%add3A_252, %dma_start3A_265] : memref<160000x128xf32, #tpu.memory_space<hbm>> -> memref<40x128xf32, #tpu.memory_space<hbm>>
      %dma_start3A_267 = arith.constant 0 : i32
      %dma_start3A_268 = tpu.memref_slice %arg5[%add3A_252, %dma_start3A_267] : memref<160000x128xf32, #tpu.memory_space<hbm>> -> memref<40x128xf32, #tpu.memory_space<hbm>>
      tpu.enqueue_dma source(%arg11 : memref<40x128xf32, #tpu.memory_space<vmem>>) target(%dma_start3A_268 : memref<40x128xf32, #tpu.memory_space<hbm>>) target_semaphore(%arg26 : memref<!tpu.dma_semaphore, #tpu.memory_space<semaphore_mem>>)
      %dma_start3A_269 = arith.constant 0 : i32
      %dma_start3A_270 = tpu.memref_slice %arg6[%add3A_252, %dma_start3A_269] : memref<160000x128xf32, #tpu.memory_space<hbm>> -> memref<40x128xf32, #tpu.memory_space<hbm>>
      %dma_start3A_271 = arith.constant 0 : i32
      %dma_start3A_272 = tpu.memref_slice %arg6[%add3A_252, %dma_start3A_271] : memref<160000x128xf32, #tpu.memory_space<hbm>> -> memref<40x128xf32, #tpu.memory_space<hbm>>
      tpu.enqueue_dma source(%arg16 : memref<40x128xf32, #tpu.memory_space<vmem>>) target(%dma_start3A_272 : memref<40x128xf32, #tpu.memory_space<hbm>>) target_semaphore(%arg26 : memref<!tpu.dma_semaphore, #tpu.memory_space<semaphore_mem>>)
      %add3A_273 = arith.constant 3 : i32
      %add3A_274 = arith.addi %mul3A_90, %add3A_273 : i32
      %mul3A_275 = arith.constant 40 : i32
      %mul3A_276 = arith.muli %add3A_274, %mul3A_275 : i32
      %add3A_277 = arith.addi %mul3A_2, %mul3A_276 : i32
      %dma_wait3A_278 = arith.constant 0 : i32
      %dma_wait3A_279 = tpu.memref_slice %arg7[%add3A_155, %dma_wait3A_278] : memref<125x40xi32, #tpu.memory_space<vmem>> -> memref<1x40xi32, #tpu.memory_space<vmem>>
      %dma_wait3A_280 = tpu.memref_squeeze %dma_wait3A_279 : memref<1x40xi32, #tpu.memory_space<vmem>> -> memref<40xi32, #tpu.memory_space<vmem>>
      %dma_wait3A_281 = arith.constant 0 : i32
      %dma_wait3A_282 = arith.constant 0 : i32
      %dma_wait3A_283 = tpu.memref_slice %arg2[%dma_wait3A_281, %dma_wait3A_282] : memref<10000x128xf32, #tpu.memory_space<hbm>> -> memref<10000x128xf32, #tpu.memory_space<hbm>>
      tpu.wait_indirect_dma semaphore(%arg22 : memref<!tpu.dma_semaphore, #tpu.memory_space<semaphore_mem>>) src(%dma_wait3A_283 : memref<10000x128xf32, #tpu.memory_space<hbm>>) dst(%arg12 : memref<40x128xf32, #tpu.memory_space<vmem>>)
      %dma_wait3A_284 = arith.constant 0 : i32
      %dma_wait3A_285 = tpu.memref_slice %arg8[%add3A_155, %dma_wait3A_284] : memref<125x40xi32, #tpu.memory_space<vmem>> -> memref<1x40xi32, #tpu.memory_space<vmem>>
      %dma_wait3A_286 = tpu.memref_squeeze %dma_wait3A_285 : memref<1x40xi32, #tpu.memory_space<vmem>> -> memref<40xi32, #tpu.memory_space<vmem>>
      %dma_wait3A_287 = arith.constant 0 : i32
      %dma_wait3A_288 = arith.constant 0 : i32
      %dma_wait3A_289 = tpu.memref_slice %arg2[%dma_wait3A_287, %dma_wait3A_288] : memref<10000x128xf32, #tpu.memory_space<hbm>> -> memref<10000x128xf32, #tpu.memory_space<hbm>>
      tpu.wait_indirect_dma semaphore(%arg22 : memref<!tpu.dma_semaphore, #tpu.memory_space<semaphore_mem>>) src(%dma_wait3A_289 : memref<10000x128xf32, #tpu.memory_space<hbm>>) dst(%arg17 : memref<40x128xf32, #tpu.memory_space<vmem>>)
      %dma_start3A_290 = arith.constant 0 : i32
      %dma_start3A_291 = tpu.memref_slice %arg5[%add3A_277, %dma_start3A_290] : memref<160000x128xf32, #tpu.memory_space<hbm>> -> memref<40x128xf32, #tpu.memory_space<hbm>>
      %dma_start3A_292 = arith.constant 0 : i32
      %dma_start3A_293 = tpu.memref_slice %arg5[%add3A_277, %dma_start3A_292] : memref<160000x128xf32, #tpu.memory_space<hbm>> -> memref<40x128xf32, #tpu.memory_space<hbm>>
      tpu.enqueue_dma source(%arg12 : memref<40x128xf32, #tpu.memory_space<vmem>>) target(%dma_start3A_293 : memref<40x128xf32, #tpu.memory_space<hbm>>) target_semaphore(%arg27 : memref<!tpu.dma_semaphore, #tpu.memory_space<semaphore_mem>>)
      %dma_start3A_294 = arith.constant 0 : i32
      %dma_start3A_295 = tpu.memref_slice %arg6[%add3A_277, %dma_start3A_294] : memref<160000x128xf32, #tpu.memory_space<hbm>> -> memref<40x128xf32, #tpu.memory_space<hbm>>
      %dma_start3A_296 = arith.constant 0 : i32
      %dma_start3A_297 = tpu.memref_slice %arg6[%add3A_277, %dma_start3A_296] : memref<160000x128xf32, #tpu.memory_space<hbm>> -> memref<40x128xf32, #tpu.memory_space<hbm>>
      tpu.enqueue_dma source(%arg17 : memref<40x128xf32, #tpu.memory_space<vmem>>) target(%dma_start3A_297 : memref<40x128xf32, #tpu.memory_space<hbm>>) target_semaphore(%arg27 : memref<!tpu.dma_semaphore, #tpu.memory_space<semaphore_mem>>)
      %add3A_298 = arith.constant 4 : i32
      %add3A_299 = arith.addi %mul3A_90, %add3A_298 : i32
      %mul3A_300 = arith.constant 40 : i32
      %mul3A_301 = arith.muli %add3A_299, %mul3A_300 : i32
      %add3A_302 = arith.addi %mul3A_2, %mul3A_301 : i32
      %dma_wait3A_303 = arith.constant 0 : i32
      %dma_wait3A_304 = tpu.memref_slice %arg7[%add3A_177, %dma_wait3A_303] : memref<125x40xi32, #tpu.memory_space<vmem>> -> memref<1x40xi32, #tpu.memory_space<vmem>>
      %dma_wait3A_305 = tpu.memref_squeeze %dma_wait3A_304 : memref<1x40xi32, #tpu.memory_space<vmem>> -> memref<40xi32, #tpu.memory_space<vmem>>
      %dma_wait3A_306 = arith.constant 0 : i32
      %dma_wait3A_307 = arith.constant 0 : i32
      %dma_wait3A_308 = tpu.memref_slice %arg2[%dma_wait3A_306, %dma_wait3A_307] : memref<10000x128xf32, #tpu.memory_space<hbm>> -> memref<10000x128xf32, #tpu.memory_space<hbm>>
      tpu.wait_indirect_dma semaphore(%arg23 : memref<!tpu.dma_semaphore, #tpu.memory_space<semaphore_mem>>) src(%dma_wait3A_308 : memref<10000x128xf32, #tpu.memory_space<hbm>>) dst(%arg13 : memref<40x128xf32, #tpu.memory_space<vmem>>)
      %dma_wait3A_309 = arith.constant 0 : i32
      %dma_wait3A_310 = tpu.memref_slice %arg8[%add3A_177, %dma_wait3A_309] : memref<125x40xi32, #tpu.memory_space<vmem>> -> memref<1x40xi32, #tpu.memory_space<vmem>>
      %dma_wait3A_311 = tpu.memref_squeeze %dma_wait3A_310 : memref<1x40xi32, #tpu.memory_space<vmem>> -> memref<40xi32, #tpu.memory_space<vmem>>
      %dma_wait3A_312 = arith.constant 0 : i32
      %dma_wait3A_313 = arith.constant 0 : i32
      %dma_wait3A_314 = tpu.memref_slice %arg2[%dma_wait3A_312, %dma_wait3A_313] : memref<10000x128xf32, #tpu.memory_space<hbm>> -> memref<10000x128xf32, #tpu.memory_space<hbm>>
      tpu.wait_indirect_dma semaphore(%arg23 : memref<!tpu.dma_semaphore, #tpu.memory_space<semaphore_mem>>) src(%dma_wait3A_314 : memref<10000x128xf32, #tpu.memory_space<hbm>>) dst(%arg18 : memref<40x128xf32, #tpu.memory_space<vmem>>)
      %dma_start3A_315 = arith.constant 0 : i32
      %dma_start3A_316 = tpu.memref_slice %arg5[%add3A_302, %dma_start3A_315] : memref<160000x128xf32, #tpu.memory_space<hbm>> -> memref<40x128xf32, #tpu.memory_space<hbm>>
      %dma_start3A_317 = arith.constant 0 : i32
      %dma_start3A_318 = tpu.memref_slice %arg5[%add3A_302, %dma_start3A_317] : memref<160000x128xf32, #tpu.memory_space<hbm>> -> memref<40x128xf32, #tpu.memory_space<hbm>>
      tpu.enqueue_dma source(%arg13 : memref<40x128xf32, #tpu.memory_space<vmem>>) target(%dma_start3A_318 : memref<40x128xf32, #tpu.memory_space<hbm>>) target_semaphore(%arg28 : memref<!tpu.dma_semaphore, #tpu.memory_space<semaphore_mem>>)
      %dma_start3A_319 = arith.constant 0 : i32
      %dma_start3A_320 = tpu.memref_slice %arg6[%add3A_302, %dma_start3A_319] : memref<160000x128xf32, #tpu.memory_space<hbm>> -> memref<40x128xf32, #tpu.memory_space<hbm>>
      %dma_start3A_321 = arith.constant 0 : i32
      %dma_start3A_322 = tpu.memref_slice %arg6[%add3A_302, %dma_start3A_321] : memref<160000x128xf32, #tpu.memory_space<hbm>> -> memref<40x128xf32, #tpu.memory_space<hbm>>
      tpu.enqueue_dma source(%arg18 : memref<40x128xf32, #tpu.memory_space<vmem>>) target(%dma_start3A_322 : memref<40x128xf32, #tpu.memory_space<hbm>>) target_semaphore(%arg28 : memref<!tpu.dma_semaphore, #tpu.memory_space<semaphore_mem>>)
    }
    %scan3A_37 = arith.constant 25 : i32
    %add3A_38 = arith.constant 4800 : i32
    %add3A_39 = arith.addi %mul3A_2, %add3A_38 : i32
    %dma_wait3A_40 = arith.constant 0 : i32
    %dma_wait3A_41 = tpu.memref_slice %arg5[%add3A_39, %dma_wait3A_40] : memref<160000x128xf32, #tpu.memory_space<hbm>> -> memref<40x128xf32, #tpu.memory_space<hbm>>
    %dma_wait3A_42 = arith.constant 0 : i32
    %dma_wait3A_43 = tpu.memref_slice %arg5[%add3A_39, %dma_wait3A_42] : memref<160000x128xf32, #tpu.memory_space<hbm>> -> memref<40x128xf32, #tpu.memory_space<hbm>>
    tpu.wait_dma2 semaphore(%arg24 : memref<!tpu.dma_semaphore, #tpu.memory_space<semaphore_mem>>) src(%arg9 : memref<40x128xf32, #tpu.memory_space<vmem>>) dst(%dma_wait3A_43 : memref<40x128xf32, #tpu.memory_space<hbm>>)
    %dma_wait3A_44 = arith.constant 0 : i32
    %dma_wait3A_45 = tpu.memref_slice %arg6[%add3A_39, %dma_wait3A_44] : memref<160000x128xf32, #tpu.memory_space<hbm>> -> memref<40x128xf32, #tpu.memory_space<hbm>>
    %dma_wait3A_46 = arith.constant 0 : i32
    %dma_wait3A_47 = tpu.memref_slice %arg6[%add3A_39, %dma_wait3A_46] : memref<160000x128xf32, #tpu.memory_space<hbm>> -> memref<40x128xf32, #tpu.memory_space<hbm>>
    tpu.wait_dma2 semaphore(%arg24 : memref<!tpu.dma_semaphore, #tpu.memory_space<semaphore_mem>>) src(%arg14 : memref<40x128xf32, #tpu.memory_space<vmem>>) dst(%dma_wait3A_47 : memref<40x128xf32, #tpu.memory_space<hbm>>)
    %add3A_48 = arith.constant 4840 : i32
    %add3A_49 = arith.addi %mul3A_2, %add3A_48 : i32
    %dma_wait3A_50 = arith.constant 0 : i32
    %dma_wait3A_51 = tpu.memref_slice %arg5[%add3A_49, %dma_wait3A_50] : memref<160000x128xf32, #tpu.memory_space<hbm>> -> memref<40x128xf32, #tpu.memory_space<hbm>>
    %dma_wait3A_52 = arith.constant 0 : i32
    %dma_wait3A_53 = tpu.memref_slice %arg5[%add3A_49, %dma_wait3A_52] : memref<160000x128xf32, #tpu.memory_space<hbm>> -> memref<40x128xf32, #tpu.memory_space<hbm>>
    tpu.wait_dma2 semaphore(%arg25 : memref<!tpu.dma_semaphore, #tpu.memory_space<semaphore_mem>>) src(%arg10 : memref<40x128xf32, #tpu.memory_space<vmem>>) dst(%dma_wait3A_53 : memref<40x128xf32, #tpu.memory_space<hbm>>)
    %dma_wait3A_54 = arith.constant 0 : i32
    %dma_wait3A_55 = tpu.memref_slice %arg6[%add3A_49, %dma_wait3A_54] : memref<160000x128xf32, #tpu.memory_space<hbm>> -> memref<40x128xf32, #tpu.memory_space<hbm>>
    %dma_wait3A_56 = arith.constant 0 : i32
    %dma_wait3A_57 = tpu.memref_slice %arg6[%add3A_49, %dma_wait3A_56] : memref<160000x128xf32, #tpu.memory_space<hbm>> -> memref<40x128xf32, #tpu.memory_space<hbm>>
    tpu.wait_dma2 semaphore(%arg25 : memref<!tpu.dma_semaphore, #tpu.memory_space<semaphore_mem>>) src(%arg15 : memref<40x128xf32, #tpu.memory_space<vmem>>) dst(%dma_wait3A_57 : memref<40x128xf32, #tpu.memory_space<hbm>>)
    %add3A_58 = arith.constant 4880 : i32
    %add3A_59 = arith.addi %mul3A_2, %add3A_58 : i32
    %dma_wait3A_60 = arith.constant 0 : i32
    %dma_wait3A_61 = tpu.memref_slice %arg5[%add3A_59, %dma_wait3A_60] : memref<160000x128xf32, #tpu.memory_space<hbm>> -> memref<40x128xf32, #tpu.memory_space<hbm>>
    %dma_wait3A_62 = arith.constant 0 : i32
    %dma_wait3A_63 = tpu.memref_slice %arg5[%add3A_59, %dma_wait3A_62] : memref<160000x128xf32, #tpu.memory_space<hbm>> -> memref<40x128xf32, #tpu.memory_space<hbm>>
    tpu.wait_dma2 semaphore(%arg26 : memref<!tpu.dma_semaphore, #tpu.memory_space<semaphore_mem>>) src(%arg11 : memref<40x128xf32, #tpu.memory_space<vmem>>) dst(%dma_wait3A_63 : memref<40x128xf32, #tpu.memory_space<hbm>>)
    %dma_wait3A_64 = arith.constant 0 : i32
    %dma_wait3A_65 = tpu.memref_slice %arg6[%add3A_59, %dma_wait3A_64] : memref<160000x128xf32, #tpu.memory_space<hbm>> -> memref<40x128xf32, #tpu.memory_space<hbm>>
    %dma_wait3A_66 = arith.constant 0 : i32
    %dma_wait3A_67 = tpu.memref_slice %arg6[%add3A_59, %dma_wait3A_66] : memref<160000x128xf32, #tpu.memory_space<hbm>> -> memref<40x128xf32, #tpu.memory_space<hbm>>
    tpu.wait_dma2 semaphore(%arg26 : memref<!tpu.dma_semaphore, #tpu.memory_space<semaphore_mem>>) src(%arg16 : memref<40x128xf32, #tpu.memory_space<vmem>>) dst(%dma_wait3A_67 : memref<40x128xf32, #tpu.memory_space<hbm>>)
    %add3A_68 = arith.constant 4920 : i32
    %add3A_69 = arith.addi %mul3A_2, %add3A_68 : i32
    %dma_wait3A_70 = arith.constant 0 : i32
    %dma_wait3A_71 = tpu.memref_slice %arg5[%add3A_69, %dma_wait3A_70] : memref<160000x128xf32, #tpu.memory_space<hbm>> -> memref<40x128xf32, #tpu.memory_space<hbm>>
    %dma_wait3A_72 = arith.constant 0 : i32
    %dma_wait3A_73 = tpu.memref_slice %arg5[%add3A_69, %dma_wait3A_72] : memref<160000x128xf32, #tpu.memory_space<hbm>> -> memref<40x128xf32, #tpu.memory_space<hbm>>
    tpu.wait_dma2 semaphore(%arg27 : memref<!tpu.dma_semaphore, #tpu.memory_space<semaphore_mem>>) src(%arg12 : memref<40x128xf32, #tpu.memory_space<vmem>>) dst(%dma_wait3A_73 : memref<40x128xf32, #tpu.memory_space<hbm>>)
    %dma_wait3A_74 = arith.constant 0 : i32
    %dma_wait3A_75 = tpu.memref_slice %arg6[%add3A_69, %dma_wait3A_74] : memref<160000x128xf32, #tpu.memory_space<hbm>> -> memref<40x128xf32, #tpu.memory_space<hbm>>
    %dma_wait3A_76 = arith.constant 0 : i32
    %dma_wait3A_77 = tpu.memref_slice %arg6[%add3A_69, %dma_wait3A_76] : memref<160000x128xf32, #tpu.memory_space<hbm>> -> memref<40x128xf32, #tpu.memory_space<hbm>>
    tpu.wait_dma2 semaphore(%arg27 : memref<!tpu.dma_semaphore, #tpu.memory_space<semaphore_mem>>) src(%arg17 : memref<40x128xf32, #tpu.memory_space<vmem>>) dst(%dma_wait3A_77 : memref<40x128xf32, #tpu.memory_space<hbm>>)
    %add3A_78 = arith.constant 4960 : i32
    %add3A_79 = arith.addi %mul3A_2, %add3A_78 : i32
    %dma_wait3A_80 = arith.constant 0 : i32
    %dma_wait3A_81 = tpu.memref_slice %arg5[%add3A_79, %dma_wait3A_80] : memref<160000x128xf32, #tpu.memory_space<hbm>> -> memref<40x128xf32, #tpu.memory_space<hbm>>
    %dma_wait3A_82 = arith.constant 0 : i32
    %dma_wait3A_83 = tpu.memref_slice %arg5[%add3A_79, %dma_wait3A_82] : memref<160000x128xf32, #tpu.memory_space<hbm>> -> memref<40x128xf32, #tpu.memory_space<hbm>>
    tpu.wait_dma2 semaphore(%arg28 : memref<!tpu.dma_semaphore, #tpu.memory_space<semaphore_mem>>) src(%arg13 : memref<40x128xf32, #tpu.memory_space<vmem>>) dst(%dma_wait3A_83 : memref<40x128xf32, #tpu.memory_space<hbm>>)
    %dma_wait3A_84 = arith.constant 0 : i32
    %dma_wait3A_85 = tpu.memref_slice %arg6[%add3A_79, %dma_wait3A_84] : memref<160000x128xf32, #tpu.memory_space<hbm>> -> memref<40x128xf32, #tpu.memory_space<hbm>>
    %dma_wait3A_86 = arith.constant 0 : i32
    %dma_wait3A_87 = tpu.memref_slice %arg6[%add3A_79, %dma_wait3A_86] : memref<160000x128xf32, #tpu.memory_space<hbm>> -> memref<40x128xf32, #tpu.memory_space<hbm>>
    tpu.wait_dma2 semaphore(%arg28 : memref<!tpu.dma_semaphore, #tpu.memory_space<semaphore_mem>>) src(%arg18 : memref<40x128xf32, #tpu.memory_space<vmem>>) dst(%dma_wait3A_87 : memref<40x128xf32, #tpu.memory_space<hbm>>)
    return
  }
}

module attributes {stable_mosaic.version = 14 : i64} {
  func.func @_prep_body(%arg0: memref<10000x92xf32, #tpu.memory_space<vmem>>, %arg1: memref<92x128xf32, #tpu.memory_space<vmem>>, %arg2: memref<1x128xf32, #tpu.memory_space<vmem>>, %arg3: memref<10000x128xf32, #tpu.memory_space<vmem>>) attributes {dimension_semantics = [], scalar_prefetch = 0 : i64, scratch_operands = 0 : i64, tpu.core_type = #tpu.core_type<tc>} {
    %get3A = arith.constant 0 : index
    %get3A_0 = arith.constant 0 : index
    %get3A_1 = vector.load %arg0[%get3A, %get3A_0] : memref<10000x92xf32, #tpu.memory_space<vmem>>, vector<10000x92xf32>
    %get3A_2 = arith.constant 0 : index
    %get3A_3 = arith.constant 0 : index
    %get3A_4 = vector.load %arg1[%get3A_2, %get3A_3] : memref<92x128xf32, #tpu.memory_space<vmem>>, vector<92x128xf32>
    %dot_general3A = arith.constant dense<0.000000e+00> : vector<10000x128xf32>
    %dot_general3A_5 = tpu.matmul %get3A_1, %get3A_4, %dot_general3A {dimension_numbers = #tpu.dot_dimension_numbers<[1], [0], [0], [1], [0, 0, 1, 1], [], []>, transpose_lhs_hint = false} : vector<10000x92xf32>, vector<92x128xf32>, vector<10000x128xf32> -> vector<10000x128xf32>
    %get3A_6 = arith.constant 0 : index
    %get3A_7 = arith.constant 0 : index
    %get3A_8 = vector.load %arg2[%get3A_6, %get3A_7] : memref<1x128xf32, #tpu.memory_space<vmem>>, vector<1x128xf32>
    %add3A = vector.broadcast %get3A_8 : vector<1x128xf32> to vector<10000x128xf32>
    %add3A_9 = arith.addf %dot_general3A_5, %add3A : vector<10000x128xf32>
    %swap3A = arith.constant 0 : index
    %swap3A_10 = arith.constant 0 : index
    %swap3A_11 = vector.load %arg3[%swap3A, %swap3A_10] : memref<10000x128xf32, #tpu.memory_space<vmem>>, vector<10000x128xf32>
    tpu.vector_store %arg3[%swap3A, %swap3A_10], %add3A_9 {strides = array<i32>} : memref<10000x128xf32, #tpu.memory_space<vmem>>, vector<10000x128xf32>,
    return
  }
}

module attributes {stable_mosaic.version = 14 : i64} {
  func.func @_stats_body(%arg0: i32, %arg1: memref<1x1x8000xf32, #tpu.memory_space<vmem>>, %arg2: memref<8000x128xf32, #tpu.memory_space<vmem>>, %arg3: memref<8000x128xf32, #tpu.memory_space<vmem>>, %arg4: memref<384x128xf32, #tpu.memory_space<vmem>>, %arg5: memref<1x128xf32, #tpu.memory_space<vmem>>, %arg6: memref<384x128xf32, #tpu.memory_space<vmem>>, %arg7: memref<1x128xf32, #tpu.memory_space<vmem>>, %arg8: memref<32x128xf32, #tpu.memory_space<vmem>>, %arg9: memref<1x128xf32, #tpu.memory_space<vmem>>, %arg10: memref<4x128xf32, #tpu.memory_space<vmem>>) attributes {dimension_semantics = [#tpu.dimension_semantics<arbitrary>], iteration_bounds = array<i64: 20>, scalar_prefetch = 0 : i64, scratch_operands = 0 : i64, tpu.core_type = #tpu.core_type<tc>, window_params = [{transform_indices = @transform_0, window_bounds = array<i64: 1, 1, 8000>}, {transform_indices = @transform_1, window_bounds = array<i64: 8000, 128>}, {transform_indices = @transform_2, window_bounds = array<i64: 8000, 128>}, {pipeline_mode = #tpu.pipeline_mode<synchronous>, transform_indices = @transform_3, window_bounds = array<i64: 384, 128>}, {pipeline_mode = #tpu.pipeline_mode<synchronous>, transform_indices = @transform_4, window_bounds = array<i64: 1, 128>}, {pipeline_mode = #tpu.pipeline_mode<synchronous>, transform_indices = @transform_5, window_bounds = array<i64: 384, 128>}, {pipeline_mode = #tpu.pipeline_mode<synchronous>, transform_indices = @transform_6, window_bounds = array<i64: 1, 128>}, {pipeline_mode = #tpu.pipeline_mode<synchronous>, transform_indices = @transform_7, window_bounds = array<i64: 32, 128>}, {pipeline_mode = #tpu.pipeline_mode<synchronous>, transform_indices = @transform_8, window_bounds = array<i64: 1, 128>}, {pipeline_mode = #tpu.pipeline_mode<synchronous>, transform_indices = @transform_9, window_bounds = array<i64: 4, 128>}]} {
    %get3A = arith.constant 0 : index
    %get3A_0 = arith.constant 0 : index
    %get3A_1 = arith.constant 0 : index
    %get3A_2 = vector.load %arg1[%get3A, %get3A_0, %get3A_1] : memref<1x1x8000xf32, #tpu.memory_space<vmem>>, vector<1x1x8000xf32>
    %get3A_3 = vector.shape_cast %get3A_2 : vector<1x1x8000xf32> to vector<8000xf32>
    %get3A_4 = arith.constant 0 : index
    %get3A_5 = arith.constant 0 : index
    %get3A_6 = vector.load %arg2[%get3A_4, %get3A_5] : memref<8000x128xf32, #tpu.memory_space<vmem>>, vector<8000x128xf32>
    %get3A_7 = arith.constant 0 : index
    %get3A_8 = arith.constant 0 : index
    %get3A_9 = vector.load %arg3[%get3A_7, %get3A_8] : memref<8000x128xf32, #tpu.memory_space<vmem>>, vector<8000x128xf32>
    %get3A_10 = arith.constant 0 : index
    %get3A_11 = arith.constant 0 : index
    %get3A_12 = vector.load %arg4[%get3A_10, %get3A_11] : memref<384x128xf32, #tpu.memory_space<vmem>>, vector<384x128xf32>
    %get3A_13 = arith.constant 0 : index
    %get3A_14 = arith.constant 0 : index
    %get3A_15 = vector.load %arg5[%get3A_13, %get3A_14] : memref<1x128xf32, #tpu.memory_space<vmem>>, vector<1x128xf32>
    %get3A_16 = arith.constant 0 : index
    %get3A_17 = arith.constant 0 : index
    %get3A_18 = vector.load %arg6[%get3A_16, %get3A_17] : memref<384x128xf32, #tpu.memory_space<vmem>>, vector<384x128xf32>
    %get3A_19 = arith.constant 0 : index
    %get3A_20 = arith.constant 0 : index
    %get3A_21 = vector.load %arg7[%get3A_19, %get3A_20] : memref<1x128xf32, #tpu.memory_space<vmem>>, vector<1x128xf32>
    %get3A_22 = arith.constant 0 : index
    %get3A_23 = arith.constant 0 : index
    %get3A_24 = vector.load %arg8[%get3A_22, %get3A_23] : memref<32x128xf32, #tpu.memory_space<vmem>>, vector<32x128xf32>
    %get3A_25 = arith.constant 0 : index
    %get3A_26 = arith.constant 0 : index
    %get3A_27 = vector.load %arg9[%get3A_25, %get3A_26] : memref<1x128xf32, #tpu.memory_space<vmem>>, vector<1x128xf32>
    %iota3A = tpu.iota {dimensions = array<i32: 1>} : vector<1x32xi32>
    %convert_element_type3A = arith.sitofp %iota3A : vector<1x32xi32> to vector<1x32xf32>
    %mul3A = arith.constant 0.258064508 : f32
    %mul3A_28 = vector.broadcast %mul3A : f32 to vector<1x32xf32>
    %mul3A_29 = arith.mulf %convert_element_type3A, %mul3A_28 : vector<1x32xf32>
    %broadcast_in_dim3A = vector.shape_cast %get3A_3 : vector<8000xf32> to vector<8000x1xf32>
    %sub3A = vector.broadcast %broadcast_in_dim3A : vector<8000x1xf32> to vector<8000x32xf32>
    %sub3A_30 = vector.broadcast %mul3A_29 : vector<1x32xf32> to vector<8000x32xf32>
    %sub3A_31 = arith.subf %sub3A, %sub3A_30 : vector<8000x32xf32>
    %integer_pow3A = arith.mulf %sub3A_31, %sub3A_31 : vector<8000x32xf32>
    %mul3A_32 = arith.constant -3.875000e+00 : f32
    %mul3A_33 = vector.broadcast %mul3A_32 : f32 to vector<8000x32xf32>
    %mul3A_34 = arith.mulf %mul3A_33, %integer_pow3A : vector<8000x32xf32>
    %exp3A = math.exp %mul3A_34 : vector<8000x32xf32>
    %slice3A = vector.extract_strided_slice %get3A_12 {offsets = [0, 0], sizes = [128, 128], strides = [1, 1]} : vector<384x128xf32> to vector<128x128xf32>
    %slice3A_35 = vector.extract_strided_slice %get3A_12 {offsets = [128, 0], sizes = [128, 128], strides = [1, 1]} : vector<384x128xf32> to vector<128x128xf32>
    %slice3A_36 = vector.extract_strided_slice %get3A_12 {offsets = [256, 0], sizes = [128, 128], strides = [1, 1]} : vector<384x128xf32> to vector<128x128xf32>
    %slice3A_37 = vector.extract_strided_slice %get3A_18 {offsets = [0, 0], sizes = [128, 128], strides = [1, 1]} : vector<384x128xf32> to vector<128x128xf32>
    %slice3A_38 = vector.extract_strided_slice %get3A_18 {offsets = [128, 0], sizes = [128, 128], strides = [1, 1]} : vector<384x128xf32> to vector<128x128xf32>
    %slice3A_39 = vector.extract_strided_slice %get3A_18 {offsets = [256, 0], sizes = [128, 128], strides = [1, 1]} : vector<384x128xf32> to vector<128x128xf32>
    %dot_general3A = arith.constant dense<0.000000e+00> : vector<32x128xf32>
    %dot_general3A_40 = tpu.matmul %get3A_24, %slice3A_36, %dot_general3A {dimension_numbers = #tpu.dot_dimension_numbers<[1], [0], [0], [1], [0, 0, 1, 1], [], []>, transpose_lhs_hint = false} : vector<32x128xf32>, vector<128x128xf32>, vector<32x128xf32> -> vector<32x128xf32>
    %dot_general3A_41 = arith.constant dense<0.000000e+00> : vector<32x128xf32>
    %dot_general3A_42 = tpu.matmul %get3A_24, %slice3A_39, %dot_general3A_41 {dimension_numbers = #tpu.dot_dimension_numbers<[1], [0], [0], [1], [0, 0, 1, 1], [], []>, transpose_lhs_hint = false} : vector<32x128xf32>, vector<128x128xf32>, vector<32x128xf32> -> vector<32x128xf32>
    %dot_general3A_43 = arith.constant dense<0.000000e+00> : vector<1x128xf32>
    %dot_general3A_44 = tpu.matmul %get3A_27, %slice3A_36, %dot_general3A_43 {dimension_numbers = #tpu.dot_dimension_numbers<[1], [0], [0], [1], [0, 0, 1, 1], [], []>, transpose_lhs_hint = false} : vector<1x128xf32>, vector<128x128xf32>, vector<1x128xf32> -> vector<1x128xf32>
    %add3A = arith.addf %get3A_15, %dot_general3A_44 : vector<1x128xf32>
    %dot_general3A_45 = arith.constant dense<0.000000e+00> : vector<1x128xf32>
    %dot_general3A_46 = tpu.matmul %get3A_27, %slice3A_39, %dot_general3A_45 {dimension_numbers = #tpu.dot_dimension_numbers<[1], [0], [0], [1], [0, 0, 1, 1], [], []>, transpose_lhs_hint = false} : vector<1x128xf32>, vector<128x128xf32>, vector<1x128xf32> -> vector<1x128xf32>
    %add3A_47 = arith.addf %get3A_21, %dot_general3A_46 : vector<1x128xf32>
    %dot_general3A_48 = arith.constant dense<0.000000e+00> : vector<8000x128xf32>
    %dot_general3A_49 = tpu.matmul %get3A_6, %slice3A, %dot_general3A_48 {dimension_numbers = #tpu.dot_dimension_numbers<[1], [0], [0], [1], [0, 0, 1, 1], [], []>, transpose_lhs_hint = false} : vector<8000x128xf32>, vector<128x128xf32>, vector<8000x128xf32> -> vector<8000x128xf32>
    %dot_general3A_50 = arith.constant dense<0.000000e+00> : vector<8000x128xf32>
    %dot_general3A_51 = tpu.matmul %get3A_9, %slice3A_35, %dot_general3A_50 {dimension_numbers = #tpu.dot_dimension_numbers<[1], [0], [0], [1], [0, 0, 1, 1], [], []>, transpose_lhs_hint = false} : vector<8000x128xf32>, vector<128x128xf32>, vector<8000x128xf32> -> vector<8000x128xf32>
    %add3A_52 = arith.addf %dot_general3A_49, %dot_general3A_51 : vector<8000x128xf32>
    %dot_general3A_53 = arith.constant dense<0.000000e+00> : vector<8000x128xf32>
    %dot_general3A_54 = tpu.matmul %exp3A, %dot_general3A_40, %dot_general3A_53 {dimension_numbers = #tpu.dot_dimension_numbers<[1], [0], [0], [1], [0, 0, 1, 1], [], []>, transpose_lhs_hint = false} : vector<8000x32xf32>, vector<32x128xf32>, vector<8000x128xf32> -> vector<8000x128xf32>
    %add3A_55 = arith.addf %add3A_52, %dot_general3A_54 : vector<8000x128xf32>
    %add3A_56 = vector.broadcast %add3A : vector<1x128xf32> to vector<8000x128xf32>
    %add3A_57 = arith.addf %add3A_55, %add3A_56 : vector<8000x128xf32>
    %dot_general3A_58 = arith.constant dense<0.000000e+00> : vector<8000x128xf32>
    %dot_general3A_59 = tpu.matmul %get3A_6, %slice3A_37, %dot_general3A_58 {dimension_numbers = #tpu.dot_dimension_numbers<[1], [0], [0], [1], [0, 0, 1, 1], [], []>, transpose_lhs_hint = false} : vector<8000x128xf32>, vector<128x128xf32>, vector<8000x128xf32> -> vector<8000x128xf32>
    %dot_general3A_60 = arith.constant dense<0.000000e+00> : vector<8000x128xf32>
    %dot_general3A_61 = tpu.matmul %get3A_9, %slice3A_38, %dot_general3A_60 {dimension_numbers = #tpu.dot_dimension_numbers<[1], [0], [0], [1], [0, 0, 1, 1], [], []>, transpose_lhs_hint = false} : vector<8000x128xf32>, vector<128x128xf32>, vector<8000x128xf32> -> vector<8000x128xf32>
    %add3A_62 = arith.addf %dot_general3A_59, %dot_general3A_61 : vector<8000x128xf32>
    %dot_general3A_63 = arith.constant dense<0.000000e+00> : vector<8000x128xf32>
    %dot_general3A_64 = tpu.matmul %exp3A, %dot_general3A_42, %dot_general3A_63 {dimension_numbers = #tpu.dot_dimension_numbers<[1], [0], [0], [1], [0, 0, 1, 1], [], []>, transpose_lhs_hint = false} : vector<8000x32xf32>, vector<32x128xf32>, vector<8000x128xf32> -> vector<8000x128xf32>
    %add3A_65 = arith.addf %add3A_62, %dot_general3A_64 : vector<8000x128xf32>
    %add3A_66 = vector.broadcast %add3A_47 : vector<1x128xf32> to vector<8000x128xf32>
    %add3A_67 = arith.addf %add3A_65, %add3A_66 : vector<8000x128xf32>
    %reduce_sum3A = arith.constant dense<0.000000e+00> : vector<128xf32>
    %reduce_sum3A_68 = vector.multi_reduction <add>, %add3A_57, %reduce_sum3A [0] : vector<8000x128xf32> to vector<128xf32>
    %mul3A_69 = arith.mulf %add3A_57, %add3A_57 : vector<8000x128xf32>
    %reduce_sum3A_70 = arith.constant dense<0.000000e+00> : vector<128xf32>
    %reduce_sum3A_71 = vector.multi_reduction <add>, %mul3A_69, %reduce_sum3A_70 [0] : vector<8000x128xf32> to vector<128xf32>
    %reduce_sum3A_72 = arith.constant dense<0.000000e+00> : vector<128xf32>
    %reduce_sum3A_73 = vector.multi_reduction <add>, %add3A_67, %reduce_sum3A_72 [0] : vector<8000x128xf32> to vector<128xf32>
    %mul3A_74 = arith.mulf %add3A_67, %add3A_67 : vector<8000x128xf32>
    %reduce_sum3A_75 = arith.constant dense<0.000000e+00> : vector<128xf32>
    %reduce_sum3A_76 = vector.multi_reduction <add>, %mul3A_74, %reduce_sum3A_75 [0] : vector<8000x128xf32> to vector<128xf32>
    %stack3A = vector.shape_cast %reduce_sum3A_68 : vector<128xf32> to vector<1x128xf32>
    %stack3A_77 = vector.shape_cast %reduce_sum3A_71 : vector<128xf32> to vector<1x128xf32>
    %stack3A_78 = vector.shape_cast %reduce_sum3A_73 : vector<128xf32> to vector<1x128xf32>
    %stack3A_79 = vector.shape_cast %reduce_sum3A_76 : vector<128xf32> to vector<1x128xf32>
    %stack3A_80 = tpu.concatenate %stack3A, %stack3A_77, %stack3A_78, %stack3A_79 in 0 : vector<1x128xf32>, vector<1x128xf32>, vector<1x128xf32>, vector<1x128xf32> -> vector<4x128xf32>
    %eq3A = arith.constant 0 : i32
    %eq3A_81 = arith.cmpi eq, %arg0, %eq3A : i32
    %convert_element_type3A_82 = arith.extui %eq3A_81 : i1 to i32
    %cond3A = arith.constant 0 : i32
    %cond3A_83 = arith.cmpi ne, %convert_element_type3A_82, %cond3A : i32
    scf.if %cond3A_83 {
      %broadcast_in_dim3A_90 = arith.constant 0.000000e+00 : f32
      %broadcast_in_dim3A_91 = vector.broadcast %broadcast_in_dim3A_90 : f32 to vector<4x128xf32>
      %swap3A_92 = arith.constant 0 : index
      %swap3A_93 = arith.constant 0 : index
      %swap3A_94 = vector.load %arg10[%swap3A_92, %swap3A_93] : memref<4x128xf32, #tpu.memory_space<vmem>>, vector<4x128xf32>
      tpu.vector_store %arg10[%swap3A_92, %swap3A_93], %broadcast_in_dim3A_91 {strides = array<i32>} : memref<4x128xf32, #tpu.memory_space<vmem>>, vector<4x128xf32>,
    } else {
    }
    %get3A_84 = arith.constant 0 : index
    %get3A_85 = arith.constant 0 : index
    %get3A_86 = vector.load %arg10[%get3A_84, %get3A_85] : memref<4x128xf32, #tpu.memory_space<vmem>>, vector<4x128xf32>
    %add3A_87 = arith.addf %get3A_86, %stack3A_80 : vector<4x128xf32>
    %swap3A = arith.constant 0 : index
    %swap3A_88 = arith.constant 0 : index
    %swap3A_89 = vector.load %arg10[%swap3A, %swap3A_88] : memref<4x128xf32, #tpu.memory_space<vmem>>, vector<4x128xf32>
    tpu.vector_store %arg10[%swap3A, %swap3A_88], %add3A_87 {strides = array<i32>} : memref<4x128xf32, #tpu.memory_space<vmem>>, vector<4x128xf32>,
    return
  }
  func.func @transform_0(%arg0: i32) -> (i32, i32, i32) {
    %c0_i32 = arith.constant 0 : i32
    %c0_i32_0 = arith.constant 0 : i32
    %c0_i32_1 = arith.constant 0 : i32
    return %arg0, %c0_i32, %c0_i32_0 : i32, i32, i32
  }
  func.func @transform_1(%arg0: i32) -> (i32, i32) {
    %c0_i32 = arith.constant 0 : i32
    %c0_i32_0 = arith.constant 0 : i32
    return %arg0, %c0_i32 : i32, i32
  }
  func.func @transform_2(%arg0: i32) -> (i32, i32) {
    %c0_i32 = arith.constant 0 : i32
    %c0_i32_0 = arith.constant 0 : i32
    return %arg0, %c0_i32 : i32, i32
  }
  func.func @transform_3(%arg0: i32) -> (i32, i32) {
    %c0_i32 = arith.constant 0 : i32
    %c0_i32_0 = arith.constant 0 : i32
    %c0_i32_1 = arith.constant 0 : i32
    return %c0_i32, %c0_i32_0 : i32, i32
  }
  func.func @transform_4(%arg0: i32) -> (i32, i32) {
    %c0_i32 = arith.constant 0 : i32
    %c0_i32_0 = arith.constant 0 : i32
    %c0_i32_1 = arith.constant 0 : i32
    return %c0_i32, %c0_i32_0 : i32, i32
  }
  func.func @transform_5(%arg0: i32) -> (i32, i32) {
    %c0_i32 = arith.constant 0 : i32
    %c0_i32_0 = arith.constant 0 : i32
    %c0_i32_1 = arith.constant 0 : i32
    return %c0_i32, %c0_i32_0 : i32, i32
  }
  func.func @transform_6(%arg0: i32) -> (i32, i32) {
    %c0_i32 = arith.constant 0 : i32
    %c0_i32_0 = arith.constant 0 : i32
    %c0_i32_1 = arith.constant 0 : i32
    return %c0_i32, %c0_i32_0 : i32, i32
  }
  func.func @transform_7(%arg0: i32) -> (i32, i32) {
    %c0_i32 = arith.constant 0 : i32
    %c0_i32_0 = arith.constant 0 : i32
    %c0_i32_1 = arith.constant 0 : i32
    return %c0_i32, %c0_i32_0 : i32, i32
  }
  func.func @transform_8(%arg0: i32) -> (i32, i32) {
    %c0_i32 = arith.constant 0 : i32
    %c0_i32_0 = arith.constant 0 : i32
    %c0_i32_1 = arith.constant 0 : i32
    return %c0_i32, %c0_i32_0 : i32, i32
  }
  func.func @transform_9(%arg0: i32) -> (i32, i32) {
    %c0_i32 = arith.constant 0 : i32
    %c0_i32_0 = arith.constant 0 : i32
    %c0_i32_1 = arith.constant 0 : i32
    return %c0_i32, %c0_i32_0 : i32, i32
  }
}

module attributes {stable_mosaic.version = 14 : i64} {
  func.func @_m_body(%arg0: i32, %arg1: memref<1x1x8000xf32, #tpu.memory_space<vmem>>, %arg2: memref<8000x128xf32, #tpu.memory_space<vmem>>, %arg3: memref<8000x128xf32, #tpu.memory_space<vmem>>, %arg4: memref<4x128xf32, #tpu.memory_space<vmem>>, %arg5: memref<4x128xf32, #tpu.memory_space<vmem>>, %arg6: memref<384x128xf32, #tpu.memory_space<vmem>>, %arg7: memref<1x128xf32, #tpu.memory_space<vmem>>, %arg8: memref<384x128xf32, #tpu.memory_space<vmem>>, %arg9: memref<1x128xf32, #tpu.memory_space<vmem>>, %arg10: memref<32x128xf32, #tpu.memory_space<vmem>>, %arg11: memref<1x128xf32, #tpu.memory_space<vmem>>, %arg12: memref<1x128xf32, #tpu.memory_space<vmem>>, %arg13: memref<1x128xf32, #tpu.memory_space<vmem>>, %arg14: memref<1x128xf32, #tpu.memory_space<vmem>>, %arg15: memref<1x128xf32, #tpu.memory_space<vmem>>, %arg16: memref<8000x128xf32, #tpu.memory_space<vmem>>) attributes {dimension_semantics = [#tpu.dimension_semantics<arbitrary>], iteration_bounds = array<i64: 20>, scalar_prefetch = 0 : i64, scratch_operands = 0 : i64, tpu.core_type = #tpu.core_type<tc>, window_params = [{transform_indices = @transform_0, window_bounds = array<i64: 1, 1, 8000>}, {transform_indices = @transform_1, window_bounds = array<i64: 8000, 128>}, {transform_indices = @transform_2, window_bounds = array<i64: 8000, 128>}, {pipeline_mode = #tpu.pipeline_mode<synchronous>, transform_indices = @transform_3, window_bounds = array<i64: 4, 128>}, {pipeline_mode = #tpu.pipeline_mode<synchronous>, transform_indices = @transform_4, window_bounds = array<i64: 4, 128>}, {pipeline_mode = #tpu.pipeline_mode<synchronous>, transform_indices = @transform_5, window_bounds = array<i64: 384, 128>}, {pipeline_mode = #tpu.pipeline_mode<synchronous>, transform_indices = @transform_6, window_bounds = array<i64: 1, 128>}, {pipeline_mode = #tpu.pipeline_mode<synchronous>, transform_indices = @transform_7, window_bounds = array<i64: 384, 128>}, {pipeline_mode = #tpu.pipeline_mode<synchronous>, transform_indices = @transform_8, window_bounds = array<i64: 1, 128>}, {pipeline_mode = #tpu.pipeline_mode<synchronous>, transform_indices = @transform_9, window_bounds = array<i64: 32, 128>}, {pipeline_mode = #tpu.pipeline_mode<synchronous>, transform_indices = @transform_10, window_bounds = array<i64: 1, 128>}, {pipeline_mode = #tpu.pipeline_mode<synchronous>, transform_indices = @transform_11, window_bounds = array<i64: 1, 128>}, {pipeline_mode = #tpu.pipeline_mode<synchronous>, transform_indices = @transform_12, window_bounds = array<i64: 1, 128>}, {pipeline_mode = #tpu.pipeline_mode<synchronous>, transform_indices = @transform_13, window_bounds = array<i64: 1, 128>}, {pipeline_mode = #tpu.pipeline_mode<synchronous>, transform_indices = @transform_14, window_bounds = array<i64: 1, 128>}, {transform_indices = @transform_15, window_bounds = array<i64: 8000, 128>}]} {
    %get3A = arith.constant 0 : index
    %get3A_0 = arith.constant 0 : index
    %get3A_1 = arith.constant 0 : index
    %get3A_2 = vector.load %arg1[%get3A, %get3A_0, %get3A_1] : memref<1x1x8000xf32, #tpu.memory_space<vmem>>, vector<1x1x8000xf32>
    %get3A_3 = vector.shape_cast %get3A_2 : vector<1x1x8000xf32> to vector<8000xf32>
    %get3A_4 = arith.constant 0 : index
    %get3A_5 = arith.constant 0 : index
    %get3A_6 = vector.load %arg2[%get3A_4, %get3A_5] : memref<8000x128xf32, #tpu.memory_space<vmem>>, vector<8000x128xf32>
    %get3A_7 = arith.constant 0 : index
    %get3A_8 = arith.constant 0 : index
    %get3A_9 = vector.load %arg3[%get3A_7, %get3A_8] : memref<8000x128xf32, #tpu.memory_space<vmem>>, vector<8000x128xf32>
    %get3A_10 = arith.constant 0 : index
    %get3A_11 = arith.constant 0 : index
    %get3A_12 = vector.load %arg6[%get3A_10, %get3A_11] : memref<384x128xf32, #tpu.memory_space<vmem>>, vector<384x128xf32>
    %get3A_13 = arith.constant 0 : index
    %get3A_14 = arith.constant 0 : index
    %get3A_15 = vector.load %arg7[%get3A_13, %get3A_14] : memref<1x128xf32, #tpu.memory_space<vmem>>, vector<1x128xf32>
    %get3A_16 = arith.constant 0 : index
    %get3A_17 = arith.constant 0 : index
    %get3A_18 = vector.load %arg8[%get3A_16, %get3A_17] : memref<384x128xf32, #tpu.memory_space<vmem>>, vector<384x128xf32>
    %get3A_19 = arith.constant 0 : index
    %get3A_20 = arith.constant 0 : index
    %get3A_21 = vector.load %arg9[%get3A_19, %get3A_20] : memref<1x128xf32, #tpu.memory_space<vmem>>, vector<1x128xf32>
    %get3A_22 = arith.constant 0 : index
    %get3A_23 = arith.constant 0 : index
    %get3A_24 = vector.load %arg10[%get3A_22, %get3A_23] : memref<32x128xf32, #tpu.memory_space<vmem>>, vector<32x128xf32>
    %get3A_25 = arith.constant 0 : index
    %get3A_26 = arith.constant 0 : index
    %get3A_27 = vector.load %arg11[%get3A_25, %get3A_26] : memref<1x128xf32, #tpu.memory_space<vmem>>, vector<1x128xf32>
    %iota3A = tpu.iota {dimensions = array<i32: 1>} : vector<1x32xi32>
    %convert_element_type3A = arith.sitofp %iota3A : vector<1x32xi32> to vector<1x32xf32>
    %mul3A = arith.constant 0.258064508 : f32
    %mul3A_28 = vector.broadcast %mul3A : f32 to vector<1x32xf32>
    %mul3A_29 = arith.mulf %convert_element_type3A, %mul3A_28 : vector<1x32xf32>
    %broadcast_in_dim3A = vector.shape_cast %get3A_3 : vector<8000xf32> to vector<8000x1xf32>
    %sub3A = vector.broadcast %broadcast_in_dim3A : vector<8000x1xf32> to vector<8000x32xf32>
    %sub3A_30 = vector.broadcast %mul3A_29 : vector<1x32xf32> to vector<8000x32xf32>
    %sub3A_31 = arith.subf %sub3A, %sub3A_30 : vector<8000x32xf32>
    %integer_pow3A = arith.mulf %sub3A_31, %sub3A_31 : vector<8000x32xf32>
    %mul3A_32 = arith.constant -3.875000e+00 : f32
    %mul3A_33 = vector.broadcast %mul3A_32 : f32 to vector<8000x32xf32>
    %mul3A_34 = arith.mulf %mul3A_33, %integer_pow3A : vector<8000x32xf32>
    %exp3A = math.exp %mul3A_34 : vector<8000x32xf32>
    %slice3A = vector.extract_strided_slice %get3A_12 {offsets = [0, 0], sizes = [128, 128], strides = [1, 1]} : vector<384x128xf32> to vector<128x128xf32>
    %slice3A_35 = vector.extract_strided_slice %get3A_12 {offsets = [128, 0], sizes = [128, 128], strides = [1, 1]} : vector<384x128xf32> to vector<128x128xf32>
    %slice3A_36 = vector.extract_strided_slice %get3A_12 {offsets = [256, 0], sizes = [128, 128], strides = [1, 1]} : vector<384x128xf32> to vector<128x128xf32>
    %slice3A_37 = vector.extract_strided_slice %get3A_18 {offsets = [0, 0], sizes = [128, 128], strides = [1, 1]} : vector<384x128xf32> to vector<128x128xf32>
    %slice3A_38 = vector.extract_strided_slice %get3A_18 {offsets = [128, 0], sizes = [128, 128], strides = [1, 1]} : vector<384x128xf32> to vector<128x128xf32>
    %slice3A_39 = vector.extract_strided_slice %get3A_18 {offsets = [256, 0], sizes = [128, 128], strides = [1, 1]} : vector<384x128xf32> to vector<128x128xf32>
    %dot_general3A = arith.constant dense<0.000000e+00> : vector<32x128xf32>
    %dot_general3A_40 = tpu.matmul %get3A_24, %slice3A_36, %dot_general3A {dimension_numbers = #tpu.dot_dimension_numbers<[1], [0], [0], [1], [0, 0, 1, 1], [], []>, transpose_lhs_hint = false} : vector<32x128xf32>, vector<128x128xf32>, vector<32x128xf32> -> vector<32x128xf32>
    %dot_general3A_41 = arith.constant dense<0.000000e+00> : vector<32x128xf32>
    %dot_general3A_42 = tpu.matmul %get3A_24, %slice3A_39, %dot_general3A_41 {dimension_numbers = #tpu.dot_dimension_numbers<[1], [0], [0], [1], [0, 0, 1, 1], [], []>, transpose_lhs_hint = false} : vector<32x128xf32>, vector<128x128xf32>, vector<32x128xf32> -> vector<32x128xf32>
    %dot_general3A_43 = arith.constant dense<0.000000e+00> : vector<1x128xf32>
    %dot_general3A_44 = tpu.matmul %get3A_27, %slice3A_36, %dot_general3A_43 {dimension_numbers = #tpu.dot_dimension_numbers<[1], [0], [0], [1], [0, 0, 1, 1], [], []>, transpose_lhs_hint = false} : vector<1x128xf32>, vector<128x128xf32>, vector<1x128xf32> -> vector<1x128xf32>
    %add3A = arith.addf %get3A_15, %dot_general3A_44 : vector<1x128xf32>
    %dot_general3A_45 = arith.constant dense<0.000000e+00> : vector<1x128xf32>
    %dot_general3A_46 = tpu.matmul %get3A_27, %slice3A_39, %dot_general3A_45 {dimension_numbers = #tpu.dot_dimension_numbers<[1], [0], [0], [1], [0, 0, 1, 1], [], []>, transpose_lhs_hint = false} : vector<1x128xf32>, vector<128x128xf32>, vector<1x128xf32> -> vector<1x128xf32>
    %add3A_47 = arith.addf %get3A_21, %dot_general3A_46 : vector<1x128xf32>
    %dot_general3A_48 = arith.constant dense<0.000000e+00> : vector<8000x128xf32>
    %dot_general3A_49 = tpu.matmul %get3A_6, %slice3A, %dot_general3A_48 {dimension_numbers = #tpu.dot_dimension_numbers<[1], [0], [0], [1], [0, 0, 1, 1], [], []>, transpose_lhs_hint = false} : vector<8000x128xf32>, vector<128x128xf32>, vector<8000x128xf32> -> vector<8000x128xf32>
    %dot_general3A_50 = arith.constant dense<0.000000e+00> : vector<8000x128xf32>
    %dot_general3A_51 = tpu.matmul %get3A_9, %slice3A_35, %dot_general3A_50 {dimension_numbers = #tpu.dot_dimension_numbers<[1], [0], [0], [1], [0, 0, 1, 1], [], []>, transpose_lhs_hint = false} : vector<8000x128xf32>, vector<128x128xf32>, vector<8000x128xf32> -> vector<8000x128xf32>
    %add3A_52 = arith.addf %dot_general3A_49, %dot_general3A_51 : vector<8000x128xf32>
    %dot_general3A_53 = arith.constant dense<0.000000e+00> : vector<8000x128xf32>
    %dot_general3A_54 = tpu.matmul %exp3A, %dot_general3A_40, %dot_general3A_53 {dimension_numbers = #tpu.dot_dimension_numbers<[1], [0], [0], [1], [0, 0, 1, 1], [], []>, transpose_lhs_hint = false} : vector<8000x32xf32>, vector<32x128xf32>, vector<8000x128xf32> -> vector<8000x128xf32>
    %add3A_55 = arith.addf %add3A_52, %dot_general3A_54 : vector<8000x128xf32>
    %add3A_56 = vector.broadcast %add3A : vector<1x128xf32> to vector<8000x128xf32>
    %add3A_57 = arith.addf %add3A_55, %add3A_56 : vector<8000x128xf32>
    %dot_general3A_58 = arith.constant dense<0.000000e+00> : vector<8000x128xf32>
    %dot_general3A_59 = tpu.matmul %get3A_6, %slice3A_37, %dot_general3A_58 {dimension_numbers = #tpu.dot_dimension_numbers<[1], [0], [0], [1], [0, 0, 1, 1], [], []>, transpose_lhs_hint = false} : vector<8000x128xf32>, vector<128x128xf32>, vector<8000x128xf32> -> vector<8000x128xf32>
    %dot_general3A_60 = arith.constant dense<0.000000e+00> : vector<8000x128xf32>
    %dot_general3A_61 = tpu.matmul %get3A_9, %slice3A_38, %dot_general3A_60 {dimension_numbers = #tpu.dot_dimension_numbers<[1], [0], [0], [1], [0, 0, 1, 1], [], []>, transpose_lhs_hint = false} : vector<8000x128xf32>, vector<128x128xf32>, vector<8000x128xf32> -> vector<8000x128xf32>
    %add3A_62 = arith.addf %dot_general3A_59, %dot_general3A_61 : vector<8000x128xf32>
    %dot_general3A_63 = arith.constant dense<0.000000e+00> : vector<8000x128xf32>
    %dot_general3A_64 = tpu.matmul %exp3A, %dot_general3A_42, %dot_general3A_63 {dimension_numbers = #tpu.dot_dimension_numbers<[1], [0], [0], [1], [0, 0, 1, 1], [], []>, transpose_lhs_hint = false} : vector<8000x32xf32>, vector<32x128xf32>, vector<8000x128xf32> -> vector<8000x128xf32>
    %add3A_65 = arith.addf %add3A_62, %dot_general3A_64 : vector<8000x128xf32>
    %add3A_66 = vector.broadcast %add3A_47 : vector<1x128xf32> to vector<8000x128xf32>
    %add3A_67 = arith.addf %add3A_65, %add3A_66 : vector<8000x128xf32>
    %get3A_68 = arith.constant 0 : index
    %get3A_69 = arith.constant 0 : index
    %get3A_70 = vector.load %arg4[%get3A_68, %get3A_69] : memref<4x128xf32, #tpu.memory_space<vmem>>, vector<4x128xf32>
    %get3A_71 = arith.constant 0 : index
    %get3A_72 = arith.constant 0 : index
    %get3A_73 = vector.load %arg5[%get3A_71, %get3A_72] : memref<4x128xf32, #tpu.memory_space<vmem>>, vector<4x128xf32>
    %add3A_74 = arith.addf %get3A_70, %get3A_73 : vector<4x128xf32>
    %slice3A_75 = vector.extract_strided_slice %add3A_74 {offsets = [0, 0], sizes = [1, 128], strides = [1, 1]} : vector<4x128xf32> to vector<1x128xf32>
    %mul3A_76 = arith.constant 3.125000e-06 : f32
    %mul3A_77 = vector.broadcast %mul3A_76 : f32 to vector<1x128xf32>
    %mul3A_78 = arith.mulf %slice3A_75, %mul3A_77 : vector<1x128xf32>
    %slice3A_79 = vector.extract_strided_slice %add3A_74 {offsets = [1, 0], sizes = [1, 128], strides = [1, 1]} : vector<4x128xf32> to vector<1x128xf32>
    %mul3A_80 = arith.constant 3.125000e-06 : f32
    %mul3A_81 = vector.broadcast %mul3A_80 : f32 to vector<1x128xf32>
    %mul3A_82 = arith.mulf %slice3A_79, %mul3A_81 : vector<1x128xf32>
    %mul3A_83 = arith.mulf %mul3A_78, %mul3A_78 : vector<1x128xf32>
    %sub3A_84 = arith.subf %mul3A_82, %mul3A_83 : vector<1x128xf32>
    %slice3A_85 = vector.extract_strided_slice %add3A_74 {offsets = [2, 0], sizes = [1, 128], strides = [1, 1]} : vector<4x128xf32> to vector<1x128xf32>
    %mul3A_86 = arith.constant 3.125000e-06 : f32
    %mul3A_87 = vector.broadcast %mul3A_86 : f32 to vector<1x128xf32>
    %mul3A_88 = arith.mulf %slice3A_85, %mul3A_87 : vector<1x128xf32>
    %slice3A_89 = vector.extract_strided_slice %add3A_74 {offsets = [3, 0], sizes = [1, 128], strides = [1, 1]} : vector<4x128xf32> to vector<1x128xf32>
    %mul3A_90 = arith.constant 3.125000e-06 : f32
    %mul3A_91 = vector.broadcast %mul3A_90 : f32 to vector<1x128xf32>
    %mul3A_92 = arith.mulf %slice3A_89, %mul3A_91 : vector<1x128xf32>
    %mul3A_93 = arith.mulf %mul3A_88, %mul3A_88 : vector<1x128xf32>
    %sub3A_94 = arith.subf %mul3A_92, %mul3A_93 : vector<1x128xf32>
    %get3A_95 = arith.constant 0 : index
    %get3A_96 = arith.constant 0 : index
    %get3A_97 = vector.load %arg12[%get3A_95, %get3A_96] : memref<1x128xf32, #tpu.memory_space<vmem>>, vector<1x128xf32>
    %add3A_98 = arith.constant 9.99999974E-6 : f32
    %add3A_99 = vector.broadcast %add3A_98 : f32 to vector<1x128xf32>
    %add3A_100 = arith.addf %sub3A_84, %add3A_99 : vector<1x128xf32>
    %rsqrt3A = math.rsqrt %add3A_100 : vector<1x128xf32>
    %mul3A_101 = arith.mulf %get3A_97, %rsqrt3A : vector<1x128xf32>
    %get3A_102 = arith.constant 0 : index
    %get3A_103 = arith.constant 0 : index
    %get3A_104 = vector.load %arg14[%get3A_102, %get3A_103] : memref<1x128xf32, #tpu.memory_space<vmem>>, vector<1x128xf32>
    %add3A_105 = arith.constant 9.99999974E-6 : f32
    %add3A_106 = vector.broadcast %add3A_105 : f32 to vector<1x128xf32>
    %add3A_107 = arith.addf %sub3A_94, %add3A_106 : vector<1x128xf32>
    %rsqrt3A_108 = math.rsqrt %add3A_107 : vector<1x128xf32>
    %mul3A_109 = arith.mulf %get3A_104, %rsqrt3A_108 : vector<1x128xf32>
    %sub3A_110 = vector.broadcast %mul3A_78 : vector<1x128xf32> to vector<8000x128xf32>
    %sub3A_111 = arith.subf %add3A_57, %sub3A_110 : vector<8000x128xf32>
    %mul3A_112 = vector.broadcast %mul3A_101 : vector<1x128xf32> to vector<8000x128xf32>
    %mul3A_113 = arith.mulf %sub3A_111, %mul3A_112 : vector<8000x128xf32>
    %get3A_114 = arith.constant 0 : index
    %get3A_115 = arith.constant 0 : index
    %get3A_116 = vector.load %arg13[%get3A_114, %get3A_115] : memref<1x128xf32, #tpu.memory_space<vmem>>, vector<1x128xf32>
    %add3A_117 = vector.broadcast %get3A_116 : vector<1x128xf32> to vector<8000x128xf32>
    %add3A_118 = arith.addf %mul3A_113, %add3A_117 : vector<8000x128xf32>
    %neg3A = arith.constant 0.000000e+00 : f32
    %neg3A_119 = vector.broadcast %neg3A : f32 to vector<8000x128xf32>
    %neg3A_120 = arith.subf %neg3A_119, %add3A_118 : vector<8000x128xf32>
    %exp3A_121 = math.exp %neg3A_120 : vector<8000x128xf32>
    %add3A_122 = arith.constant 1.000000e+00 : f32
    %add3A_123 = vector.broadcast %add3A_122 : f32 to vector<8000x128xf32>
    %add3A_124 = arith.addf %add3A_123, %exp3A_121 : vector<8000x128xf32>
    %div3A = arith.constant 1.000000e+00 : f32
    %div3A_125 = vector.broadcast %div3A : f32 to vector<8000x128xf32>
    %div3A_126 = arith.divf %div3A_125, %add3A_124 : vector<8000x128xf32>
    %sub3A_127 = vector.broadcast %mul3A_88 : vector<1x128xf32> to vector<8000x128xf32>
    %sub3A_128 = arith.subf %add3A_67, %sub3A_127 : vector<8000x128xf32>
    %mul3A_129 = vector.broadcast %mul3A_109 : vector<1x128xf32> to vector<8000x128xf32>
    %mul3A_130 = arith.mulf %sub3A_128, %mul3A_129 : vector<8000x128xf32>
    %get3A_131 = arith.constant 0 : index
    %get3A_132 = arith.constant 0 : index
    %get3A_133 = vector.load %arg15[%get3A_131, %get3A_132] : memref<1x128xf32, #tpu.memory_space<vmem>>, vector<1x128xf32>
    %add3A_134 = vector.broadcast %get3A_133 : vector<1x128xf32> to vector<8000x128xf32>
    %add3A_135 = arith.addf %mul3A_130, %add3A_134 : vector<8000x128xf32>
    %max3A = arith.constant 0.000000e+00 : f32
    %max3A_136 = vector.broadcast %max3A : f32 to vector<8000x128xf32>
    %max3A_137 = arith.maximumf %add3A_135, %max3A_136 : vector<8000x128xf32>
    %abs3A = math.absf %add3A_135 : vector<8000x128xf32>
    %neg3A_138 = arith.constant 0.000000e+00 : f32
    %neg3A_139 = vector.broadcast %neg3A_138 : f32 to vector<8000x128xf32>
    %neg3A_140 = arith.subf %neg3A_139, %abs3A : vector<8000x128xf32>
    %exp3A_141 = math.exp %neg3A_140 : vector<8000x128xf32>
    %log1p3A = math.log1p %exp3A_141 : vector<8000x128xf32>
    %add3A_142 = arith.addf %max3A_137, %log1p3A : vector<8000x128xf32>
    %mul3A_143 = arith.mulf %div3A_126, %add3A_142 : vector<8000x128xf32>
    %swap3A = arith.constant 0 : index
    %swap3A_144 = arith.constant 0 : index
    %swap3A_145 = vector.load %arg16[%swap3A, %swap3A_144] : memref<8000x128xf32, #tpu.memory_space<vmem>>, vector<8000x128xf32>
    tpu.vector_store %arg16[%swap3A, %swap3A_144], %mul3A_143 {strides = array<i32>} : memref<8000x128xf32, #tpu.memory_space<vmem>>, vector<8000x128xf32>,
    return
  }
  func.func @transform_0(%arg0: i32) -> (i32, i32, i32) {
    %c0_i32 = arith.constant 0 : i32
    %c0_i32_0 = arith.constant 0 : i32
    %c0_i32_1 = arith.constant 0 : i32
    return %arg0, %c0_i32, %c0_i32_0 : i32, i32, i32
  }
  func.func @transform_1(%arg0: i32) -> (i32, i32) {
    %c0_i32 = arith.constant 0 : i32
    %c0_i32_0 = arith.constant 0 : i32
    return %arg0, %c0_i32 : i32, i32
  }
  func.func @transform_2(%arg0: i32) -> (i32, i32) {
    %c0_i32 = arith.constant 0 : i32
    %c0_i32_0 = arith.constant 0 : i32
    return %arg0, %c0_i32 : i32, i32
  }
  func.func @transform_3(%arg0: i32) -> (i32, i32) {
    %c0_i32 = arith.constant 0 : i32
    %c0_i32_0 = arith.constant 0 : i32
    %c0_i32_1 = arith.constant 0 : i32
    return %c0_i32, %c0_i32_0 : i32, i32
  }
  func.func @transform_4(%arg0: i32) -> (i32, i32) {
    %c0_i32 = arith.constant 0 : i32
    %c0_i32_0 = arith.constant 0 : i32
    %c0_i32_1 = arith.constant 0 : i32
    return %c0_i32, %c0_i32_0 : i32, i32
  }
  func.func @transform_5(%arg0: i32) -> (i32, i32) {
    %c0_i32 = arith.constant 0 : i32
    %c0_i32_0 = arith.constant 0 : i32
    %c0_i32_1 = arith.constant 0 : i32
    return %c0_i32, %c0_i32_0 : i32, i32
  }
  func.func @transform_6(%arg0: i32) -> (i32, i32) {
    %c0_i32 = arith.constant 0 : i32
    %c0_i32_0 = arith.constant 0 : i32
    %c0_i32_1 = arith.constant 0 : i32
    return %c0_i32, %c0_i32_0 : i32, i32
  }
  func.func @transform_7(%arg0: i32) -> (i32, i32) {
    %c0_i32 = arith.constant 0 : i32
    %c0_i32_0 = arith.constant 0 : i32
    %c0_i32_1 = arith.constant 0 : i32
    return %c0_i32, %c0_i32_0 : i32, i32
  }
  func.func @transform_8(%arg0: i32) -> (i32, i32) {
    %c0_i32 = arith.constant 0 : i32
    %c0_i32_0 = arith.constant 0 : i32
    %c0_i32_1 = arith.constant 0 : i32
    return %c0_i32, %c0_i32_0 : i32, i32
  }
  func.func @transform_9(%arg0: i32) -> (i32, i32) {
    %c0_i32 = arith.constant 0 : i32
    %c0_i32_0 = arith.constant 0 : i32
    %c0_i32_1 = arith.constant 0 : i32
    return %c0_i32, %c0_i32_0 : i32, i32
  }
  func.func @transform_10(%arg0: i32) -> (i32, i32) {
    %c0_i32 = arith.constant 0 : i32
    %c0_i32_0 = arith.constant 0 : i32
    %c0_i32_1 = arith.constant 0 : i32
    return %c0_i32, %c0_i32_0 : i32, i32
  }
  func.func @transform_11(%arg0: i32) -> (i32, i32) {
    %c0_i32 = arith.constant 0 : i32
    %c0_i32_0 = arith.constant 0 : i32
    %c0_i32_1 = arith.constant 0 : i32
    return %c0_i32, %c0_i32_0 : i32, i32
  }
  func.func @transform_12(%arg0: i32) -> (i32, i32) {
    %c0_i32 = arith.constant 0 : i32
    %c0_i32_0 = arith.constant 0 : i32
    %c0_i32_1 = arith.constant 0 : i32
    return %c0_i32, %c0_i32_0 : i32, i32
  }
  func.func @transform_13(%arg0: i32) -> (i32, i32) {
    %c0_i32 = arith.constant 0 : i32
    %c0_i32_0 = arith.constant 0 : i32
    %c0_i32_1 = arith.constant 0 : i32
    return %c0_i32, %c0_i32_0 : i32, i32
  }
  func.func @transform_14(%arg0: i32) -> (i32, i32) {
    %c0_i32 = arith.constant 0 : i32
    %c0_i32_0 = arith.constant 0 : i32
    %c0_i32_1 = arith.constant 0 : i32
    return %c0_i32, %c0_i32_0 : i32, i32
  }
  func.func @transform_15(%arg0: i32) -> (i32, i32) {
    %add3A = arith.constant 0 : i32
    %add3A_0 = arith.addi %arg0, %add3A : i32
    %c0_i32 = arith.constant 0 : i32
    %c0_i32_1 = arith.constant 0 : i32
    return %add3A_0, %c0_i32 : i32, i32
  }
}

module attributes {stable_mosaic.version = 14 : i64} {
  func.func @_m_body(%arg0: i32, %arg1: memref<320000x128xf32, #tpu.memory_space<any>>, %arg2: memref<1x1x8000xf32, #tpu.memory_space<vmem>>, %arg3: memref<8000x128xf32, #tpu.memory_space<vmem>>, %arg4: memref<8000x128xf32, #tpu.memory_space<vmem>>, %arg5: memref<4x128xf32, #tpu.memory_space<vmem>>, %arg6: memref<4x128xf32, #tpu.memory_space<vmem>>, %arg7: memref<384x128xf32, #tpu.memory_space<vmem>>, %arg8: memref<1x128xf32, #tpu.memory_space<vmem>>, %arg9: memref<384x128xf32, #tpu.memory_space<vmem>>, %arg10: memref<1x128xf32, #tpu.memory_space<vmem>>, %arg11: memref<32x128xf32, #tpu.memory_space<vmem>>, %arg12: memref<1x128xf32, #tpu.memory_space<vmem>>, %arg13: memref<1x128xf32, #tpu.memory_space<vmem>>, %arg14: memref<1x128xf32, #tpu.memory_space<vmem>>, %arg15: memref<1x128xf32, #tpu.memory_space<vmem>>, %arg16: memref<1x128xf32, #tpu.memory_space<vmem>>, %arg17: memref<8000x128xf32, #tpu.memory_space<vmem>>) attributes {dimension_semantics = [#tpu.dimension_semantics<arbitrary>], iteration_bounds = array<i64: 20>, scalar_prefetch = 0 : i64, scratch_operands = 0 : i64, tpu.core_type = #tpu.core_type<tc>, window_params = [{}, {transform_indices = @transform_1, window_bounds = array<i64: 1, 1, 8000>}, {transform_indices = @transform_2, window_bounds = array<i64: 8000, 128>}, {transform_indices = @transform_3, window_bounds = array<i64: 8000, 128>}, {pipeline_mode = #tpu.pipeline_mode<synchronous>, transform_indices = @transform_4, window_bounds = array<i64: 4, 128>}, {pipeline_mode = #tpu.pipeline_mode<synchronous>, transform_indices = @transform_5, window_bounds = array<i64: 4, 128>}, {pipeline_mode = #tpu.pipeline_mode<synchronous>, transform_indices = @transform_6, window_bounds = array<i64: 384, 128>}, {pipeline_mode = #tpu.pipeline_mode<synchronous>, transform_indices = @transform_7, window_bounds = array<i64: 1, 128>}, {pipeline_mode = #tpu.pipeline_mode<synchronous>, transform_indices = @transform_8, window_bounds = array<i64: 384, 128>}, {pipeline_mode = #tpu.pipeline_mode<synchronous>, transform_indices = @transform_9, window_bounds = array<i64: 1, 128>}, {pipeline_mode = #tpu.pipeline_mode<synchronous>, transform_indices = @transform_10, window_bounds = array<i64: 32, 128>}, {pipeline_mode = #tpu.pipeline_mode<synchronous>, transform_indices = @transform_11, window_bounds = array<i64: 1, 128>}, {pipeline_mode = #tpu.pipeline_mode<synchronous>, transform_indices = @transform_12, window_bounds = array<i64: 1, 128>}, {pipeline_mode = #tpu.pipeline_mode<synchronous>, transform_indices = @transform_13, window_bounds = array<i64: 1, 128>}, {pipeline_mode = #tpu.pipeline_mode<synchronous>, transform_indices = @transform_14, window_bounds = array<i64: 1, 128>}, {pipeline_mode = #tpu.pipeline_mode<synchronous>, transform_indices = @transform_15, window_bounds = array<i64: 1, 128>}, {transform_indices = @transform_16, window_bounds = array<i64: 8000, 128>}]} {
    %get3A = arith.constant 0 : index
    %get3A_0 = arith.constant 0 : index
    %get3A_1 = arith.constant 0 : index
    %get3A_2 = vector.load %arg2[%get3A, %get3A_0, %get3A_1] : memref<1x1x8000xf32, #tpu.memory_space<vmem>>, vector<1x1x8000xf32>
    %get3A_3 = vector.shape_cast %get3A_2 : vector<1x1x8000xf32> to vector<8000xf32>
    %get3A_4 = arith.constant 0 : index
    %get3A_5 = arith.constant 0 : index
    %get3A_6 = vector.load %arg3[%get3A_4, %get3A_5] : memref<8000x128xf32, #tpu.memory_space<vmem>>, vector<8000x128xf32>
    %get3A_7 = arith.constant 0 : index
    %get3A_8 = arith.constant 0 : index
    %get3A_9 = vector.load %arg4[%get3A_7, %get3A_8] : memref<8000x128xf32, #tpu.memory_space<vmem>>, vector<8000x128xf32>
    %get3A_10 = arith.constant 0 : index
    %get3A_11 = arith.constant 0 : index
    %get3A_12 = vector.load %arg7[%get3A_10, %get3A_11] : memref<384x128xf32, #tpu.memory_space<vmem>>, vector<384x128xf32>
    %get3A_13 = arith.constant 0 : index
    %get3A_14 = arith.constant 0 : index
    %get3A_15 = vector.load %arg8[%get3A_13, %get3A_14] : memref<1x128xf32, #tpu.memory_space<vmem>>, vector<1x128xf32>
    %get3A_16 = arith.constant 0 : index
    %get3A_17 = arith.constant 0 : index
    %get3A_18 = vector.load %arg9[%get3A_16, %get3A_17] : memref<384x128xf32, #tpu.memory_space<vmem>>, vector<384x128xf32>
    %get3A_19 = arith.constant 0 : index
    %get3A_20 = arith.constant 0 : index
    %get3A_21 = vector.load %arg10[%get3A_19, %get3A_20] : memref<1x128xf32, #tpu.memory_space<vmem>>, vector<1x128xf32>
    %get3A_22 = arith.constant 0 : index
    %get3A_23 = arith.constant 0 : index
    %get3A_24 = vector.load %arg11[%get3A_22, %get3A_23] : memref<32x128xf32, #tpu.memory_space<vmem>>, vector<32x128xf32>
    %get3A_25 = arith.constant 0 : index
    %get3A_26 = arith.constant 0 : index
    %get3A_27 = vector.load %arg12[%get3A_25, %get3A_26] : memref<1x128xf32, #tpu.memory_space<vmem>>, vector<1x128xf32>
    %iota3A = tpu.iota {dimensions = array<i32: 1>} : vector<1x32xi32>
    %convert_element_type3A = arith.sitofp %iota3A : vector<1x32xi32> to vector<1x32xf32>
    %mul3A = arith.constant 0.258064508 : f32
    %mul3A_28 = vector.broadcast %mul3A : f32 to vector<1x32xf32>
    %mul3A_29 = arith.mulf %convert_element_type3A, %mul3A_28 : vector<1x32xf32>
    %broadcast_in_dim3A = vector.shape_cast %get3A_3 : vector<8000xf32> to vector<8000x1xf32>
    %sub3A = vector.broadcast %broadcast_in_dim3A : vector<8000x1xf32> to vector<8000x32xf32>
    %sub3A_30 = vector.broadcast %mul3A_29 : vector<1x32xf32> to vector<8000x32xf32>
    %sub3A_31 = arith.subf %sub3A, %sub3A_30 : vector<8000x32xf32>
    %integer_pow3A = arith.mulf %sub3A_31, %sub3A_31 : vector<8000x32xf32>
    %mul3A_32 = arith.constant -3.875000e+00 : f32
    %mul3A_33 = vector.broadcast %mul3A_32 : f32 to vector<8000x32xf32>
    %mul3A_34 = arith.mulf %mul3A_33, %integer_pow3A : vector<8000x32xf32>
    %exp3A = math.exp %mul3A_34 : vector<8000x32xf32>
    %slice3A = vector.extract_strided_slice %get3A_12 {offsets = [0, 0], sizes = [128, 128], strides = [1, 1]} : vector<384x128xf32> to vector<128x128xf32>
    %slice3A_35 = vector.extract_strided_slice %get3A_12 {offsets = [128, 0], sizes = [128, 128], strides = [1, 1]} : vector<384x128xf32> to vector<128x128xf32>
    %slice3A_36 = vector.extract_strided_slice %get3A_12 {offsets = [256, 0], sizes = [128, 128], strides = [1, 1]} : vector<384x128xf32> to vector<128x128xf32>
    %slice3A_37 = vector.extract_strided_slice %get3A_18 {offsets = [0, 0], sizes = [128, 128], strides = [1, 1]} : vector<384x128xf32> to vector<128x128xf32>
    %slice3A_38 = vector.extract_strided_slice %get3A_18 {offsets = [128, 0], sizes = [128, 128], strides = [1, 1]} : vector<384x128xf32> to vector<128x128xf32>
    %slice3A_39 = vector.extract_strided_slice %get3A_18 {offsets = [256, 0], sizes = [128, 128], strides = [1, 1]} : vector<384x128xf32> to vector<128x128xf32>
    %dot_general3A = arith.constant dense<0.000000e+00> : vector<32x128xf32>
    %dot_general3A_40 = tpu.matmul %get3A_24, %slice3A_36, %dot_general3A {dimension_numbers = #tpu.dot_dimension_numbers<[1], [0], [0], [1], [0, 0, 1, 1], [], []>, transpose_lhs_hint = false} : vector<32x128xf32>, vector<128x128xf32>, vector<32x128xf32> -> vector<32x128xf32>
    %dot_general3A_41 = arith.constant dense<0.000000e+00> : vector<32x128xf32>
    %dot_general3A_42 = tpu.matmul %get3A_24, %slice3A_39, %dot_general3A_41 {dimension_numbers = #tpu.dot_dimension_numbers<[1], [0], [0], [1], [0, 0, 1, 1], [], []>, transpose_lhs_hint = false} : vector<32x128xf32>, vector<128x128xf32>, vector<32x128xf32> -> vector<32x128xf32>
    %dot_general3A_43 = arith.constant dense<0.000000e+00> : vector<1x128xf32>
    %dot_general3A_44 = tpu.matmul %get3A_27, %slice3A_36, %dot_general3A_43 {dimension_numbers = #tpu.dot_dimension_numbers<[1], [0], [0], [1], [0, 0, 1, 1], [], []>, transpose_lhs_hint = false} : vector<1x128xf32>, vector<128x128xf32>, vector<1x128xf32> -> vector<1x128xf32>
    %add3A = arith.addf %get3A_15, %dot_general3A_44 : vector<1x128xf32>
    %dot_general3A_45 = arith.constant dense<0.000000e+00> : vector<1x128xf32>
    %dot_general3A_46 = tpu.matmul %get3A_27, %slice3A_39, %dot_general3A_45 {dimension_numbers = #tpu.dot_dimension_numbers<[1], [0], [0], [1], [0, 0, 1, 1], [], []>, transpose_lhs_hint = false} : vector<1x128xf32>, vector<128x128xf32>, vector<1x128xf32> -> vector<1x128xf32>
    %add3A_47 = arith.addf %get3A_21, %dot_general3A_46 : vector<1x128xf32>
    %dot_general3A_48 = arith.constant dense<0.000000e+00> : vector<8000x128xf32>
    %dot_general3A_49 = tpu.matmul %get3A_6, %slice3A, %dot_general3A_48 {dimension_numbers = #tpu.dot_dimension_numbers<[1], [0], [0], [1], [0, 0, 1, 1], [], []>, transpose_lhs_hint = false} : vector<8000x128xf32>, vector<128x128xf32>, vector<8000x128xf32> -> vector<8000x128xf32>
    %dot_general3A_50 = arith.constant dense<0.000000e+00> : vector<8000x128xf32>
    %dot_general3A_51 = tpu.matmul %get3A_9, %slice3A_35, %dot_general3A_50 {dimension_numbers = #tpu.dot_dimension_numbers<[1], [0], [0], [1], [0, 0, 1, 1], [], []>, transpose_lhs_hint = false} : vector<8000x128xf32>, vector<128x128xf32>, vector<8000x128xf32> -> vector<8000x128xf32>
    %add3A_52 = arith.addf %dot_general3A_49, %dot_general3A_51 : vector<8000x128xf32>
    %dot_general3A_53 = arith.constant dense<0.000000e+00> : vector<8000x128xf32>
    %dot_general3A_54 = tpu.matmul %exp3A, %dot_general3A_40, %dot_general3A_53 {dimension_numbers = #tpu.dot_dimension_numbers<[1], [0], [0], [1], [0, 0, 1, 1], [], []>, transpose_lhs_hint = false} : vector<8000x32xf32>, vector<32x128xf32>, vector<8000x128xf32> -> vector<8000x128xf32>
    %add3A_55 = arith.addf %add3A_52, %dot_general3A_54 : vector<8000x128xf32>
    %add3A_56 = vector.broadcast %add3A : vector<1x128xf32> to vector<8000x128xf32>
    %add3A_57 = arith.addf %add3A_55, %add3A_56 : vector<8000x128xf32>
    %dot_general3A_58 = arith.constant dense<0.000000e+00> : vector<8000x128xf32>
    %dot_general3A_59 = tpu.matmul %get3A_6, %slice3A_37, %dot_general3A_58 {dimension_numbers = #tpu.dot_dimension_numbers<[1], [0], [0], [1], [0, 0, 1, 1], [], []>, transpose_lhs_hint = false} : vector<8000x128xf32>, vector<128x128xf32>, vector<8000x128xf32> -> vector<8000x128xf32>
    %dot_general3A_60 = arith.constant dense<0.000000e+00> : vector<8000x128xf32>
    %dot_general3A_61 = tpu.matmul %get3A_9, %slice3A_38, %dot_general3A_60 {dimension_numbers = #tpu.dot_dimension_numbers<[1], [0], [0], [1], [0, 0, 1, 1], [], []>, transpose_lhs_hint = false} : vector<8000x128xf32>, vector<128x128xf32>, vector<8000x128xf32> -> vector<8000x128xf32>
    %add3A_62 = arith.addf %dot_general3A_59, %dot_general3A_61 : vector<8000x128xf32>
    %dot_general3A_63 = arith.constant dense<0.000000e+00> : vector<8000x128xf32>
    %dot_general3A_64 = tpu.matmul %exp3A, %dot_general3A_42, %dot_general3A_63 {dimension_numbers = #tpu.dot_dimension_numbers<[1], [0], [0], [1], [0, 0, 1, 1], [], []>, transpose_lhs_hint = false} : vector<8000x32xf32>, vector<32x128xf32>, vector<8000x128xf32> -> vector<8000x128xf32>
    %add3A_65 = arith.addf %add3A_62, %dot_general3A_64 : vector<8000x128xf32>
    %add3A_66 = vector.broadcast %add3A_47 : vector<1x128xf32> to vector<8000x128xf32>
    %add3A_67 = arith.addf %add3A_65, %add3A_66 : vector<8000x128xf32>
    %get3A_68 = arith.constant 0 : index
    %get3A_69 = arith.constant 0 : index
    %get3A_70 = vector.load %arg5[%get3A_68, %get3A_69] : memref<4x128xf32, #tpu.memory_space<vmem>>, vector<4x128xf32>
    %get3A_71 = arith.constant 0 : index
    %get3A_72 = arith.constant 0 : index
    %get3A_73 = vector.load %arg6[%get3A_71, %get3A_72] : memref<4x128xf32, #tpu.memory_space<vmem>>, vector<4x128xf32>
    %add3A_74 = arith.addf %get3A_70, %get3A_73 : vector<4x128xf32>
    %slice3A_75 = vector.extract_strided_slice %add3A_74 {offsets = [0, 0], sizes = [1, 128], strides = [1, 1]} : vector<4x128xf32> to vector<1x128xf32>
    %mul3A_76 = arith.constant 3.125000e-06 : f32
    %mul3A_77 = vector.broadcast %mul3A_76 : f32 to vector<1x128xf32>
    %mul3A_78 = arith.mulf %slice3A_75, %mul3A_77 : vector<1x128xf32>
    %slice3A_79 = vector.extract_strided_slice %add3A_74 {offsets = [1, 0], sizes = [1, 128], strides = [1, 1]} : vector<4x128xf32> to vector<1x128xf32>
    %mul3A_80 = arith.constant 3.125000e-06 : f32
    %mul3A_81 = vector.broadcast %mul3A_80 : f32 to vector<1x128xf32>
    %mul3A_82 = arith.mulf %slice3A_79, %mul3A_81 : vector<1x128xf32>
    %mul3A_83 = arith.mulf %mul3A_78, %mul3A_78 : vector<1x128xf32>
    %sub3A_84 = arith.subf %mul3A_82, %mul3A_83 : vector<1x128xf32>
    %slice3A_85 = vector.extract_strided_slice %add3A_74 {offsets = [2, 0], sizes = [1, 128], strides = [1, 1]} : vector<4x128xf32> to vector<1x128xf32>
    %mul3A_86 = arith.constant 3.125000e-06 : f32
    %mul3A_87 = vector.broadcast %mul3A_86 : f32 to vector<1x128xf32>
    %mul3A_88 = arith.mulf %slice3A_85, %mul3A_87 : vector<1x128xf32>
    %slice3A_89 = vector.extract_strided_slice %add3A_74 {offsets = [3, 0], sizes = [1, 128], strides = [1, 1]} : vector<4x128xf32> to vector<1x128xf32>
    %mul3A_90 = arith.constant 3.125000e-06 : f32
    %mul3A_91 = vector.broadcast %mul3A_90 : f32 to vector<1x128xf32>
    %mul3A_92 = arith.mulf %slice3A_89, %mul3A_91 : vector<1x128xf32>
    %mul3A_93 = arith.mulf %mul3A_88, %mul3A_88 : vector<1x128xf32>
    %sub3A_94 = arith.subf %mul3A_92, %mul3A_93 : vector<1x128xf32>
    %get3A_95 = arith.constant 0 : index
    %get3A_96 = arith.constant 0 : index
    %get3A_97 = vector.load %arg13[%get3A_95, %get3A_96] : memref<1x128xf32, #tpu.memory_space<vmem>>, vector<1x128xf32>
    %add3A_98 = arith.constant 9.99999974E-6 : f32
    %add3A_99 = vector.broadcast %add3A_98 : f32 to vector<1x128xf32>
    %add3A_100 = arith.addf %sub3A_84, %add3A_99 : vector<1x128xf32>
    %rsqrt3A = math.rsqrt %add3A_100 : vector<1x128xf32>
    %mul3A_101 = arith.mulf %get3A_97, %rsqrt3A : vector<1x128xf32>
    %get3A_102 = arith.constant 0 : index
    %get3A_103 = arith.constant 0 : index
    %get3A_104 = vector.load %arg15[%get3A_102, %get3A_103] : memref<1x128xf32, #tpu.memory_space<vmem>>, vector<1x128xf32>
    %add3A_105 = arith.constant 9.99999974E-6 : f32
    %add3A_106 = vector.broadcast %add3A_105 : f32 to vector<1x128xf32>
    %add3A_107 = arith.addf %sub3A_94, %add3A_106 : vector<1x128xf32>
    %rsqrt3A_108 = math.rsqrt %add3A_107 : vector<1x128xf32>
    %mul3A_109 = arith.mulf %get3A_104, %rsqrt3A_108 : vector<1x128xf32>
    %sub3A_110 = vector.broadcast %mul3A_78 : vector<1x128xf32> to vector<8000x128xf32>
    %sub3A_111 = arith.subf %add3A_57, %sub3A_110 : vector<8000x128xf32>
    %mul3A_112 = vector.broadcast %mul3A_101 : vector<1x128xf32> to vector<8000x128xf32>
    %mul3A_113 = arith.mulf %sub3A_111, %mul3A_112 : vector<8000x128xf32>
    %get3A_114 = arith.constant 0 : index
    %get3A_115 = arith.constant 0 : index
    %get3A_116 = vector.load %arg14[%get3A_114, %get3A_115] : memref<1x128xf32, #tpu.memory_space<vmem>>, vector<1x128xf32>
    %add3A_117 = vector.broadcast %get3A_116 : vector<1x128xf32> to vector<8000x128xf32>
    %add3A_118 = arith.addf %mul3A_113, %add3A_117 : vector<8000x128xf32>
    %neg3A = arith.constant 0.000000e+00 : f32
    %neg3A_119 = vector.broadcast %neg3A : f32 to vector<8000x128xf32>
    %neg3A_120 = arith.subf %neg3A_119, %add3A_118 : vector<8000x128xf32>
    %exp3A_121 = math.exp %neg3A_120 : vector<8000x128xf32>
    %add3A_122 = arith.constant 1.000000e+00 : f32
    %add3A_123 = vector.broadcast %add3A_122 : f32 to vector<8000x128xf32>
    %add3A_124 = arith.addf %add3A_123, %exp3A_121 : vector<8000x128xf32>
    %div3A = arith.constant 1.000000e+00 : f32
    %div3A_125 = vector.broadcast %div3A : f32 to vector<8000x128xf32>
    %div3A_126 = arith.divf %div3A_125, %add3A_124 : vector<8000x128xf32>
    %sub3A_127 = vector.broadcast %mul3A_88 : vector<1x128xf32> to vector<8000x128xf32>
    %sub3A_128 = arith.subf %add3A_67, %sub3A_127 : vector<8000x128xf32>
    %mul3A_129 = vector.broadcast %mul3A_109 : vector<1x128xf32> to vector<8000x128xf32>
    %mul3A_130 = arith.mulf %sub3A_128, %mul3A_129 : vector<8000x128xf32>
    %get3A_131 = arith.constant 0 : index
    %get3A_132 = arith.constant 0 : index
    %get3A_133 = vector.load %arg16[%get3A_131, %get3A_132] : memref<1x128xf32, #tpu.memory_space<vmem>>, vector<1x128xf32>
    %add3A_134 = vector.broadcast %get3A_133 : vector<1x128xf32> to vector<8000x128xf32>
    %add3A_135 = arith.addf %mul3A_130, %add3A_134 : vector<8000x128xf32>
    %max3A = arith.constant 0.000000e+00 : f32
    %max3A_136 = vector.broadcast %max3A : f32 to vector<8000x128xf32>
    %max3A_137 = arith.maximumf %add3A_135, %max3A_136 : vector<8000x128xf32>
    %abs3A = math.absf %add3A_135 : vector<8000x128xf32>
    %neg3A_138 = arith.constant 0.000000e+00 : f32
    %neg3A_139 = vector.broadcast %neg3A_138 : f32 to vector<8000x128xf32>
    %neg3A_140 = arith.subf %neg3A_139, %abs3A : vector<8000x128xf32>
    %exp3A_141 = math.exp %neg3A_140 : vector<8000x128xf32>
    %log1p3A = math.log1p %exp3A_141 : vector<8000x128xf32>
    %add3A_142 = arith.addf %max3A_137, %log1p3A : vector<8000x128xf32>
    %mul3A_143 = arith.mulf %div3A_126, %add3A_142 : vector<8000x128xf32>
    %swap3A = arith.constant 0 : index
    %swap3A_144 = arith.constant 0 : index
    %swap3A_145 = vector.load %arg17[%swap3A, %swap3A_144] : memref<8000x128xf32, #tpu.memory_space<vmem>>, vector<8000x128xf32>
    tpu.vector_store %arg17[%swap3A, %swap3A_144], %mul3A_143 {strides = array<i32>} : memref<8000x128xf32, #tpu.memory_space<vmem>>, vector<8000x128xf32>,
    return
  }
  func.func @transform_1(%arg0: i32) -> (i32, i32, i32) {
    %c0_i32 = arith.constant 0 : i32
    %c0_i32_0 = arith.constant 0 : i32
    %c0_i32_1 = arith.constant 0 : i32
    return %arg0, %c0_i32, %c0_i32_0 : i32, i32, i32
  }
  func.func @transform_2(%arg0: i32) -> (i32, i32) {
    %c0_i32 = arith.constant 0 : i32
    %c0_i32_0 = arith.constant 0 : i32
    return %arg0, %c0_i32 : i32, i32
  }
  func.func @transform_3(%arg0: i32) -> (i32, i32) {
    %c0_i32 = arith.constant 0 : i32
    %c0_i32_0 = arith.constant 0 : i32
    return %arg0, %c0_i32 : i32, i32
  }
  func.func @transform_4(%arg0: i32) -> (i32, i32) {
    %c0_i32 = arith.constant 0 : i32
    %c0_i32_0 = arith.constant 0 : i32
    %c0_i32_1 = arith.constant 0 : i32
    return %c0_i32, %c0_i32_0 : i32, i32
  }
  func.func @transform_5(%arg0: i32) -> (i32, i32) {
    %c0_i32 = arith.constant 0 : i32
    %c0_i32_0 = arith.constant 0 : i32
    %c0_i32_1 = arith.constant 0 : i32
    return %c0_i32, %c0_i32_0 : i32, i32
  }
  func.func @transform_6(%arg0: i32) -> (i32, i32) {
    %c0_i32 = arith.constant 0 : i32
    %c0_i32_0 = arith.constant 0 : i32
    %c0_i32_1 = arith.constant 0 : i32
    return %c0_i32, %c0_i32_0 : i32, i32
  }
  func.func @transform_7(%arg0: i32) -> (i32, i32) {
    %c0_i32 = arith.constant 0 : i32
    %c0_i32_0 = arith.constant 0 : i32
    %c0_i32_1 = arith.constant 0 : i32
    return %c0_i32, %c0_i32_0 : i32, i32
  }
  func.func @transform_8(%arg0: i32) -> (i32, i32) {
    %c0_i32 = arith.constant 0 : i32
    %c0_i32_0 = arith.constant 0 : i32
    %c0_i32_1 = arith.constant 0 : i32
    return %c0_i32, %c0_i32_0 : i32, i32
  }
  func.func @transform_9(%arg0: i32) -> (i32, i32) {
    %c0_i32 = arith.constant 0 : i32
    %c0_i32_0 = arith.constant 0 : i32
    %c0_i32_1 = arith.constant 0 : i32
    return %c0_i32, %c0_i32_0 : i32, i32
  }
  func.func @transform_10(%arg0: i32) -> (i32, i32) {
    %c0_i32 = arith.constant 0 : i32
    %c0_i32_0 = arith.constant 0 : i32
    %c0_i32_1 = arith.constant 0 : i32
    return %c0_i32, %c0_i32_0 : i32, i32
  }
  func.func @transform_11(%arg0: i32) -> (i32, i32) {
    %c0_i32 = arith.constant 0 : i32
    %c0_i32_0 = arith.constant 0 : i32
    %c0_i32_1 = arith.constant 0 : i32
    return %c0_i32, %c0_i32_0 : i32, i32
  }
  func.func @transform_12(%arg0: i32) -> (i32, i32) {
    %c0_i32 = arith.constant 0 : i32
    %c0_i32_0 = arith.constant 0 : i32
    %c0_i32_1 = arith.constant 0 : i32
    return %c0_i32, %c0_i32_0 : i32, i32
  }
  func.func @transform_13(%arg0: i32) -> (i32, i32) {
    %c0_i32 = arith.constant 0 : i32
    %c0_i32_0 = arith.constant 0 : i32
    %c0_i32_1 = arith.constant 0 : i32
    return %c0_i32, %c0_i32_0 : i32, i32
  }
  func.func @transform_14(%arg0: i32) -> (i32, i32) {
    %c0_i32 = arith.constant 0 : i32
    %c0_i32_0 = arith.constant 0 : i32
    %c0_i32_1 = arith.constant 0 : i32
    return %c0_i32, %c0_i32_0 : i32, i32
  }
  func.func @transform_15(%arg0: i32) -> (i32, i32) {
    %c0_i32 = arith.constant 0 : i32
    %c0_i32_0 = arith.constant 0 : i32
    %c0_i32_1 = arith.constant 0 : i32
    return %c0_i32, %c0_i32_0 : i32, i32
  }
  func.func @transform_16(%arg0: i32) -> (i32, i32) {
    %add3A = arith.constant 20 : i32
    %add3A_0 = arith.addi %arg0, %add3A : i32
    %c0_i32 = arith.constant 0 : i32
    %c0_i32_1 = arith.constant 0 : i32
    return %add3A_0, %c0_i32 : i32, i32
  }
}

module attributes {stable_mosaic.version = 14 : i64} {
  func.func @_final_body(%arg0: memref<10000x128xf32, #tpu.memory_space<vmem>>, %arg1: memref<2x10000x128xf32, #tpu.memory_space<vmem>>, %arg2: memref<10000x1xi32, #tpu.memory_space<vmem>>, %arg3: memref<128x128xf32, #tpu.memory_space<vmem>>, %arg4: memref<1x128xf32, #tpu.memory_space<vmem>>, %arg5: memref<1x128xf32, #tpu.memory_space<vmem>>, %arg6: memref<1x128xf32, #tpu.memory_space<vmem>>, %arg7: memref<128x128xf32, #tpu.memory_space<vmem>>, %arg8: memref<1x128xf32, #tpu.memory_space<vmem>>, %arg9: memref<128x1xf32, #tpu.memory_space<vmem>>, %arg10: memref<1x1xf32, #tpu.memory_space<vmem>>, %arg11: memref<64x1xf32, #tpu.memory_space<vmem>>) attributes {dimension_semantics = [], scalar_prefetch = 0 : i64, scratch_operands = 0 : i64, tpu.core_type = #tpu.core_type<tc>} {
    %get3A = arith.constant 0 : index
    %get3A_0 = arith.constant 0 : index
    %get3A_1 = arith.constant 0 : index
    %get3A_2 = vector.load %arg1[%get3A, %get3A_0, %get3A_1] : memref<2x10000x128xf32, #tpu.memory_space<vmem>>, vector<1x10000x128xf32>
    %get3A_3 = vector.shape_cast %get3A_2 : vector<1x10000x128xf32> to vector<10000x128xf32>
    %get3A_4 = arith.constant 1 : index
    %get3A_5 = arith.constant 0 : index
    %get3A_6 = arith.constant 0 : index
    %get3A_7 = vector.load %arg1[%get3A_4, %get3A_5, %get3A_6] : memref<2x10000x128xf32, #tpu.memory_space<vmem>>, vector<1x10000x128xf32>
    %get3A_8 = vector.shape_cast %get3A_7 : vector<1x10000x128xf32> to vector<10000x128xf32>
    %add3A = arith.addf %get3A_3, %get3A_8 : vector<10000x128xf32>
    %reduce_sum3A = arith.constant dense<0.000000e+00> : vector<128xf32>
    %reduce_sum3A_9 = vector.multi_reduction <add>, %add3A, %reduce_sum3A [0] : vector<10000x128xf32> to vector<128xf32>
    %broadcast_in_dim3A = vector.shape_cast %reduce_sum3A_9 : vector<128xf32> to vector<1x128xf32>
    %div3A = arith.constant 1.000000e+04 : f32
    %div3A_10 = vector.broadcast %div3A : f32 to vector<1x128xf32>
    %div3A_11 = arith.divf %broadcast_in_dim3A, %div3A_10 : vector<1x128xf32>
    %mul3A = arith.mulf %add3A, %add3A : vector<10000x128xf32>
    %reduce_sum3A_12 = arith.constant dense<0.000000e+00> : vector<128xf32>
    %reduce_sum3A_13 = vector.multi_reduction <add>, %mul3A, %reduce_sum3A_12 [0] : vector<10000x128xf32> to vector<128xf32>
    %broadcast_in_dim3A_14 = vector.shape_cast %reduce_sum3A_13 : vector<128xf32> to vector<1x128xf32>
    %div3A_15 = arith.constant 1.000000e+04 : f32
    %div3A_16 = vector.broadcast %div3A_15 : f32 to vector<1x128xf32>
    %div3A_17 = arith.divf %broadcast_in_dim3A_14, %div3A_16 : vector<1x128xf32>
    %mul3A_18 = arith.mulf %div3A_11, %div3A_11 : vector<1x128xf32>
    %sub3A = arith.subf %div3A_17, %mul3A_18 : vector<1x128xf32>
    %sub3A_19 = vector.broadcast %div3A_11 : vector<1x128xf32> to vector<10000x128xf32>
    %sub3A_20 = arith.subf %add3A, %sub3A_19 : vector<10000x128xf32>
    %add3A_21 = arith.constant 9.99999974E-6 : f32
    %add3A_22 = vector.broadcast %add3A_21 : f32 to vector<1x128xf32>
    %add3A_23 = arith.addf %sub3A, %add3A_22 : vector<1x128xf32>
    %rsqrt3A = math.rsqrt %add3A_23 : vector<1x128xf32>
    %mul3A_24 = vector.broadcast %rsqrt3A : vector<1x128xf32> to vector<10000x128xf32>
    %mul3A_25 = arith.mulf %sub3A_20, %mul3A_24 : vector<10000x128xf32>
    %get3A_26 = arith.constant 0 : index
    %get3A_27 = arith.constant 0 : index
    %get3A_28 = vector.load %arg5[%get3A_26, %get3A_27] : memref<1x128xf32, #tpu.memory_space<vmem>>, vector<1x128xf32>
    %mul3A_29 = vector.broadcast %get3A_28 : vector<1x128xf32> to vector<10000x128xf32>
    %mul3A_30 = arith.mulf %mul3A_25, %mul3A_29 : vector<10000x128xf32>
    %get3A_31 = arith.constant 0 : index
    %get3A_32 = arith.constant 0 : index
    %get3A_33 = vector.load %arg6[%get3A_31, %get3A_32] : memref<1x128xf32, #tpu.memory_space<vmem>>, vector<1x128xf32>
    %add3A_34 = vector.broadcast %get3A_33 : vector<1x128xf32> to vector<10000x128xf32>
    %add3A_35 = arith.addf %mul3A_30, %add3A_34 : vector<10000x128xf32>
    %get3A_36 = arith.constant 0 : index
    %get3A_37 = arith.constant 0 : index
    %get3A_38 = vector.load %arg0[%get3A_36, %get3A_37] : memref<10000x128xf32, #tpu.memory_space<vmem>>, vector<10000x128xf32>
    %add3A_39 = arith.addf %get3A_38, %add3A_35 : vector<10000x128xf32>
    %get3A_40 = arith.constant 0 : index
    %get3A_41 = arith.constant 0 : index
    %get3A_42 = vector.load %arg3[%get3A_40, %get3A_41] : memref<128x128xf32, #tpu.memory_space<vmem>>, vector<128x128xf32>
    %dot_general3A = arith.constant dense<0.000000e+00> : vector<10000x128xf32>
    %dot_general3A_43 = tpu.matmul %add3A_39, %get3A_42, %dot_general3A {dimension_numbers = #tpu.dot_dimension_numbers<[1], [0], [0], [1], [0, 0, 1, 1], [], []>, transpose_lhs_hint = false} : vector<10000x128xf32>, vector<128x128xf32>, vector<10000x128xf32> -> vector<10000x128xf32>
    %get3A_44 = arith.constant 0 : index
    %get3A_45 = arith.constant 0 : index
    %get3A_46 = vector.load %arg4[%get3A_44, %get3A_45] : memref<1x128xf32, #tpu.memory_space<vmem>>, vector<1x128xf32>
    %add3A_47 = vector.broadcast %get3A_46 : vector<1x128xf32> to vector<10000x128xf32>
    %add3A_48 = arith.addf %dot_general3A_43, %add3A_47 : vector<10000x128xf32>
    %iota3A = tpu.iota {dimensions = array<i32: 1>} : vector<1x64xi32>
    %get3A_49 = arith.constant 0 : index
    %get3A_50 = arith.constant 0 : index
    %get3A_51 = vector.load %arg2[%get3A_49, %get3A_50] : memref<10000x1xi32, #tpu.memory_space<vmem>>, vector<10000x1xi32>
    %eq3A = vector.broadcast %get3A_51 : vector<10000x1xi32> to vector<10000x64xi32>
    %eq3A_52 = vector.broadcast %iota3A : vector<1x64xi32> to vector<10000x64xi32>
    %eq3A_53 = arith.cmpi eq, %eq3A, %eq3A_52 : vector<10000x64xi32>
    %convert_element_type3A = arith.extui %eq3A_53 : vector<10000x64xi1> to vector<10000x64xi32>
    %convert_element_type3A_54 = arith.sitofp %convert_element_type3A : vector<10000x64xi32> to vector<10000x64xf32>
    %reduce_sum3A_55 = arith.constant dense<0.000000e+00> : vector<64xf32>
    %reduce_sum3A_56 = vector.multi_reduction <add>, %convert_element_type3A_54, %reduce_sum3A_55 [0] : vector<10000x64xf32> to vector<64xf32>
    %dot_general3A_57 = arith.constant dense<0.000000e+00> : vector<64x128xf32>
    %dot_general3A_58 = tpu.matmul %convert_element_type3A_54, %add3A_48, %dot_general3A_57 {dimension_numbers = #tpu.dot_dimension_numbers<[0], [0], [1], [1], [0, 1, 1, 1], [], []>, transpose_lhs_hint = false} : vector<10000x64xf32>, vector<10000x128xf32>, vector<64x128xf32> -> vector<64x128xf32>
    %max3A = arith.constant 1.000000e+00 : f32
    %max3A_59 = vector.broadcast %max3A : f32 to vector<64xf32>
    %max3A_60 = arith.maximumf %reduce_sum3A_56, %max3A_59 : vector<64xf32>
    %broadcast_in_dim3A_61 = vector.shape_cast %max3A_60 : vector<64xf32> to vector<64x1xf32>
    %div3A_62 = vector.broadcast %broadcast_in_dim3A_61 : vector<64x1xf32> to vector<64x128xf32>
    %div3A_63 = arith.divf %dot_general3A_58, %div3A_62 : vector<64x128xf32>
    %get3A_64 = arith.constant 0 : index
    %get3A_65 = arith.constant 0 : index
    %get3A_66 = vector.load %arg7[%get3A_64, %get3A_65] : memref<128x128xf32, #tpu.memory_space<vmem>>, vector<128x128xf32>
    %dot_general3A_67 = arith.constant dense<0.000000e+00> : vector<64x128xf32>
    %dot_general3A_68 = tpu.matmul %div3A_63, %get3A_66, %dot_general3A_67 {dimension_numbers = #tpu.dot_dimension_numbers<[1], [0], [0], [1], [0, 0, 1, 1], [], []>, transpose_lhs_hint = false} : vector<64x128xf32>, vector<128x128xf32>, vector<64x128xf32> -> vector<64x128xf32>
    %get3A_69 = arith.constant 0 : index
    %get3A_70 = arith.constant 0 : index
    %get3A_71 = vector.load %arg8[%get3A_69, %get3A_70] : memref<1x128xf32, #tpu.memory_space<vmem>>, vector<1x128xf32>
    %add3A_72 = vector.broadcast %get3A_71 : vector<1x128xf32> to vector<64x128xf32>
    %add3A_73 = arith.addf %dot_general3A_68, %add3A_72 : vector<64x128xf32>
    %neg3A = arith.constant 0.000000e+00 : f32
    %neg3A_74 = vector.broadcast %neg3A : f32 to vector<64x128xf32>
    %neg3A_75 = arith.subf %neg3A_74, %add3A_73 : vector<64x128xf32>
    %exp3A = math.exp %neg3A_75 : vector<64x128xf32>
    %add3A_76 = arith.constant 1.000000e+00 : f32
    %add3A_77 = vector.broadcast %add3A_76 : f32 to vector<64x128xf32>
    %add3A_78 = arith.addf %add3A_77, %exp3A : vector<64x128xf32>
    %div3A_79 = arith.constant 1.000000e+00 : f32
    %div3A_80 = vector.broadcast %div3A_79 : f32 to vector<64x128xf32>
    %div3A_81 = arith.divf %div3A_80, %add3A_78 : vector<64x128xf32>
    %mul3A_82 = arith.mulf %add3A_73, %div3A_81 : vector<64x128xf32>
    %get3A_83 = arith.constant 0 : index
    %get3A_84 = arith.constant 0 : index
    %get3A_85 = vector.load %arg9[%get3A_83, %get3A_84] : memref<128x1xf32, #tpu.memory_space<vmem>>, vector<128x1xf32>
    %dot_general3A_86 = arith.constant dense<0.000000e+00> : vector<64x1xf32>
    %dot_general3A_87 = tpu.matmul %mul3A_82, %get3A_85, %dot_general3A_86 {dimension_numbers = #tpu.dot_dimension_numbers<[1], [0], [0], [1], [0, 0, 1, 1], [], []>, transpose_lhs_hint = false} : vector<64x128xf32>, vector<128x1xf32>, vector<64x1xf32> -> vector<64x1xf32>
    %get3A_88 = arith.constant 0 : index
    %get3A_89 = arith.constant 0 : index
    %get3A_90 = vector.load %arg10[%get3A_88, %get3A_89] : memref<1x1xf32, #tpu.memory_space<vmem>>, vector<1x1xf32>
    %add3A_91 = vector.broadcast %get3A_90 : vector<1x1xf32> to vector<64x1xf32>
    %add3A_92 = arith.addf %dot_general3A_87, %add3A_91 : vector<64x1xf32>
    %swap3A = arith.constant 0 : index
    %swap3A_93 = arith.constant 0 : index
    %swap3A_94 = vector.load %arg11[%swap3A, %swap3A_93] : memref<64x1xf32, #tpu.memory_space<vmem>>, vector<64x1xf32>
    tpu.vector_store %arg11[%swap3A, %swap3A_93], %add3A_92 {strides = array<i32>} : memref<64x1xf32, #tpu.memory_space<vmem>>, vector<64x1xf32>,
    return
  }
}

</mosaic_0001>

<sc_bundles>
// kernel: kernel.11.cloned.1.call-start
scs
__scs_entry_jumppad:
0x0: {  	(pc) =	sbr.rel $0x88, $3  }
0x1: {  	(tag) =	ssettag $0x0;
	lr =	simm.s32 $0x1  }
0x2: {  	[smem:$0x3F89] =	sst lr;
	_ =	strace $0xD0000000  }
0x3: {  	_ = 	snop  }
0x4: {  	_ = 	snop  }
0x5: {  	_ = 	snop  }
0x6: {  	_ = 	snop  }
0x7: {  	_ = 	snop  }
__scs_overlays_trampoline_lowered:
0x8: {  	[smem:$0x3F98] =	sst s0  }
0x9: {  	[smem:$0x3F99] =	sst s1  }
0xa: {  	[smem:$0x3F9A] =	sst s2  }
0xb: {  	[smem:$0x3F9B] =	sst s3  }
0xc: {  	[smem:$0x3F9C] =	sst s4  }
0xd: {  	[smem:$0x3F9D] =	sst s5  }
0xe: {  	[smem:$0x3F9E] =	sst s6  }
0xf: {  	[smem:$0x3F9F] =	sst s7  }
0x10: {  	[smem:$0x3FA0] =	sst s8  }
0x11: {  	[smem:$0x3FA1] =	sst s9;
	s0 =	simm.s32 @!p0 $0x0  }
0x12: {  	s1 =	sld [smem:$0x3F87];
	s0 =	simm.s32 @p0 $0x1  }
0x13: {  	[smem:$0x3FA2] =	sst s0;
	s0 =	simm.s32 @!p1 $0x0  }
0x14: {  	s2 =	sld [smem:$0x3F86];
	s0 =	simm.s32 @p1 $0x1  }
0x15: {  	[smem:$0x3FA3] =	sst s0;
	s0 =	simm.s32 @!p2 $0x0  }
0x16: {  	s3 =	sld [smem:$0x3FDB];
	s0 =	simm.s32 @p2 $0x1  }
0x17: {  	s4 =	simm.s32 $0x1BF5;
	[smem:$0x3FA5] =	sst s0  }
0x18: {  	s0 =	sld [smem:$0x3F88];
	_ =	swait.ge [sflag:s4], $0x0  }
0x19: {  	s7 =	sld [smem:$0x3F89]  }
0x1a: {  	s8 =	sadd.s32 $0xFFFFE003, lr  }
0x1b: {  	s9 =	sadd.s32 $0xFFFFFEF7, lr;
	s5 =	simm.s32 $0xFFFFFFFF;
	p2 =	slt.u32 s8, $0xFFFFF086  }
0x1c: {  	p1 =	slt.u32 s9, $0xF7A;
	s5 =	simm.s32 @!p2 $0x0  }
0x1d: {  	s5 =	simm.s32 @p1 $0x1;
	p0 =	seq.s32 s7, s2  }
0x1e: {  	s7 =	smul.u32 @!p0 $0xF7A, s2;
	p2 =	seq.s32 @!p0 s5, $0x0  }
0x1f: {  	s9 =	smul.u32 $0xF7A, s1;
	s8 =	simm.s32 @!p0 $0x1BF5;
	p2 =	por !p2, p0  }
0x20: {  	[sflag:s8] =	ssyncset.s32 @!p0 $0xFFFFF086;
	s6 =	sadd.s32 @!p0 s3, s7;
	s7 =	simm.s32 @!p0 $0x108  }
0x21: {  	s3 =	sadd.s32 s3, s9;
	s6 =	sadd.s32 @!p0 $0x88, s6;
	s7 =	simm.s32 @p2 $0x1082  }
0x22: {  	[simem:s7], [sflag:s8] =	dma.local @!p0 [hbm:s6], $0xF7A  }
0x23: {  	s9 =	sor.u32 $0xD0000000, s2;
	s6 =	simm.s32 $0x108;
	_ =	swait.ge @!p0 [sflag:s8], $0x0  }
0x24: {  	s3 =	sadd.s32 $0x88, s3;
	s6 =	simm.s32 @!p1 $0x1082;
	[sflag:s4] =	ssyncset.s32 $0xFFFFF086  }
0x25: {  	[simem:s6], [sflag:s4] =	dma.local [hbm:s3], $0xF7A  }
0x26: {  	[smem:$0x3F89] =	sst s1;
	(tag) =	ssettag s2;
	_ =	strace s9  }
0x27: {  	s1 =	sld [smem:$0x3F99]  }
0x28: {  	s2 =	sld [smem:$0x3F9A]  }
0x29: {  	s4 =	sld [smem:$0x3F9C]  }
0x2a: {  	p0 =	seq.s32 s5, $0x0;
	s5 =	sld [smem:$0x3F9D]  }
0x2b: {  	s6 =	sld [smem:$0x3F9E]  }
0x2c: {  	s7 =	sld [smem:$0x3F9F]  }
0x2d: {  	s3 =	simm.s32 $0x108;
	s8 =	sld [smem:$0x3FA0]  }
0x2e: {  	s3 =	simm.s32 @!p0 $0x1082;
	s9 =	sld [smem:$0x3FA1]  }
0x2f: {  	lr =	sadd.s32 s0, s3;
	s0 =	sld [smem:$0x3F98]  }
0x30: {  	s3 =	sld [smem:$0x3F9B]  }
0x31: {  	[smem:$0x3FA4] =	sst s10  }
0x32: {  	s10 =	sld [smem:$0x3FA2];
	_ =	sdelay $0x3  }
0x33: {  	p0 =	seq.s32 s10, $0x1;
	s10 =	sld [smem:$0x3FA4];
	_ =	sdelay $0x3  }
0x34: {  	[smem:$0x3FA4] =	sst s10  }
0x35: {  	s10 =	sld [smem:$0x3FA3];
	_ =	sdelay $0x3  }
0x36: {  	p1 =	seq.s32 s10, $0x1;
	s10 =	sld [smem:$0x3FA4];
	_ =	sdelay $0x3  }
0x37: {  	[smem:$0x3FA4] =	sst s10  }
0x38: {  	s10 =	sld [smem:$0x3FA5]  }
0x39: {  	_ = 	snop;
	(pc) =	sbr.ind lr, $3  }
0x3a: {  	_ = 	snop  }
0x3b: {  	_ = 	snop  }
0x3c: {  	p2 =	seq.s32 s10, $0x1;
	s10 =	sld [smem:$0x3FA4]  }
0x3d: {  	_ =	shalt  }
0x3e: {  	_ =	shalt  }
0x3f: {  	_ =	shalt  }
0x40: {  	_ =	shalt  }
0x41: {  	_ =	shalt  }
0x42: {  	_ =	shalt  }
0x43: {  	_ =	shalt  }
0x44: {  	_ =	shalt  }
0x45: {  	_ =	shalt  }
0x46: {  	_ =	shalt  }
0x47: {  	_ =	shalt  }
0x48: {  	_ =	shalt  }
0x49: {  	_ =	shalt  }
0x4a: {  	_ =	shalt  }
0x4b: {  	_ =	shalt  }
0x4c: {  	_ =	shalt  }
0x4d: {  	_ =	shalt  }
0x4e: {  	_ =	shalt  }
0x4f: {  	_ =	shalt  }
0x50: {  	_ =	shalt  }
0x51: {  	_ =	shalt  }
0x52: {  	_ =	shalt  }
0x53: {  	_ =	shalt  }
0x54: {  	_ =	shalt  }
0x55: {  	_ =	shalt  }
0x56: {  	_ =	shalt  }
0x57: {  	_ =	shalt  }
0x58: {  	_ =	shalt  }
0x59: {  	_ =	shalt  }
0x5a: {  	_ =	shalt  }
0x5b: {  	_ =	shalt  }
0x5c: {  	_ =	shalt  }
0x5d: {  	_ =	shalt  }
0x5e: {  	_ =	shalt  }
0x5f: {  	_ =	shalt  }
0x60: {  	_ =	shalt  }
0x61: {  	_ =	shalt  }
0x62: {  	_ =	shalt  }
0x63: {  	_ =	shalt  }
0x64: {  	_ =	shalt  }
0x65: {  	_ =	shalt  }
0x66: {  	_ =	shalt  }
0x67: {  	_ =	shalt  }
0x68: {  	_ =	shalt  }
0x69: {  	_ =	shalt  }
0x6a: {  	_ =	shalt  }
0x6b: {  	_ =	shalt  }
0x6c: {  	_ =	shalt  }
0x6d: {  	_ =	shalt  }
0x6e: {  	_ =	shalt  }
0x6f: {  	_ =	shalt  }
0x70: {  	_ =	shalt  }
0x71: {  	_ =	shalt  }
0x72: {  	_ =	shalt  }
0x73: {  	_ =	shalt  }
0x74: {  	_ =	shalt  }
0x75: {  	_ =	shalt  }
0x76: {  	_ =	shalt  }
0x77: {  	_ =	shalt  }
0x78: {  	_ =	shalt  }
0x79: {  	_ =	shalt  }
0x7a: {  	_ =	shalt  }
0x7b: {  	_ =	shalt  }
0x7c: {  	_ =	shalt  }
0x7d: {  	_ =	shalt  }
0x7e: {  	_ =	shalt  }
0x7f: {  	_ =	shalt  }
0x80: {  	_ =	shalt  }
0x81: {  	_ =	shalt  }
0x82: {  	_ =	shalt  }
0x83: {  	_ =	shalt  }
0x84: {  	_ =	shalt  }
0x85: {  	_ =	shalt  }
0x86: {  	_ =	shalt  }
0x87: {  	_ =	shalt  }
.Lfunc_end0:
.L_simem_size_0:
called_computation_lowered:
.L_overlay_start_0:
0x88: {  	s2 =	sld [smem:$0x3FD9]  }
0x89: {  	s3 =	sld [smem:$0x3FFE];
	_ =	sdelay $0x1  }
0x8a: {  	s1 =	srdreg.scid  }
0x8b: {  	s0 =	sand.u32 $0x1, s1  }
0x8c: {  	s17 =	sshll.u32 s0, $0xA;
	s2 =	sadd.s32 s3, s2  }
0x8d: {  	s2 =	sadd.s32 s2, s17  }
0x8e: {  	[smem:$0x3FB0] =	sst s2  }
0x8f: {  	_ = 	snop  }
0x90: {  	(tm) =	ssettm $0x1  }
0x91: {  	s18 =	sld [smem:$0x3FFB];
	_ =	sdelay $0x3  }
0x92: {  	_ =	strace s18  }
0x93: {  	s2 =	sld [smem:$0x3FFC];
	_ =	sdelay $0x3  }
0x94: {  	_ =	strace s2  }
0x95: {  	s2 =	sld [smem:$0x3FFD];
	_ =	sdelay $0x3  }
0x96: {  	_ =	strace s2  }
0x97: {  	_ =	strace $0x8FFFFFFF  }
0x98: {  	s19 =	sld [smem:$0x3FDB];
	_ =	sdelay $0x1  }
0x99: {  	s20 =	simm.s32 $_scs_section_size  }
0x9a: {  	s4 =	simm.s32 $_size__tile_overlayer_lowered;
	s5 =	simm.s32 $_tile_overlayer_lowered  }
0x9b: {  	s6 =	simm.s32 $0x1BFF;
	s21 =	sshll.u32 s5, $0x1;
	s3 =	sadd.s32 s20, s19  }
0x9c: {  	s22 =	simm.s32 $0x0;
	s4 =	sshll.u32 s4, $0x1;
	s5 =	sadd.s32 s21, s3  }
0x9d: {  	[timem:s22], [sflag:s6] =	dma.local [hbm:s5], s4  }
0x9e: {  	_ =	swait.ge [sflag:s6], s4  }
0x9f: {  	s4 =	ssub.s32 $0x0, s4;
	[sflag:s6] =	ssyncset.done $0x0  }
0xa0: {  	[sflag:s6] =	ssyncadd.s32 s4;
	_ =	sdelay $0x1  }
0xa1: {  	s23 =	simm.s32 $0x1B8B  }
0xa2: {  	_ =	swait.ge [sflag:s23], $0x1  }
0xa3: {  	[sflag:s23] =	ssyncset.done $0x0  }
0xa4: {  	[sflag:s23] =	ssyncadd.s32 $0xFFFFFFFF  }
0xa5: {  	s4 =	sld [smem:$0x0]  }
0xa6: {  	s5 =	sand.u32 $0xFFFFFFFE, s1  }
0xa7: {  	p0 =	sne.s32 s1, s5  }
0xa8: {  	s5 =	sshll.u32 @p0 s5, $0xE  }
0xa9: {  	s5 =	sadd.s32 @p0 $0x11B8D, s5;
	s6 =	sshll.u32 @p0 s4, $0x11  }
0xaa: {  	s5 =	sor.u32 @p0 s6, s5  }
0xab: {  	[sflag:s5] =	ssyncadd.remote.s32 @p0 $0x1;
	_ =	sdelay $0x1  }
0xac: {  	s5 =	simm.s32 @p0 $0x1B8D  }
0xad: {  	_ =	swait.eq @p0 [sflag:s5], $0x1  }
0xae: {  	[sflag:s5] =	ssyncadd.s32 @p0 $0xFFFFFFFF  }
0xaf: {  	s6 =	sshll.u32 @!p0 s1, $0xE  }
0xb0: {  	s6 =	sor.u32 @!p0 $0x4000, s6;
	s5 =	simm.s32 @!p0 $0x1B8D  }
0xb1: {  	s4 =	sshll.u32 @!p0 s4, $0x11;
	s6 =	sadd.s32 @!p0 $0x11B8D, s6;
	_ =	swait.eq @!p0 [sflag:s5], $0x1  }
0xb2: {  	s4 =	sor.u32 @!p0 s4, s6;
	[sflag:s5] =	ssyncadd.s32 @!p0 $0xFFFFFFFF  }
0xb3: {  	s25 =	simm.s32 $0x1B8E;
	s24 =	sld [smem:$0x3FFE];
	[sflag:s4] =	ssyncadd.remote.s32 @!p0 $0x1  }
0xb4: {  	s26 =	simm.s32 $execute0_lowered;
	[smem:$0x3FD2] =	sst s25  }
0xb5: {  	s5 =	sshll.u32 s26, $0x1;
	_ =	strace $0x80000049;
	[dreg:$0x1] =	wrdreg $0xFFFFFFFF  }
0xb6: {  	s28 =	simm.s32 $_size_execute0_lowered;
	s3 =	sadd.s32 s3, s5;
	[dreg:$0x0] =	wrdreg $0x0  }
0xb7: {  	s5 =	sshll.u32 s28, $0x1;
	[dreg:$0x2] =	wrdreg s3  }
0xb8: {  	[dreg:$0x3] =	wrdreg s5  }
0xb9: {  	[dreg:$0x4] =	wrdreg $0xC0  }
0xba: {  	_ =	task [dreg:s22], $0x5FFFF  }
0xbb: {  	[dreg:$0x1] =	wrdreg $0xFFFFFFFF  }
0xbc: {  	[dreg:$0x0] =	wrdreg $0x60  }
0xbd: {  	[dreg:$0x2] =	wrdreg s24  }
0xbe: {  	[dreg:$0x3] =	wrdreg $0x9  }
0xbf: {  	_ =	task.clear_ibuf [dreg:s22], $0x4FFFF;
	_ =	strace $0x90000049  }
0xc0: {  	s29 =	simm.s32 $0x9;
	_ =	strace $0x8000004B  }
0xc1: {  	_ =	swait.ge [sflag:s29], $0x1  }
0xc2: {  	[sflag:s29] =	ssyncadd.s32 $0xFFFFFFFF  }
0xc3: {  	_ =	strace $0x9000004B  }
0xc4: {  	_ =	sfence  }
0xc5: {  	s30 =	sld [smem:$0x0];
	_ =	sdelay $0x2  }
0xc6: {  	s31 =	sshll.u32 s1, $0xD;
	s1 =	sshrl.u32 s1, $0x2  }
0xc7: {  	s4 =	sand.u32 $0x4000, s31;
	s1 =	sadd.s32 s1, s30  }
0xc8: {  	s0 =	sor.u32 s4, s0;
	s1 =	sshll.u32 s1, $0x11  }
0xc9: {  	s0 =	sor.u32 s1, s0  }
0xca: {  	s0 =	sadd.s32 $0x8F2B, s0  }
0xcb: {  	[sflag:s0] =	ssyncadd.remote.s32 $0x1  }
0xcc: {  	_ =	sfence.sel $0xFFFF  }
0xcd: {  	[dreg:$0x0] =	wrdreg $0xFFFFFFFF;
	(pc) =	sbr.abs _section_cstart, $3  }
0xce: {  	[dreg:$0x1] =	wrdreg $0xFFFFFFFF  }
0xcf: {  	_ =	task.clear_ibuf [dreg:s22], $0x2FFFF;
	_ =	strace $0x9FFFFFFF  }
0xd0: {  	(tm) =	ssettm $0x7FFFFFFF  }
0xd1: {  	_ =	shalt  }
tec
execute0_lowered:
.L_overlay_start_1:
0x0: {  	(tag) =	ssettag $0x1  }
0x1: {  	s0 =	rddreg [dreg:$0x0]  }
0x2: {  	s2 =	simm.s32 $0x0;
	s1 =	srdreg.scid;
	s3 =	stileid.u32  }
0x3: {  	s12 =	simm.s32 $0x28;
	s13 =	simm.s32 $0x8000;
	s14 =	simm.s32 $0xE400  }
0x4: {  	s15 =	simm.s32 $0x9400;
	s16 =	simm.s32 $0xF800;
	s17 =	simm.s32 $0xA800  }
0x5: {  	s18 =	simm.s32 $0x10C00;
	s19 =	simm.s32 $0xBC00;
	s20 =	simm.s32 $0x12000  }
0x6: {  	s21 =	simm.s32 $0xD000;
	s22 =	simm.s32 $0x13400;
	s23 =	simm.s32 $0x1  }
0x7: {  	s28 =	simm.s32 $0x5;
	s30 =	simm.s32 $0x7;
	s1 =	sand.u32 $0x1, s1  }
0x8: {  	s31 =	simm.s32 $0x8;
	s4 =	sshll.u32 s3, $0xC;
	s5 =	sshll.u32 s1, $0xB  }
0x9: {  	[smem:$0x7FF] =	sst s2;
	s6 =	smul.u32 $0x27100, s3;
	s4 =	sor.u32 s5, s4  }
0xa: {  	s3 =	sadd.s32 $0x22E00, s0;
	s7 =	ssub.s32 $0x2, s1;
	s4 =	sadd.s32 s4, s0  }
0xb: {  	_ =	strace $0x8000004A;
	s24 =	sshrl.u32 s7, $0x1;
	s25 =	sadd.s32 $0x52C000, s4  }
0xc: {  	s5 =	ssub.s32 s7, s24;
	s4 =	sadd.s32 $0x53C000, s4;
	[dreg:$0x2] =	wrdreg s25  }
0xd: {  	s0 =	sadd.s32 s6, s0;
	s26 =	smax.u32 s5, $0x1;
	[dreg:$0x3] =	wrdreg s4  }
0xe: {  	s10 =	simm.s32 $0x0;
	s29 =	sadd.s32 $0x54C000, s0;
	[dreg:$0x4] =	wrdreg s26  }
0xf: {  	s7 =	smul.u32 $0x13880, s1;
	s0 =	sadd.s32 $0x7BD000, s0;
	[dreg:$0x5] =	wrdreg s29  }
0x10: {  	s24 =	simm.s32 $0x2;
	s1 =	simm.s32 $0xA;
	[dreg:$0x6] =	wrdreg s0  }
0x11: {  	s25 =	simm.s32 $0x3;
	s26 =	simm.s32 $0x4;
	s0 =	simm.s32 $0x9  }
.LBB2_1:
0x12: {  	s4 =	rddreg [dreg:$0x2]  }
0x13: {  	[tilespmem:s2], [sflag:$0xB] =	stream.linear.gather [hbm4b:s4+s2], $0x3E80, $0x38;
	[tilespmem:$0x14800] =	vst v63  }
0x14: {  	s11 =	rddreg [dreg:$0x3];
	s5 =	simm.s32 $0x4000;
	s29 =	simm.s32 $0xB  }
0x15: {  	[tilespmem:s5], [sflag:$0xB] =	stream.linear.gather [hbm4b:s11+s2], $0x3E80, $0x38;
	[tilespmem:$0x14800] =	vst v63  }
0x16: {  	_ =	swait.ge [sflag:s29], $0x3E80  }
0x17: {  	[sflag:s29] =	ssyncset.done $0x0  }
0x18: {  	[sflag:s29] =	ssyncadd.s32 $0xFFFFC180  }
0x19: {  	_ =	swait.ge [sflag:s29], $0x3E80  }
0x1a: {  	p0 =	por $0x1, $0x1;
	[sflag:s29] =	ssyncset.done $0x0  }
0x1b: {  	s4 =	simm.s32 @!p0 $0x6;
	[sflag:s29] =	ssyncadd.s32 $0xFFFFC180  }
0x1c: {  	_ =	swait.ge @!p0 [sflag:s4], $0x1400  }
0x1d: {  	[sflag:s4] =	ssyncset.done @!p0 $0x0  }
0x1e: {  	[sflag:s4] =	ssyncadd.s32 @!p0 $0xFFFFEC00  }
0x1f: {  	_ =	swait.ge @!p0 [sflag:s4], $0x1400  }
0x20: {  	[sflag:s4] =	ssyncset.done @!p0 $0x0  }
0x21: {  	s5 =	simm.s32 $0x0;
	[sflag:s4] =	ssyncadd.s32 @!p0 $0xFFFFEC00  }
0x22: {  	[tilespmem:s13], [sflag:$0x1] =	stream.indirect.gather [hbm4b:s3+s12], $0x80, s5, s12, $0xb8;
	[tilespmem:$0x14800] =	vst v63  }
0x23: {  	s6 =	simm.s32 $0x4000;
	s5 =	simm.s32 @!p0 $0x7  }
0x24: {  	[tilespmem:s14], [sflag:$0x1] =	stream.indirect.gather [hbm4b:s3+s12], $0x80, s6, s12, $0xb8;
	[tilespmem:$0x14800] =	vst v63  }
0x25: {  	_ =	swait.ge @!p0 [sflag:s5], $0x1400  }
0x26: {  	[sflag:s5] =	ssyncset.done @!p0 $0x0  }
0x27: {  	[sflag:s5] =	ssyncadd.s32 @!p0 $0xFFFFEC00  }
0x28: {  	_ =	swait.ge @!p0 [sflag:s5], $0x1400  }
0x29: {  	[sflag:s5] =	ssyncset.done @!p0 $0x0  }
0x2a: {  	s8 =	simm.s32 $0x80;
	[sflag:s5] =	ssyncadd.s32 @!p0 $0xFFFFEC00  }
0x2b: {  	[tilespmem:s15], [sflag:$0x2] =	stream.indirect.gather [hbm4b:s3+s12], $0x80, s8, s12, $0xb8;
	[tilespmem:$0x14800] =	vst v63  }
0x2c: {  	s9 =	simm.s32 $0x4080;
	s5 =	simm.s32 @!p0 $0x8  }
0x2d: {  	[tilespmem:s16], [sflag:$0x2] =	stream.indirect.gather [hbm4b:s3+s12], $0x80, s9, s12, $0xb8;
	[tilespmem:$0x14800] =	vst v63  }
0x2e: {  	_ =	swait.ge @!p0 [sflag:s5], $0x1400  }
0x2f: {  	[sflag:s5] =	ssyncset.done @!p0 $0x0  }
0x30: {  	[sflag:s5] =	ssyncadd.s32 @!p0 $0xFFFFEC00  }
0x31: {  	_ =	swait.ge @!p0 [sflag:s5], $0x1400  }
0x32: {  	[sflag:s5] =	ssyncset.done @!p0 $0x0  }
0x33: {  	s11 =	simm.s32 $0x100;
	[sflag:s5] =	ssyncadd.s32 @!p0 $0xFFFFEC00  }
0x34: {  	[tilespmem:s17], [sflag:$0x3] =	stream.indirect.gather [hbm4b:s3+s12], $0x80, s11, s12, $0xb8;
	[tilespmem:$0x14800] =	vst v63  }
0x35: {  	s29 =	simm.s32 $0x4100;
	s5 =	simm.s32 @!p0 $0x9  }
0x36: {  	[tilespmem:s18], [sflag:$0x3] =	stream.indirect.gather [hbm4b:s3+s12], $0x80, s29, s12, $0xb8;
	[tilespmem:$0x14800] =	vst v63  }
0x37: {  	_ =	swait.ge @!p0 [sflag:s5], $0x1400  }
0x38: {  	[sflag:s5] =	ssyncset.done @!p0 $0x0  }
0x39: {  	[sflag:s5] =	ssyncadd.s32 @!p0 $0xFFFFEC00  }
0x3a: {  	_ =	swait.ge @!p0 [sflag:s5], $0x1400  }
0x3b: {  	[sflag:s5] =	ssyncset.done @!p0 $0x0  }
0x3c: {  	s6 =	simm.s32 $0x180;
	[sflag:s5] =	ssyncadd.s32 @!p0 $0xFFFFEC00  }
0x3d: {  	[tilespmem:s19], [sflag:$0x4] =	stream.indirect.gather [hbm4b:s3+s12], $0x80, s6, s12, $0xb8;
	[tilespmem:$0x14800] =	vst v63  }
0x3e: {  	s8 =	simm.s32 $0x4180;
	s5 =	simm.s32 @!p0 $0xA  }
0x3f: {  	[tilespmem:s20], [sflag:$0x4] =	stream.indirect.gather [hbm4b:s3+s12], $0x80, s8, s12, $0xb8;
	[tilespmem:$0x14800] =	vst v63  }
0x40: {  	_ =	swait.ge @!p0 [sflag:s5], $0x1400  }
0x41: {  	[sflag:s5] =	ssyncset.done @!p0 $0x0  }
0x42: {  	[sflag:s5] =	ssyncadd.s32 @!p0 $0xFFFFEC00  }
0x43: {  	_ =	swait.ge @!p0 [sflag:s5], $0x1400  }
0x44: {  	[sflag:s5] =	ssyncset.done @!p0 $0x0  }
0x45: {  	s9 =	simm.s32 $0x200;
	[sflag:s5] =	ssyncadd.s32 @!p0 $0xFFFFEC00  }
0x46: {  	[tilespmem:s21], [sflag:$0x5] =	stream.indirect.gather [hbm4b:s3+s12], $0x80, s9, s12, $0xb8;
	[tilespmem:$0x14800] =	vst v63  }
0x47: {  	s11 =	simm.s32 $0x4200  }
0x48: {  	[tilespmem:s22], [sflag:$0x5] =	stream.indirect.gather [hbm4b:s3+s12], $0x80, s11, s12, $0xb8;
	[tilespmem:$0x14800] =	vst v63  }
0x49: {  	_ =	swait.ge [sflag:s23], $0x1400  }
0x4a: {  	[sflag:s23] =	ssyncset.done $0x0  }
0x4b: {  	[sflag:s23] =	ssyncadd.s32 $0xFFFFEC00  }
0x4c: {  	_ =	swait.ge [sflag:s23], $0x1400  }
0x4d: {  	[sflag:s23] =	ssyncset.done $0x0;
	s8 =	rddreg [dreg:$0x5]  }
0x4e: {  	s11 =	rddreg [dreg:$0x6];
	[sflag:s23] =	ssyncadd.s32 $0xFFFFEC00;
	s4 =	sadd.s32 s8, s7  }
0x4f: {  	[hbm4b:s4+s2] =	stream.linear.scatter [tilespmem:s13], [sflag:$0x6], $0x1400, $0x38;
	[tilespmem:$0x14800] =	vst v63  }
0x50: {  	s5 =	sadd.s32 s11, s7  }
0x51: {  	[hbm4b:s5+s2] =	stream.linear.scatter [tilespmem:s14], [sflag:$0x6], $0x1400, $0x38;
	[tilespmem:$0x14800] =	vst v63  }
0x52: {  	_ =	swait.ge [sflag:s24], $0x1400  }
0x53: {  	[sflag:s24] =	ssyncset.done $0x0  }
0x54: {  	[sflag:s24] =	ssyncadd.s32 $0xFFFFEC00  }
0x55: {  	_ =	swait.ge [sflag:s24], $0x1400  }
0x56: {  	[sflag:s24] =	ssyncset.done $0x0  }
0x57: {  	s6 =	sadd.s32 $0x280, s4;
	[sflag:s24] =	ssyncadd.s32 $0xFFFFEC00  }
0x58: {  	[hbm4b:s6+s2] =	stream.linear.scatter [tilespmem:s15], [sflag:$0x7], $0x1400, $0x38;
	[tilespmem:$0x14800] =	vst v63  }
0x59: {  	s29 =	sadd.s32 $0x280, s5  }
0x5a: {  	[hbm4b:s29+s2] =	stream.linear.scatter [tilespmem:s16], [sflag:$0x7], $0x1400, $0x38;
	[tilespmem:$0x14800] =	vst v63  }
0x5b: {  	_ =	swait.ge [sflag:s25], $0x1400  }
0x5c: {  	[sflag:s25] =	ssyncset.done $0x0  }
0x5d: {  	[sflag:s25] =	ssyncadd.s32 $0xFFFFEC00  }
0x5e: {  	_ =	swait.ge [sflag:s25], $0x1400  }
0x5f: {  	[sflag:s25] =	ssyncset.done $0x0  }
0x60: {  	s9 =	sadd.s32 $0x500, s4;
	[sflag:s25] =	ssyncadd.s32 $0xFFFFEC00  }
0x61: {  	[hbm4b:s9+s2] =	stream.linear.scatter [tilespmem:s17], [sflag:$0x8], $0x1400, $0x38;
	[tilespmem:$0x14800] =	vst v63  }
0x62: {  	s29 =	sadd.s32 $0x500, s5  }
0x63: {  	[hbm4b:s29+s2] =	stream.linear.scatter [tilespmem:s18], [sflag:$0x8], $0x1400, $0x38;
	[tilespmem:$0x14800] =	vst v63  }
0x64: {  	_ =	swait.ge [sflag:s26], $0x1400  }
0x65: {  	[sflag:s26] =	ssyncset.done $0x0  }
0x66: {  	[sflag:s26] =	ssyncadd.s32 $0xFFFFEC00  }
0x67: {  	_ =	swait.ge [sflag:s26], $0x1400  }
0x68: {  	[sflag:s26] =	ssyncset.done $0x0  }
0x69: {  	s9 =	sadd.s32 $0x780, s4;
	[sflag:s26] =	ssyncadd.s32 $0xFFFFEC00  }
0x6a: {  	[hbm4b:s9+s2] =	stream.linear.scatter [tilespmem:s19], [sflag:$0x9], $0x1400, $0x38;
	[tilespmem:$0x14800] =	vst v63  }
0x6b: {  	s29 =	sadd.s32 $0x780, s5  }
0x6c: {  	[hbm4b:s29+s2] =	stream.linear.scatter [tilespmem:s20], [sflag:$0x9], $0x1400, $0x38;
	[tilespmem:$0x14800] =	vst v63  }
0x6d: {  	_ =	swait.ge [sflag:s28], $0x1400  }
0x6e: {  	[sflag:s28] =	ssyncset.done $0x0  }
0x6f: {  	[sflag:s28] =	ssyncadd.s32 $0xFFFFEC00  }
0x70: {  	_ =	swait.ge [sflag:s28], $0x1400  }
0x71: {  	p1 =	por $0x0, $0x0;
	[sflag:s28] =	ssyncset.done $0x0  }
0x72: {  	s6 =	simm.s32 $0xA00;
	s4 =	sadd.s32 $0xA00, s4;
	[sflag:s28] =	ssyncadd.s32 $0xFFFFEC00  }
0x73: {  	[hbm4b:s4+s2] =	stream.linear.scatter [tilespmem:s21], [sflag:$0xA], $0x1400, $0x38;
	[tilespmem:$0x14800] =	vst v63  }
0x74: {  	s5 =	sadd.s32 $0xA00, s5;
	s9 =	simm.s32 $0x1400;
	s4 =	sadd.s32 $0xC80, s11  }
.LBB2_2:
0x75: {  	s11 =	simm.s32 @!p1 $0x6  }
0x76: {  	s8 =	sadd.s32 $0xC80, s8;
	s29 =	smov.u32 s9;
	s9 =	sadd.s32 $0xA00, s9  }
0x77: {  	[hbm4b:s5+s2] =	stream.linear.scatter [tilespmem:s22], [sflag:$0xA], $0x1400, $0x38;
	[tilespmem:$0x14800] =	vst v63  }
0x78: {  	p0 =	sne.s32 s9, $0xFA00;
	_ =	swait.ge @!p1 [sflag:s11], $0x1400  }
0x79: {  	[sflag:s11] =	ssyncset.done @!p1 $0x0  }
0x7a: {  	[sflag:s11] =	ssyncadd.s32 @!p1 $0xFFFFEC00  }
0x7b: {  	_ =	swait.ge @!p1 [sflag:s11], $0x1400  }
0x7c: {  	[sflag:s11] =	ssyncset.done @!p1 $0x0  }
0x7d: {  	s5 =	sshra.s32 s6, $0x2;
	s6 =	smov.u32 s29;
	[sflag:s11] =	ssyncadd.s32 @!p1 $0xFFFFEC00  }
0x7e: {  	[tilespmem:s13], [sflag:$0x1] =	stream.indirect.gather [hbm4b:s3+s12], $0x80, s5, s12, $0xb8;
	[tilespmem:$0x14800] =	vst v63  }
0x7f: {  	s29 =	simm.s32 @!p1 $0x7;
	s11 =	sadd.s32 $0x4000, s5  }
0x80: {  	[tilespmem:s14], [sflag:$0x1] =	stream.indirect.gather [hbm4b:s3+s12], $0x80, s11, s12, $0xb8;
	[tilespmem:$0x14800] =	vst v63  }
0x81: {  	_ =	swait.ge @!p1 [sflag:s29], $0x1400  }
0x82: {  	[sflag:s29] =	ssyncset.done @!p1 $0x0  }
0x83: {  	[sflag:s29] =	ssyncadd.s32 @!p1 $0xFFFFEC00  }
0x84: {  	_ =	swait.ge @!p1 [sflag:s29], $0x1400  }
0x85: {  	[sflag:s29] =	ssyncset.done @!p1 $0x0  }
0x86: {  	s11 =	sadd.s32 $0x80, s5;
	[sflag:s29] =	ssyncadd.s32 @!p1 $0xFFFFEC00  }
0x87: {  	[tilespmem:s15], [sflag:$0x2] =	stream.indirect.gather [hbm4b:s3+s12], $0x80, s11, s12, $0xb8;
	[tilespmem:$0x14800] =	vst v63  }
0x88: {  	s29 =	simm.s32 @!p1 $0x8;
	s11 =	sadd.s32 $0x4080, s5  }
0x89: {  	[tilespmem:s16], [sflag:$0x2] =	stream.indirect.gather [hbm4b:s3+s12], $0x80, s11, s12, $0xb8;
	[tilespmem:$0x14800] =	vst v63  }
0x8a: {  	_ =	swait.ge @!p1 [sflag:s29], $0x1400  }
0x8b: {  	[sflag:s29] =	ssyncset.done @!p1 $0x0  }
0x8c: {  	[sflag:s29] =	ssyncadd.s32 @!p1 $0xFFFFEC00  }
0x8d: {  	_ =	swait.ge @!p1 [sflag:s29], $0x1400  }
0x8e: {  	[sflag:s29] =	ssyncset.done @!p1 $0x0  }
0x8f: {  	s11 =	sadd.s32 $0x100, s5;
	[sflag:s29] =	ssyncadd.s32 @!p1 $0xFFFFEC00  }
0x90: {  	[tilespmem:s17], [sflag:$0x3] =	stream.indirect.gather [hbm4b:s3+s12], $0x80, s11, s12, $0xb8;
	[tilespmem:$0x14800] =	vst v63  }
0x91: {  	s29 =	simm.s32 @!p1 $0x9;
	s11 =	sadd.s32 $0x4100, s5  }
0x92: {  	[tilespmem:s18], [sflag:$0x3] =	stream.indirect.gather [hbm4b:s3+s12], $0x80, s11, s12, $0xb8;
	[tilespmem:$0x14800] =	vst v63  }
0x93: {  	_ =	swait.ge @!p1 [sflag:s29], $0x1400  }
0x94: {  	[sflag:s29] =	ssyncset.done @!p1 $0x0  }
0x95: {  	[sflag:s29] =	ssyncadd.s32 @!p1 $0xFFFFEC00  }
0x96: {  	_ =	swait.ge @!p1 [sflag:s29], $0x1400  }
0x97: {  	[sflag:s29] =	ssyncset.done @!p1 $0x0  }
0x98: {  	s11 =	sadd.s32 $0x180, s5;
	[sflag:s29] =	ssyncadd.s32 @!p1 $0xFFFFEC00  }
0x99: {  	[tilespmem:s19], [sflag:$0x4] =	stream.indirect.gather [hbm4b:s3+s12], $0x80, s11, s12, $0xb8;
	[tilespmem:$0x14800] =	vst v63  }
0x9a: {  	s29 =	simm.s32 @!p1 $0xA;
	s11 =	sadd.s32 $0x4180, s5  }
0x9b: {  	[tilespmem:s20], [sflag:$0x4] =	stream.indirect.gather [hbm4b:s3+s12], $0x80, s11, s12, $0xb8;
	[tilespmem:$0x14800] =	vst v63  }
0x9c: {  	_ =	swait.ge @!p1 [sflag:s29], $0x1400  }
0x9d: {  	[sflag:s29] =	ssyncset.done @!p1 $0x0  }
0x9e: {  	[sflag:s29] =	ssyncadd.s32 @!p1 $0xFFFFEC00  }
0x9f: {  	_ =	swait.ge @!p1 [sflag:s29], $0x1400  }
0xa0: {  	[sflag:s29] =	ssyncset.done @!p1 $0x0  }
0xa1: {  	s11 =	sadd.s32 $0x200, s5;
	[sflag:s29] =	ssyncadd.s32 @!p1 $0xFFFFEC00  }
0xa2: {  	[tilespmem:s21], [sflag:$0x5] =	stream.indirect.gather [hbm4b:s3+s12], $0x80, s11, s12, $0xb8;
	[tilespmem:$0x14800] =	vst v63  }
0xa3: {  	s5 =	sadd.s32 $0x4200, s5  }
0xa4: {  	[tilespmem:s22], [sflag:$0x5] =	stream.indirect.gather [hbm4b:s3+s12], $0x80, s5, s12, $0xb8;
	[tilespmem:$0x14800] =	vst v63  }
0xa5: {  	_ =	swait.ge [sflag:s23], $0x1400  }
0xa6: {  	[sflag:s23] =	ssyncset.done $0x0  }
0xa7: {  	[sflag:s23] =	ssyncadd.s32 $0xFFFFEC00  }
0xa8: {  	_ =	swait.ge [sflag:s23], $0x1400  }
0xa9: {  	[sflag:s23] =	ssyncset.done $0x0  }
0xaa: {  	s11 =	sadd.s32 s8, s7;
	[sflag:s23] =	ssyncadd.s32 $0xFFFFEC00  }
0xab: {  	[hbm4b:s11+s2] =	stream.linear.scatter [tilespmem:s13], [sflag:$0x6], $0x1400, $0x38;
	[tilespmem:$0x14800] =	vst v63  }
0xac: {  	s5 =	sadd.s32 s4, s7  }
0xad: {  	[hbm4b:s5+s2] =	stream.linear.scatter [tilespmem:s14], [sflag:$0x6], $0x1400, $0x38;
	[tilespmem:$0x14800] =	vst v63  }
0xae: {  	_ =	swait.ge [sflag:s24], $0x1400  }
0xaf: {  	[sflag:s24] =	ssyncset.done $0x0  }
0xb0: {  	[sflag:s24] =	ssyncadd.s32 $0xFFFFEC00  }
0xb1: {  	_ =	swait.ge [sflag:s24], $0x1400  }
0xb2: {  	[sflag:s24] =	ssyncset.done $0x0  }
0xb3: {  	s29 =	sadd.s32 $0x280, s11;
	[sflag:s24] =	ssyncadd.s32 $0xFFFFEC00  }
0xb4: {  	[hbm4b:s29+s2] =	stream.linear.scatter [tilespmem:s15], [sflag:$0x7], $0x1400, $0x38;
	[tilespmem:$0x14800] =	vst v63  }
0xb5: {  	s29 =	sadd.s32 $0x280, s5  }
0xb6: {  	[hbm4b:s29+s2] =	stream.linear.scatter [tilespmem:s16], [sflag:$0x7], $0x1400, $0x38;
	[tilespmem:$0x14800] =	vst v63  }
0xb7: {  	_ =	swait.ge [sflag:s25], $0x1400  }
0xb8: {  	[sflag:s25] =	ssyncset.done $0x0  }
0xb9: {  	[sflag:s25] =	ssyncadd.s32 $0xFFFFEC00  }
0xba: {  	_ =	swait.ge [sflag:s25], $0x1400  }
0xbb: {  	[sflag:s25] =	ssyncset.done $0x0  }
0xbc: {  	s29 =	sadd.s32 $0x500, s11;
	[sflag:s25] =	ssyncadd.s32 $0xFFFFEC00  }
0xbd: {  	[hbm4b:s29+s2] =	stream.linear.scatter [tilespmem:s17], [sflag:$0x8], $0x1400, $0x38;
	[tilespmem:$0x14800] =	vst v63  }
0xbe: {  	s29 =	sadd.s32 $0x500, s5  }
0xbf: {  	[hbm4b:s29+s2] =	stream.linear.scatter [tilespmem:s18], [sflag:$0x8], $0x1400, $0x38;
	[tilespmem:$0x14800] =	vst v63  }
0xc0: {  	_ =	swait.ge [sflag:s26], $0x1400  }
0xc1: {  	[sflag:s26] =	ssyncset.done $0x0  }
0xc2: {  	[sflag:s26] =	ssyncadd.s32 $0xFFFFEC00  }
0xc3: {  	_ =	swait.ge [sflag:s26], $0x1400  }
0xc4: {  	[sflag:s26] =	ssyncset.done $0x0  }
0xc5: {  	s29 =	sadd.s32 $0x780, s11;
	[sflag:s26] =	ssyncadd.s32 $0xFFFFEC00  }
0xc6: {  	[hbm4b:s29+s2] =	stream.linear.scatter [tilespmem:s19], [sflag:$0x9], $0x1400, $0x38;
	[tilespmem:$0x14800] =	vst v63  }
0xc7: {  	s29 =	sadd.s32 $0x780, s5  }
0xc8: {  	[hbm4b:s29+s2] =	stream.linear.scatter [tilespmem:s20], [sflag:$0x9], $0x1400, $0x38;
	[tilespmem:$0x14800] =	vst v63  }
0xc9: {  	_ =	swait.ge [sflag:s28], $0x1400  }
0xca: {  	[sflag:s28] =	ssyncset.done $0x0  }
.Ltmp0:
0xcb: {  	[sflag:s28] =	ssyncadd.s32 $0xFFFFEC00;
	(pc) =	sbr.rel @p0 .LBB2_2-.Ltmp0, $4  }
0xcc: {  	_ =	swait.ge [sflag:s28], $0x1400  }
0xcd: {  	s4 =	sadd.s32 $0xC80, s4;
	s11 =	sadd.s32 $0xA00, s11;
	[sflag:s28] =	ssyncset.done $0x0  }
0xce: {  	p1 =	seq.s32 s6, $0x0;
	s5 =	sadd.s32 $0xA00, s5;
	[sflag:s28] =	ssyncadd.s32 $0xFFFFEC00  }
0xcf: {  	[hbm4b:s11+s2] =	stream.linear.scatter [tilespmem:s21], [sflag:$0xA], $0x1400, $0x38;
	[tilespmem:$0x14800] =	vst v63  }
0xd0: {  	[hbm4b:s5+s2] =	stream.linear.scatter [tilespmem:s22], [sflag:$0xA], $0x1400, $0x38;
	[tilespmem:$0x14800] =	vst v63  }
0xd1: {  	s5 =	simm.s32 @!p1 $0x6  }
0xd2: {  	_ =	swait.ge @!p1 [sflag:s5], $0x1400  }
0xd3: {  	[sflag:s5] =	ssyncset.done @!p1 $0x0  }
0xd4: {  	[sflag:s5] =	ssyncadd.s32 @!p1 $0xFFFFEC00  }
0xd5: {  	_ =	swait.ge @!p1 [sflag:s5], $0x1400  }
0xd6: {  	[sflag:s5] =	ssyncset.done @!p1 $0x0  }
0xd7: {  	[sflag:s5] =	ssyncadd.s32 @!p1 $0xFFFFEC00;
	s5 =	sshra.s32 s6, $0x2  }
0xd8: {  	[tilespmem:s13], [sflag:$0x1] =	stream.indirect.gather [hbm4b:s3+s12], $0x80, s5, s12, $0xb8;
	[tilespmem:$0x14800] =	vst v63  }
0xd9: {  	s6 =	sadd.s32 $0x4000, s5  }
0xda: {  	[tilespmem:s14], [sflag:$0x1] =	stream.indirect.gather [hbm4b:s3+s12], $0x80, s6, s12, $0xb8;
	[tilespmem:$0x14800] =	vst v63  }
0xdb: {  	s6 =	simm.s32 @!p1 $0x7  }
0xdc: {  	_ =	swait.ge @!p1 [sflag:s6], $0x1400  }
0xdd: {  	[sflag:s6] =	ssyncset.done @!p1 $0x0  }
0xde: {  	[sflag:s6] =	ssyncadd.s32 @!p1 $0xFFFFEC00  }
0xdf: {  	_ =	swait.ge @!p1 [sflag:s6], $0x1400  }
0xe0: {  	[sflag:s6] =	ssyncset.done @!p1 $0x0  }
0xe1: {  	s29 =	sadd.s32 $0x80, s5;
	[sflag:s6] =	ssyncadd.s32 @!p1 $0xFFFFEC00  }
0xe2: {  	[tilespmem:s15], [sflag:$0x2] =	stream.indirect.gather [hbm4b:s3+s12], $0x80, s29, s12, $0xb8;
	[tilespmem:$0x14800] =	vst v63  }
0xe3: {  	s9 =	sadd.s32 $0x4080, s5;
	s6 =	simm.s32 @!p1 $0x8  }
0xe4: {  	[tilespmem:s16], [sflag:$0x2] =	stream.indirect.gather [hbm4b:s3+s12], $0x80, s9, s12, $0xb8;
	[tilespmem:$0x14800] =	vst v63  }
0xe5: {  	_ =	swait.ge @!p1 [sflag:s6], $0x1400  }
0xe6: {  	[sflag:s6] =	ssyncset.done @!p1 $0x0  }
0xe7: {  	[sflag:s6] =	ssyncadd.s32 @!p1 $0xFFFFEC00  }
0xe8: {  	_ =	swait.ge @!p1 [sflag:s6], $0x1400  }
0xe9: {  	[sflag:s6] =	ssyncset.done @!p1 $0x0  }
0xea: {  	s11 =	sadd.s32 $0x100, s5;
	[sflag:s6] =	ssyncadd.s32 @!p1 $0xFFFFEC00  }
0xeb: {  	[tilespmem:s17], [sflag:$0x3] =	stream.indirect.gather [hbm4b:s3+s12], $0x80, s11, s12, $0xb8;
	[tilespmem:$0x14800] =	vst v63  }
0xec: {  	s29 =	sadd.s32 $0x4100, s5;
	s6 =	simm.s32 @!p1 $0x9  }
0xed: {  	[tilespmem:s18], [sflag:$0x3] =	stream.indirect.gather [hbm4b:s3+s12], $0x80, s29, s12, $0xb8;
	[tilespmem:$0x14800] =	vst v63  }
0xee: {  	_ =	swait.ge @!p1 [sflag:s6], $0x1400  }
0xef: {  	[sflag:s6] =	ssyncset.done @!p1 $0x0  }
0xf0: {  	[sflag:s6] =	ssyncadd.s32 @!p1 $0xFFFFEC00  }
0xf1: {  	_ =	swait.ge @!p1 [sflag:s6], $0x1400  }
0xf2: {  	[sflag:s6] =	ssyncset.done @!p1 $0x0  }
0xf3: {  	s9 =	sadd.s32 $0x180, s5;
	[sflag:s6] =	ssyncadd.s32 @!p1 $0xFFFFEC00  }
0xf4: {  	[tilespmem:s19], [sflag:$0x4] =	stream.indirect.gather [hbm4b:s3+s12], $0x80, s9, s12, $0xb8;
	[tilespmem:$0x14800] =	vst v63  }
0xf5: {  	s11 =	sadd.s32 $0x4180, s5;
	s6 =	simm.s32 @!p1 $0xA  }
0xf6: {  	[tilespmem:s20], [sflag:$0x4] =	stream.indirect.gather [hbm4b:s3+s12], $0x80, s11, s12, $0xb8;
	[tilespmem:$0x14800] =	vst v63  }
0xf7: {  	_ =	swait.ge @!p1 [sflag:s6], $0x1400  }
0xf8: {  	[sflag:s6] =	ssyncset.done @!p1 $0x0  }
0xf9: {  	[sflag:s6] =	ssyncadd.s32 @!p1 $0xFFFFEC00  }
0xfa: {  	_ =	swait.ge @!p1 [sflag:s6], $0x1400  }
0xfb: {  	[sflag:s6] =	ssyncset.done @!p1 $0x0  }
0xfc: {  	s29 =	sadd.s32 $0x200, s5;
	[sflag:s6] =	ssyncadd.s32 @!p1 $0xFFFFEC00  }
0xfd: {  	[tilespmem:s21], [sflag:$0x5] =	stream.indirect.gather [hbm4b:s3+s12], $0x80, s29, s12, $0xb8;
	[tilespmem:$0x14800] =	vst v63  }
0xfe: {  	s5 =	sadd.s32 $0x4200, s5  }
0xff: {  	[tilespmem:s22], [sflag:$0x5] =	stream.indirect.gather [hbm4b:s3+s12], $0x80, s5, s12, $0xb8;
	[tilespmem:$0x14800] =	vst v63  }
0x100: {  	_ =	swait.ge [sflag:s23], $0x1400  }
0x101: {  	[sflag:s23] =	ssyncset.done $0x0  }
0x102: {  	[sflag:s23] =	ssyncadd.s32 $0xFFFFEC00  }
0x103: {  	_ =	swait.ge [sflag:s23], $0x1400  }
0x104: {  	s6 =	sadd.s32 $0xC80, s8;
	[sflag:s23] =	ssyncset.done $0x0  }
0x105: {  	s5 =	sadd.s32 s6, s7;
	[sflag:s23] =	ssyncadd.s32 $0xFFFFEC00  }
0x106: {  	[hbm4b:s5+s2] =	stream.linear.scatter [tilespmem:s13], [sflag:$0x6], $0x1400, $0x38;
	[tilespmem:$0x14800] =	vst v63  }
0x107: {  	s4 =	sadd.s32 s4, s7  }
0x108: {  	[hbm4b:s4+s2] =	stream.linear.scatter [tilespmem:s14], [sflag:$0x6], $0x1400, $0x38;
	[tilespmem:$0x14800] =	vst v63  }
0x109: {  	_ =	swait.ge [sflag:s24], $0x1400  }
0x10a: {  	[sflag:s24] =	ssyncset.done $0x0  }
0x10b: {  	[sflag:s24] =	ssyncadd.s32 $0xFFFFEC00  }
0x10c: {  	_ =	swait.ge [sflag:s24], $0x1400  }
0x10d: {  	[sflag:s24] =	ssyncset.done $0x0  }
0x10e: {  	s8 =	sadd.s32 $0x280, s5;
	[sflag:s24] =	ssyncadd.s32 $0xFFFFEC00  }
0x10f: {  	[hbm4b:s8+s2] =	stream.linear.scatter [tilespmem:s15], [sflag:$0x7], $0x1400, $0x38;
	[tilespmem:$0x14800] =	vst v63  }
0x110: {  	s9 =	sadd.s32 $0x280, s4  }
0x111: {  	[hbm4b:s9+s2] =	stream.linear.scatter [tilespmem:s16], [sflag:$0x7], $0x1400, $0x38;
	[tilespmem:$0x14800] =	vst v63  }
0x112: {  	_ =	swait.ge [sflag:s25], $0x1400  }
0x113: {  	[sflag:s25] =	ssyncset.done $0x0  }
0x114: {  	[sflag:s25] =	ssyncadd.s32 $0xFFFFEC00  }
0x115: {  	_ =	swait.ge [sflag:s25], $0x1400  }
0x116: {  	[sflag:s25] =	ssyncset.done $0x0  }
0x117: {  	s11 =	sadd.s32 $0x500, s5;
	[sflag:s25] =	ssyncadd.s32 $0xFFFFEC00  }
0x118: {  	[hbm4b:s11+s2] =	stream.linear.scatter [tilespmem:s17], [sflag:$0x8], $0x1400, $0x38;
	[tilespmem:$0x14800] =	vst v63  }
0x119: {  	s29 =	sadd.s32 $0x500, s4  }
0x11a: {  	[hbm4b:s29+s2] =	stream.linear.scatter [tilespmem:s18], [sflag:$0x8], $0x1400, $0x38;
	[tilespmem:$0x14800] =	vst v63  }
0x11b: {  	_ =	swait.ge [sflag:s26], $0x1400  }
0x11c: {  	[sflag:s26] =	ssyncset.done $0x0  }
0x11d: {  	[sflag:s26] =	ssyncadd.s32 $0xFFFFEC00  }
0x11e: {  	_ =	swait.ge [sflag:s26], $0x1400  }
0x11f: {  	[sflag:s26] =	ssyncset.done $0x0  }
0x120: {  	s8 =	sadd.s32 $0x780, s5;
	[sflag:s26] =	ssyncadd.s32 $0xFFFFEC00  }
0x121: {  	[hbm4b:s8+s2] =	stream.linear.scatter [tilespmem:s19], [sflag:$0x9], $0x1400, $0x38;
	[tilespmem:$0x14800] =	vst v63  }
0x122: {  	s9 =	sadd.s32 $0x780, s4  }
0x123: {  	[hbm4b:s9+s2] =	stream.linear.scatter [tilespmem:s20], [sflag:$0x9], $0x1400, $0x38;
	[tilespmem:$0x14800] =	vst v63  }
0x124: {  	_ =	swait.ge [sflag:s28], $0x1400  }
0x125: {  	[sflag:s28] =	ssyncset.done $0x0  }
0x126: {  	[sflag:s28] =	ssyncadd.s32 $0xFFFFEC00  }
0x127: {  	_ =	swait.ge [sflag:s28], $0x1400  }
0x128: {  	[sflag:s28] =	ssyncset.done $0x0  }
0x129: {  	s5 =	sadd.s32 $0xA00, s5;
	[sflag:s28] =	ssyncadd.s32 $0xFFFFEC00  }
0x12a: {  	[hbm4b:s5+s2] =	stream.linear.scatter [tilespmem:s21], [sflag:$0xA], $0x1400, $0x38;
	[tilespmem:$0x14800] =	vst v63  }
0x12b: {  	s4 =	sadd.s32 $0xA00, s4;
	s11 =	simm.s32 $0x6  }
0x12c: {  	[hbm4b:s4+s2] =	stream.linear.scatter [tilespmem:s22], [sflag:$0xA], $0x1400, $0x38;
	[tilespmem:$0x14800] =	vst v63  }
0x12d: {  	_ =	swait.ge [sflag:s11], $0x1400  }
0x12e: {  	[sflag:s11] =	ssyncset.done $0x0  }
0x12f: {  	[sflag:s11] =	ssyncadd.s32 $0xFFFFEC00  }
0x130: {  	_ =	swait.ge [sflag:s11], $0x1400  }
0x131: {  	[sflag:s11] =	ssyncset.done $0x0  }
0x132: {  	[sflag:s11] =	ssyncadd.s32 $0xFFFFEC00  }
0x133: {  	_ =	swait.ge [sflag:s30], $0x1400  }
0x134: {  	[sflag:s30] =	ssyncset.done $0x0  }
0x135: {  	[sflag:s30] =	ssyncadd.s32 $0xFFFFEC00  }
0x136: {  	_ =	swait.ge [sflag:s30], $0x1400  }
0x137: {  	[sflag:s30] =	ssyncset.done $0x0  }
0x138: {  	[sflag:s30] =	ssyncadd.s32 $0xFFFFEC00  }
0x139: {  	_ =	swait.ge [sflag:s31], $0x1400  }
0x13a: {  	[sflag:s31] =	ssyncset.done $0x0  }
0x13b: {  	[sflag:s31] =	ssyncadd.s32 $0xFFFFEC00  }
0x13c: {  	_ =	swait.ge [sflag:s31], $0x1400  }
0x13d: {  	[sflag:s31] =	ssyncset.done $0x0  }
0x13e: {  	[sflag:s31] =	ssyncadd.s32 $0xFFFFEC00  }
0x13f: {  	_ =	swait.ge [sflag:s0], $0x1400  }
0x140: {  	[sflag:s0] =	ssyncset.done $0x0  }
0x141: {  	[sflag:s0] =	ssyncadd.s32 $0xFFFFEC00  }
0x142: {  	_ =	swait.ge [sflag:s0], $0x1400  }
0x143: {  	[sflag:s0] =	ssyncset.done $0x0  }
0x144: {  	[sflag:s0] =	ssyncadd.s32 $0xFFFFEC00  }
0x145: {  	_ =	swait.ge [sflag:s1], $0x1400  }
0x146: {  	[sflag:s1] =	ssyncset.done $0x0  }
0x147: {  	[sflag:s1] =	ssyncadd.s32 $0xFFFFEC00  }
0x148: {  	_ =	swait.ge [sflag:s1], $0x1400  }
0x149: {  	s10 =	sadd.s32 $0x1, s10;
	s29 =	rddreg [dreg:$0x4]  }
0x14a: {  	p0 =	sne.s32 s10, s29  }
.Ltmp1:
0x14b: {  	_ = 	snop;
	(pc) =	sbr.rel @p0 .LBB2_1-.Ltmp1, $3  }
0x14c: {  	_ =	sdelay $0x1  }
0x14d: {  	[sflag:s1] =	ssyncset.done $0x0  }
0x14e: {  	[sflag:s1] =	ssyncadd.s32 $0xFFFFEC00  }
0x14f: {  	_ =	sfence.sel $0x180000  }
0x150: {  	[bflag:$0x0] =	sbarrier.arrive $0xFFFF  }
0x151: {  	_ =	strace $0x9000004A  }
0x152: {  	s0 =	stileid.u32;
	[bflag:$0x2] =	sbarrier.arrive $0xFFFF  }
0x153: {  	p0 =	sne.s32 s0, $0x0;
	s0 =	rddreg [dreg:$0x1]  }
0x154: {  	s0 =	sadd.s32 @!p0 $0x100000, s0  }
0x155: {  	[sflag:s0] =	ssyncadd.tile.s32 @!p0 $0x1;
	_ =	shalt  }
.Lfunc_end2:
_tile_overlayer_lowered:
.L_overlay_start_2:
0x156: {  	(tag) =	ssettag $0x2  }
0x157: {  	s0 =	rddreg [dreg:$0x0];
	s2 =	stileid.u32  }
0x158: {  	s1 =	rddreg [dreg:$0x1];
	p0 =	sne.s32 s2, $0x0  }
0x159: {  	s3 =	rddreg [dreg:$0x2];
	[bflag:$0x3] =	sbarrier.arrive $0xFFFF;
	s2 =	simm.s32 @!p0 $0x1C0C  }
0x15a: {  	[timem:s3], [sflag:s2] =	dma.local @!p0 [hbm:s0], s1  }
0x15b: {  	s0 =	simm.s32 @!p0 $0xC  }
0x15c: {  	_ =	swait.ge @!p0 [sflag:s0], s1  }
0x15d: {  	s1 =	ssub.s32 @!p0 $0x0, s1;
	[sflag:s0] =	ssyncset.done @!p0 $0x0  }
0x15e: {  	[sflag:s0] =	ssyncadd.s32 @!p0 s1  }
0x15f: {  	[bflag:$0x3] =	sbarrier.arrive $0xFFFF  }
0x160: {  	_ =	shalt  }

// kernel: kernel.14.cloned.1.call-start
scs
__scs_entry_jumppad:
0x0: {  	(pc) =	sbr.rel $0x88, $3  }
0x1: {  	(tag) =	ssettag $0x0;
	lr =	simm.s32 $0x1  }
0x2: {  	[smem:$0x3F89] =	sst lr;
	_ =	strace $0xD0000000  }
0x3: {  	_ = 	snop  }
0x4: {  	_ = 	snop  }
0x5: {  	_ = 	snop  }
0x6: {  	_ = 	snop  }
0x7: {  	_ = 	snop  }
__scs_overlays_trampoline_lowered:
0x8: {  	[smem:$0x3F98] =	sst s0  }
0x9: {  	[smem:$0x3F99] =	sst s1  }
0xa: {  	[smem:$0x3F9A] =	sst s2  }
0xb: {  	[smem:$0x3F9B] =	sst s3  }
0xc: {  	[smem:$0x3F9C] =	sst s4  }
0xd: {  	[smem:$0x3F9D] =	sst s5  }
0xe: {  	[smem:$0x3F9E] =	sst s6  }
0xf: {  	[smem:$0x3F9F] =	sst s7  }
0x10: {  	[smem:$0x3FA0] =	sst s8  }
0x11: {  	[smem:$0x3FA1] =	sst s9;
	s0 =	simm.s32 @!p0 $0x0  }
0x12: {  	s1 =	sld [smem:$0x3F87];
	s0 =	simm.s32 @p0 $0x1  }
0x13: {  	[smem:$0x3FA2] =	sst s0;
	s0 =	simm.s32 @!p1 $0x0  }
0x14: {  	s2 =	sld [smem:$0x3F86];
	s0 =	simm.s32 @p1 $0x1  }
0x15: {  	[smem:$0x3FA3] =	sst s0;
	s0 =	simm.s32 @!p2 $0x0  }
0x16: {  	s3 =	sld [smem:$0x3FDB];
	s0 =	simm.s32 @p2 $0x1  }
0x17: {  	s4 =	simm.s32 $0x1BF5;
	[smem:$0x3FA5] =	sst s0  }
0x18: {  	s0 =	sld [smem:$0x3F88];
	_ =	swait.ge [sflag:s4], $0x0  }
0x19: {  	s7 =	sld [smem:$0x3F89]  }
0x1a: {  	s8 =	sadd.s32 $0xFFFFE003, lr  }
0x1b: {  	s9 =	sadd.s32 $0xFFFFFEF7, lr;
	s5 =	simm.s32 $0xFFFFFFFF;
	p2 =	slt.u32 s8, $0xFFFFF086  }
0x1c: {  	p1 =	slt.u32 s9, $0xF7A;
	s5 =	simm.s32 @!p2 $0x0  }
0x1d: {  	s5 =	simm.s32 @p1 $0x1;
	p0 =	seq.s32 s7, s2  }
0x1e: {  	s7 =	smul.u32 @!p0 $0xF7A, s2;
	p2 =	seq.s32 @!p0 s5, $0x0  }
0x1f: {  	s9 =	smul.u32 $0xF7A, s1;
	s8 =	simm.s32 @!p0 $0x1BF5;
	p2 =	por !p2, p0  }
0x20: {  	[sflag:s8] =	ssyncset.s32 @!p0 $0xFFFFF086;
	s6 =	sadd.s32 @!p0 s3, s7;
	s7 =	simm.s32 @!p0 $0x108  }
0x21: {  	s3 =	sadd.s32 s3, s9;
	s6 =	sadd.s32 @!p0 $0x88, s6;
	s7 =	simm.s32 @p2 $0x1082  }
0x22: {  	[simem:s7], [sflag:s8] =	dma.local @!p0 [hbm:s6], $0xF7A  }
0x23: {  	s9 =	sor.u32 $0xD0000000, s2;
	s6 =	simm.s32 $0x108;
	_ =	swait.ge @!p0 [sflag:s8], $0x0  }
0x24: {  	s3 =	sadd.s32 $0x88, s3;
	s6 =	simm.s32 @!p1 $0x1082;
	[sflag:s4] =	ssyncset.s32 $0xFFFFF086  }
0x25: {  	[simem:s6], [sflag:s4] =	dma.local [hbm:s3], $0xF7A  }
0x26: {  	[smem:$0x3F89] =	sst s1;
	(tag) =	ssettag s2;
	_ =	strace s9  }
0x27: {  	s1 =	sld [smem:$0x3F99]  }
0x28: {  	s2 =	sld [smem:$0x3F9A]  }
0x29: {  	s4 =	sld [smem:$0x3F9C]  }
0x2a: {  	p0 =	seq.s32 s5, $0x0;
	s5 =	sld [smem:$0x3F9D]  }
0x2b: {  	s6 =	sld [smem:$0x3F9E]  }
0x2c: {  	s7 =	sld [smem:$0x3F9F]  }
0x2d: {  	s3 =	simm.s32 $0x108;
	s8 =	sld [smem:$0x3FA0]  }
0x2e: {  	s3 =	simm.s32 @!p0 $0x1082;
	s9 =	sld [smem:$0x3FA1]  }
0x2f: {  	lr =	sadd.s32 s0, s3;
	s0 =	sld [smem:$0x3F98]  }
0x30: {  	s3 =	sld [smem:$0x3F9B]  }
0x31: {  	[smem:$0x3FA4] =	sst s10  }
0x32: {  	s10 =	sld [smem:$0x3FA2];
	_ =	sdelay $0x3  }
0x33: {  	p0 =	seq.s32 s10, $0x1;
	s10 =	sld [smem:$0x3FA4];
	_ =	sdelay $0x3  }
0x34: {  	[smem:$0x3FA4] =	sst s10  }
0x35: {  	s10 =	sld [smem:$0x3FA3];
	_ =	sdelay $0x3  }
0x36: {  	p1 =	seq.s32 s10, $0x1;
	s10 =	sld [smem:$0x3FA4];
	_ =	sdelay $0x3  }
0x37: {  	[smem:$0x3FA4] =	sst s10  }
0x38: {  	s10 =	sld [smem:$0x3FA5]  }
0x39: {  	_ = 	snop;
	(pc) =	sbr.ind lr, $3  }
0x3a: {  	_ = 	snop  }
0x3b: {  	_ = 	snop  }
0x3c: {  	p2 =	seq.s32 s10, $0x1;
	s10 =	sld [smem:$0x3FA4]  }
0x3d: {  	_ =	shalt  }
0x3e: {  	_ =	shalt  }
0x3f: {  	_ =	shalt  }
0x40: {  	_ =	shalt  }
0x41: {  	_ =	shalt  }
0x42: {  	_ =	shalt  }
0x43: {  	_ =	shalt  }
0x44: {  	_ =	shalt  }
0x45: {  	_ =	shalt  }
0x46: {  	_ =	shalt  }
0x47: {  	_ =	shalt  }
0x48: {  	_ =	shalt  }
0x49: {  	_ =	shalt  }
0x4a: {  	_ =	shalt  }
0x4b: {  	_ =	shalt  }
0x4c: {  	_ =	shalt  }
0x4d: {  	_ =	shalt  }
0x4e: {  	_ =	shalt  }
0x4f: {  	_ =	shalt  }
0x50: {  	_ =	shalt  }
0x51: {  	_ =	shalt  }
0x52: {  	_ =	shalt  }
0x53: {  	_ =	shalt  }
0x54: {  	_ =	shalt  }
0x55: {  	_ =	shalt  }
0x56: {  	_ =	shalt  }
0x57: {  	_ =	shalt  }
0x58: {  	_ =	shalt  }
0x59: {  	_ =	shalt  }
0x5a: {  	_ =	shalt  }
0x5b: {  	_ =	shalt  }
0x5c: {  	_ =	shalt  }
0x5d: {  	_ =	shalt  }
0x5e: {  	_ =	shalt  }
0x5f: {  	_ =	shalt  }
0x60: {  	_ =	shalt  }
0x61: {  	_ =	shalt  }
0x62: {  	_ =	shalt  }
0x63: {  	_ =	shalt  }
0x64: {  	_ =	shalt  }
0x65: {  	_ =	shalt  }
0x66: {  	_ =	shalt  }
0x67: {  	_ =	shalt  }
0x68: {  	_ =	shalt  }
0x69: {  	_ =	shalt  }
0x6a: {  	_ =	shalt  }
0x6b: {  	_ =	shalt  }
0x6c: {  	_ =	shalt  }
0x6d: {  	_ =	shalt  }
0x6e: {  	_ =	shalt  }
0x6f: {  	_ =	shalt  }
0x70: {  	_ =	shalt  }
0x71: {  	_ =	shalt  }
0x72: {  	_ =	shalt  }
0x73: {  	_ =	shalt  }
0x74: {  	_ =	shalt  }
0x75: {  	_ =	shalt  }
0x76: {  	_ =	shalt  }
0x77: {  	_ =	shalt  }
0x78: {  	_ =	shalt  }
0x79: {  	_ =	shalt  }
0x7a: {  	_ =	shalt  }
0x7b: {  	_ =	shalt  }
0x7c: {  	_ =	shalt  }
0x7d: {  	_ =	shalt  }
0x7e: {  	_ =	shalt  }
0x7f: {  	_ =	shalt  }
0x80: {  	_ =	shalt  }
0x81: {  	_ =	shalt  }
0x82: {  	_ =	shalt  }
0x83: {  	_ =	shalt  }
0x84: {  	_ =	shalt  }
0x85: {  	_ =	shalt  }
0x86: {  	_ =	shalt  }
0x87: {  	_ =	shalt  }
.Lfunc_end0:
.L_simem_size_0:
called_computation.1_lowered:
.L_overlay_start_0:
0x88: {  	s2 =	sld [smem:$0x3FD9]  }
0x89: {  	s3 =	sld [smem:$0x3FFE];
	_ =	sdelay $0x1  }
0x8a: {  	s1 =	srdreg.scid  }
0x8b: {  	s0 =	sand.u32 $0x1, s1  }
0x8c: {  	s16 =	sshll.u32 s0, $0xA;
	s2 =	sadd.s32 s3, s2  }
0x8d: {  	s2 =	sadd.s32 s2, s16  }
0x8e: {  	[smem:$0x3FB0] =	sst s2  }
0x8f: {  	_ = 	snop  }
0x90: {  	(tm) =	ssettm $0x1  }
0x91: {  	s17 =	sld [smem:$0x3FFB];
	_ =	sdelay $0x3  }
0x92: {  	_ =	strace s17  }
0x93: {  	s2 =	sld [smem:$0x3FFC];
	_ =	sdelay $0x3  }
0x94: {  	_ =	strace s2  }
0x95: {  	s2 =	sld [smem:$0x3FFD];
	_ =	sdelay $0x3  }
0x96: {  	_ =	strace s2  }
0x97: {  	_ =	strace $0x8FFFFFFF  }
0x98: {  	s18 =	sld [smem:$0x3FDB];
	_ =	sdelay $0x1  }
0x99: {  	s19 =	simm.s32 $_scs_section_size  }
0x9a: {  	s4 =	simm.s32 $_size__tile_overlayer_lowered;
	s5 =	simm.s32 $_tile_overlayer_lowered  }
0x9b: {  	s22 =	simm.s32 $0x1BFF;
	s21 =	sshll.u32 s5, $0x1;
	s2 =	sadd.s32 s19, s18  }
0x9c: {  	s6 =	simm.s32 $0x0;
	s20 =	sshll.u32 s4, $0x1;
	s4 =	sadd.s32 s21, s2  }
0x9d: {  	[timem:s6], [sflag:s22] =	dma.local [hbm:s4], s20  }
0x9e: {  	_ =	swait.ge [sflag:s22], s20  }
0x9f: {  	s3 =	ssub.s32 $0x0, s20;
	[sflag:s22] =	ssyncset.done $0x0  }
0xa0: {  	[sflag:s22] =	ssyncadd.s32 s3;
	_ =	sdelay $0x1  }
0xa1: {  	s23 =	simm.s32 $0x1B8B  }
0xa2: {  	_ =	swait.ge [sflag:s23], $0x1  }
0xa3: {  	[sflag:s23] =	ssyncset.done $0x0  }
0xa4: {  	s25 =	simm.s32 $0x1B8E;
	s24 =	sld [smem:$0x3FFE];
	[sflag:s23] =	ssyncadd.s32 $0xFFFFFFFF  }
0xa5: {  	s26 =	simm.s32 $execute0_lowered;
	[smem:$0x3FD2] =	sst s25  }
0xa6: {  	s4 =	sshll.u32 s26, $0x1;
	_ =	strace $0x80000046;
	[dreg:$0x1] =	wrdreg $0xFFFFFFFF  }
0xa7: {  	s28 =	simm.s32 $_size_execute0_lowered;
	s2 =	sadd.s32 s2, s4;
	[dreg:$0x0] =	wrdreg $0x0  }
0xa8: {  	s4 =	sshll.u32 s28, $0x1;
	[dreg:$0x2] =	wrdreg s2  }
0xa9: {  	[dreg:$0x3] =	wrdreg s4  }
0xaa: {  	[dreg:$0x4] =	wrdreg $0xC0  }
0xab: {  	_ =	task [dreg:s6], $0x5FFFF  }
0xac: {  	[dreg:$0x1] =	wrdreg $0xFFFFFFFF  }
0xad: {  	[dreg:$0x0] =	wrdreg $0x60  }
0xae: {  	[dreg:$0x2] =	wrdreg s24  }
0xaf: {  	[dreg:$0x3] =	wrdreg $0xA  }
0xb0: {  	_ =	task.clear_ibuf [dreg:s6], $0x4FFFF;
	_ =	strace $0x90000046  }
0xb1: {  	s29 =	simm.s32 $0xA;
	_ =	strace $0x80000048  }
0xb2: {  	_ =	swait.ge [sflag:s29], $0x1  }
0xb3: {  	[sflag:s29] =	ssyncadd.s32 $0xFFFFFFFF  }
0xb4: {  	_ =	strace $0x90000048  }
0xb5: {  	_ =	sfence  }
0xb6: {  	s30 =	sld [smem:$0x0];
	_ =	sdelay $0x2  }
0xb7: {  	s31 =	sshll.u32 s1, $0xD;
	s1 =	sshrl.u32 s1, $0x2  }
0xb8: {  	s3 =	sand.u32 $0x4000, s31;
	s1 =	sadd.s32 s1, s30  }
0xb9: {  	s0 =	sor.u32 s3, s0;
	s1 =	sshll.u32 s1, $0x11  }
0xba: {  	s0 =	sor.u32 s1, s0  }
0xbb: {  	s0 =	sadd.s32 $0x8F2B, s0  }
0xbc: {  	[sflag:s0] =	ssyncadd.remote.s32 $0x1  }
0xbd: {  	_ =	sfence.sel $0xFFFF  }
0xbe: {  	[dreg:$0x0] =	wrdreg $0xFFFFFFFF;
	(pc) =	sbr.abs _section_cstart, $3  }
0xbf: {  	[dreg:$0x1] =	wrdreg $0xFFFFFFFF  }
0xc0: {  	_ =	task.clear_ibuf [dreg:s6], $0x2FFFF;
	_ =	strace $0x9FFFFFFF  }
0xc1: {  	(tm) =	ssettm $0x7FFFFFFF  }
tec
execute0_lowered:
.L_overlay_start_1:
0x0: {  	(tag) =	ssettag $0x1  }
0x1: {  	s0 =	rddreg [dreg:$0x0]  }
0x2: {  	s2 =	simm.s32 $0x0;
	s1 =	srdreg.scid;
	s3 =	stileid.u32  }
0x3: {  	s12 =	simm.s32 $0x28;
	s13 =	simm.s32 $0x8000;
	s14 =	simm.s32 $0xE400  }
0x4: {  	s15 =	simm.s32 $0x9400;
	s16 =	simm.s32 $0xF800;
	s17 =	simm.s32 $0xA800  }
0x5: {  	s18 =	simm.s32 $0x10C00;
	s19 =	simm.s32 $0xBC00;
	s20 =	simm.s32 $0x12000  }
0x6: {  	s21 =	simm.s32 $0xD000;
	s22 =	simm.s32 $0x13400;
	s23 =	simm.s32 $0x1  }
0x7: {  	s28 =	simm.s32 $0x5;
	s30 =	simm.s32 $0x7;
	s1 =	sand.u32 $0x1, s1  }
0x8: {  	s31 =	simm.s32 $0x8;
	s4 =	sshll.u32 s3, $0xC;
	s5 =	sshll.u32 s1, $0xB  }
0x9: {  	[smem:$0x7FF] =	sst s2;
	s6 =	smul.u32 $0x27100, s3;
	s4 =	sor.u32 s5, s4  }
0xa: {  	s3 =	sadd.s32 $0x22E00, s0;
	s7 =	ssub.s32 $0x2, s1;
	s4 =	sadd.s32 s4, s0  }
0xb: {  	_ =	strace $0x80000047;
	s24 =	sshrl.u32 s7, $0x1;
	s25 =	sadd.s32 $0x2E00, s4  }
0xc: {  	s5 =	ssub.s32 s7, s24;
	s4 =	sadd.s32 $0x12E00, s4;
	[dreg:$0x2] =	wrdreg s25  }
0xd: {  	s0 =	sadd.s32 s6, s0;
	s26 =	smax.u32 s5, $0x1;
	[dreg:$0x3] =	wrdreg s4  }
0xe: {  	s10 =	simm.s32 $0x0;
	s29 =	sadd.s32 $0x4A000, s0;
	[dreg:$0x4] =	wrdreg s26  }
0xf: {  	s7 =	smul.u32 $0x13880, s1;
	s0 =	sadd.s32 $0x2BB000, s0;
	[dreg:$0x5] =	wrdreg s29  }
0x10: {  	s24 =	simm.s32 $0x2;
	s1 =	simm.s32 $0xA;
	[dreg:$0x6] =	wrdreg s0  }
0x11: {  	s25 =	simm.s32 $0x3;
	s26 =	simm.s32 $0x4;
	s0 =	simm.s32 $0x9  }
.LBB2_1:
0x12: {  	s4 =	rddreg [dreg:$0x2]  }
0x13: {  	[tilespmem:s2], [sflag:$0xB] =	stream.linear.gather [hbm4b:s4+s2], $0x3E80, $0x38;
	[tilespmem:$0x14800] =	vst v63  }
0x14: {  	s11 =	rddreg [dreg:$0x3];
	s5 =	simm.s32 $0x4000;
	s29 =	simm.s32 $0xB  }
0x15: {  	[tilespmem:s5], [sflag:$0xB] =	stream.linear.gather [hbm4b:s11+s2], $0x3E80, $0x38;
	[tilespmem:$0x14800] =	vst v63  }
0x16: {  	_ =	swait.ge [sflag:s29], $0x3E80  }
0x17: {  	[sflag:s29] =	ssyncset.done $0x0  }
0x18: {  	[sflag:s29] =	ssyncadd.s32 $0xFFFFC180  }
0x19: {  	_ =	swait.ge [sflag:s29], $0x3E80  }
0x1a: {  	p0 =	por $0x1, $0x1;
	[sflag:s29] =	ssyncset.done $0x0  }
0x1b: {  	s4 =	simm.s32 @!p0 $0x6;
	[sflag:s29] =	ssyncadd.s32 $0xFFFFC180  }
0x1c: {  	_ =	swait.ge @!p0 [sflag:s4], $0x1400  }
0x1d: {  	[sflag:s4] =	ssyncset.done @!p0 $0x0  }
0x1e: {  	[sflag:s4] =	ssyncadd.s32 @!p0 $0xFFFFEC00  }
0x1f: {  	_ =	swait.ge @!p0 [sflag:s4], $0x1400  }
0x20: {  	[sflag:s4] =	ssyncset.done @!p0 $0x0  }
0x21: {  	s5 =	simm.s32 $0x0;
	[sflag:s4] =	ssyncadd.s32 @!p0 $0xFFFFEC00  }
0x22: {  	[tilespmem:s13], [sflag:$0x1] =	stream.indirect.gather [hbm4b:s3+s12], $0x80, s5, s12, $0xb8;
	[tilespmem:$0x14800] =	vst v63  }
0x23: {  	s6 =	simm.s32 $0x4000;
	s5 =	simm.s32 @!p0 $0x7  }
0x24: {  	[tilespmem:s14], [sflag:$0x1] =	stream.indirect.gather [hbm4b:s3+s12], $0x80, s6, s12, $0xb8;
	[tilespmem:$0x14800] =	vst v63  }
0x25: {  	_ =	swait.ge @!p0 [sflag:s5], $0x1400  }
0x26: {  	[sflag:s5] =	ssyncset.done @!p0 $0x0  }
0x27: {  	[sflag:s5] =	ssyncadd.s32 @!p0 $0xFFFFEC00  }
0x28: {  	_ =	swait.ge @!p0 [sflag:s5], $0x1400  }
0x29: {  	[sflag:s5] =	ssyncset.done @!p0 $0x0  }
0x2a: {  	s8 =	simm.s32 $0x80;
	[sflag:s5] =	ssyncadd.s32 @!p0 $0xFFFFEC00  }
0x2b: {  	[tilespmem:s15], [sflag:$0x2] =	stream.indirect.gather [hbm4b:s3+s12], $0x80, s8, s12, $0xb8;
	[tilespmem:$0x14800] =	vst v63  }
0x2c: {  	s9 =	simm.s32 $0x4080;
	s5 =	simm.s32 @!p0 $0x8  }
0x2d: {  	[tilespmem:s16], [sflag:$0x2] =	stream.indirect.gather [hbm4b:s3+s12], $0x80, s9, s12, $0xb8;
	[tilespmem:$0x14800] =	vst v63  }
0x2e: {  	_ =	swait.ge @!p0 [sflag:s5], $0x1400  }
0x2f: {  	[sflag:s5] =	ssyncset.done @!p0 $0x0  }
0x30: {  	[sflag:s5] =	ssyncadd.s32 @!p0 $0xFFFFEC00  }
0x31: {  	_ =	swait.ge @!p0 [sflag:s5], $0x1400  }
0x32: {  	[sflag:s5] =	ssyncset.done @!p0 $0x0  }
0x33: {  	s11 =	simm.s32 $0x100;
	[sflag:s5] =	ssyncadd.s32 @!p0 $0xFFFFEC00  }
0x34: {  	[tilespmem:s17], [sflag:$0x3] =	stream.indirect.gather [hbm4b:s3+s12], $0x80, s11, s12, $0xb8;
	[tilespmem:$0x14800] =	vst v63  }
0x35: {  	s29 =	simm.s32 $0x4100;
	s5 =	simm.s32 @!p0 $0x9  }
0x36: {  	[tilespmem:s18], [sflag:$0x3] =	stream.indirect.gather [hbm4b:s3+s12], $0x80, s29, s12, $0xb8;
	[tilespmem:$0x14800] =	vst v63  }
0x37: {  	_ =	swait.ge @!p0 [sflag:s5], $0x1400  }
0x38: {  	[sflag:s5] =	ssyncset.done @!p0 $0x0  }
0x39: {  	[sflag:s5] =	ssyncadd.s32 @!p0 $0xFFFFEC00  }
0x3a: {  	_ =	swait.ge @!p0 [sflag:s5], $0x1400  }
0x3b: {  	[sflag:s5] =	ssyncset.done @!p0 $0x0  }
0x3c: {  	s6 =	simm.s32 $0x180;
	[sflag:s5] =	ssyncadd.s32 @!p0 $0xFFFFEC00  }
0x3d: {  	[tilespmem:s19], [sflag:$0x4] =	stream.indirect.gather [hbm4b:s3+s12], $0x80, s6, s12, $0xb8;
	[tilespmem:$0x14800] =	vst v63  }
0x3e: {  	s8 =	simm.s32 $0x4180;
	s5 =	simm.s32 @!p0 $0xA  }
0x3f: {  	[tilespmem:s20], [sflag:$0x4] =	stream.indirect.gather [hbm4b:s3+s12], $0x80, s8, s12, $0xb8;
	[tilespmem:$0x14800] =	vst v63  }
0x40: {  	_ =	swait.ge @!p0 [sflag:s5], $0x1400  }
0x41: {  	[sflag:s5] =	ssyncset.done @!p0 $0x0  }
0x42: {  	[sflag:s5] =	ssyncadd.s32 @!p0 $0xFFFFEC00  }
0x43: {  	_ =	swait.ge @!p0 [sflag:s5], $0x1400  }
0x44: {  	[sflag:s5] =	ssyncset.done @!p0 $0x0  }
0x45: {  	s9 =	simm.s32 $0x200;
	[sflag:s5] =	ssyncadd.s32 @!p0 $0xFFFFEC00  }
0x46: {  	[tilespmem:s21], [sflag:$0x5] =	stream.indirect.gather [hbm4b:s3+s12], $0x80, s9, s12, $0xb8;
	[tilespmem:$0x14800] =	vst v63  }
0x47: {  	s11 =	simm.s32 $0x4200  }
0x48: {  	[tilespmem:s22], [sflag:$0x5] =	stream.indirect.gather [hbm4b:s3+s12], $0x80, s11, s12, $0xb8;
	[tilespmem:$0x14800] =	vst v63  }
0x49: {  	_ =	swait.ge [sflag:s23], $0x1400  }
0x4a: {  	[sflag:s23] =	ssyncset.done $0x0  }
0x4b: {  	[sflag:s23] =	ssyncadd.s32 $0xFFFFEC00  }
0x4c: {  	_ =	swait.ge [sflag:s23], $0x1400  }
0x4d: {  	[sflag:s23] =	ssyncset.done $0x0;
	s8 =	rddreg [dreg:$0x5]  }
0x4e: {  	s11 =	rddreg [dreg:$0x6];
	[sflag:s23] =	ssyncadd.s32 $0xFFFFEC00;
	s4 =	sadd.s32 s8, s7  }
0x4f: {  	[hbm4b:s4+s2] =	stream.linear.scatter [tilespmem:s13], [sflag:$0x6], $0x1400, $0x38;
	[tilespmem:$0x14800] =	vst v63  }
0x50: {  	s5 =	sadd.s32 s11, s7  }
0x51: {  	[hbm4b:s5+s2] =	stream.linear.scatter [tilespmem:s14], [sflag:$0x6], $0x1400, $0x38;
	[tilespmem:$0x14800] =	vst v63  }
0x52: {  	_ =	swait.ge [sflag:s24], $0x1400  }
0x53: {  	[sflag:s24] =	ssyncset.done $0x0  }
0x54: {  	[sflag:s24] =	ssyncadd.s32 $0xFFFFEC00  }
0x55: {  	_ =	swait.ge [sflag:s24], $0x1400  }
0x56: {  	[sflag:s24] =	ssyncset.done $0x0  }
0x57: {  	s6 =	sadd.s32 $0x280, s4;
	[sflag:s24] =	ssyncadd.s32 $0xFFFFEC00  }
0x58: {  	[hbm4b:s6+s2] =	stream.linear.scatter [tilespmem:s15], [sflag:$0x7], $0x1400, $0x38;
	[tilespmem:$0x14800] =	vst v63  }
0x59: {  	s29 =	sadd.s32 $0x280, s5  }
0x5a: {  	[hbm4b:s29+s2] =	stream.linear.scatter [tilespmem:s16], [sflag:$0x7], $0x1400, $0x38;
	[tilespmem:$0x14800] =	vst v63  }
0x5b: {  	_ =	swait.ge [sflag:s25], $0x1400  }
0x5c: {  	[sflag:s25] =	ssyncset.done $0x0  }
0x5d: {  	[sflag:s25] =	ssyncadd.s32 $0xFFFFEC00  }
0x5e: {  	_ =	swait.ge [sflag:s25], $0x1400  }
0x5f: {  	[sflag:s25] =	ssyncset.done $0x0  }
0x60: {  	s9 =	sadd.s32 $0x500, s4;
	[sflag:s25] =	ssyncadd.s32 $0xFFFFEC00  }
0x61: {  	[hbm4b:s9+s2] =	stream.linear.scatter [tilespmem:s17], [sflag:$0x8], $0x1400, $0x38;
	[tilespmem:$0x14800] =	vst v63  }
0x62: {  	s29 =	sadd.s32 $0x500, s5  }
0x63: {  	[hbm4b:s29+s2] =	stream.linear.scatter [tilespmem:s18], [sflag:$0x8], $0x1400, $0x38;
	[tilespmem:$0x14800] =	vst v63  }
0x64: {  	_ =	swait.ge [sflag:s26], $0x1400  }
0x65: {  	[sflag:s26] =	ssyncset.done $0x0  }
0x66: {  	[sflag:s26] =	ssyncadd.s32 $0xFFFFEC00  }
0x67: {  	_ =	swait.ge [sflag:s26], $0x1400  }
0x68: {  	[sflag:s26] =	ssyncset.done $0x0  }
0x69: {  	s9 =	sadd.s32 $0x780, s4;
	[sflag:s26] =	ssyncadd.s32 $0xFFFFEC00  }
0x6a: {  	[hbm4b:s9+s2] =	stream.linear.scatter [tilespmem:s19], [sflag:$0x9], $0x1400, $0x38;
	[tilespmem:$0x14800] =	vst v63  }
0x6b: {  	s29 =	sadd.s32 $0x780, s5  }
0x6c: {  	[hbm4b:s29+s2] =	stream.linear.scatter [tilespmem:s20], [sflag:$0x9], $0x1400, $0x38;
	[tilespmem:$0x14800] =	vst v63  }
0x6d: {  	_ =	swait.ge [sflag:s28], $0x1400  }
0x6e: {  	[sflag:s28] =	ssyncset.done $0x0  }
0x6f: {  	[sflag:s28] =	ssyncadd.s32 $0xFFFFEC00  }
0x70: {  	_ =	swait.ge [sflag:s28], $0x1400  }
0x71: {  	p1 =	por $0x0, $0x0;
	[sflag:s28] =	ssyncset.done $0x0  }
0x72: {  	s6 =	simm.s32 $0xA00;
	s4 =	sadd.s32 $0xA00, s4;
	[sflag:s28] =	ssyncadd.s32 $0xFFFFEC00  }
0x73: {  	[hbm4b:s4+s2] =	stream.linear.scatter [tilespmem:s21], [sflag:$0xA], $0x1400, $0x38;
	[tilespmem:$0x14800] =	vst v63  }
0x74: {  	s5 =	sadd.s32 $0xA00, s5;
	s9 =	simm.s32 $0x1400;
	s4 =	sadd.s32 $0xC80, s11  }
.LBB2_2:
0x75: {  	s11 =	simm.s32 @!p1 $0x6  }
0x76: {  	s8 =	sadd.s32 $0xC80, s8;
	s29 =	smov.u32 s9;
	s9 =	sadd.s32 $0xA00, s9  }
0x77: {  	[hbm4b:s5+s2] =	stream.linear.scatter [tilespmem:s22], [sflag:$0xA], $0x1400, $0x38;
	[tilespmem:$0x14800] =	vst v63  }
0x78: {  	p0 =	sne.s32 s9, $0xFA00;
	_ =	swait.ge @!p1 [sflag:s11], $0x1400  }
0x79: {  	[sflag:s11] =	ssyncset.done @!p1 $0x0  }
0x7a: {  	[sflag:s11] =	ssyncadd.s32 @!p1 $0xFFFFEC00  }
0x7b: {  	_ =	swait.ge @!p1 [sflag:s11], $0x1400  }
0x7c: {  	[sflag:s11] =	ssyncset.done @!p1 $0x0  }
0x7d: {  	s5 =	sshra.s32 s6, $0x2;
	s6 =	smov.u32 s29;
	[sflag:s11] =	ssyncadd.s32 @!p1 $0xFFFFEC00  }
0x7e: {  	[tilespmem:s13], [sflag:$0x1] =	stream.indirect.gather [hbm4b:s3+s12], $0x80, s5, s12, $0xb8;
	[tilespmem:$0x14800] =	vst v63  }
0x7f: {  	s29 =	simm.s32 @!p1 $0x7;
	s11 =	sadd.s32 $0x4000, s5  }
0x80: {  	[tilespmem:s14], [sflag:$0x1] =	stream.indirect.gather [hbm4b:s3+s12], $0x80, s11, s12, $0xb8;
	[tilespmem:$0x14800] =	vst v63  }
0x81: {  	_ =	swait.ge @!p1 [sflag:s29], $0x1400  }
0x82: {  	[sflag:s29] =	ssyncset.done @!p1 $0x0  }
0x83: {  	[sflag:s29] =	ssyncadd.s32 @!p1 $0xFFFFEC00  }
0x84: {  	_ =	swait.ge @!p1 [sflag:s29], $0x1400  }
0x85: {  	[sflag:s29] =	ssyncset.done @!p1 $0x0  }
0x86: {  	s11 =	sadd.s32 $0x80, s5;
	[sflag:s29] =	ssyncadd.s32 @!p1 $0xFFFFEC00  }
0x87: {  	[tilespmem:s15], [sflag:$0x2] =	stream.indirect.gather [hbm4b:s3+s12], $0x80, s11, s12, $0xb8;
	[tilespmem:$0x14800] =	vst v63  }
0x88: {  	s29 =	simm.s32 @!p1 $0x8;
	s11 =	sadd.s32 $0x4080, s5  }
0x89: {  	[tilespmem:s16], [sflag:$0x2] =	stream.indirect.gather [hbm4b:s3+s12], $0x80, s11, s12, $0xb8;
	[tilespmem:$0x14800] =	vst v63  }
0x8a: {  	_ =	swait.ge @!p1 [sflag:s29], $0x1400  }
0x8b: {  	[sflag:s29] =	ssyncset.done @!p1 $0x0  }
0x8c: {  	[sflag:s29] =	ssyncadd.s32 @!p1 $0xFFFFEC00  }
0x8d: {  	_ =	swait.ge @!p1 [sflag:s29], $0x1400  }
0x8e: {  	[sflag:s29] =	ssyncset.done @!p1 $0x0  }
0x8f: {  	s11 =	sadd.s32 $0x100, s5;
	[sflag:s29] =	ssyncadd.s32 @!p1 $0xFFFFEC00  }
0x90: {  	[tilespmem:s17], [sflag:$0x3] =	stream.indirect.gather [hbm4b:s3+s12], $0x80, s11, s12, $0xb8;
	[tilespmem:$0x14800] =	vst v63  }
0x91: {  	s29 =	simm.s32 @!p1 $0x9;
	s11 =	sadd.s32 $0x4100, s5  }
0x92: {  	[tilespmem:s18], [sflag:$0x3] =	stream.indirect.gather [hbm4b:s3+s12], $0x80, s11, s12, $0xb8;
	[tilespmem:$0x14800] =	vst v63  }
0x93: {  	_ =	swait.ge @!p1 [sflag:s29], $0x1400  }
0x94: {  	[sflag:s29] =	ssyncset.done @!p1 $0x0  }
0x95: {  	[sflag:s29] =	ssyncadd.s32 @!p1 $0xFFFFEC00  }
0x96: {  	_ =	swait.ge @!p1 [sflag:s29], $0x1400  }
0x97: {  	[sflag:s29] =	ssyncset.done @!p1 $0x0  }
0x98: {  	s11 =	sadd.s32 $0x180, s5;
	[sflag:s29] =	ssyncadd.s32 @!p1 $0xFFFFEC00  }
0x99: {  	[tilespmem:s19], [sflag:$0x4] =	stream.indirect.gather [hbm4b:s3+s12], $0x80, s11, s12, $0xb8;
	[tilespmem:$0x14800] =	vst v63  }
0x9a: {  	s29 =	simm.s32 @!p1 $0xA;
	s11 =	sadd.s32 $0x4180, s5  }
0x9b: {  	[tilespmem:s20], [sflag:$0x4] =	stream.indirect.gather [hbm4b:s3+s12], $0x80, s11, s12, $0xb8;
	[tilespmem:$0x14800] =	vst v63  }
0x9c: {  	_ =	swait.ge @!p1 [sflag:s29], $0x1400  }
0x9d: {  	[sflag:s29] =	ssyncset.done @!p1 $0x0  }
0x9e: {  	[sflag:s29] =	ssyncadd.s32 @!p1 $0xFFFFEC00  }
0x9f: {  	_ =	swait.ge @!p1 [sflag:s29], $0x1400  }
0xa0: {  	[sflag:s29] =	ssyncset.done @!p1 $0x0  }
0xa1: {  	s11 =	sadd.s32 $0x200, s5;
	[sflag:s29] =	ssyncadd.s32 @!p1 $0xFFFFEC00  }
0xa2: {  	[tilespmem:s21], [sflag:$0x5] =	stream.indirect.gather [hbm4b:s3+s12], $0x80, s11, s12, $0xb8;
	[tilespmem:$0x14800] =	vst v63  }
0xa3: {  	s5 =	sadd.s32 $0x4200, s5  }
0xa4: {  	[tilespmem:s22], [sflag:$0x5] =	stream.indirect.gather [hbm4b:s3+s12], $0x80, s5, s12, $0xb8;
	[tilespmem:$0x14800] =	vst v63  }
0xa5: {  	_ =	swait.ge [sflag:s23], $0x1400  }
0xa6: {  	[sflag:s23] =	ssyncset.done $0x0  }
0xa7: {  	[sflag:s23] =	ssyncadd.s32 $0xFFFFEC00  }
0xa8: {  	_ =	swait.ge [sflag:s23], $0x1400  }
0xa9: {  	[sflag:s23] =	ssyncset.done $0x0  }
0xaa: {  	s11 =	sadd.s32 s8, s7;
	[sflag:s23] =	ssyncadd.s32 $0xFFFFEC00  }
0xab: {  	[hbm4b:s11+s2] =	stream.linear.scatter [tilespmem:s13], [sflag:$0x6], $0x1400, $0x38;
	[tilespmem:$0x14800] =	vst v63  }
0xac: {  	s5 =	sadd.s32 s4, s7  }
0xad: {  	[hbm4b:s5+s2] =	stream.linear.scatter [tilespmem:s14], [sflag:$0x6], $0x1400, $0x38;
	[tilespmem:$0x14800] =	vst v63  }
0xae: {  	_ =	swait.ge [sflag:s24], $0x1400  }
0xaf: {  	[sflag:s24] =	ssyncset.done $0x0  }
0xb0: {  	[sflag:s24] =	ssyncadd.s32 $0xFFFFEC00  }
0xb1: {  	_ =	swait.ge [sflag:s24], $0x1400  }
0xb2: {  	[sflag:s24] =	ssyncset.done $0x0  }
0xb3: {  	s29 =	sadd.s32 $0x280, s11;
	[sflag:s24] =	ssyncadd.s32 $0xFFFFEC00  }
0xb4: {  	[hbm4b:s29+s2] =	stream.linear.scatter [tilespmem:s15], [sflag:$0x7], $0x1400, $0x38;
	[tilespmem:$0x14800] =	vst v63  }
0xb5: {  	s29 =	sadd.s32 $0x280, s5  }
0xb6: {  	[hbm4b:s29+s2] =	stream.linear.scatter [tilespmem:s16], [sflag:$0x7], $0x1400, $0x38;
	[tilespmem:$0x14800] =	vst v63  }
0xb7: {  	_ =	swait.ge [sflag:s25], $0x1400  }
0xb8: {  	[sflag:s25] =	ssyncset.done $0x0  }
0xb9: {  	[sflag:s25] =	ssyncadd.s32 $0xFFFFEC00  }
0xba: {  	_ =	swait.ge [sflag:s25], $0x1400  }
0xbb: {  	[sflag:s25] =	ssyncset.done $0x0  }
0xbc: {  	s29 =	sadd.s32 $0x500, s11;
	[sflag:s25] =	ssyncadd.s32 $0xFFFFEC00  }
0xbd: {  	[hbm4b:s29+s2] =	stream.linear.scatter [tilespmem:s17], [sflag:$0x8], $0x1400, $0x38;
	[tilespmem:$0x14800] =	vst v63  }
0xbe: {  	s29 =	sadd.s32 $0x500, s5  }
0xbf: {  	[hbm4b:s29+s2] =	stream.linear.scatter [tilespmem:s18], [sflag:$0x8], $0x1400, $0x38;
	[tilespmem:$0x14800] =	vst v63  }
0xc0: {  	_ =	swait.ge [sflag:s26], $0x1400  }
0xc1: {  	[sflag:s26] =	ssyncset.done $0x0  }
0xc2: {  	[sflag:s26] =	ssyncadd.s32 $0xFFFFEC00  }
0xc3: {  	_ =	swait.ge [sflag:s26], $0x1400  }
0xc4: {  	[sflag:s26] =	ssyncset.done $0x0  }
0xc5: {  	s29 =	sadd.s32 $0x780, s11;
	[sflag:s26] =	ssyncadd.s32 $0xFFFFEC00  }
0xc6: {  	[hbm4b:s29+s2] =	stream.linear.scatter [tilespmem:s19], [sflag:$0x9], $0x1400, $0x38;
	[tilespmem:$0x14800] =	vst v63  }
0xc7: {  	s29 =	sadd.s32 $0x780, s5  }
0xc8: {  	[hbm4b:s29+s2] =	stream.linear.scatter [tilespmem:s20], [sflag:$0x9], $0x1400, $0x38;
	[tilespmem:$0x14800] =	vst v63  }
0xc9: {  	_ =	swait.ge [sflag:s28], $0x1400  }
0xca: {  	[sflag:s28] =	ssyncset.done $0x0  }
.Ltmp0:
0xcb: {  	[sflag:s28] =	ssyncadd.s32 $0xFFFFEC00;
	(pc) =	sbr.rel @p0 .LBB2_2-.Ltmp0, $4  }
0xcc: {  	_ =	swait.ge [sflag:s28], $0x1400  }
0xcd: {  	s4 =	sadd.s32 $0xC80, s4;
	s11 =	sadd.s32 $0xA00, s11;
	[sflag:s28] =	ssyncset.done $0x0  }
0xce: {  	p1 =	seq.s32 s6, $0x0;
	s5 =	sadd.s32 $0xA00, s5;
	[sflag:s28] =	ssyncadd.s32 $0xFFFFEC00  }
0xcf: {  	[hbm4b:s11+s2] =	stream.linear.scatter [tilespmem:s21], [sflag:$0xA], $0x1400, $0x38;
	[tilespmem:$0x14800] =	vst v63  }
0xd0: {  	[hbm4b:s5+s2] =	stream.linear.scatter [tilespmem:s22], [sflag:$0xA], $0x1400, $0x38;
	[tilespmem:$0x14800] =	vst v63  }
0xd1: {  	s5 =	simm.s32 @!p1 $0x6  }
0xd2: {  	_ =	swait.ge @!p1 [sflag:s5], $0x1400  }
0xd3: {  	[sflag:s5] =	ssyncset.done @!p1 $0x0  }
0xd4: {  	[sflag:s5] =	ssyncadd.s32 @!p1 $0xFFFFEC00  }
0xd5: {  	_ =	swait.ge @!p1 [sflag:s5], $0x1400  }
0xd6: {  	[sflag:s5] =	ssyncset.done @!p1 $0x0  }
0xd7: {  	[sflag:s5] =	ssyncadd.s32 @!p1 $0xFFFFEC00;
	s5 =	sshra.s32 s6, $0x2  }
0xd8: {  	[tilespmem:s13], [sflag:$0x1] =	stream.indirect.gather [hbm4b:s3+s12], $0x80, s5, s12, $0xb8;
	[tilespmem:$0x14800] =	vst v63  }
0xd9: {  	s6 =	sadd.s32 $0x4000, s5  }
0xda: {  	[tilespmem:s14], [sflag:$0x1] =	stream.indirect.gather [hbm4b:s3+s12], $0x80, s6, s12, $0xb8;
	[tilespmem:$0x14800] =	vst v63  }
0xdb: {  	s6 =	simm.s32 @!p1 $0x7  }
0xdc: {  	_ =	swait.ge @!p1 [sflag:s6], $0x1400  }
0xdd: {  	[sflag:s6] =	ssyncset.done @!p1 $0x0  }
0xde: {  	[sflag:s6] =	ssyncadd.s32 @!p1 $0xFFFFEC00  }
0xdf: {  	_ =	swait.ge @!p1 [sflag:s6], $0x1400  }
0xe0: {  	[sflag:s6] =	ssyncset.done @!p1 $0x0  }
0xe1: {  	s29 =	sadd.s32 $0x80, s5;
	[sflag:s6] =	ssyncadd.s32 @!p1 $0xFFFFEC00  }
0xe2: {  	[tilespmem:s15], [sflag:$0x2] =	stream.indirect.gather [hbm4b:s3+s12], $0x80, s29, s12, $0xb8;
	[tilespmem:$0x14800] =	vst v63  }
0xe3: {  	s9 =	sadd.s32 $0x4080, s5;
	s6 =	simm.s32 @!p1 $0x8  }
0xe4: {  	[tilespmem:s16], [sflag:$0x2] =	stream.indirect.gather [hbm4b:s3+s12], $0x80, s9, s12, $0xb8;
	[tilespmem:$0x14800] =	vst v63  }
0xe5: {  	_ =	swait.ge @!p1 [sflag:s6], $0x1400  }
0xe6: {  	[sflag:s6] =	ssyncset.done @!p1 $0x0  }
0xe7: {  	[sflag:s6] =	ssyncadd.s32 @!p1 $0xFFFFEC00  }
0xe8: {  	_ =	swait.ge @!p1 [sflag:s6], $0x1400  }
0xe9: {  	[sflag:s6] =	ssyncset.done @!p1 $0x0  }
0xea: {  	s11 =	sadd.s32 $0x100, s5;
	[sflag:s6] =	ssyncadd.s32 @!p1 $0xFFFFEC00  }
0xeb: {  	[tilespmem:s17], [sflag:$0x3] =	stream.indirect.gather [hbm4b:s3+s12], $0x80, s11, s12, $0xb8;
	[tilespmem:$0x14800] =	vst v63  }
0xec: {  	s29 =	sadd.s32 $0x4100, s5;
	s6 =	simm.s32 @!p1 $0x9  }
0xed: {  	[tilespmem:s18], [sflag:$0x3] =	stream.indirect.gather [hbm4b:s3+s12], $0x80, s29, s12, $0xb8;
	[tilespmem:$0x14800] =	vst v63  }
0xee: {  	_ =	swait.ge @!p1 [sflag:s6], $0x1400  }
0xef: {  	[sflag:s6] =	ssyncset.done @!p1 $0x0  }
0xf0: {  	[sflag:s6] =	ssyncadd.s32 @!p1 $0xFFFFEC00  }
0xf1: {  	_ =	swait.ge @!p1 [sflag:s6], $0x1400  }
0xf2: {  	[sflag:s6] =	ssyncset.done @!p1 $0x0  }
0xf3: {  	s9 =	sadd.s32 $0x180, s5;
	[sflag:s6] =	ssyncadd.s32 @!p1 $0xFFFFEC00  }
0xf4: {  	[tilespmem:s19], [sflag:$0x4] =	stream.indirect.gather [hbm4b:s3+s12], $0x80, s9, s12, $0xb8;
	[tilespmem:$0x14800] =	vst v63  }
0xf5: {  	s11 =	sadd.s32 $0x4180, s5;
	s6 =	simm.s32 @!p1 $0xA  }
0xf6: {  	[tilespmem:s20], [sflag:$0x4] =	stream.indirect.gather [hbm4b:s3+s12], $0x80, s11, s12, $0xb8;
	[tilespmem:$0x14800] =	vst v63  }
0xf7: {  	_ =	swait.ge @!p1 [sflag:s6], $0x1400  }
0xf8: {  	[sflag:s6] =	ssyncset.done @!p1 $0x0  }
0xf9: {  	[sflag:s6] =	ssyncadd.s32 @!p1 $0xFFFFEC00  }
0xfa: {  	_ =	swait.ge @!p1 [sflag:s6], $0x1400  }
0xfb: {  	[sflag:s6] =	ssyncset.done @!p1 $0x0  }
0xfc: {  	s29 =	sadd.s32 $0x200, s5;
	[sflag:s6] =	ssyncadd.s32 @!p1 $0xFFFFEC00  }
0xfd: {  	[tilespmem:s21], [sflag:$0x5] =	stream.indirect.gather [hbm4b:s3+s12], $0x80, s29, s12, $0xb8;
	[tilespmem:$0x14800] =	vst v63  }
0xfe: {  	s5 =	sadd.s32 $0x4200, s5  }
0xff: {  	[tilespmem:s22], [sflag:$0x5] =	stream.indirect.gather [hbm4b:s3+s12], $0x80, s5, s12, $0xb8;
	[tilespmem:$0x14800] =	vst v63  }
0x100: {  	_ =	swait.ge [sflag:s23], $0x1400  }
0x101: {  	[sflag:s23] =	ssyncset.done $0x0  }
0x102: {  	[sflag:s23] =	ssyncadd.s32 $0xFFFFEC00  }
0x103: {  	_ =	swait.ge [sflag:s23], $0x1400  }
0x104: {  	s6 =	sadd.s32 $0xC80, s8;
	[sflag:s23] =	ssyncset.done $0x0  }
0x105: {  	s5 =	sadd.s32 s6, s7;
	[sflag:s23] =	ssyncadd.s32 $0xFFFFEC00  }
0x106: {  	[hbm4b:s5+s2] =	stream.linear.scatter [tilespmem:s13], [sflag:$0x6], $0x1400, $0x38;
	[tilespmem:$0x14800] =	vst v63  }
0x107: {  	s4 =	sadd.s32 s4, s7  }
0x108: {  	[hbm4b:s4+s2] =	stream.linear.scatter [tilespmem:s14], [sflag:$0x6], $0x1400, $0x38;
	[tilespmem:$0x14800] =	vst v63  }
0x109: {  	_ =	swait.ge [sflag:s24], $0x1400  }
0x10a: {  	[sflag:s24] =	ssyncset.done $0x0  }
0x10b: {  	[sflag:s24] =	ssyncadd.s32 $0xFFFFEC00  }
0x10c: {  	_ =	swait.ge [sflag:s24], $0x1400  }
0x10d: {  	[sflag:s24] =	ssyncset.done $0x0  }
0x10e: {  	s8 =	sadd.s32 $0x280, s5;
	[sflag:s24] =	ssyncadd.s32 $0xFFFFEC00  }
0x10f: {  	[hbm4b:s8+s2] =	stream.linear.scatter [tilespmem:s15], [sflag:$0x7], $0x1400, $0x38;
	[tilespmem:$0x14800] =	vst v63  }
0x110: {  	s9 =	sadd.s32 $0x280, s4  }
0x111: {  	[hbm4b:s9+s2] =	stream.linear.scatter [tilespmem:s16], [sflag:$0x7], $0x1400, $0x38;
	[tilespmem:$0x14800] =	vst v63  }
0x112: {  	_ =	swait.ge [sflag:s25], $0x1400  }
0x113: {  	[sflag:s25] =	ssyncset.done $0x0  }
0x114: {  	[sflag:s25] =	ssyncadd.s32 $0xFFFFEC00  }
0x115: {  	_ =	swait.ge [sflag:s25], $0x1400  }
0x116: {  	[sflag:s25] =	ssyncset.done $0x0  }
0x117: {  	s11 =	sadd.s32 $0x500, s5;
	[sflag:s25] =	ssyncadd.s32 $0xFFFFEC00  }
0x118: {  	[hbm4b:s11+s2] =	stream.linear.scatter [tilespmem:s17], [sflag:$0x8], $0x1400, $0x38;
	[tilespmem:$0x14800] =	vst v63  }
0x119: {  	s29 =	sadd.s32 $0x500, s4  }
0x11a: {  	[hbm4b:s29+s2] =	stream.linear.scatter [tilespmem:s18], [sflag:$0x8], $0x1400, $0x38;
	[tilespmem:$0x14800] =	vst v63  }
0x11b: {  	_ =	swait.ge [sflag:s26], $0x1400  }
0x11c: {  	[sflag:s26] =	ssyncset.done $0x0  }
0x11d: {  	[sflag:s26] =	ssyncadd.s32 $0xFFFFEC00  }
0x11e: {  	_ =	swait.ge [sflag:s26], $0x1400  }
0x11f: {  	[sflag:s26] =	ssyncset.done $0x0  }
0x120: {  	s8 =	sadd.s32 $0x780, s5;
	[sflag:s26] =	ssyncadd.s32 $0xFFFFEC00  }
0x121: {  	[hbm4b:s8+s2] =	stream.linear.scatter [tilespmem:s19], [sflag:$0x9], $0x1400, $0x38;
	[tilespmem:$0x14800] =	vst v63  }
0x122: {  	s9 =	sadd.s32 $0x780, s4  }
0x123: {  	[hbm4b:s9+s2] =	stream.linear.scatter [tilespmem:s20], [sflag:$0x9], $0x1400, $0x38;
	[tilespmem:$0x14800] =	vst v63  }
0x124: {  	_ =	swait.ge [sflag:s28], $0x1400  }
0x125: {  	[sflag:s28] =	ssyncset.done $0x0  }
0x126: {  	[sflag:s28] =	ssyncadd.s32 $0xFFFFEC00  }
0x127: {  	_ =	swait.ge [sflag:s28], $0x1400  }
0x128: {  	[sflag:s28] =	ssyncset.done $0x0  }
0x129: {  	s5 =	sadd.s32 $0xA00, s5;
	[sflag:s28] =	ssyncadd.s32 $0xFFFFEC00  }
0x12a: {  	[hbm4b:s5+s2] =	stream.linear.scatter [tilespmem:s21], [sflag:$0xA], $0x1400, $0x38;
	[tilespmem:$0x14800] =	vst v63  }
0x12b: {  	s4 =	sadd.s32 $0xA00, s4;
	s11 =	simm.s32 $0x6  }
0x12c: {  	[hbm4b:s4+s2] =	stream.linear.scatter [tilespmem:s22], [sflag:$0xA], $0x1400, $0x38;
	[tilespmem:$0x14800] =	vst v63  }
0x12d: {  	_ =	swait.ge [sflag:s11], $0x1400  }
0x12e: {  	[sflag:s11] =	ssyncset.done $0x0  }
0x12f: {  	[sflag:s11] =	ssyncadd.s32 $0xFFFFEC00  }
0x130: {  	_ =	swait.ge [sflag:s11], $0x1400  }
0x131: {  	[sflag:s11] =	ssyncset.done $0x0  }
0x132: {  	[sflag:s11] =	ssyncadd.s32 $0xFFFFEC00  }
0x133: {  	_ =	swait.ge [sflag:s30], $0x1400  }
0x134: {  	[sflag:s30] =	ssyncset.done $0x0  }
0x135: {  	[sflag:s30] =	ssyncadd.s32 $0xFFFFEC00  }
0x136: {  	_ =	swait.ge [sflag:s30], $0x1400  }
0x137: {  	[sflag:s30] =	ssyncset.done $0x0  }
0x138: {  	[sflag:s30] =	ssyncadd.s32 $0xFFFFEC00  }
0x139: {  	_ =	swait.ge [sflag:s31], $0x1400  }
0x13a: {  	[sflag:s31] =	ssyncset.done $0x0  }
0x13b: {  	[sflag:s31] =	ssyncadd.s32 $0xFFFFEC00  }
0x13c: {  	_ =	swait.ge [sflag:s31], $0x1400  }
0x13d: {  	[sflag:s31] =	ssyncset.done $0x0  }
0x13e: {  	[sflag:s31] =	ssyncadd.s32 $0xFFFFEC00  }
0x13f: {  	_ =	swait.ge [sflag:s0], $0x1400  }
0x140: {  	[sflag:s0] =	ssyncset.done $0x0  }
0x141: {  	[sflag:s0] =	ssyncadd.s32 $0xFFFFEC00  }
0x142: {  	_ =	swait.ge [sflag:s0], $0x1400  }
0x143: {  	[sflag:s0] =	ssyncset.done $0x0  }
0x144: {  	[sflag:s0] =	ssyncadd.s32 $0xFFFFEC00  }
0x145: {  	_ =	swait.ge [sflag:s1], $0x1400  }
0x146: {  	[sflag:s1] =	ssyncset.done $0x0  }
0x147: {  	[sflag:s1] =	ssyncadd.s32 $0xFFFFEC00  }
0x148: {  	_ =	swait.ge [sflag:s1], $0x1400  }
0x149: {  	s10 =	sadd.s32 $0x1, s10;
	s29 =	rddreg [dreg:$0x4]  }
0x14a: {  	p0 =	sne.s32 s10, s29  }
.Ltmp1:
0x14b: {  	_ = 	snop;
	(pc) =	sbr.rel @p0 .LBB2_1-.Ltmp1, $3  }
0x14c: {  	_ =	sdelay $0x1  }
0x14d: {  	[sflag:s1] =	ssyncset.done $0x0  }
0x14e: {  	[sflag:s1] =	ssyncadd.s32 $0xFFFFEC00  }
0x14f: {  	_ =	sfence.sel $0x180000  }
0x150: {  	[bflag:$0x0] =	sbarrier.arrive $0xFFFF  }
0x151: {  	_ =	strace $0x90000047  }
0x152: {  	s0 =	stileid.u32;
	[bflag:$0x2] =	sbarrier.arrive $0xFFFF  }
0x153: {  	p0 =	sne.s32 s0, $0x0;
	s0 =	rddreg [dreg:$0x1]  }
0x154: {  	s0 =	sadd.s32 @!p0 $0x100000, s0  }
0x155: {  	[sflag:s0] =	ssyncadd.tile.s32 @!p0 $0x1;
	_ =	shalt  }
.Lfunc_end2:
_tile_overlayer_lowered:
.L_overlay_start_2:
0x156: {  	(tag) =	ssettag $0x2  }
0x157: {  	s0 =	rddreg [dreg:$0x0];
	s2 =	stileid.u32  }
0x158: {  	s1 =	rddreg [dreg:$0x1];
	p0 =	sne.s32 s2, $0x0  }
0x159: {  	s3 =	rddreg [dreg:$0x2];
	[bflag:$0x3] =	sbarrier.arrive $0xFFFF;
	s2 =	simm.s32 @!p0 $0x1C0C  }
0x15a: {  	[timem:s3], [sflag:s2] =	dma.local @!p0 [hbm:s0], s1  }
0x15b: {  	s0 =	simm.s32 @!p0 $0xC  }
0x15c: {  	_ =	swait.ge @!p0 [sflag:s0], s1  }
0x15d: {  	s1 =	ssub.s32 @!p0 $0x0, s1;
	[sflag:s0] =	ssyncset.done @!p0 $0x0  }
0x15e: {  	[sflag:s0] =	ssyncadd.s32 @!p0 s1  }
0x15f: {  	[bflag:$0x3] =	sbarrier.arrive $0xFFFF  }
0x160: {  	_ =	shalt  }

// kernel: kernel.17.cloned.1.call-start
scs
__scs_entry_jumppad:
0x0: {  	(pc) =	sbr.rel $0x88, $3  }
0x1: {  	(tag) =	ssettag $0x0;
	lr =	simm.s32 $0x1  }
0x2: {  	[smem:$0x3F89] =	sst lr;
	_ =	strace $0xD0000000  }
0x3: {  	_ = 	snop  }
0x4: {  	_ = 	snop  }
0x5: {  	_ = 	snop  }
0x6: {  	_ = 	snop  }
0x7: {  	_ = 	snop  }
__scs_overlays_trampoline_lowered:
0x8: {  	[smem:$0x3F98] =	sst s0  }
0x9: {  	[smem:$0x3F99] =	sst s1  }
0xa: {  	[smem:$0x3F9A] =	sst s2  }
0xb: {  	[smem:$0x3F9B] =	sst s3  }
0xc: {  	[smem:$0x3F9C] =	sst s4  }
0xd: {  	[smem:$0x3F9D] =	sst s5  }
0xe: {  	[smem:$0x3F9E] =	sst s6  }
0xf: {  	[smem:$0x3F9F] =	sst s7  }
0x10: {  	[smem:$0x3FA0] =	sst s8  }
0x11: {  	[smem:$0x3FA1] =	sst s9;
	s0 =	simm.s32 @!p0 $0x0  }
0x12: {  	s1 =	sld [smem:$0x3F87];
	s0 =	simm.s32 @p0 $0x1  }
0x13: {  	[smem:$0x3FA2] =	sst s0;
	s0 =	simm.s32 @!p1 $0x0  }
0x14: {  	s2 =	sld [smem:$0x3F86];
	s0 =	simm.s32 @p1 $0x1  }
0x15: {  	[smem:$0x3FA3] =	sst s0;
	s0 =	simm.s32 @!p2 $0x0  }
0x16: {  	s3 =	sld [smem:$0x3FDB];
	s0 =	simm.s32 @p2 $0x1  }
0x17: {  	s4 =	simm.s32 $0x1BF5;
	[smem:$0x3FA5] =	sst s0  }
0x18: {  	s0 =	sld [smem:$0x3F88];
	_ =	swait.ge [sflag:s4], $0x0  }
0x19: {  	s7 =	sld [smem:$0x3F89]  }
0x1a: {  	s8 =	sadd.s32 $0xFFFFE003, lr  }
0x1b: {  	s9 =	sadd.s32 $0xFFFFFEF7, lr;
	s5 =	simm.s32 $0xFFFFFFFF;
	p2 =	slt.u32 s8, $0xFFFFF086  }
0x1c: {  	p1 =	slt.u32 s9, $0xF7A;
	s5 =	simm.s32 @!p2 $0x0  }
0x1d: {  	s5 =	simm.s32 @p1 $0x1;
	p0 =	seq.s32 s7, s2  }
0x1e: {  	s7 =	smul.u32 @!p0 $0xF7A, s2;
	p2 =	seq.s32 @!p0 s5, $0x0  }
0x1f: {  	s9 =	smul.u32 $0xF7A, s1;
	s8 =	simm.s32 @!p0 $0x1BF5;
	p2 =	por !p2, p0  }
0x20: {  	[sflag:s8] =	ssyncset.s32 @!p0 $0xFFFFF086;
	s6 =	sadd.s32 @!p0 s3, s7;
	s7 =	simm.s32 @!p0 $0x108  }
0x21: {  	s3 =	sadd.s32 s3, s9;
	s6 =	sadd.s32 @!p0 $0x88, s6;
	s7 =	simm.s32 @p2 $0x1082  }
0x22: {  	[simem:s7], [sflag:s8] =	dma.local @!p0 [hbm:s6], $0xF7A  }
0x23: {  	s9 =	sor.u32 $0xD0000000, s2;
	s6 =	simm.s32 $0x108;
	_ =	swait.ge @!p0 [sflag:s8], $0x0  }
0x24: {  	s3 =	sadd.s32 $0x88, s3;
	s6 =	simm.s32 @!p1 $0x1082;
	[sflag:s4] =	ssyncset.s32 $0xFFFFF086  }
0x25: {  	[simem:s6], [sflag:s4] =	dma.local [hbm:s3], $0xF7A  }
0x26: {  	[smem:$0x3F89] =	sst s1;
	(tag) =	ssettag s2;
	_ =	strace s9  }
0x27: {  	s1 =	sld [smem:$0x3F99]  }
0x28: {  	s2 =	sld [smem:$0x3F9A]  }
0x29: {  	s4 =	sld [smem:$0x3F9C]  }
0x2a: {  	p0 =	seq.s32 s5, $0x0;
	s5 =	sld [smem:$0x3F9D]  }
0x2b: {  	s6 =	sld [smem:$0x3F9E]  }
0x2c: {  	s7 =	sld [smem:$0x3F9F]  }
0x2d: {  	s3 =	simm.s32 $0x108;
	s8 =	sld [smem:$0x3FA0]  }
0x2e: {  	s3 =	simm.s32 @!p0 $0x1082;
	s9 =	sld [smem:$0x3FA1]  }
0x2f: {  	lr =	sadd.s32 s0, s3;
	s0 =	sld [smem:$0x3F98]  }
0x30: {  	s3 =	sld [smem:$0x3F9B]  }
0x31: {  	[smem:$0x3FA4] =	sst s10  }
0x32: {  	s10 =	sld [smem:$0x3FA2];
	_ =	sdelay $0x3  }
0x33: {  	p0 =	seq.s32 s10, $0x1;
	s10 =	sld [smem:$0x3FA4];
	_ =	sdelay $0x3  }
0x34: {  	[smem:$0x3FA4] =	sst s10  }
0x35: {  	s10 =	sld [smem:$0x3FA3];
	_ =	sdelay $0x3  }
0x36: {  	p1 =	seq.s32 s10, $0x1;
	s10 =	sld [smem:$0x3FA4];
	_ =	sdelay $0x3  }
0x37: {  	[smem:$0x3FA4] =	sst s10  }
0x38: {  	s10 =	sld [smem:$0x3FA5]  }
0x39: {  	_ = 	snop;
	(pc) =	sbr.ind lr, $3  }
0x3a: {  	_ = 	snop  }
0x3b: {  	_ = 	snop  }
0x3c: {  	p2 =	seq.s32 s10, $0x1;
	s10 =	sld [smem:$0x3FA4]  }
0x3d: {  	_ =	shalt  }
0x3e: {  	_ =	shalt  }
0x3f: {  	_ =	shalt  }
0x40: {  	_ =	shalt  }
0x41: {  	_ =	shalt  }
0x42: {  	_ =	shalt  }
0x43: {  	_ =	shalt  }
0x44: {  	_ =	shalt  }
0x45: {  	_ =	shalt  }
0x46: {  	_ =	shalt  }
0x47: {  	_ =	shalt  }
0x48: {  	_ =	shalt  }
0x49: {  	_ =	shalt  }
0x4a: {  	_ =	shalt  }
0x4b: {  	_ =	shalt  }
0x4c: {  	_ =	shalt  }
0x4d: {  	_ =	shalt  }
0x4e: {  	_ =	shalt  }
0x4f: {  	_ =	shalt  }
0x50: {  	_ =	shalt  }
0x51: {  	_ =	shalt  }
0x52: {  	_ =	shalt  }
0x53: {  	_ =	shalt  }
0x54: {  	_ =	shalt  }
0x55: {  	_ =	shalt  }
0x56: {  	_ =	shalt  }
0x57: {  	_ =	shalt  }
0x58: {  	_ =	shalt  }
0x59: {  	_ =	shalt  }
0x5a: {  	_ =	shalt  }
0x5b: {  	_ =	shalt  }
0x5c: {  	_ =	shalt  }
0x5d: {  	_ =	shalt  }
0x5e: {  	_ =	shalt  }
0x5f: {  	_ =	shalt  }
0x60: {  	_ =	shalt  }
0x61: {  	_ =	shalt  }
0x62: {  	_ =	shalt  }
0x63: {  	_ =	shalt  }
0x64: {  	_ =	shalt  }
0x65: {  	_ =	shalt  }
0x66: {  	_ =	shalt  }
0x67: {  	_ =	shalt  }
0x68: {  	_ =	shalt  }
0x69: {  	_ =	shalt  }
0x6a: {  	_ =	shalt  }
0x6b: {  	_ =	shalt  }
0x6c: {  	_ =	shalt  }
0x6d: {  	_ =	shalt  }
0x6e: {  	_ =	shalt  }
0x6f: {  	_ =	shalt  }
0x70: {  	_ =	shalt  }
0x71: {  	_ =	shalt  }
0x72: {  	_ =	shalt  }
0x73: {  	_ =	shalt  }
0x74: {  	_ =	shalt  }
0x75: {  	_ =	shalt  }
0x76: {  	_ =	shalt  }
0x77: {  	_ =	shalt  }
0x78: {  	_ =	shalt  }
0x79: {  	_ =	shalt  }
0x7a: {  	_ =	shalt  }
0x7b: {  	_ =	shalt  }
0x7c: {  	_ =	shalt  }
0x7d: {  	_ =	shalt  }
0x7e: {  	_ =	shalt  }
0x7f: {  	_ =	shalt  }
0x80: {  	_ =	shalt  }
0x81: {  	_ =	shalt  }
0x82: {  	_ =	shalt  }
0x83: {  	_ =	shalt  }
0x84: {  	_ =	shalt  }
0x85: {  	_ =	shalt  }
0x86: {  	_ =	shalt  }
0x87: {  	_ =	shalt  }
.Lfunc_end0:
.L_simem_size_0:
called_computation.2_lowered:
.L_overlay_start_0:
0x88: {  	s2 =	sld [smem:$0x3FD9]  }
0x89: {  	s3 =	sld [smem:$0x3FFE];
	_ =	sdelay $0x1  }
0x8a: {  	s1 =	srdreg.scid  }
0x8b: {  	s0 =	sand.u32 $0x1, s1  }
0x8c: {  	s16 =	sshll.u32 s0, $0xA;
	s2 =	sadd.s32 s3, s2  }
0x8d: {  	s2 =	sadd.s32 s2, s16  }
0x8e: {  	[smem:$0x3FB0] =	sst s2  }
0x8f: {  	_ = 	snop  }
0x90: {  	(tm) =	ssettm $0x1  }
0x91: {  	s17 =	sld [smem:$0x3FFB];
	_ =	sdelay $0x3  }
0x92: {  	_ =	strace s17  }
0x93: {  	s2 =	sld [smem:$0x3FFC];
	_ =	sdelay $0x3  }
0x94: {  	_ =	strace s2  }
0x95: {  	s2 =	sld [smem:$0x3FFD];
	_ =	sdelay $0x3  }
0x96: {  	_ =	strace s2  }
0x97: {  	_ =	strace $0x8FFFFFFF  }
0x98: {  	s18 =	sld [smem:$0x3FDB];
	_ =	sdelay $0x1  }
0x99: {  	s19 =	simm.s32 $_scs_section_size  }
0x9a: {  	s4 =	simm.s32 $_size__tile_overlayer_lowered;
	s5 =	simm.s32 $_tile_overlayer_lowered  }
0x9b: {  	s22 =	simm.s32 $0x1BFF;
	s21 =	sshll.u32 s5, $0x1;
	s2 =	sadd.s32 s19, s18  }
0x9c: {  	s6 =	simm.s32 $0x0;
	s20 =	sshll.u32 s4, $0x1;
	s4 =	sadd.s32 s21, s2  }
0x9d: {  	[timem:s6], [sflag:s22] =	dma.local [hbm:s4], s20  }
0x9e: {  	_ =	swait.ge [sflag:s22], s20  }
0x9f: {  	s3 =	ssub.s32 $0x0, s20;
	[sflag:s22] =	ssyncset.done $0x0  }
0xa0: {  	[sflag:s22] =	ssyncadd.s32 s3;
	_ =	sdelay $0x1  }
0xa1: {  	s23 =	simm.s32 $0x1B8B  }
0xa2: {  	_ =	swait.ge [sflag:s23], $0x1  }
0xa3: {  	[sflag:s23] =	ssyncset.done $0x0  }
0xa4: {  	s25 =	simm.s32 $0x1B8E;
	s24 =	sld [smem:$0x3FFE];
	[sflag:s23] =	ssyncadd.s32 $0xFFFFFFFF  }
0xa5: {  	s26 =	simm.s32 $execute0_lowered;
	[smem:$0x3FD2] =	sst s25  }
0xa6: {  	s4 =	sshll.u32 s26, $0x1;
	_ =	strace $0x8000004C;
	[dreg:$0x1] =	wrdreg $0xFFFFFFFF  }
0xa7: {  	s28 =	simm.s32 $_size_execute0_lowered;
	s2 =	sadd.s32 s2, s4;
	[dreg:$0x0] =	wrdreg $0x0  }
0xa8: {  	s4 =	sshll.u32 s28, $0x1;
	[dreg:$0x2] =	wrdreg s2  }
0xa9: {  	[dreg:$0x3] =	wrdreg s4  }
0xaa: {  	[dreg:$0x4] =	wrdreg $0xC0  }
0xab: {  	_ =	task [dreg:s6], $0x5FFFF  }
0xac: {  	[dreg:$0x1] =	wrdreg $0xFFFFFFFF  }
0xad: {  	[dreg:$0x0] =	wrdreg $0x60  }
0xae: {  	[dreg:$0x2] =	wrdreg s24  }
0xaf: {  	[dreg:$0x3] =	wrdreg $0x6C000  }
0xb0: {  	[dreg:$0x4] =	wrdreg $0x9  }
0xb1: {  	_ =	task.clear_ibuf [dreg:s6], $0x5FFFF;
	_ =	strace $0x9000004C  }
0xb2: {  	s29 =	simm.s32 $0x9;
	_ =	strace $0x8000004E  }
0xb3: {  	_ =	swait.ge [sflag:s29], $0x1  }
0xb4: {  	[sflag:s29] =	ssyncadd.s32 $0xFFFFFFFF  }
0xb5: {  	_ =	strace $0x9000004E  }
0xb6: {  	_ =	sfence  }
0xb7: {  	s30 =	sld [smem:$0x0];
	_ =	sdelay $0x2  }
0xb8: {  	s31 =	sshll.u32 s1, $0xD;
	s1 =	sshrl.u32 s1, $0x2  }
0xb9: {  	s3 =	sand.u32 $0x4000, s31;
	s1 =	sadd.s32 s1, s30  }
0xba: {  	s0 =	sor.u32 s3, s0;
	s1 =	sshll.u32 s1, $0x11  }
0xbb: {  	s0 =	sor.u32 s1, s0  }
0xbc: {  	s0 =	sadd.s32 $0x8F2B, s0  }
0xbd: {  	[sflag:s0] =	ssyncadd.remote.s32 $0x1  }
0xbe: {  	_ =	sfence.sel $0xFFFF  }
0xbf: {  	[dreg:$0x0] =	wrdreg $0xFFFFFFFF;
	(pc) =	sbr.abs _section_cstart, $3  }
0xc0: {  	[dreg:$0x1] =	wrdreg $0xFFFFFFFF  }
0xc1: {  	_ =	task.clear_ibuf [dreg:s6], $0x2FFFF;
	_ =	strace $0x9FFFFFFF  }
0xc2: {  	(tm) =	ssettm $0x7FFFFFFF  }
0xc3: {  	_ =	shalt  }
tec
execute0_lowered:
.L_overlay_start_1:
0x0: {  	(tag) =	ssettag $0x1  }
0x1: {  	s0 =	rddreg [dreg:$0x0]  }
0x2: {  	s1 =	rddreg [dreg:$0x1];
	s4 =	stileid.u32;
	s2 =	simm.s32 $0x0  }
0x3: {  	s6 =	srdreg.scid;
	s28 =	simm.s32 $0xD;
	s29 =	simm.s32 $0x3  }
0x4: {  	s31 =	simm.s32 $0x4;
	s3 =	smul.u32 $0x4E200, s4;
	[smem:$0x7FF] =	sst s2  }
0x5: {  	s5 =	smul.u32 $0x13800, s4;
	s6 =	sand.u32 $0x1, s6;
	s11 =	sshll.u32 s4, $0x1  }
0x6: {  	s12 =	smul.u32 $0x4E000, s4;
	s13 =	sadd.s32 $0x71200, s0;
	s17 =	sshll.u32 s4, $0x6  }
0x7: {  	s20 =	smul.u32 $0x19000, s4;
	p0 =	sne.s32 s4, $0x0;
	s4 =	simm.s32 $0x5  }
0x8: {  	_ =	strace $0x8000004D;
	s9 =	ssub.s32 $0x2, s6;
	s18 =	smul.u32 $0x138800, s6  }
0x9: {  	s15 =	sor.u32 s6, s11;
	s14 =	sor.u32 $0x1C0D, s17;
	s22 =	smul.u32 $0xC800, s6  }
0xa: {  	s6 =	smul.u32 $0x27100, s6;
	s17 =	simm.s32 $0xB;
	s7 =	sadd.s32 s3, s0  }
0xb: {  	s8 =	sshrl.u32 s5, $0x3;
	s3 =	sadd.s32 $0xA2E000, s0;
	s10 =	sshrl.u32 s9, $0x1  }
0xc: {  	s16 =	sshrl.u32 s12, $0x2;
	[dreg:$0x4] =	wrdreg s14;
	s8 =	sadd.s32 s8, s0  }
0xd: {  	s9 =	ssub.s32 s9, s10;
	s10 =	smul.u32 $0xC800, s15;
	s11 =	sadd.s32 s16, s1  }
0xe: {  	s0 =	sadd.s32 $0x71000, s0;
	s5 =	sadd.s32 s5, s18;
	s21 =	sshrl.u32 s18, $0x3  }
0xf: {  	s25 =	sadd.s32 s6, s7;
	s18 =	simm.s32 $0x400;
	s7 =	simm.s32 $0xC  }
0x10: {  	s15 =	simm.s32 $0x580;
	s6 =	simm.s32 $0x0;
	s8 =	sadd.s32 $0x4A000, s8  }
0x11: {  	[dreg:$0x5] =	wrdreg s0;
	s5 =	sshrl.u32 s5, $0x3;
	s0 =	sadd.s32 s22, s20  }
0x12: {  	s24 =	smax.u32 s9, $0x1;
	s12 =	sadd.s32 $0xA60000, s25;
	s16 =	sshrl.u32 s11, $0x3  }
0x13: {  	s20 =	simm.s32 $0x1C00;
	s22 =	simm.s32 $0x4400;
	s25 =	simm.s32 $0x28  }
0x14: {  	s9 =	simm.s32 $0x7;
	s11 =	simm.s32 $0x9;
	[dreg:$0xe] =	wrdreg s6  }
0x15: {  	[dreg:$0x3] =	wrdreg s8;
	s8 =	sadd.s32 $0x138000, s1;
	s10 =	sshrl.u32 s10, $0x3  }
0x16: {  	s5 =	sadd.s32 s13, s5;
	[dreg:$0x9] =	wrdreg s24;
	s26 =	sor.u32 $0x400, s0  }
0x17: {  	s0 =	sadd.s32 $0x800, s0;
	s24 =	simm.s32 $0x1;
	[dreg:$0xc] =	wrdreg s16  }
0x18: {  	s19 =	sadd.s32 s3, s10;
	s10 =	sadd.s32 s13, s21;
	[dreg:$0x7] =	wrdreg s5  }
0x19: {  	[dreg:$0xa] =	wrdreg s0;
	s5 =	sshrl.u32 s26, $0x3;
	s30 =	sshrl.u32 @!p0 s8, $0x3  }
.Ltmp0:
0x1a: {  	s21 =	simm.s32 $0x3000;
	s26 =	simm.s32 $0x2;
	(pc) =	sbr.rel .LBB2_1-.Ltmp0, $4  }
0x1b: {  	s8 =	simm.s32 $0x6;
	s13 =	simm.s32 $0xA;
	[dreg:$0x6] =	wrdreg s19  }
0x1c: {  	s23 =	sadd.s32 $0x27000, s10;
	s0 =	sadd.s32 s5, s3;
	[dreg:$0xd] =	wrdreg s30  }
0x1d: {  	s19 =	simm.s32 $0x800;
	s10 =	simm.s32 $0x8;
	[dreg:$0x8] =	wrdreg s23  }
0x1e: {  	s5 =	simm.s32 $0x600;
	[dreg:$0xb] =	wrdreg s0;
	s23 =	simm.s32 $0x5800  }
.LBB2_4:
0x1f: {  	_ =	swait.ge [sflag:s8], $0x1400  }
0x20: {  	[sflag:s8] =	ssyncset.done $0x0  }
0x21: {  	[sflag:s8] =	ssyncadd.s32 $0xFFFFEC00  }
0x22: {  	_ =	swait.ge [sflag:s9], $0x1400  }
0x23: {  	[sflag:s9] =	ssyncset.done $0x0  }
0x24: {  	[sflag:s9] =	ssyncadd.s32 $0xFFFFEC00  }
0x25: {  	_ =	swait.ge [sflag:s10], $0x1400  }
0x26: {  	[sflag:s10] =	ssyncset.done $0x0  }
0x27: {  	[sflag:s10] =	ssyncadd.s32 $0xFFFFEC00  }
0x28: {  	_ =	swait.ge [sflag:s11], $0x1400  }
0x29: {  	[sflag:s11] =	ssyncset.done $0x0  }
0x2a: {  	[sflag:s11] =	ssyncadd.s32 $0xFFFFEC00  }
0x2b: {  	_ =	swait.ge [sflag:s13], $0x1400  }
0x2c: {  	[sflag:s13] =	ssyncset.done $0x0  }
0x2d: {  	[sflag:s13] =	ssyncadd.s32 $0xFFFFEC00  }
0x2e: {  	[bflag:$0x0] =	sbarrier.arrive $0xFFFF  }
0x2f: {  	s14 =	rddreg [dreg:$0x4]  }
0x30: {  	s0 =	rddreg [dreg:$0x7]  }
0x31: {  	s28 =	simm.s32 $0xD;
	s16 =	rddreg [dreg:$0xc]  }
0x32: {  	[hbm:s0], [sflag:s14] =	dma.local [spmem:s16], $0x2700  }
0x33: {  	_ =	swait.ge [sflag:s28], $0x2700  }
0x34: {  	[sflag:s28] =	ssyncset.done $0x0;
	s0 =	rddreg [dreg:$0x8]  }
0x35: {  	s6 =	simm.s32 @!p0 $0xD;
	s30 =	rddreg [dreg:$0xd];
	[sflag:s28] =	ssyncadd.s32 $0xFFFFD900  }
0x36: {  	[hbm:s0], [sflag:s14] =	dma.local @!p0 [spmem:s30], $0x100  }
0x37: {  	_ =	swait.ge @!p0 [sflag:s6], $0x100  }
0x38: {  	s0 =	rddreg [dreg:$0xe]  }
0x39: {  	[sflag:s6] =	ssyncset.done @!p0 $0x0;
	s6 =	rddreg [dreg:$0x9];
	s0 =	sadd.s32 $0x1, s0  }
0x3a: {  	p1 =	sne.s32 s0, s6  }
.Ltmp1:
0x3b: {  	_ = 	snop;
	(pc) =	sbr.rel @!p1 .LBB2_5-.Ltmp1, $3  }
0x3c: {  	_ =	sdelay $0x1  }
0x3d: {  	[dreg:$0xe] =	wrdreg s0;
	s0 =	simm.s32 @!p0 $0xD  }
0x3e: {  	[sflag:s0] =	ssyncadd.s32 @!p0 $0xFFFFFF00  }
.LBB2_1:
0x3f: {  	s0 =	rddreg [dreg:$0x3]  }
0x40: {  	[spmem:s16], [sflag:s14] =	dma.local [hbm:s0], $0x2700  }
0x41: {  	_ =	swait.ge [sflag:s28], $0x2700  }
0x42: {  	[sflag:s28] =	ssyncset.done $0x0  }
0x43: {  	s0 =	rddreg [dreg:$0x5];
	[sflag:s28] =	ssyncadd.s32 $0xFFFFD900  }
0x44: {  	[spmem:s30], [sflag:s14] =	dma.local @!p0 [hbm:s0], $0x100  }
0x45: {  	s0 =	simm.s32 @!p0 $0xD  }
0x46: {  	_ =	swait.ge @!p0 [sflag:s0], $0x100  }
0x47: {  	[sflag:s0] =	ssyncset.done @!p0 $0x0  }
0x48: {  	s16 =	rddreg [dreg:$0x6];
	[sflag:s0] =	ssyncadd.s32 @!p0 $0xFFFFFF00  }
0x49: {  	[tilespmem:s2], [sflag:$0xB] =	stream.linear.gather [hbm4b:s16+s2], $0x280, $0x38;
	[tilespmem:$0x1A480] =	vst v63  }
0x4a: {  	_ =	swait.ge [sflag:s17], $0x280  }
0x4b: {  	[sflag:s17] =	ssyncset.done $0x0  }
0x4c: {  	[sflag:s17] =	ssyncadd.s32 $0xFFFFFD80  }
0x4d: {  	[bflag:$0x0] =	sbarrier.arrive $0xFFFF  }
0x4e: {  	s28 =	rddreg [dreg:$0xb]  }
0x4f: {  	s30 =	simm.s32 $0x0;
	s0 =	rddreg [dreg:$0xa]  }
.LBB2_2:
0x50: {  	p1 =	seq.s32 s30, $0x0  }
0x51: {  	s6 =	simm.s32 @!p1 $0x6  }
0x52: {  	_ =	swait.ge @!p1 [sflag:s6], $0x1400  }
0x53: {  	[sflag:s6] =	ssyncset.done @!p1 $0x0  }
0x54: {  	[sflag:s6] =	ssyncadd.s32 @!p1 $0xFFFFEC00;
	s6 =	simm.s32 @!p1 $0x7  }
0x55: {  	_ =	swait.ge @!p1 [sflag:s6], $0x1400  }
0x56: {  	[sflag:s6] =	ssyncset.done @!p1 $0x0  }
0x57: {  	[sflag:s6] =	ssyncadd.s32 @!p1 $0xFFFFEC00;
	s6 =	simm.s32 @!p1 $0x8  }
0x58: {  	_ =	swait.ge @!p1 [sflag:s6], $0x1400  }
0x59: {  	[sflag:s6] =	ssyncset.done @!p1 $0x0  }
0x5a: {  	[sflag:s6] =	ssyncadd.s32 @!p1 $0xFFFFEC00;
	s6 =	simm.s32 @!p1 $0x9  }
0x5b: {  	_ =	swait.ge @!p1 [sflag:s6], $0x1400  }
0x5c: {  	[sflag:s6] =	ssyncset.done @!p1 $0x0  }
0x5d: {  	[sflag:s6] =	ssyncadd.s32 @!p1 $0xFFFFEC00;
	s6 =	simm.s32 @!p1 $0xA  }
0x5e: {  	_ =	swait.ge @!p1 [sflag:s6], $0x1400  }
0x5f: {  	[sflag:s6] =	ssyncset.done @!p1 $0x0  }
0x60: {  	[sflag:s6] =	ssyncadd.s32 @!p1 $0xFFFFEC00  }
0x61: {  	[tilespmem:s18], [sflag:$0xC] =	stream.linear.gather [hbm4b:s28+s2], $0x280, $0x38;
	[tilespmem:$0x1A480] =	vst v63  }
0x62: {  	s6 =	sadd.s32 s30, s12  }
0x63: {  	[tilespmem:s19], [sflag:$0x1] =	stream.linear.gather [hbm4b:s6+s2], $0x1400, $0x38;
	[tilespmem:$0x1A480] =	vst v63  }
0x64: {  	s14 =	sadd.s32 $0x280, s6  }
0x65: {  	[tilespmem:s20], [sflag:$0x2] =	stream.linear.gather [hbm4b:s14+s2], $0x1400, $0x38;
	[tilespmem:$0x1A480] =	vst v63  }
0x66: {  	s16 =	sadd.s32 $0x500, s6  }
0x67: {  	[tilespmem:s21], [sflag:$0x3] =	stream.linear.gather [hbm4b:s16+s2], $0x1400, $0x38;
	[tilespmem:$0x1A480] =	vst v63  }
0x68: {  	s16 =	sadd.s32 $0x780, s6  }
0x69: {  	[tilespmem:s22], [sflag:$0x4] =	stream.linear.gather [hbm4b:s16+s2], $0x1400, $0x38;
	[tilespmem:$0x1A480] =	vst v63  }
0x6a: {  	s16 =	sadd.s32 $0xA00, s6  }
0x6b: {  	[tilespmem:s23], [sflag:$0x5] =	stream.linear.gather [hbm4b:s16+s2], $0x1400, $0x38;
	[tilespmem:$0x1A480] =	vst v63  }
0x6c: {  	_ =	swait.ge [sflag:s24], $0x1400  }
0x6d: {  	[sflag:s24] =	ssyncset.done $0x0  }
0x6e: {  	[sflag:s24] =	ssyncadd.s32 $0xFFFFEC00  }
0x6f: {  	[spmem:s1] =	stream.indirect.scatter.add.f32 [tilespmem:s19], [sflag:$0x6], $0x80, s2, s25, $0xb8;
	[tilespmem:$0x1A480] =	vst v63  }
0x70: {  	_ =	swait.ge [sflag:s26], $0x1400  }
0x71: {  	[sflag:s26] =	ssyncset.done $0x0  }
0x72: {  	s16 =	simm.s32 $0x80;
	[sflag:s26] =	ssyncadd.s32 $0xFFFFEC00  }
0x73: {  	[spmem:s1] =	stream.indirect.scatter.add.f32 [tilespmem:s20], [sflag:$0x7], $0x80, s16, s25, $0xb8;
	[tilespmem:$0x1A480] =	vst v63  }
0x74: {  	_ =	swait.ge [sflag:s29], $0x1400  }
0x75: {  	[sflag:s29] =	ssyncset.done $0x0  }
0x76: {  	s16 =	simm.s32 $0x100;
	[sflag:s29] =	ssyncadd.s32 $0xFFFFEC00  }
0x77: {  	[spmem:s1] =	stream.indirect.scatter.add.f32 [tilespmem:s21], [sflag:$0x8], $0x80, s16, s25, $0xb8;
	[tilespmem:$0x1A480] =	vst v63  }
0x78: {  	_ =	swait.ge [sflag:s31], $0x1400  }
0x79: {  	[sflag:s31] =	ssyncset.done $0x0  }
0x7a: {  	s16 =	simm.s32 $0x180;
	[sflag:s31] =	ssyncadd.s32 $0xFFFFEC00  }
0x7b: {  	[spmem:s1] =	stream.indirect.scatter.add.f32 [tilespmem:s22], [sflag:$0x9], $0x80, s16, s25, $0xb8;
	[tilespmem:$0x1A480] =	vst v63  }
0x7c: {  	_ =	swait.ge [sflag:s4], $0x1400  }
0x7d: {  	[sflag:s4] =	ssyncset.done $0x0  }
0x7e: {  	s16 =	simm.s32 $0x200;
	[sflag:s4] =	ssyncadd.s32 $0xFFFFEC00  }
0x7f: {  	[spmem:s1] =	stream.indirect.scatter.add.f32 [tilespmem:s23], [sflag:$0xA], $0x80, s16, s25, $0xb8;
	[tilespmem:$0x1A480] =	vst v63  }
0x80: {  	_ =	swait.ge [sflag:s7], $0x280  }
0x81: {  	[sflag:s7] =	ssyncset.done $0x0  }
0x82: {  	[sflag:s7] =	ssyncadd.s32 $0xFFFFFD80  }
0x83: {  	_ =	swait.ge [sflag:s8], $0x1400  }
0x84: {  	[sflag:s8] =	ssyncset.done $0x0  }
0x85: {  	[sflag:s8] =	ssyncadd.s32 $0xFFFFEC00  }
0x86: {  	_ =	swait.ge [sflag:s9], $0x1400  }
0x87: {  	[sflag:s9] =	ssyncset.done $0x0  }
0x88: {  	[sflag:s9] =	ssyncadd.s32 $0xFFFFEC00  }
0x89: {  	_ =	swait.ge [sflag:s10], $0x1400  }
0x8a: {  	[sflag:s10] =	ssyncset.done $0x0  }
0x8b: {  	[sflag:s10] =	ssyncadd.s32 $0xFFFFEC00  }
0x8c: {  	_ =	swait.ge [sflag:s11], $0x1400  }
0x8d: {  	[sflag:s11] =	ssyncset.done $0x0  }
0x8e: {  	[sflag:s11] =	ssyncadd.s32 $0xFFFFEC00  }
0x8f: {  	p1 =	seq.s32 s30, $0x25800;
	_ =	swait.ge [sflag:s13], $0x1400  }
0x90: {  	s14 =	sshrl.u32 @!p1 s0, $0x3;
	[sflag:s13] =	ssyncset.done $0x0  }
0x91: {  	s14 =	sadd.s32 @!p1 s3, s14;
	s16 =	simm.s32 @!p1 $0x0;
	[sflag:s13] =	ssyncadd.s32 $0xFFFFEC00  }
0x92: {  	[tilespmem:s16], [sflag:$0xB] =	stream.linear.gather @!p1 [hbm4b:s14+s16], $0x280, $0x38;
	[tilespmem:$0x1A480] =	vst v63  }
0x93: {  	s16 =	sadd.s32 $0xC80, s6  }
0x94: {  	[tilespmem:s19], [sflag:$0x1] =	stream.linear.gather [hbm4b:s16+s2], $0x1400, $0x38;
	[tilespmem:$0x1A480] =	vst v63  }
0x95: {  	s16 =	sadd.s32 $0xF00, s6  }
0x96: {  	[tilespmem:s20], [sflag:$0x2] =	stream.linear.gather [hbm4b:s16+s2], $0x1400, $0x38;
	[tilespmem:$0x1A480] =	vst v63  }
0x97: {  	s16 =	sadd.s32 $0x1180, s6  }
0x98: {  	[tilespmem:s21], [sflag:$0x3] =	stream.linear.gather [hbm4b:s16+s2], $0x1400, $0x38;
	[tilespmem:$0x1A480] =	vst v63  }
0x99: {  	s16 =	sadd.s32 $0x1400, s6  }
0x9a: {  	[tilespmem:s22], [sflag:$0x4] =	stream.linear.gather [hbm4b:s16+s2], $0x1400, $0x38;
	[tilespmem:$0x1A480] =	vst v63  }
0x9b: {  	s6 =	sadd.s32 $0x1680, s6  }
0x9c: {  	[tilespmem:s23], [sflag:$0x5] =	stream.linear.gather [hbm4b:s6+s2], $0x1400, $0x38;
	[tilespmem:$0x1A480] =	vst v63  }
0x9d: {  	_ =	swait.ge [sflag:s24], $0x1400  }
0x9e: {  	[sflag:s24] =	ssyncset.done $0x0  }
0x9f: {  	[sflag:s24] =	ssyncadd.s32 $0xFFFFEC00  }
0xa0: {  	[spmem:s1] =	stream.indirect.scatter.add.f32 [tilespmem:s19], [sflag:$0x6], $0x80, s18, s25, $0xb8;
	[tilespmem:$0x1A480] =	vst v63  }
0xa1: {  	_ =	swait.ge [sflag:s26], $0x1400  }
0xa2: {  	[sflag:s26] =	ssyncset.done $0x0  }
0xa3: {  	s14 =	simm.s32 $0x480;
	[sflag:s26] =	ssyncadd.s32 $0xFFFFEC00  }
0xa4: {  	[spmem:s1] =	stream.indirect.scatter.add.f32 [tilespmem:s20], [sflag:$0x7], $0x80, s14, s25, $0xb8;
	[tilespmem:$0x1A480] =	vst v63  }
0xa5: {  	_ =	swait.ge [sflag:s29], $0x1400  }
0xa6: {  	[sflag:s29] =	ssyncset.done $0x0  }
0xa7: {  	s16 =	simm.s32 $0x500;
	[sflag:s29] =	ssyncadd.s32 $0xFFFFEC00  }
0xa8: {  	[spmem:s1] =	stream.indirect.scatter.add.f32 [tilespmem:s21], [sflag:$0x8], $0x80, s16, s25, $0xb8;
	[tilespmem:$0x1A480] =	vst v63  }
0xa9: {  	_ =	swait.ge [sflag:s31], $0x1400  }
0xaa: {  	[sflag:s31] =	ssyncset.done $0x0  }
0xab: {  	[sflag:s31] =	ssyncadd.s32 $0xFFFFEC00  }
0xac: {  	[spmem:s1] =	stream.indirect.scatter.add.f32 [tilespmem:s22], [sflag:$0x9], $0x80, s15, s25, $0xb8;
	[tilespmem:$0x1A480] =	vst v63  }
.Ltmp2:
0xad: {  	_ = 	snop;
	(pc) =	sbr.rel @p1 .LBB2_4-.Ltmp2, $4  }
0xae: {  	_ =	swait.ge [sflag:s4], $0x1400  }
0xaf: {  	[sflag:s4] =	ssyncset.done $0x0  }
0xb0: {  	[sflag:s4] =	ssyncadd.s32 $0xFFFFEC00  }
0xb1: {  	[spmem:s1] =	stream.indirect.scatter.add.f32 [tilespmem:s23], [sflag:$0xA], $0x80, s5, s25, $0xb8;
	[tilespmem:$0x1A480] =	vst v63  }
.Ltmp3:
0xb2: {  	(pc) =	sbr.rel .LBB2_2-.Ltmp3, $4  }
0xb3: {  	_ = 	snop  }
0xb4: {  	_ =	swait.ge [sflag:s17], $0x280  }
0xb5: {  	s0 =	sadd.s32 $0x800, s0;
	[sflag:s17] =	ssyncset.done $0x0  }
0xb6: {  	s30 =	sadd.s32 $0x1900, s30;
	s28 =	sadd.s32 $0x100, s28;
	[sflag:s17] =	ssyncadd.s32 $0xFFFFFD80  }
.LBB2_5:
0xb7: {  	_ =	sfence.sel $0x180000  }
0xb8: {  	[bflag:$0x0] =	sbarrier.arrive $0xFFFF  }
0xb9: {  	_ =	strace $0x9000004D  }
0xba: {  	[bflag:$0x2] =	sbarrier.arrive $0xFFFF  }
0xbb: {  	s0 =	rddreg [dreg:$0x2]  }
0xbc: {  	s0 =	sadd.s32 @!p0 $0x100000, s0  }
0xbd: {  	[sflag:s0] =	ssyncadd.tile.s32 @!p0 $0x1;
	_ =	shalt  }
.Lfunc_end2:
_tile_overlayer_lowered:
.L_overlay_start_2:
0xbe: {  	(tag) =	ssettag $0x2  }
0xbf: {  	s0 =	rddreg [dreg:$0x0];
	s2 =	stileid.u32  }
0xc0: {  	s1 =	rddreg [dreg:$0x1];
	p0 =	sne.s32 s2, $0x0  }
0xc1: {  	s3 =	rddreg [dreg:$0x2];
	[bflag:$0x3] =	sbarrier.arrive $0xFFFF;
	s2 =	simm.s32 @!p0 $0x1C0D  }
0xc2: {  	[timem:s3], [sflag:s2] =	dma.local @!p0 [hbm:s0], s1  }
0xc3: {  	s0 =	simm.s32 @!p0 $0xD  }
0xc4: {  	_ =	swait.ge @!p0 [sflag:s0], s1  }
0xc5: {  	s1 =	ssub.s32 @!p0 $0x0, s1;
	[sflag:s0] =	ssyncset.done @!p0 $0x0  }
0xc6: {  	[sflag:s0] =	ssyncadd.s32 @!p0 s1  }
0xc7: {  	[bflag:$0x3] =	sbarrier.arrive $0xFFFF  }
0xc8: {  	_ =	shalt  }

</sc_bundles>
